<compile_context>
chip_gen: v7x
topology: tpu7x:2x2x1
jax: 0.10.2.dev20260603
libtpu: 0.0.44.dev20260713+nightly
codegen_flags: <defaults>
</compile_context>

<pallas_src>
import functools

import jax
import jax.numpy as jnp
from jax import lax
from jax.experimental import pallas as pl
from jax.experimental.pallas import tpu as pltpu
from jax.experimental.pallas import tpu_sc as plsc

F32 = jnp.float32
BF16 = jnp.bfloat16
I32 = jnp.int32

B = 16
N = 2048
KNN = 20
CP = 128
EPS = 1e-5
NEG = -3.0e38
RB = 256
NB = N // RB
RBC = 128
NPC = (B * N) // RBC
CNT_E = float(B * N * KNN)
CNT_5 = float(B * N)
NW = 32
PPW = (B * N) // NW
GCH = 32
GJ = (GCH * KNN) // 80
GCPW = PPW // GCH


def _lrelu(v):
    return jnp.where(v >= 0, v, 0.2 * v)


def _apply_bn(z, st, g, b, cnt):
    mean = st[0:1, :] / cnt
    var = st[1:2, :] / cnt - mean * mean
    return (z - mean) / jnp.sqrt(var + EPS) * g + b




def _pd_common(x_full, rows, bidx, idx_ref):
    colsq = jnp.sum(x_full * x_full, axis=1)
    inner = -2.0 * lax.dot_general(
        rows.astype(BF16), x_full.astype(BF16), (((1,), (1,)), ((), ())),
        preferred_element_type=F32)
    pd = ((-jnp.sum(rows * rows, axis=1, keepdims=True)) - inner
          - colsq[None, :])
    iota = lax.broadcasted_iota(I32, (RB, N), 1)
    cur = pd
    cols = []
    for _ in range(KNN):
        m = jnp.max(cur, axis=1, keepdims=True)
        iv = jnp.min(jnp.where(cur >= m, iota, N), axis=1, keepdims=True)
        cols.append(iv)
        cur = jnp.where(iota == iv, NEG, cur)
    idx_ref[...] = jnp.concatenate(cols, axis=1) + bidx * N


def _pd_first_body(x_ref, xr_ref, idx_ref):
    _pd_common(x_ref[0], xr_ref[0], pl.program_id(0), idx_ref)


def _pd_first(xpad):
    return pl.pallas_call(
        _pd_first_body,
        grid=(B, NB),
        in_specs=[
            pl.BlockSpec((1, N, CP), lambda b, i: (b, 0, 0)),
            pl.BlockSpec((1, RB, CP), lambda b, i: (b, i, 0)),
        ],
        out_specs=pl.BlockSpec((RB, KNN), lambda b, i: (b * NB + i, 0)),
        out_shape=jax.ShapeDtypeStruct((B * N, KNN), I32),
    )(xpad.reshape(B, N, CP), xpad.reshape(B, N, CP))


def _pd_next_body(z_ref, zr_ref, st_ref, g_ref, b_ref, idx_ref, xp_ref):
    x_full = _lrelu(_apply_bn(z_ref[0], st_ref[...], g_ref[...], b_ref[...],
                              CNT_E))
    rows = _lrelu(_apply_bn(zr_ref[0], st_ref[...], g_ref[...], b_ref[...],
                            CNT_E))
    C = x_full.shape[1]
    if C < CP:
        pad = jnp.zeros((RB, CP - C), F32)
        xp_ref[...] = jnp.concatenate([rows, pad], axis=1)
    else:
        xp_ref[...] = rows
    _pd_common(x_full, rows, pl.program_id(0), idx_ref)


def _pd_next(z, st, g, b, C):
    call = pl.pallas_call(
        _pd_next_body,
        grid=(B, NB),
        in_specs=[
            pl.BlockSpec((1, N, C), lambda bb, i: (bb, 0, 0)),
            pl.BlockSpec((1, RB, C), lambda bb, i: (bb, i, 0)),
            pl.BlockSpec((2, C), lambda bb, i: (0, 0)),
            pl.BlockSpec((1, C), lambda bb, i: (0, 0)),
            pl.BlockSpec((1, C), lambda bb, i: (0, 0)),
        ],
        out_specs=[
            pl.BlockSpec((RB, KNN), lambda bb, i: (bb * NB + i, 0)),
            pl.BlockSpec((RB, CP), lambda bb, i: (bb * NB + i, 0)),
        ],
        out_shape=[
            jax.ShapeDtypeStruct((B * N, KNN), I32),
            jax.ShapeDtypeStruct((B * N, CP), F32),
        ],
    )
    zr = z.reshape(B, N, C)
    return call(zr, zr, st, g, b)




def _gather_rows(table, idx):
    idx_r = idx.reshape(NW * GCPW, GJ, 80)
    mesh = plsc.VectorSubcoreMesh(core_axis_name="c", subcore_axis_name="s")

    @functools.partial(
        pl.kernel,
        mesh=mesh,
        out_type=jax.ShapeDtypeStruct((B * N * KNN, CP), F32),
        scratch_types=[
            pltpu.VMEM((GJ, 80), I32),
            pltpu.VMEM((GCH * KNN, CP), F32),
            pltpu.SemaphoreType.DMA,
        ],
    )
    def kfn(tab_h, idx_h, out_h, idx_v, rows_v, sem):
        wid = lax.axis_index("s") * 2 + lax.axis_index("c")

        def chunk_body(c, carry):
            gch = wid * GCPW + c
            pltpu.sync_copy(idx_h.at[gch], idx_v)
            handles = [
                pltpu.async_copy(tab_h.at[idx_v.at[j]],
                                 rows_v.at[pl.ds(j * 80, 80)], sem)
                for j in range(GJ)
            ]
            for h in handles:
                h.wait()
            pltpu.sync_copy(rows_v,
                            out_h.at[pl.ds(gch * (GCH * KNN), GCH * KNN)])
            return carry

        lax.fori_loop(0, GCPW, chunk_body, 0)

    return kfn(table, idx_r)




def _conv_body(xg_ref, xi_ref, w_ref, z_ref, st_ref, acc_ref):
    j = pl.program_id(0)
    xi = xi_ref[...]
    xg = xg_ref[...]
    xi_rep = jnp.broadcast_to(xi[:, None, :], (RBC, KNN, CP))
    diff = (xg.reshape(RBC, KNN, CP) - xi_rep).reshape(RBC * KNN, CP)
    feat = jnp.concatenate([diff, xi_rep.reshape(RBC * KNN, CP)], axis=1)
    fdot = lax.dot_general(feat.astype(BF16), w_ref[...],
                           (((1,), (0,)), ((), ())),
                           preferred_element_type=F32)
    O = fdot.shape[1]
    f = fdot.reshape(RBC, KNN, O)
    z_ref[...] = jnp.max(f, axis=1)
    cur = jnp.concatenate(
        [jnp.sum(f.reshape(RBC * KNN, O), axis=0, keepdims=True),
         jnp.sum((f * f).reshape(RBC * KNN, O), axis=0, keepdims=True)],
        axis=0)

    @pl.when(j == 0)
    def _():
        acc_ref[...] = cur

    @pl.when(j > 0)
    def _():
        acc_ref[...] = acc_ref[...] + cur

    @pl.when(j == NPC - 1)
    def _():
        st_ref[...] = acc_ref[...]


def _conv(xg, xpad, wT, O):
    return pl.pallas_call(
        _conv_body,
        grid=(NPC,),
        in_specs=[
            pl.BlockSpec((RBC * KNN, CP), lambda j: (j, 0)),
            pl.BlockSpec((RBC, CP), lambda j: (j, 0)),
            pl.BlockSpec((2 * CP, O), lambda j: (0, 0)),
        ],
        out_specs=[
            pl.BlockSpec((RBC, O), lambda j: (j, 0)),
            pl.BlockSpec((2, O), lambda j: (0, 0)),
        ],
        out_shape=[
            jax.ShapeDtypeStruct((B * N, O), F32),
            jax.ShapeDtypeStruct((2, O), F32),
        ],
        scratch_shapes=[pltpu.VMEM((2, O), F32)],
    )(xg, xpad, wT)




def _f1_body(z1, s1, g1, b1, z2, s2, g2, b2, z3, s3, g3, b3, z4, s4, g4, b4,
             w5t, u_ref, st_ref, acc_ref):
    bb = pl.program_id(0)
    i = pl.program_id(1)
    xs = []
    for (zr, sr, gr, br) in ((z1, s1, g1, b1), (z2, s2, g2, b2),
                             (z3, s3, g3, b3), (z4, s4, g4, b4)):
        xs.append(_lrelu(_apply_bn(zr[...], sr[...], gr[...], br[...],
                                   CNT_E)))
    xc = jnp.concatenate(xs, axis=1)
    u = lax.dot_general(xc.astype(BF16), w5t[...], (((1,), (0,)), ((), ())),
                        preferred_element_type=F32)
    u_ref[...] = u
    cur = jnp.concatenate([jnp.sum(u, axis=0, keepdims=True),
                           jnp.sum(u * u, axis=0, keepdims=True)], axis=0)
    first = (bb == 0) & (i == 0)

    @pl.when(first)
    def _():
        acc_ref[...] = cur

    @pl.when(jnp.logical_not(first))
    def _():
        acc_ref[...] = acc_ref[...] + cur

    @pl.when((bb == B - 1) & (i == NB - 1))
    def _():
        st_ref[...] = acc_ref[...]


def _f1(z1, s1, g1, b1, z2, s2, g2, b2, z3, s3, g3, b3, z4, s4, g4, b4, w5t):
    def zspec(C):
        return pl.BlockSpec((RB, C), lambda bb, i: (bb * NB + i, 0))

    def sspec(C):
        return pl.BlockSpec((2, C), lambda bb, i: (0, 0))

    def vspec(C):
        return pl.BlockSpec((1, C), lambda bb, i: (0, 0))

    return pl.pallas_call(
        _f1_body,
        grid=(B, NB),
        in_specs=[
            zspec(64), sspec(64), vspec(64), vspec(64),
            zspec(64), sspec(64), vspec(64), vspec(64),
            zspec(128), sspec(128), vspec(128), vspec(128),
            zspec(256), sspec(256), vspec(256), vspec(256),
            pl.BlockSpec((512, 1024), lambda bb, i: (0, 0)),
        ],
        out_specs=[
            pl.BlockSpec((RB, 1024), lambda bb, i: (bb * NB + i, 0)),
            pl.BlockSpec((2, 1024), lambda bb, i: (0, 0)),
        ],
        out_shape=[
            jax.ShapeDtypeStruct((B * N, 1024), F32),
            jax.ShapeDtypeStruct((2, 1024), F32),
        ],
        scratch_shapes=[pltpu.VMEM((2, 1024), F32)],
    )(z1, s1, g1, b1, z2, s2, g2, b2, z3, s3, g3, b3, z4, s4, g4, b4, w5t)



NB2 = 16
NBLK = N // NB2


def _bn_head(t, g, b):
    m = jnp.mean(t, axis=0, keepdims=True)
    v = jnp.mean(t * t, axis=0, keepdims=True) - m * m
    return (t - m) / jnp.sqrt(v + EPS) * g + b


def _f2_body(u_ref, st_ref, g5, b5, w6t, g6, b6, w7t, bias7, g7, b7, w8t,
             bias8, out_ref, rmax_ref, rsum_ref):
    j = pl.program_id(0)
    mean = st_ref[0:1, :] / CNT_5
    var = st_ref[1:2, :] / CNT_5 - mean * mean
    v = _lrelu((u_ref[...] - mean[None]) / jnp.sqrt(var + EPS)[None]
               * g5[...][None] + b5[...][None])
    pm = jnp.max(v, axis=1)
    ps = jnp.sum(v, axis=1)

    @pl.when(j == 0)
    def _():
        rmax_ref[...] = pm
        rsum_ref[...] = ps

    @pl.when(j > 0)
    def _():
        rmax_ref[...] = jnp.maximum(rmax_ref[...], pm)
        rsum_ref[...] = rsum_ref[...] + ps

    @pl.when(j == NB2 - 1)
    def _():
        h = jnp.concatenate([rmax_ref[...], rsum_ref[...] / float(N)], axis=1)
        t = lax.dot_general(h.astype(BF16), w6t[...], (((1,), (0,)), ((), ())),
                            preferred_element_type=F32)
        t = _lrelu(_bn_head(t, g6[...], b6[...]))
        t = lax.dot_general(t.astype(BF16), w7t[...], (((1,), (0,)), ((), ())),
                            preferred_element_type=F32) + bias7[...]
        t = _lrelu(_bn_head(t, g7[...], b7[...]))
        t = lax.dot_general(t.astype(BF16), w8t[...], (((1,), (0,)), ((), ())),
                            preferred_element_type=F32) + bias8[...]
        out_ref[...] = t


def _f2(u3, st, g5, b5, w6t, g6, b6, w7t, bias7, g7, b7, w8tp, bias8p):
    def vspec(C):
        return pl.BlockSpec((1, C), lambda j: (0, 0))

    return pl.pallas_call(
        _f2_body,
        grid=(NB2,),
        in_specs=[
            pl.BlockSpec((B, NBLK, 1024), lambda j: (0, j, 0)),
            pl.BlockSpec((2, 1024), lambda j: (0, 0)),
            vspec(1024), vspec(1024),
            pl.BlockSpec((2048, 512), lambda j: (0, 0)),
            vspec(512), vspec(512),
            pl.BlockSpec((512, 256), lambda j: (0, 0)),
            vspec(256), vspec(256), vspec(256),
            pl.BlockSpec((256, 8), lambda j: (0, 0)),
            vspec(8),
        ],
        out_specs=pl.BlockSpec((B, 8), lambda j: (0, 0)),
        out_shape=jax.ShapeDtypeStruct((B, 8), F32),
        scratch_shapes=[pltpu.VMEM((B, 1024), F32),
                        pltpu.VMEM((B, 1024), F32)],
    )(u3, st, g5, b5, w6t, g6, b6, w7t, bias7, g7, b7, w8tp, bias8p)




def _edge_layer(xpad, idx, W, C, O):
    xg = _gather_rows(xpad, idx)
    wa = jnp.pad(W[:, :C].T, ((0, CP - C), (0, 0)))
    wb = jnp.pad(W[:, C:].T, ((0, CP - C), (0, 0)))
    wT = jnp.concatenate([wa, wb], axis=0).astype(BF16)
    return _conv(xg, xpad, wT, O)


def kernel(x, W1, g1, b1, W2, g2, b2, W3, g3, b3, W4, g4, b4, W5, g5, b5,
           W6, g6, b6, W7, bias7, g7, b7, W8, bias8):
    xpad1 = jnp.pad(x, ((0, 0), (0, 0), (0, CP - 3))).reshape(B * N, CP)

    idx1 = _pd_first(xpad1)
    z1, st1 = _edge_layer(xpad1, idx1, W1, 3, 64)

    idx2, xpad2 = _pd_next(z1, st1, g1.reshape(1, 64), b1.reshape(1, 64), 64)
    z2, st2 = _edge_layer(xpad2, idx2, W2, 64, 64)

    idx3, xpad3 = _pd_next(z2, st2, g2.reshape(1, 64), b2.reshape(1, 64), 64)
    z3, st3 = _edge_layer(xpad3, idx3, W3, 64, 128)

    idx4, xpad4 = _pd_next(z3, st3, g3.reshape(1, 128), b3.reshape(1, 128),
                           128)
    z4, st4 = _edge_layer(xpad4, idx4, W4, 128, 256)

    u, st5 = _f1(z1, st1, g1.reshape(1, 64), b1.reshape(1, 64),
                 z2, st2, g2.reshape(1, 64), b2.reshape(1, 64),
                 z3, st3, g3.reshape(1, 128), b3.reshape(1, 128),
                 z4, st4, g4.reshape(1, 256), b4.reshape(1, 256),
                 W5.T.astype(BF16))

    out = _f2(u.reshape(B, N, 1024), st5, g5.reshape(1, 1024),
              b5.reshape(1, 1024), W6.T.astype(BF16), g6.reshape(1, 512),
              b6.reshape(1, 512), W7.T.astype(BF16), bias7.reshape(1, 256),
              g7.reshape(1, 256), b7.reshape(1, 256),
              jnp.pad(W8.T, ((0, 0), (0, 5))).astype(BF16),
              jnp.pad(bias8, (0, 5)).reshape(1, 8))
    return out[:, :3]

# --- scband reference (transcript-rebuilt; emitter-appended) ---
"""Pipeline reference for scband-dgcnn-40080634806754 (READ-ONLY COPY).

The authoritative reference and input builder live on the scoring server;
editing this copy changes nothing except your own understanding.
"""

import jax, jax.numpy as jnp
import numpy as np

K = 20


def knn(x, k):
    inner = -2.0 * jnp.einsum('bcn,bcm->bnm', x, x)
    xx = jnp.sum(x * x, axis=1, keepdims=True)
    pd = -xx - inner - jnp.transpose(xx, (0, 2, 1))
    return jax.lax.top_k(pd, k)[1]


def get_graph_feature(x, k):
    B, C, N = x.shape
    idx = knn(x, k)
    xt = jnp.transpose(x, (0, 2, 1))
    feature = jnp.take_along_axis(xt, idx.reshape(B, N * k, 1), axis=1).reshape(B, N, k, C)
    xc = jnp.broadcast_to(xt[:, :, None, :], (B, N, k, C))
    feat = jnp.concatenate([feature - xc, xc], axis=3)
    return jnp.transpose(feat, (0, 3, 1, 2))


def bn(x, g, b, axes, eps=1e-5):
    m = jnp.mean(x, axis=axes, keepdims=True)
    v = jnp.var(x, axis=axes, keepdims=True)
    sh = (1, g.shape[0]) + (1,) * (x.ndim - 2)
    return (x - m) / jnp.sqrt(v + eps) * g.reshape(sh) + b.reshape(sh)


def lrelu(x):
    return jnp.where(x >= 0, x, 0.2 * x)


def setup_inputs(seed: int = 0) -> dict:
    key = jax.random.key(seed)
    ks = jax.random.split(key, 16)
    d = {}
    d['x'] = jax.random.normal(ks[0], (16, 2048, 3), dtype=jnp.float32)
    d['W1'] = jax.random.normal(ks[1], (64, 6), dtype=jnp.float32) / np.sqrt(6.0)
    d['g1'] = jnp.ones((64,), jnp.float32); d['b1'] = jnp.zeros((64,), jnp.float32)
    d['W2'] = jax.random.normal(ks[2], (64, 128), dtype=jnp.float32) / np.sqrt(128.0)
    d['g2'] = jnp.ones((64,), jnp.float32); d['b2'] = jnp.zeros((64,), jnp.float32)
    d['W3'] = jax.random.normal(ks[3], (128, 128), dtype=jnp.float32) / np.sqrt(128.0)
    d['g3'] = jnp.ones((128,), jnp.float32); d['b3'] = jnp.zeros((128,), jnp.float32)
    d['W4'] = jax.random.normal(ks[4], (256, 256), dtype=jnp.float32) / np.sqrt(256.0)
    d['g4'] = jnp.ones((256,), jnp.float32); d['b4'] = jnp.zeros((256,), jnp.float32)
    d['W5'] = jax.random.normal(ks[5], (1024, 512), dtype=jnp.float32) / np.sqrt(512.0)
    d['g5'] = jnp.ones((1024,), jnp.float32); d['b5'] = jnp.zeros((1024,), jnp.float32)
    d['W6'] = jax.random.normal(ks[6], (512, 2048), dtype=jnp.float32) / np.sqrt(2048.0)
    d['g6'] = jnp.ones((512,), jnp.float32); d['b6'] = jnp.zeros((512,), jnp.float32)
    d['W7'] = jax.random.normal(ks[7], (256, 512), dtype=jnp.float32) / np.sqrt(512.0)
    d['bias7'] = jnp.zeros((256,), jnp.float32)
    d['g7'] = jnp.ones((256,), jnp.float32); d['b7'] = jnp.zeros((256,), jnp.float32)
    d['W8'] = jax.random.normal(ks[8], (3, 256), dtype=jnp.float32) / np.sqrt(256.0)
    d['bias8'] = jnp.zeros((3,), jnp.float32)
    return d


def reference(x, W1, g1, b1, W2, g2, b2, W3, g3, b3, W4, g4, b4, W5, g5, b5, W6, g6, b6, W7, bias7, g7, b7, W8, bias8):
    xp = jnp.transpose(x, (0, 2, 1))
    f = get_graph_feature(xp, K)
    f = lrelu(bn(jnp.einsum('oc,bcnk->bonk', W1, f), g1, b1, (0, 2, 3)))
    x1 = jnp.max(f, axis=-1)
    f = get_graph_feature(x1, K)
    f = lrelu(bn(jnp.einsum('oc,bcnk->bonk', W2, f), g2, b2, (0, 2, 3)))
    x2 = jnp.max(f, axis=-1)
    f = get_graph_feature(x2, K)
    f = lrelu(bn(jnp.einsum('oc,bcnk->bonk', W3, f), g3, b3, (0, 2, 3)))
    x3 = jnp.max(f, axis=-1)
    f = get_graph_feature(x3, K)
    f = lrelu(bn(jnp.einsum('oc,bcnk->bonk', W4, f), g4, b4, (0, 2, 3)))
    x4 = jnp.max(f, axis=-1)
    xc = jnp.concatenate([x1, x2, x3, x4], axis=1)
    xc = lrelu(bn(jnp.einsum('oc,bcn->bon', W5, xc), g5, b5, (0, 2)))
    p1 = jnp.max(xc, axis=-1)
    p2 = jnp.mean(xc, axis=-1)
    h = jnp.concatenate([p1, p2], axis=1)
    h = lrelu(bn(h @ W6.T, g6, b6, (0,)))
    h = lrelu(bn(h @ W7.T + bias7, g7, b7, (0,)))
    h = h @ W8.T + bias8
    return h

if __name__ == "__main__":
    import jax
    _d = setup_inputs()
    print(jax.jit(kernel)(*tuple(_d.values())))

</pallas_src>

<mosaic_0001>
#map = affine_map<(d0, d1) -> (0, 0)>
#map1 = affine_map<(d0, d1) -> (0, 0, 0)>
module attributes {stable_mosaic.version = 14 : i64} {
  func.func @kfn(%arg0: i32, %arg1: i32, %arg2: memref<32768x128xf32, #tpu.memory_space<hbm>>, %arg3: memref<1024x8x80xi32, #tpu.memory_space<hbm>>, %arg4: memref<655360x128xf32, #tpu.memory_space<hbm>>, %arg5: memref<8x80xi32, #tpu.memory_space<vmem>>, %arg6: memref<640x128xf32, #tpu.memory_space<vmem>>, %arg7: memref<!tpu.dma_semaphore, #tpu.memory_space<semaphore_mem>>) attributes {dimension_semantics = [#tpu.dimension_semantics<core_parallel>, #tpu.dimension_semantics<subcore_parallel>], iteration_bounds = array<i64: 2, 16>, scalar_prefetch = 0 : i64, scratch_operands = 3 : i64, tpu.core_type = #tpu.core_type<sc_vector_subcore>, window_params = [{transform_indices = #map}, {transform_indices = #map1}, {transform_indices = #map}]} {
    %mul3A = arith.constant 2 : i32
    %mul3A_0 = arith.muli %arg1, %mul3A : i32
    %add3A = arith.addi %mul3A_0, %arg0 : i32
    %scan3A = arith.constant 0 : i32
    %scan3A_1 = arith.constant 0 : i32
    %scan3A_2 = arith.constant 32 : i32
    %scan3A_3 = arith.addi %scan3A_1, %scan3A_2 : i32
    %scan3A_4 = arith.constant 1 : i32
    scf.for %scan3A_6 = %scan3A_1 to %scan3A_3 step %scan3A_4  : i32 {
      %mul3A_7 = arith.constant 32 : i32
      %mul3A_8 = arith.muli %add3A, %mul3A_7 : i32
      %add3A_9 = arith.addi %mul3A_8, %scan3A_6 : i32
      "tpu.region"() ({
        %run_scoped3A = tpu.sem_alloc : memref<!tpu.dma_semaphore, #tpu.memory_space<semaphore_mem>>
        %dma_start3A_170 = arith.constant 0 : i32
        %dma_start3A_171 = arith.constant 0 : i32
        %dma_start3A_172 = tpu.memref_slice %arg3[%add3A_9, %dma_start3A_170, %dma_start3A_171] : memref<1024x8x80xi32, #tpu.memory_space<hbm>> -> memref<1x8x80xi32, #tpu.memory_space<hbm>>
        %dma_start3A_173 = tpu.memref_squeeze %dma_start3A_172 : memref<1x8x80xi32, #tpu.memory_space<hbm>> -> memref<8x80xi32, #tpu.memory_space<hbm>>
        %dma_start3A_174 = arith.constant 0 : i32
        %dma_start3A_175 = arith.constant 0 : i32
        %dma_start3A_176 = tpu.memref_slice %arg3[%add3A_9, %dma_start3A_174, %dma_start3A_175] : memref<1024x8x80xi32, #tpu.memory_space<hbm>> -> memref<1x8x80xi32, #tpu.memory_space<hbm>>
        %dma_start3A_177 = tpu.memref_squeeze %dma_start3A_176 : memref<1x8x80xi32, #tpu.memory_space<hbm>> -> memref<8x80xi32, #tpu.memory_space<hbm>>
        tpu.enqueue_dma source(%dma_start3A_177 : memref<8x80xi32, #tpu.memory_space<hbm>>) target(%arg5 : memref<8x80xi32, #tpu.memory_space<vmem>>) target_semaphore(%run_scoped3A : memref<!tpu.dma_semaphore, #tpu.memory_space<semaphore_mem>>)
        %dma_wait3A_178 = arith.constant 0 : i32
        %dma_wait3A_179 = arith.constant 0 : i32
        %dma_wait3A_180 = tpu.memref_slice %arg3[%add3A_9, %dma_wait3A_178, %dma_wait3A_179] : memref<1024x8x80xi32, #tpu.memory_space<hbm>> -> memref<1x8x80xi32, #tpu.memory_space<hbm>>
        %dma_wait3A_181 = tpu.memref_squeeze %dma_wait3A_180 : memref<1x8x80xi32, #tpu.memory_space<hbm>> -> memref<8x80xi32, #tpu.memory_space<hbm>>
        %dma_wait3A_182 = arith.constant 0 : i32
        %dma_wait3A_183 = arith.constant 0 : i32
        %dma_wait3A_184 = tpu.memref_slice %arg3[%add3A_9, %dma_wait3A_182, %dma_wait3A_183] : memref<1024x8x80xi32, #tpu.memory_space<hbm>> -> memref<1x8x80xi32, #tpu.memory_space<hbm>>
        %dma_wait3A_185 = tpu.memref_squeeze %dma_wait3A_184 : memref<1x8x80xi32, #tpu.memory_space<hbm>> -> memref<8x80xi32, #tpu.memory_space<hbm>>
        tpu.wait_dma2 semaphore(%run_scoped3A : memref<!tpu.dma_semaphore, #tpu.memory_space<semaphore_mem>>) src(%dma_wait3A_185 : memref<8x80xi32, #tpu.memory_space<hbm>>) dst(%arg5 : memref<8x80xi32, #tpu.memory_space<vmem>>)
        tpu.yield
      }) : () -> ()
      %dma_start3A = arith.constant 0 : i32
      %dma_start3A_10 = arith.constant 0 : i32
      %dma_start3A_11 = arith.constant 0 : i32
      %dma_start3A_12 = tpu.memref_slice %arg6[%dma_start3A_10, %dma_start3A_11] : memref<640x128xf32, #tpu.memory_space<vmem>> -> memref<80x128xf32, #tpu.memory_space<vmem>>
      %dma_start3A_13 = arith.constant 0 : i32
      %dma_start3A_14 = tpu.memref_slice %arg5[%dma_start3A, %dma_start3A_13] : memref<8x80xi32, #tpu.memory_space<vmem>> -> memref<1x80xi32, #tpu.memory_space<vmem>>
      %dma_start3A_15 = tpu.memref_squeeze %dma_start3A_14 : memref<1x80xi32, #tpu.memory_space<vmem>> -> memref<80xi32, #tpu.memory_space<vmem>>
      %dma_start3A_16 = arith.constant 0 : i32
      %dma_start3A_17 = arith.constant 0 : i32
      %dma_start3A_18 = tpu.memref_slice %arg2[%dma_start3A_16, %dma_start3A_17] : memref<32768x128xf32, #tpu.memory_space<hbm>> -> memref<32768x128xf32, #tpu.memory_space<hbm>>
      tpu.enqueue_indirect_dma source(%dma_start3A_18 : memref<32768x128xf32, #tpu.memory_space<hbm>>) target(%dma_start3A_12 : memref<80x128xf32, #tpu.memory_space<vmem>>) offsets(%dma_start3A_15 : memref<80xi32, #tpu.memory_space<vmem>>) semaphore(%arg7 : memref<!tpu.dma_semaphore, #tpu.memory_space<semaphore_mem>>)
      %dma_start3A_19 = arith.constant 1 : i32
      %dma_start3A_20 = arith.constant 80 : i32
      %dma_start3A_21 = arith.constant 0 : i32
      %dma_start3A_22 = tpu.memref_slice %arg6[%dma_start3A_20, %dma_start3A_21] : memref<640x128xf32, #tpu.memory_space<vmem>> -> memref<80x128xf32, #tpu.memory_space<vmem>>
      %dma_start3A_23 = arith.constant 0 : i32
      %dma_start3A_24 = tpu.memref_slice %arg5[%dma_start3A_19, %dma_start3A_23] : memref<8x80xi32, #tpu.memory_space<vmem>> -> memref<1x80xi32, #tpu.memory_space<vmem>>
      %dma_start3A_25 = tpu.memref_squeeze %dma_start3A_24 : memref<1x80xi32, #tpu.memory_space<vmem>> -> memref<80xi32, #tpu.memory_space<vmem>>
      %dma_start3A_26 = arith.constant 0 : i32
      %dma_start3A_27 = arith.constant 0 : i32
      %dma_start3A_28 = tpu.memref_slice %arg2[%dma_start3A_26, %dma_start3A_27] : memref<32768x128xf32, #tpu.memory_space<hbm>> -> memref<32768x128xf32, #tpu.memory_space<hbm>>
      tpu.enqueue_indirect_dma source(%dma_start3A_28 : memref<32768x128xf32, #tpu.memory_space<hbm>>) target(%dma_start3A_22 : memref<80x128xf32, #tpu.memory_space<vmem>>) offsets(%dma_start3A_25 : memref<80xi32, #tpu.memory_space<vmem>>) semaphore(%arg7 : memref<!tpu.dma_semaphore, #tpu.memory_space<semaphore_mem>>)
      %dma_start3A_29 = arith.constant 2 : i32
      %dma_start3A_30 = arith.constant 160 : i32
      %dma_start3A_31 = arith.constant 0 : i32
      %dma_start3A_32 = tpu.memref_slice %arg6[%dma_start3A_30, %dma_start3A_31] : memref<640x128xf32, #tpu.memory_space<vmem>> -> memref<80x128xf32, #tpu.memory_space<vmem>>
      %dma_start3A_33 = arith.constant 0 : i32
      %dma_start3A_34 = tpu.memref_slice %arg5[%dma_start3A_29, %dma_start3A_33] : memref<8x80xi32, #tpu.memory_space<vmem>> -> memref<1x80xi32, #tpu.memory_space<vmem>>
      %dma_start3A_35 = tpu.memref_squeeze %dma_start3A_34 : memref<1x80xi32, #tpu.memory_space<vmem>> -> memref<80xi32, #tpu.memory_space<vmem>>
      %dma_start3A_36 = arith.constant 0 : i32
      %dma_start3A_37 = arith.constant 0 : i32
      %dma_start3A_38 = tpu.memref_slice %arg2[%dma_start3A_36, %dma_start3A_37] : memref<32768x128xf32, #tpu.memory_space<hbm>> -> memref<32768x128xf32, #tpu.memory_space<hbm>>
      tpu.enqueue_indirect_dma source(%dma_start3A_38 : memref<32768x128xf32, #tpu.memory_space<hbm>>) target(%dma_start3A_32 : memref<80x128xf32, #tpu.memory_space<vmem>>) offsets(%dma_start3A_35 : memref<80xi32, #tpu.memory_space<vmem>>) semaphore(%arg7 : memref<!tpu.dma_semaphore, #tpu.memory_space<semaphore_mem>>)
      %dma_start3A_39 = arith.constant 3 : i32
      %dma_start3A_40 = arith.constant 240 : i32
      %dma_start3A_41 = arith.constant 0 : i32
      %dma_start3A_42 = tpu.memref_slice %arg6[%dma_start3A_40, %dma_start3A_41] : memref<640x128xf32, #tpu.memory_space<vmem>> -> memref<80x128xf32, #tpu.memory_space<vmem>>
      %dma_start3A_43 = arith.constant 0 : i32
      %dma_start3A_44 = tpu.memref_slice %arg5[%dma_start3A_39, %dma_start3A_43] : memref<8x80xi32, #tpu.memory_space<vmem>> -> memref<1x80xi32, #tpu.memory_space<vmem>>
      %dma_start3A_45 = tpu.memref_squeeze %dma_start3A_44 : memref<1x80xi32, #tpu.memory_space<vmem>> -> memref<80xi32, #tpu.memory_space<vmem>>
      %dma_start3A_46 = arith.constant 0 : i32
      %dma_start3A_47 = arith.constant 0 : i32
      %dma_start3A_48 = tpu.memref_slice %arg2[%dma_start3A_46, %dma_start3A_47] : memref<32768x128xf32, #tpu.memory_space<hbm>> -> memref<32768x128xf32, #tpu.memory_space<hbm>>
      tpu.enqueue_indirect_dma source(%dma_start3A_48 : memref<32768x128xf32, #tpu.memory_space<hbm>>) target(%dma_start3A_42 : memref<80x128xf32, #tpu.memory_space<vmem>>) offsets(%dma_start3A_45 : memref<80xi32, #tpu.memory_space<vmem>>) semaphore(%arg7 : memref<!tpu.dma_semaphore, #tpu.memory_space<semaphore_mem>>)
      %dma_start3A_49 = arith.constant 4 : i32
      %dma_start3A_50 = arith.constant 320 : i32
      %dma_start3A_51 = arith.constant 0 : i32
      %dma_start3A_52 = tpu.memref_slice %arg6[%dma_start3A_50, %dma_start3A_51] : memref<640x128xf32, #tpu.memory_space<vmem>> -> memref<80x128xf32, #tpu.memory_space<vmem>>
      %dma_start3A_53 = arith.constant 0 : i32
      %dma_start3A_54 = tpu.memref_slice %arg5[%dma_start3A_49, %dma_start3A_53] : memref<8x80xi32, #tpu.memory_space<vmem>> -> memref<1x80xi32, #tpu.memory_space<vmem>>
      %dma_start3A_55 = tpu.memref_squeeze %dma_start3A_54 : memref<1x80xi32, #tpu.memory_space<vmem>> -> memref<80xi32, #tpu.memory_space<vmem>>
      %dma_start3A_56 = arith.constant 0 : i32
      %dma_start3A_57 = arith.constant 0 : i32
      %dma_start3A_58 = tpu.memref_slice %arg2[%dma_start3A_56, %dma_start3A_57] : memref<32768x128xf32, #tpu.memory_space<hbm>> -> memref<32768x128xf32, #tpu.memory_space<hbm>>
      tpu.enqueue_indirect_dma source(%dma_start3A_58 : memref<32768x128xf32, #tpu.memory_space<hbm>>) target(%dma_start3A_52 : memref<80x128xf32, #tpu.memory_space<vmem>>) offsets(%dma_start3A_55 : memref<80xi32, #tpu.memory_space<vmem>>) semaphore(%arg7 : memref<!tpu.dma_semaphore, #tpu.memory_space<semaphore_mem>>)
      %dma_start3A_59 = arith.constant 5 : i32
      %dma_start3A_60 = arith.constant 400 : i32
      %dma_start3A_61 = arith.constant 0 : i32
      %dma_start3A_62 = tpu.memref_slice %arg6[%dma_start3A_60, %dma_start3A_61] : memref<640x128xf32, #tpu.memory_space<vmem>> -> memref<80x128xf32, #tpu.memory_space<vmem>>
      %dma_start3A_63 = arith.constant 0 : i32
      %dma_start3A_64 = tpu.memref_slice %arg5[%dma_start3A_59, %dma_start3A_63] : memref<8x80xi32, #tpu.memory_space<vmem>> -> memref<1x80xi32, #tpu.memory_space<vmem>>
      %dma_start3A_65 = tpu.memref_squeeze %dma_start3A_64 : memref<1x80xi32, #tpu.memory_space<vmem>> -> memref<80xi32, #tpu.memory_space<vmem>>
      %dma_start3A_66 = arith.constant 0 : i32
      %dma_start3A_67 = arith.constant 0 : i32
      %dma_start3A_68 = tpu.memref_slice %arg2[%dma_start3A_66, %dma_start3A_67] : memref<32768x128xf32, #tpu.memory_space<hbm>> -> memref<32768x128xf32, #tpu.memory_space<hbm>>
      tpu.enqueue_indirect_dma source(%dma_start3A_68 : memref<32768x128xf32, #tpu.memory_space<hbm>>) target(%dma_start3A_62 : memref<80x128xf32, #tpu.memory_space<vmem>>) offsets(%dma_start3A_65 : memref<80xi32, #tpu.memory_space<vmem>>) semaphore(%arg7 : memref<!tpu.dma_semaphore, #tpu.memory_space<semaphore_mem>>)
      %dma_start3A_69 = arith.constant 6 : i32
      %dma_start3A_70 = arith.constant 480 : i32
      %dma_start3A_71 = arith.constant 0 : i32
      %dma_start3A_72 = tpu.memref_slice %arg6[%dma_start3A_70, %dma_start3A_71] : memref<640x128xf32, #tpu.memory_space<vmem>> -> memref<80x128xf32, #tpu.memory_space<vmem>>
      %dma_start3A_73 = arith.constant 0 : i32
      %dma_start3A_74 = tpu.memref_slice %arg5[%dma_start3A_69, %dma_start3A_73] : memref<8x80xi32, #tpu.memory_space<vmem>> -> memref<1x80xi32, #tpu.memory_space<vmem>>
      %dma_start3A_75 = tpu.memref_squeeze %dma_start3A_74 : memref<1x80xi32, #tpu.memory_space<vmem>> -> memref<80xi32, #tpu.memory_space<vmem>>
      %dma_start3A_76 = arith.constant 0 : i32
      %dma_start3A_77 = arith.constant 0 : i32
      %dma_start3A_78 = tpu.memref_slice %arg2[%dma_start3A_76, %dma_start3A_77] : memref<32768x128xf32, #tpu.memory_space<hbm>> -> memref<32768x128xf32, #tpu.memory_space<hbm>>
      tpu.enqueue_indirect_dma source(%dma_start3A_78 : memref<32768x128xf32, #tpu.memory_space<hbm>>) target(%dma_start3A_72 : memref<80x128xf32, #tpu.memory_space<vmem>>) offsets(%dma_start3A_75 : memref<80xi32, #tpu.memory_space<vmem>>) semaphore(%arg7 : memref<!tpu.dma_semaphore, #tpu.memory_space<semaphore_mem>>)
      %dma_start3A_79 = arith.constant 7 : i32
      %dma_start3A_80 = arith.constant 560 : i32
      %dma_start3A_81 = arith.constant 0 : i32
      %dma_start3A_82 = tpu.memref_slice %arg6[%dma_start3A_80, %dma_start3A_81] : memref<640x128xf32, #tpu.memory_space<vmem>> -> memref<80x128xf32, #tpu.memory_space<vmem>>
      %dma_start3A_83 = arith.constant 0 : i32
      %dma_start3A_84 = tpu.memref_slice %arg5[%dma_start3A_79, %dma_start3A_83] : memref<8x80xi32, #tpu.memory_space<vmem>> -> memref<1x80xi32, #tpu.memory_space<vmem>>
      %dma_start3A_85 = tpu.memref_squeeze %dma_start3A_84 : memref<1x80xi32, #tpu.memory_space<vmem>> -> memref<80xi32, #tpu.memory_space<vmem>>
      %dma_start3A_86 = arith.constant 0 : i32
      %dma_start3A_87 = arith.constant 0 : i32
      %dma_start3A_88 = tpu.memref_slice %arg2[%dma_start3A_86, %dma_start3A_87] : memref<32768x128xf32, #tpu.memory_space<hbm>> -> memref<32768x128xf32, #tpu.memory_space<hbm>>
      tpu.enqueue_indirect_dma source(%dma_start3A_88 : memref<32768x128xf32, #tpu.memory_space<hbm>>) target(%dma_start3A_82 : memref<80x128xf32, #tpu.memory_space<vmem>>) offsets(%dma_start3A_85 : memref<80xi32, #tpu.memory_space<vmem>>) semaphore(%arg7 : memref<!tpu.dma_semaphore, #tpu.memory_space<semaphore_mem>>)
      %dma_wait3A = arith.constant 0 : i32
      %dma_wait3A_89 = arith.constant 0 : i32
      %dma_wait3A_90 = arith.constant 0 : i32
      %dma_wait3A_91 = tpu.memref_slice %arg6[%dma_wait3A_89, %dma_wait3A_90] : memref<640x128xf32, #tpu.memory_space<vmem>> -> memref<80x128xf32, #tpu.memory_space<vmem>>
      %dma_wait3A_92 = arith.constant 0 : i32
      %dma_wait3A_93 = tpu.memref_slice %arg5[%dma_wait3A, %dma_wait3A_92] : memref<8x80xi32, #tpu.memory_space<vmem>> -> memref<1x80xi32, #tpu.memory_space<vmem>>
      %dma_wait3A_94 = tpu.memref_squeeze %dma_wait3A_93 : memref<1x80xi32, #tpu.memory_space<vmem>> -> memref<80xi32, #tpu.memory_space<vmem>>
      %dma_wait3A_95 = arith.constant 0 : i32
      %dma_wait3A_96 = arith.constant 0 : i32
      %dma_wait3A_97 = tpu.memref_slice %arg2[%dma_wait3A_95, %dma_wait3A_96] : memref<32768x128xf32, #tpu.memory_space<hbm>> -> memref<32768x128xf32, #tpu.memory_space<hbm>>
      tpu.wait_indirect_dma semaphore(%arg7 : memref<!tpu.dma_semaphore, #tpu.memory_space<semaphore_mem>>) src(%dma_wait3A_97 : memref<32768x128xf32, #tpu.memory_space<hbm>>) dst(%dma_wait3A_91 : memref<80x128xf32, #tpu.memory_space<vmem>>)
      %dma_wait3A_98 = arith.constant 1 : i32
      %dma_wait3A_99 = arith.constant 80 : i32
      %dma_wait3A_100 = arith.constant 0 : i32
      %dma_wait3A_101 = tpu.memref_slice %arg6[%dma_wait3A_99, %dma_wait3A_100] : memref<640x128xf32, #tpu.memory_space<vmem>> -> memref<80x128xf32, #tpu.memory_space<vmem>>
      %dma_wait3A_102 = arith.constant 0 : i32
      %dma_wait3A_103 = tpu.memref_slice %arg5[%dma_wait3A_98, %dma_wait3A_102] : memref<8x80xi32, #tpu.memory_space<vmem>> -> memref<1x80xi32, #tpu.memory_space<vmem>>
      %dma_wait3A_104 = tpu.memref_squeeze %dma_wait3A_103 : memref<1x80xi32, #tpu.memory_space<vmem>> -> memref<80xi32, #tpu.memory_space<vmem>>
      %dma_wait3A_105 = arith.constant 0 : i32
      %dma_wait3A_106 = arith.constant 0 : i32
      %dma_wait3A_107 = tpu.memref_slice %arg2[%dma_wait3A_105, %dma_wait3A_106] : memref<32768x128xf32, #tpu.memory_space<hbm>> -> memref<32768x128xf32, #tpu.memory_space<hbm>>
      tpu.wait_indirect_dma semaphore(%arg7 : memref<!tpu.dma_semaphore, #tpu.memory_space<semaphore_mem>>) src(%dma_wait3A_107 : memref<32768x128xf32, #tpu.memory_space<hbm>>) dst(%dma_wait3A_101 : memref<80x128xf32, #tpu.memory_space<vmem>>)
      %dma_wait3A_108 = arith.constant 2 : i32
      %dma_wait3A_109 = arith.constant 160 : i32
      %dma_wait3A_110 = arith.constant 0 : i32
      %dma_wait3A_111 = tpu.memref_slice %arg6[%dma_wait3A_109, %dma_wait3A_110] : memref<640x128xf32, #tpu.memory_space<vmem>> -> memref<80x128xf32, #tpu.memory_space<vmem>>
      %dma_wait3A_112 = arith.constant 0 : i32
      %dma_wait3A_113 = tpu.memref_slice %arg5[%dma_wait3A_108, %dma_wait3A_112] : memref<8x80xi32, #tpu.memory_space<vmem>> -> memref<1x80xi32, #tpu.memory_space<vmem>>
      %dma_wait3A_114 = tpu.memref_squeeze %dma_wait3A_113 : memref<1x80xi32, #tpu.memory_space<vmem>> -> memref<80xi32, #tpu.memory_space<vmem>>
      %dma_wait3A_115 = arith.constant 0 : i32
      %dma_wait3A_116 = arith.constant 0 : i32
      %dma_wait3A_117 = tpu.memref_slice %arg2[%dma_wait3A_115, %dma_wait3A_116] : memref<32768x128xf32, #tpu.memory_space<hbm>> -> memref<32768x128xf32, #tpu.memory_space<hbm>>
      tpu.wait_indirect_dma semaphore(%arg7 : memref<!tpu.dma_semaphore, #tpu.memory_space<semaphore_mem>>) src(%dma_wait3A_117 : memref<32768x128xf32, #tpu.memory_space<hbm>>) dst(%dma_wait3A_111 : memref<80x128xf32, #tpu.memory_space<vmem>>)
      %dma_wait3A_118 = arith.constant 3 : i32
      %dma_wait3A_119 = arith.constant 240 : i32
      %dma_wait3A_120 = arith.constant 0 : i32
      %dma_wait3A_121 = tpu.memref_slice %arg6[%dma_wait3A_119, %dma_wait3A_120] : memref<640x128xf32, #tpu.memory_space<vmem>> -> memref<80x128xf32, #tpu.memory_space<vmem>>
      %dma_wait3A_122 = arith.constant 0 : i32
      %dma_wait3A_123 = tpu.memref_slice %arg5[%dma_wait3A_118, %dma_wait3A_122] : memref<8x80xi32, #tpu.memory_space<vmem>> -> memref<1x80xi32, #tpu.memory_space<vmem>>
      %dma_wait3A_124 = tpu.memref_squeeze %dma_wait3A_123 : memref<1x80xi32, #tpu.memory_space<vmem>> -> memref<80xi32, #tpu.memory_space<vmem>>
      %dma_wait3A_125 = arith.constant 0 : i32
      %dma_wait3A_126 = arith.constant 0 : i32
      %dma_wait3A_127 = tpu.memref_slice %arg2[%dma_wait3A_125, %dma_wait3A_126] : memref<32768x128xf32, #tpu.memory_space<hbm>> -> memref<32768x128xf32, #tpu.memory_space<hbm>>
      tpu.wait_indirect_dma semaphore(%arg7 : memref<!tpu.dma_semaphore, #tpu.memory_space<semaphore_mem>>) src(%dma_wait3A_127 : memref<32768x128xf32, #tpu.memory_space<hbm>>) dst(%dma_wait3A_121 : memref<80x128xf32, #tpu.memory_space<vmem>>)
      %dma_wait3A_128 = arith.constant 4 : i32
      %dma_wait3A_129 = arith.constant 320 : i32
      %dma_wait3A_130 = arith.constant 0 : i32
      %dma_wait3A_131 = tpu.memref_slice %arg6[%dma_wait3A_129, %dma_wait3A_130] : memref<640x128xf32, #tpu.memory_space<vmem>> -> memref<80x128xf32, #tpu.memory_space<vmem>>
      %dma_wait3A_132 = arith.constant 0 : i32
      %dma_wait3A_133 = tpu.memref_slice %arg5[%dma_wait3A_128, %dma_wait3A_132] : memref<8x80xi32, #tpu.memory_space<vmem>> -> memref<1x80xi32, #tpu.memory_space<vmem>>
      %dma_wait3A_134 = tpu.memref_squeeze %dma_wait3A_133 : memref<1x80xi32, #tpu.memory_space<vmem>> -> memref<80xi32, #tpu.memory_space<vmem>>
      %dma_wait3A_135 = arith.constant 0 : i32
      %dma_wait3A_136 = arith.constant 0 : i32
      %dma_wait3A_137 = tpu.memref_slice %arg2[%dma_wait3A_135, %dma_wait3A_136] : memref<32768x128xf32, #tpu.memory_space<hbm>> -> memref<32768x128xf32, #tpu.memory_space<hbm>>
      tpu.wait_indirect_dma semaphore(%arg7 : memref<!tpu.dma_semaphore, #tpu.memory_space<semaphore_mem>>) src(%dma_wait3A_137 : memref<32768x128xf32, #tpu.memory_space<hbm>>) dst(%dma_wait3A_131 : memref<80x128xf32, #tpu.memory_space<vmem>>)
      %dma_wait3A_138 = arith.constant 5 : i32
      %dma_wait3A_139 = arith.constant 400 : i32
      %dma_wait3A_140 = arith.constant 0 : i32
      %dma_wait3A_141 = tpu.memref_slice %arg6[%dma_wait3A_139, %dma_wait3A_140] : memref<640x128xf32, #tpu.memory_space<vmem>> -> memref<80x128xf32, #tpu.memory_space<vmem>>
      %dma_wait3A_142 = arith.constant 0 : i32
      %dma_wait3A_143 = tpu.memref_slice %arg5[%dma_wait3A_138, %dma_wait3A_142] : memref<8x80xi32, #tpu.memory_space<vmem>> -> memref<1x80xi32, #tpu.memory_space<vmem>>
      %dma_wait3A_144 = tpu.memref_squeeze %dma_wait3A_143 : memref<1x80xi32, #tpu.memory_space<vmem>> -> memref<80xi32, #tpu.memory_space<vmem>>
      %dma_wait3A_145 = arith.constant 0 : i32
      %dma_wait3A_146 = arith.constant 0 : i32
      %dma_wait3A_147 = tpu.memref_slice %arg2[%dma_wait3A_145, %dma_wait3A_146] : memref<32768x128xf32, #tpu.memory_space<hbm>> -> memref<32768x128xf32, #tpu.memory_space<hbm>>
      tpu.wait_indirect_dma semaphore(%arg7 : memref<!tpu.dma_semaphore, #tpu.memory_space<semaphore_mem>>) src(%dma_wait3A_147 : memref<32768x128xf32, #tpu.memory_space<hbm>>) dst(%dma_wait3A_141 : memref<80x128xf32, #tpu.memory_space<vmem>>)
      %dma_wait3A_148 = arith.constant 6 : i32
      %dma_wait3A_149 = arith.constant 480 : i32
      %dma_wait3A_150 = arith.constant 0 : i32
      %dma_wait3A_151 = tpu.memref_slice %arg6[%dma_wait3A_149, %dma_wait3A_150] : memref<640x128xf32, #tpu.memory_space<vmem>> -> memref<80x128xf32, #tpu.memory_space<vmem>>
      %dma_wait3A_152 = arith.constant 0 : i32
      %dma_wait3A_153 = tpu.memref_slice %arg5[%dma_wait3A_148, %dma_wait3A_152] : memref<8x80xi32, #tpu.memory_space<vmem>> -> memref<1x80xi32, #tpu.memory_space<vmem>>
      %dma_wait3A_154 = tpu.memref_squeeze %dma_wait3A_153 : memref<1x80xi32, #tpu.memory_space<vmem>> -> memref<80xi32, #tpu.memory_space<vmem>>
      %dma_wait3A_155 = arith.constant 0 : i32
      %dma_wait3A_156 = arith.constant 0 : i32
      %dma_wait3A_157 = tpu.memref_slice %arg2[%dma_wait3A_155, %dma_wait3A_156] : memref<32768x128xf32, #tpu.memory_space<hbm>> -> memref<32768x128xf32, #tpu.memory_space<hbm>>
      tpu.wait_indirect_dma semaphore(%arg7 : memref<!tpu.dma_semaphore, #tpu.memory_space<semaphore_mem>>) src(%dma_wait3A_157 : memref<32768x128xf32, #tpu.memory_space<hbm>>) dst(%dma_wait3A_151 : memref<80x128xf32, #tpu.memory_space<vmem>>)
      %dma_wait3A_158 = arith.constant 7 : i32
      %dma_wait3A_159 = arith.constant 560 : i32
      %dma_wait3A_160 = arith.constant 0 : i32
      %dma_wait3A_161 = tpu.memref_slice %arg6[%dma_wait3A_159, %dma_wait3A_160] : memref<640x128xf32, #tpu.memory_space<vmem>> -> memref<80x128xf32, #tpu.memory_space<vmem>>
      %dma_wait3A_162 = arith.constant 0 : i32
      %dma_wait3A_163 = tpu.memref_slice %arg5[%dma_wait3A_158, %dma_wait3A_162] : memref<8x80xi32, #tpu.memory_space<vmem>> -> memref<1x80xi32, #tpu.memory_space<vmem>>
      %dma_wait3A_164 = tpu.memref_squeeze %dma_wait3A_163 : memref<1x80xi32, #tpu.memory_space<vmem>> -> memref<80xi32, #tpu.memory_space<vmem>>
      %dma_wait3A_165 = arith.constant 0 : i32
      %dma_wait3A_166 = arith.constant 0 : i32
      %dma_wait3A_167 = tpu.memref_slice %arg2[%dma_wait3A_165, %dma_wait3A_166] : memref<32768x128xf32, #tpu.memory_space<hbm>> -> memref<32768x128xf32, #tpu.memory_space<hbm>>
      tpu.wait_indirect_dma semaphore(%arg7 : memref<!tpu.dma_semaphore, #tpu.memory_space<semaphore_mem>>) src(%dma_wait3A_167 : memref<32768x128xf32, #tpu.memory_space<hbm>>) dst(%dma_wait3A_161 : memref<80x128xf32, #tpu.memory_space<vmem>>)
      %mul3A_168 = arith.constant 640 : i32
      %mul3A_169 = arith.muli %add3A_9, %mul3A_168 : i32
      "tpu.region"() ({
        %run_scoped3A = tpu.sem_alloc : memref<!tpu.dma_semaphore, #tpu.memory_space<semaphore_mem>>
        %dma_start3A_170 = arith.constant 0 : i32
        %dma_start3A_171 = tpu.memref_slice %arg4[%mul3A_169, %dma_start3A_170] : memref<655360x128xf32, #tpu.memory_space<hbm>> -> memref<640x128xf32, #tpu.memory_space<hbm>>
        %dma_start3A_172 = arith.constant 0 : i32
        %dma_start3A_173 = tpu.memref_slice %arg4[%mul3A_169, %dma_start3A_172] : memref<655360x128xf32, #tpu.memory_space<hbm>> -> memref<640x128xf32, #tpu.memory_space<hbm>>
        tpu.enqueue_dma source(%arg6 : memref<640x128xf32, #tpu.memory_space<vmem>>) target(%dma_start3A_173 : memref<640x128xf32, #tpu.memory_space<hbm>>) target_semaphore(%run_scoped3A : memref<!tpu.dma_semaphore, #tpu.memory_space<semaphore_mem>>)
        %dma_wait3A_174 = arith.constant 0 : i32
        %dma_wait3A_175 = tpu.memref_slice %arg4[%mul3A_169, %dma_wait3A_174] : memref<655360x128xf32, #tpu.memory_space<hbm>> -> memref<640x128xf32, #tpu.memory_space<hbm>>
        %dma_wait3A_176 = arith.constant 0 : i32
        %dma_wait3A_177 = tpu.memref_slice %arg4[%mul3A_169, %dma_wait3A_176] : memref<655360x128xf32, #tpu.memory_space<hbm>> -> memref<640x128xf32, #tpu.memory_space<hbm>>
        tpu.wait_dma2 semaphore(%run_scoped3A : memref<!tpu.dma_semaphore, #tpu.memory_space<semaphore_mem>>) src(%arg6 : memref<640x128xf32, #tpu.memory_space<vmem>>) dst(%dma_wait3A_177 : memref<640x128xf32, #tpu.memory_space<hbm>>)
        tpu.yield
      }) : () -> ()
    }
    %scan3A_5 = arith.constant 32 : i32
    return
  }
}

#map = affine_map<(d0, d1) -> (0, 0)>
#map1 = affine_map<(d0, d1) -> (0, 0, 0)>
module attributes {stable_mosaic.version = 14 : i64} {
  func.func @kfn(%arg0: i32, %arg1: i32, %arg2: memref<32768x128xf32, #tpu.memory_space<hbm>>, %arg3: memref<1024x8x80xi32, #tpu.memory_space<hbm>>, %arg4: memref<655360x128xf32, #tpu.memory_space<hbm>>, %arg5: memref<8x80xi32, #tpu.memory_space<vmem>>, %arg6: memref<640x128xf32, #tpu.memory_space<vmem>>, %arg7: memref<!tpu.dma_semaphore, #tpu.memory_space<semaphore_mem>>) attributes {dimension_semantics = [#tpu.dimension_semantics<core_parallel>, #tpu.dimension_semantics<subcore_parallel>], iteration_bounds = array<i64: 2, 16>, scalar_prefetch = 0 : i64, scratch_operands = 3 : i64, tpu.core_type = #tpu.core_type<sc_vector_subcore>, window_params = [{transform_indices = #map}, {transform_indices = #map1}, {transform_indices = #map}]} {
    %mul3A = arith.constant 2 : i32
    %mul3A_0 = arith.muli %arg1, %mul3A : i32
    %add3A = arith.addi %mul3A_0, %arg0 : i32
    %scan3A = arith.constant 0 : i32
    %scan3A_1 = arith.constant 0 : i32
    %scan3A_2 = arith.constant 32 : i32
    %scan3A_3 = arith.addi %scan3A_1, %scan3A_2 : i32
    %scan3A_4 = arith.constant 1 : i32
    scf.for %scan3A_6 = %scan3A_1 to %scan3A_3 step %scan3A_4  : i32 {
      %mul3A_7 = arith.constant 32 : i32
      %mul3A_8 = arith.muli %add3A, %mul3A_7 : i32
      %add3A_9 = arith.addi %mul3A_8, %scan3A_6 : i32
      "tpu.region"() ({
        %run_scoped3A = tpu.sem_alloc : memref<!tpu.dma_semaphore, #tpu.memory_space<semaphore_mem>>
        %dma_start3A_170 = arith.constant 0 : i32
        %dma_start3A_171 = arith.constant 0 : i32
        %dma_start3A_172 = tpu.memref_slice %arg3[%add3A_9, %dma_start3A_170, %dma_start3A_171] : memref<1024x8x80xi32, #tpu.memory_space<hbm>> -> memref<1x8x80xi32, #tpu.memory_space<hbm>>
        %dma_start3A_173 = tpu.memref_squeeze %dma_start3A_172 : memref<1x8x80xi32, #tpu.memory_space<hbm>> -> memref<8x80xi32, #tpu.memory_space<hbm>>
        %dma_start3A_174 = arith.constant 0 : i32
        %dma_start3A_175 = arith.constant 0 : i32
        %dma_start3A_176 = tpu.memref_slice %arg3[%add3A_9, %dma_start3A_174, %dma_start3A_175] : memref<1024x8x80xi32, #tpu.memory_space<hbm>> -> memref<1x8x80xi32, #tpu.memory_space<hbm>>
        %dma_start3A_177 = tpu.memref_squeeze %dma_start3A_176 : memref<1x8x80xi32, #tpu.memory_space<hbm>> -> memref<8x80xi32, #tpu.memory_space<hbm>>
        tpu.enqueue_dma source(%dma_start3A_177 : memref<8x80xi32, #tpu.memory_space<hbm>>) target(%arg5 : memref<8x80xi32, #tpu.memory_space<vmem>>) target_semaphore(%run_scoped3A : memref<!tpu.dma_semaphore, #tpu.memory_space<semaphore_mem>>)
        %dma_wait3A_178 = arith.constant 0 : i32
        %dma_wait3A_179 = arith.constant 0 : i32
        %dma_wait3A_180 = tpu.memref_slice %arg3[%add3A_9, %dma_wait3A_178, %dma_wait3A_179] : memref<1024x8x80xi32, #tpu.memory_space<hbm>> -> memref<1x8x80xi32, #tpu.memory_space<hbm>>
        %dma_wait3A_181 = tpu.memref_squeeze %dma_wait3A_180 : memref<1x8x80xi32, #tpu.memory_space<hbm>> -> memref<8x80xi32, #tpu.memory_space<hbm>>
        %dma_wait3A_182 = arith.constant 0 : i32
        %dma_wait3A_183 = arith.constant 0 : i32
        %dma_wait3A_184 = tpu.memref_slice %arg3[%add3A_9, %dma_wait3A_182, %dma_wait3A_183] : memref<1024x8x80xi32, #tpu.memory_space<hbm>> -> memref<1x8x80xi32, #tpu.memory_space<hbm>>
        %dma_wait3A_185 = tpu.memref_squeeze %dma_wait3A_184 : memref<1x8x80xi32, #tpu.memory_space<hbm>> -> memref<8x80xi32, #tpu.memory_space<hbm>>
        tpu.wait_dma2 semaphore(%run_scoped3A : memref<!tpu.dma_semaphore, #tpu.memory_space<semaphore_mem>>) src(%dma_wait3A_185 : memref<8x80xi32, #tpu.memory_space<hbm>>) dst(%arg5 : memref<8x80xi32, #tpu.memory_space<vmem>>)
        tpu.yield
      }) : () -> ()
      %dma_start3A = arith.constant 0 : i32
      %dma_start3A_10 = arith.constant 0 : i32
      %dma_start3A_11 = arith.constant 0 : i32
      %dma_start3A_12 = tpu.memref_slice %arg6[%dma_start3A_10, %dma_start3A_11] : memref<640x128xf32, #tpu.memory_space<vmem>> -> memref<80x128xf32, #tpu.memory_space<vmem>>
      %dma_start3A_13 = arith.constant 0 : i32
      %dma_start3A_14 = tpu.memref_slice %arg5[%dma_start3A, %dma_start3A_13] : memref<8x80xi32, #tpu.memory_space<vmem>> -> memref<1x80xi32, #tpu.memory_space<vmem>>
      %dma_start3A_15 = tpu.memref_squeeze %dma_start3A_14 : memref<1x80xi32, #tpu.memory_space<vmem>> -> memref<80xi32, #tpu.memory_space<vmem>>
      %dma_start3A_16 = arith.constant 0 : i32
      %dma_start3A_17 = arith.constant 0 : i32
      %dma_start3A_18 = tpu.memref_slice %arg2[%dma_start3A_16, %dma_start3A_17] : memref<32768x128xf32, #tpu.memory_space<hbm>> -> memref<32768x128xf32, #tpu.memory_space<hbm>>
      tpu.enqueue_indirect_dma source(%dma_start3A_18 : memref<32768x128xf32, #tpu.memory_space<hbm>>) target(%dma_start3A_12 : memref<80x128xf32, #tpu.memory_space<vmem>>) offsets(%dma_start3A_15 : memref<80xi32, #tpu.memory_space<vmem>>) semaphore(%arg7 : memref<!tpu.dma_semaphore, #tpu.memory_space<semaphore_mem>>)
      %dma_start3A_19 = arith.constant 1 : i32
      %dma_start3A_20 = arith.constant 80 : i32
      %dma_start3A_21 = arith.constant 0 : i32
      %dma_start3A_22 = tpu.memref_slice %arg6[%dma_start3A_20, %dma_start3A_21] : memref<640x128xf32, #tpu.memory_space<vmem>> -> memref<80x128xf32, #tpu.memory_space<vmem>>
      %dma_start3A_23 = arith.constant 0 : i32
      %dma_start3A_24 = tpu.memref_slice %arg5[%dma_start3A_19, %dma_start3A_23] : memref<8x80xi32, #tpu.memory_space<vmem>> -> memref<1x80xi32, #tpu.memory_space<vmem>>
      %dma_start3A_25 = tpu.memref_squeeze %dma_start3A_24 : memref<1x80xi32, #tpu.memory_space<vmem>> -> memref<80xi32, #tpu.memory_space<vmem>>
      %dma_start3A_26 = arith.constant 0 : i32
      %dma_start3A_27 = arith.constant 0 : i32
      %dma_start3A_28 = tpu.memref_slice %arg2[%dma_start3A_26, %dma_start3A_27] : memref<32768x128xf32, #tpu.memory_space<hbm>> -> memref<32768x128xf32, #tpu.memory_space<hbm>>
      tpu.enqueue_indirect_dma source(%dma_start3A_28 : memref<32768x128xf32, #tpu.memory_space<hbm>>) target(%dma_start3A_22 : memref<80x128xf32, #tpu.memory_space<vmem>>) offsets(%dma_start3A_25 : memref<80xi32, #tpu.memory_space<vmem>>) semaphore(%arg7 : memref<!tpu.dma_semaphore, #tpu.memory_space<semaphore_mem>>)
      %dma_start3A_29 = arith.constant 2 : i32
      %dma_start3A_30 = arith.constant 160 : i32
      %dma_start3A_31 = arith.constant 0 : i32
      %dma_start3A_32 = tpu.memref_slice %arg6[%dma_start3A_30, %dma_start3A_31] : memref<640x128xf32, #tpu.memory_space<vmem>> -> memref<80x128xf32, #tpu.memory_space<vmem>>
      %dma_start3A_33 = arith.constant 0 : i32
      %dma_start3A_34 = tpu.memref_slice %arg5[%dma_start3A_29, %dma_start3A_33] : memref<8x80xi32, #tpu.memory_space<vmem>> -> memref<1x80xi32, #tpu.memory_space<vmem>>
      %dma_start3A_35 = tpu.memref_squeeze %dma_start3A_34 : memref<1x80xi32, #tpu.memory_space<vmem>> -> memref<80xi32, #tpu.memory_space<vmem>>
      %dma_start3A_36 = arith.constant 0 : i32
      %dma_start3A_37 = arith.constant 0 : i32
      %dma_start3A_38 = tpu.memref_slice %arg2[%dma_start3A_36, %dma_start3A_37] : memref<32768x128xf32, #tpu.memory_space<hbm>> -> memref<32768x128xf32, #tpu.memory_space<hbm>>
      tpu.enqueue_indirect_dma source(%dma_start3A_38 : memref<32768x128xf32, #tpu.memory_space<hbm>>) target(%dma_start3A_32 : memref<80x128xf32, #tpu.memory_space<vmem>>) offsets(%dma_start3A_35 : memref<80xi32, #tpu.memory_space<vmem>>) semaphore(%arg7 : memref<!tpu.dma_semaphore, #tpu.memory_space<semaphore_mem>>)
      %dma_start3A_39 = arith.constant 3 : i32
      %dma_start3A_40 = arith.constant 240 : i32
      %dma_start3A_41 = arith.constant 0 : i32
      %dma_start3A_42 = tpu.memref_slice %arg6[%dma_start3A_40, %dma_start3A_41] : memref<640x128xf32, #tpu.memory_space<vmem>> -> memref<80x128xf32, #tpu.memory_space<vmem>>
      %dma_start3A_43 = arith.constant 0 : i32
      %dma_start3A_44 = tpu.memref_slice %arg5[%dma_start3A_39, %dma_start3A_43] : memref<8x80xi32, #tpu.memory_space<vmem>> -> memref<1x80xi32, #tpu.memory_space<vmem>>
      %dma_start3A_45 = tpu.memref_squeeze %dma_start3A_44 : memref<1x80xi32, #tpu.memory_space<vmem>> -> memref<80xi32, #tpu.memory_space<vmem>>
      %dma_start3A_46 = arith.constant 0 : i32
      %dma_start3A_47 = arith.constant 0 : i32
      %dma_start3A_48 = tpu.memref_slice %arg2[%dma_start3A_46, %dma_start3A_47] : memref<32768x128xf32, #tpu.memory_space<hbm>> -> memref<32768x128xf32, #tpu.memory_space<hbm>>
      tpu.enqueue_indirect_dma source(%dma_start3A_48 : memref<32768x128xf32, #tpu.memory_space<hbm>>) target(%dma_start3A_42 : memref<80x128xf32, #tpu.memory_space<vmem>>) offsets(%dma_start3A_45 : memref<80xi32, #tpu.memory_space<vmem>>) semaphore(%arg7 : memref<!tpu.dma_semaphore, #tpu.memory_space<semaphore_mem>>)
      %dma_start3A_49 = arith.constant 4 : i32
      %dma_start3A_50 = arith.constant 320 : i32
      %dma_start3A_51 = arith.constant 0 : i32
      %dma_start3A_52 = tpu.memref_slice %arg6[%dma_start3A_50, %dma_start3A_51] : memref<640x128xf32, #tpu.memory_space<vmem>> -> memref<80x128xf32, #tpu.memory_space<vmem>>
      %dma_start3A_53 = arith.constant 0 : i32
      %dma_start3A_54 = tpu.memref_slice %arg5[%dma_start3A_49, %dma_start3A_53] : memref<8x80xi32, #tpu.memory_space<vmem>> -> memref<1x80xi32, #tpu.memory_space<vmem>>
      %dma_start3A_55 = tpu.memref_squeeze %dma_start3A_54 : memref<1x80xi32, #tpu.memory_space<vmem>> -> memref<80xi32, #tpu.memory_space<vmem>>
      %dma_start3A_56 = arith.constant 0 : i32
      %dma_start3A_57 = arith.constant 0 : i32
      %dma_start3A_58 = tpu.memref_slice %arg2[%dma_start3A_56, %dma_start3A_57] : memref<32768x128xf32, #tpu.memory_space<hbm>> -> memref<32768x128xf32, #tpu.memory_space<hbm>>
      tpu.enqueue_indirect_dma source(%dma_start3A_58 : memref<32768x128xf32, #tpu.memory_space<hbm>>) target(%dma_start3A_52 : memref<80x128xf32, #tpu.memory_space<vmem>>) offsets(%dma_start3A_55 : memref<80xi32, #tpu.memory_space<vmem>>) semaphore(%arg7 : memref<!tpu.dma_semaphore, #tpu.memory_space<semaphore_mem>>)
      %dma_start3A_59 = arith.constant 5 : i32
      %dma_start3A_60 = arith.constant 400 : i32
      %dma_start3A_61 = arith.constant 0 : i32
      %dma_start3A_62 = tpu.memref_slice %arg6[%dma_start3A_60, %dma_start3A_61] : memref<640x128xf32, #tpu.memory_space<vmem>> -> memref<80x128xf32, #tpu.memory_space<vmem>>
      %dma_start3A_63 = arith.constant 0 : i32
      %dma_start3A_64 = tpu.memref_slice %arg5[%dma_start3A_59, %dma_start3A_63] : memref<8x80xi32, #tpu.memory_space<vmem>> -> memref<1x80xi32, #tpu.memory_space<vmem>>
      %dma_start3A_65 = tpu.memref_squeeze %dma_start3A_64 : memref<1x80xi32, #tpu.memory_space<vmem>> -> memref<80xi32, #tpu.memory_space<vmem>>
      %dma_start3A_66 = arith.constant 0 : i32
      %dma_start3A_67 = arith.constant 0 : i32
      %dma_start3A_68 = tpu.memref_slice %arg2[%dma_start3A_66, %dma_start3A_67] : memref<32768x128xf32, #tpu.memory_space<hbm>> -> memref<32768x128xf32, #tpu.memory_space<hbm>>
      tpu.enqueue_indirect_dma source(%dma_start3A_68 : memref<32768x128xf32, #tpu.memory_space<hbm>>) target(%dma_start3A_62 : memref<80x128xf32, #tpu.memory_space<vmem>>) offsets(%dma_start3A_65 : memref<80xi32, #tpu.memory_space<vmem>>) semaphore(%arg7 : memref<!tpu.dma_semaphore, #tpu.memory_space<semaphore_mem>>)
      %dma_start3A_69 = arith.constant 6 : i32
      %dma_start3A_70 = arith.constant 480 : i32
      %dma_start3A_71 = arith.constant 0 : i32
      %dma_start3A_72 = tpu.memref_slice %arg6[%dma_start3A_70, %dma_start3A_71] : memref<640x128xf32, #tpu.memory_space<vmem>> -> memref<80x128xf32, #tpu.memory_space<vmem>>
      %dma_start3A_73 = arith.constant 0 : i32
      %dma_start3A_74 = tpu.memref_slice %arg5[%dma_start3A_69, %dma_start3A_73] : memref<8x80xi32, #tpu.memory_space<vmem>> -> memref<1x80xi32, #tpu.memory_space<vmem>>
      %dma_start3A_75 = tpu.memref_squeeze %dma_start3A_74 : memref<1x80xi32, #tpu.memory_space<vmem>> -> memref<80xi32, #tpu.memory_space<vmem>>
      %dma_start3A_76 = arith.constant 0 : i32
      %dma_start3A_77 = arith.constant 0 : i32
      %dma_start3A_78 = tpu.memref_slice %arg2[%dma_start3A_76, %dma_start3A_77] : memref<32768x128xf32, #tpu.memory_space<hbm>> -> memref<32768x128xf32, #tpu.memory_space<hbm>>
      tpu.enqueue_indirect_dma source(%dma_start3A_78 : memref<32768x128xf32, #tpu.memory_space<hbm>>) target(%dma_start3A_72 : memref<80x128xf32, #tpu.memory_space<vmem>>) offsets(%dma_start3A_75 : memref<80xi32, #tpu.memory_space<vmem>>) semaphore(%arg7 : memref<!tpu.dma_semaphore, #tpu.memory_space<semaphore_mem>>)
      %dma_start3A_79 = arith.constant 7 : i32
      %dma_start3A_80 = arith.constant 560 : i32
      %dma_start3A_81 = arith.constant 0 : i32
      %dma_start3A_82 = tpu.memref_slice %arg6[%dma_start3A_80, %dma_start3A_81] : memref<640x128xf32, #tpu.memory_space<vmem>> -> memref<80x128xf32, #tpu.memory_space<vmem>>
      %dma_start3A_83 = arith.constant 0 : i32
      %dma_start3A_84 = tpu.memref_slice %arg5[%dma_start3A_79, %dma_start3A_83] : memref<8x80xi32, #tpu.memory_space<vmem>> -> memref<1x80xi32, #tpu.memory_space<vmem>>
      %dma_start3A_85 = tpu.memref_squeeze %dma_start3A_84 : memref<1x80xi32, #tpu.memory_space<vmem>> -> memref<80xi32, #tpu.memory_space<vmem>>
      %dma_start3A_86 = arith.constant 0 : i32
      %dma_start3A_87 = arith.constant 0 : i32
      %dma_start3A_88 = tpu.memref_slice %arg2[%dma_start3A_86, %dma_start3A_87] : memref<32768x128xf32, #tpu.memory_space<hbm>> -> memref<32768x128xf32, #tpu.memory_space<hbm>>
      tpu.enqueue_indirect_dma source(%dma_start3A_88 : memref<32768x128xf32, #tpu.memory_space<hbm>>) target(%dma_start3A_82 : memref<80x128xf32, #tpu.memory_space<vmem>>) offsets(%dma_start3A_85 : memref<80xi32, #tpu.memory_space<vmem>>) semaphore(%arg7 : memref<!tpu.dma_semaphore, #tpu.memory_space<semaphore_mem>>)
      %dma_wait3A = arith.constant 0 : i32
      %dma_wait3A_89 = arith.constant 0 : i32
      %dma_wait3A_90 = arith.constant 0 : i32
      %dma_wait3A_91 = tpu.memref_slice %arg6[%dma_wait3A_89, %dma_wait3A_90] : memref<640x128xf32, #tpu.memory_space<vmem>> -> memref<80x128xf32, #tpu.memory_space<vmem>>
      %dma_wait3A_92 = arith.constant 0 : i32
      %dma_wait3A_93 = tpu.memref_slice %arg5[%dma_wait3A, %dma_wait3A_92] : memref<8x80xi32, #tpu.memory_space<vmem>> -> memref<1x80xi32, #tpu.memory_space<vmem>>
      %dma_wait3A_94 = tpu.memref_squeeze %dma_wait3A_93 : memref<1x80xi32, #tpu.memory_space<vmem>> -> memref<80xi32, #tpu.memory_space<vmem>>
      %dma_wait3A_95 = arith.constant 0 : i32
      %dma_wait3A_96 = arith.constant 0 : i32
      %dma_wait3A_97 = tpu.memref_slice %arg2[%dma_wait3A_95, %dma_wait3A_96] : memref<32768x128xf32, #tpu.memory_space<hbm>> -> memref<32768x128xf32, #tpu.memory_space<hbm>>
      tpu.wait_indirect_dma semaphore(%arg7 : memref<!tpu.dma_semaphore, #tpu.memory_space<semaphore_mem>>) src(%dma_wait3A_97 : memref<32768x128xf32, #tpu.memory_space<hbm>>) dst(%dma_wait3A_91 : memref<80x128xf32, #tpu.memory_space<vmem>>)
      %dma_wait3A_98 = arith.constant 1 : i32
      %dma_wait3A_99 = arith.constant 80 : i32
      %dma_wait3A_100 = arith.constant 0 : i32
      %dma_wait3A_101 = tpu.memref_slice %arg6[%dma_wait3A_99, %dma_wait3A_100] : memref<640x128xf32, #tpu.memory_space<vmem>> -> memref<80x128xf32, #tpu.memory_space<vmem>>
      %dma_wait3A_102 = arith.constant 0 : i32
      %dma_wait3A_103 = tpu.memref_slice %arg5[%dma_wait3A_98, %dma_wait3A_102] : memref<8x80xi32, #tpu.memory_space<vmem>> -> memref<1x80xi32, #tpu.memory_space<vmem>>
      %dma_wait3A_104 = tpu.memref_squeeze %dma_wait3A_103 : memref<1x80xi32, #tpu.memory_space<vmem>> -> memref<80xi32, #tpu.memory_space<vmem>>
      %dma_wait3A_105 = arith.constant 0 : i32
      %dma_wait3A_106 = arith.constant 0 : i32
      %dma_wait3A_107 = tpu.memref_slice %arg2[%dma_wait3A_105, %dma_wait3A_106] : memref<32768x128xf32, #tpu.memory_space<hbm>> -> memref<32768x128xf32, #tpu.memory_space<hbm>>
      tpu.wait_indirect_dma semaphore(%arg7 : memref<!tpu.dma_semaphore, #tpu.memory_space<semaphore_mem>>) src(%dma_wait3A_107 : memref<32768x128xf32, #tpu.memory_space<hbm>>) dst(%dma_wait3A_101 : memref<80x128xf32, #tpu.memory_space<vmem>>)
      %dma_wait3A_108 = arith.constant 2 : i32
      %dma_wait3A_109 = arith.constant 160 : i32
      %dma_wait3A_110 = arith.constant 0 : i32
      %dma_wait3A_111 = tpu.memref_slice %arg6[%dma_wait3A_109, %dma_wait3A_110] : memref<640x128xf32, #tpu.memory_space<vmem>> -> memref<80x128xf32, #tpu.memory_space<vmem>>
      %dma_wait3A_112 = arith.constant 0 : i32
      %dma_wait3A_113 = tpu.memref_slice %arg5[%dma_wait3A_108, %dma_wait3A_112] : memref<8x80xi32, #tpu.memory_space<vmem>> -> memref<1x80xi32, #tpu.memory_space<vmem>>
      %dma_wait3A_114 = tpu.memref_squeeze %dma_wait3A_113 : memref<1x80xi32, #tpu.memory_space<vmem>> -> memref<80xi32, #tpu.memory_space<vmem>>
      %dma_wait3A_115 = arith.constant 0 : i32
      %dma_wait3A_116 = arith.constant 0 : i32
      %dma_wait3A_117 = tpu.memref_slice %arg2[%dma_wait3A_115, %dma_wait3A_116] : memref<32768x128xf32, #tpu.memory_space<hbm>> -> memref<32768x128xf32, #tpu.memory_space<hbm>>
      tpu.wait_indirect_dma semaphore(%arg7 : memref<!tpu.dma_semaphore, #tpu.memory_space<semaphore_mem>>) src(%dma_wait3A_117 : memref<32768x128xf32, #tpu.memory_space<hbm>>) dst(%dma_wait3A_111 : memref<80x128xf32, #tpu.memory_space<vmem>>)
      %dma_wait3A_118 = arith.constant 3 : i32
      %dma_wait3A_119 = arith.constant 240 : i32
      %dma_wait3A_120 = arith.constant 0 : i32
      %dma_wait3A_121 = tpu.memref_slice %arg6[%dma_wait3A_119, %dma_wait3A_120] : memref<640x128xf32, #tpu.memory_space<vmem>> -> memref<80x128xf32, #tpu.memory_space<vmem>>
      %dma_wait3A_122 = arith.constant 0 : i32
      %dma_wait3A_123 = tpu.memref_slice %arg5[%dma_wait3A_118, %dma_wait3A_122] : memref<8x80xi32, #tpu.memory_space<vmem>> -> memref<1x80xi32, #tpu.memory_space<vmem>>
      %dma_wait3A_124 = tpu.memref_squeeze %dma_wait3A_123 : memref<1x80xi32, #tpu.memory_space<vmem>> -> memref<80xi32, #tpu.memory_space<vmem>>
      %dma_wait3A_125 = arith.constant 0 : i32
      %dma_wait3A_126 = arith.constant 0 : i32
      %dma_wait3A_127 = tpu.memref_slice %arg2[%dma_wait3A_125, %dma_wait3A_126] : memref<32768x128xf32, #tpu.memory_space<hbm>> -> memref<32768x128xf32, #tpu.memory_space<hbm>>
      tpu.wait_indirect_dma semaphore(%arg7 : memref<!tpu.dma_semaphore, #tpu.memory_space<semaphore_mem>>) src(%dma_wait3A_127 : memref<32768x128xf32, #tpu.memory_space<hbm>>) dst(%dma_wait3A_121 : memref<80x128xf32, #tpu.memory_space<vmem>>)
      %dma_wait3A_128 = arith.constant 4 : i32
      %dma_wait3A_129 = arith.constant 320 : i32
      %dma_wait3A_130 = arith.constant 0 : i32
      %dma_wait3A_131 = tpu.memref_slice %arg6[%dma_wait3A_129, %dma_wait3A_130] : memref<640x128xf32, #tpu.memory_space<vmem>> -> memref<80x128xf32, #tpu.memory_space<vmem>>
      %dma_wait3A_132 = arith.constant 0 : i32
      %dma_wait3A_133 = tpu.memref_slice %arg5[%dma_wait3A_128, %dma_wait3A_132] : memref<8x80xi32, #tpu.memory_space<vmem>> -> memref<1x80xi32, #tpu.memory_space<vmem>>
      %dma_wait3A_134 = tpu.memref_squeeze %dma_wait3A_133 : memref<1x80xi32, #tpu.memory_space<vmem>> -> memref<80xi32, #tpu.memory_space<vmem>>
      %dma_wait3A_135 = arith.constant 0 : i32
      %dma_wait3A_136 = arith.constant 0 : i32
      %dma_wait3A_137 = tpu.memref_slice %arg2[%dma_wait3A_135, %dma_wait3A_136] : memref<32768x128xf32, #tpu.memory_space<hbm>> -> memref<32768x128xf32, #tpu.memory_space<hbm>>
      tpu.wait_indirect_dma semaphore(%arg7 : memref<!tpu.dma_semaphore, #tpu.memory_space<semaphore_mem>>) src(%dma_wait3A_137 : memref<32768x128xf32, #tpu.memory_space<hbm>>) dst(%dma_wait3A_131 : memref<80x128xf32, #tpu.memory_space<vmem>>)
      %dma_wait3A_138 = arith.constant 5 : i32
      %dma_wait3A_139 = arith.constant 400 : i32
      %dma_wait3A_140 = arith.constant 0 : i32
      %dma_wait3A_141 = tpu.memref_slice %arg6[%dma_wait3A_139, %dma_wait3A_140] : memref<640x128xf32, #tpu.memory_space<vmem>> -> memref<80x128xf32, #tpu.memory_space<vmem>>
      %dma_wait3A_142 = arith.constant 0 : i32
      %dma_wait3A_143 = tpu.memref_slice %arg5[%dma_wait3A_138, %dma_wait3A_142] : memref<8x80xi32, #tpu.memory_space<vmem>> -> memref<1x80xi32, #tpu.memory_space<vmem>>
      %dma_wait3A_144 = tpu.memref_squeeze %dma_wait3A_143 : memref<1x80xi32, #tpu.memory_space<vmem>> -> memref<80xi32, #tpu.memory_space<vmem>>
      %dma_wait3A_145 = arith.constant 0 : i32
      %dma_wait3A_146 = arith.constant 0 : i32
      %dma_wait3A_147 = tpu.memref_slice %arg2[%dma_wait3A_145, %dma_wait3A_146] : memref<32768x128xf32, #tpu.memory_space<hbm>> -> memref<32768x128xf32, #tpu.memory_space<hbm>>
      tpu.wait_indirect_dma semaphore(%arg7 : memref<!tpu.dma_semaphore, #tpu.memory_space<semaphore_mem>>) src(%dma_wait3A_147 : memref<32768x128xf32, #tpu.memory_space<hbm>>) dst(%dma_wait3A_141 : memref<80x128xf32, #tpu.memory_space<vmem>>)
      %dma_wait3A_148 = arith.constant 6 : i32
      %dma_wait3A_149 = arith.constant 480 : i32
      %dma_wait3A_150 = arith.constant 0 : i32
      %dma_wait3A_151 = tpu.memref_slice %arg6[%dma_wait3A_149, %dma_wait3A_150] : memref<640x128xf32, #tpu.memory_space<vmem>> -> memref<80x128xf32, #tpu.memory_space<vmem>>
      %dma_wait3A_152 = arith.constant 0 : i32
      %dma_wait3A_153 = tpu.memref_slice %arg5[%dma_wait3A_148, %dma_wait3A_152] : memref<8x80xi32, #tpu.memory_space<vmem>> -> memref<1x80xi32, #tpu.memory_space<vmem>>
      %dma_wait3A_154 = tpu.memref_squeeze %dma_wait3A_153 : memref<1x80xi32, #tpu.memory_space<vmem>> -> memref<80xi32, #tpu.memory_space<vmem>>
      %dma_wait3A_155 = arith.constant 0 : i32
      %dma_wait3A_156 = arith.constant 0 : i32
      %dma_wait3A_157 = tpu.memref_slice %arg2[%dma_wait3A_155, %dma_wait3A_156] : memref<32768x128xf32, #tpu.memory_space<hbm>> -> memref<32768x128xf32, #tpu.memory_space<hbm>>
      tpu.wait_indirect_dma semaphore(%arg7 : memref<!tpu.dma_semaphore, #tpu.memory_space<semaphore_mem>>) src(%dma_wait3A_157 : memref<32768x128xf32, #tpu.memory_space<hbm>>) dst(%dma_wait3A_151 : memref<80x128xf32, #tpu.memory_space<vmem>>)
      %dma_wait3A_158 = arith.constant 7 : i32
      %dma_wait3A_159 = arith.constant 560 : i32
      %dma_wait3A_160 = arith.constant 0 : i32
      %dma_wait3A_161 = tpu.memref_slice %arg6[%dma_wait3A_159, %dma_wait3A_160] : memref<640x128xf32, #tpu.memory_space<vmem>> -> memref<80x128xf32, #tpu.memory_space<vmem>>
      %dma_wait3A_162 = arith.constant 0 : i32
      %dma_wait3A_163 = tpu.memref_slice %arg5[%dma_wait3A_158, %dma_wait3A_162] : memref<8x80xi32, #tpu.memory_space<vmem>> -> memref<1x80xi32, #tpu.memory_space<vmem>>
      %dma_wait3A_164 = tpu.memref_squeeze %dma_wait3A_163 : memref<1x80xi32, #tpu.memory_space<vmem>> -> memref<80xi32, #tpu.memory_space<vmem>>
      %dma_wait3A_165 = arith.constant 0 : i32
      %dma_wait3A_166 = arith.constant 0 : i32
      %dma_wait3A_167 = tpu.memref_slice %arg2[%dma_wait3A_165, %dma_wait3A_166] : memref<32768x128xf32, #tpu.memory_space<hbm>> -> memref<32768x128xf32, #tpu.memory_space<hbm>>
      tpu.wait_indirect_dma semaphore(%arg7 : memref<!tpu.dma_semaphore, #tpu.memory_space<semaphore_mem>>) src(%dma_wait3A_167 : memref<32768x128xf32, #tpu.memory_space<hbm>>) dst(%dma_wait3A_161 : memref<80x128xf32, #tpu.memory_space<vmem>>)
      %mul3A_168 = arith.constant 640 : i32
      %mul3A_169 = arith.muli %add3A_9, %mul3A_168 : i32
      "tpu.region"() ({
        %run_scoped3A = tpu.sem_alloc : memref<!tpu.dma_semaphore, #tpu.memory_space<semaphore_mem>>
        %dma_start3A_170 = arith.constant 0 : i32
        %dma_start3A_171 = tpu.memref_slice %arg4[%mul3A_169, %dma_start3A_170] : memref<655360x128xf32, #tpu.memory_space<hbm>> -> memref<640x128xf32, #tpu.memory_space<hbm>>
        %dma_start3A_172 = arith.constant 0 : i32
        %dma_start3A_173 = tpu.memref_slice %arg4[%mul3A_169, %dma_start3A_172] : memref<655360x128xf32, #tpu.memory_space<hbm>> -> memref<640x128xf32, #tpu.memory_space<hbm>>
        tpu.enqueue_dma source(%arg6 : memref<640x128xf32, #tpu.memory_space<vmem>>) target(%dma_start3A_173 : memref<640x128xf32, #tpu.memory_space<hbm>>) target_semaphore(%run_scoped3A : memref<!tpu.dma_semaphore, #tpu.memory_space<semaphore_mem>>)
        %dma_wait3A_174 = arith.constant 0 : i32
        %dma_wait3A_175 = tpu.memref_slice %arg4[%mul3A_169, %dma_wait3A_174] : memref<655360x128xf32, #tpu.memory_space<hbm>> -> memref<640x128xf32, #tpu.memory_space<hbm>>
        %dma_wait3A_176 = arith.constant 0 : i32
        %dma_wait3A_177 = tpu.memref_slice %arg4[%mul3A_169, %dma_wait3A_176] : memref<655360x128xf32, #tpu.memory_space<hbm>> -> memref<640x128xf32, #tpu.memory_space<hbm>>
        tpu.wait_dma2 semaphore(%run_scoped3A : memref<!tpu.dma_semaphore, #tpu.memory_space<semaphore_mem>>) src(%arg6 : memref<640x128xf32, #tpu.memory_space<vmem>>) dst(%dma_wait3A_177 : memref<640x128xf32, #tpu.memory_space<hbm>>)
        tpu.yield
      }) : () -> ()
    }
    %scan3A_5 = arith.constant 32 : i32
    return
  }
}

#map = affine_map<(d0, d1) -> (0, 0)>
#map1 = affine_map<(d0, d1) -> (0, 0, 0)>
module attributes {stable_mosaic.version = 14 : i64} {
  func.func @kfn(%arg0: i32, %arg1: i32, %arg2: memref<32768x128xf32, #tpu.memory_space<hbm>>, %arg3: memref<1024x8x80xi32, #tpu.memory_space<hbm>>, %arg4: memref<655360x128xf32, #tpu.memory_space<hbm>>, %arg5: memref<8x80xi32, #tpu.memory_space<vmem>>, %arg6: memref<640x128xf32, #tpu.memory_space<vmem>>, %arg7: memref<!tpu.dma_semaphore, #tpu.memory_space<semaphore_mem>>) attributes {dimension_semantics = [#tpu.dimension_semantics<core_parallel>, #tpu.dimension_semantics<subcore_parallel>], iteration_bounds = array<i64: 2, 16>, scalar_prefetch = 0 : i64, scratch_operands = 3 : i64, tpu.core_type = #tpu.core_type<sc_vector_subcore>, window_params = [{transform_indices = #map}, {transform_indices = #map1}, {transform_indices = #map}]} {
    %mul3A = arith.constant 2 : i32
    %mul3A_0 = arith.muli %arg1, %mul3A : i32
    %add3A = arith.addi %mul3A_0, %arg0 : i32
    %scan3A = arith.constant 0 : i32
    %scan3A_1 = arith.constant 0 : i32
    %scan3A_2 = arith.constant 32 : i32
    %scan3A_3 = arith.addi %scan3A_1, %scan3A_2 : i32
    %scan3A_4 = arith.constant 1 : i32
    scf.for %scan3A_6 = %scan3A_1 to %scan3A_3 step %scan3A_4  : i32 {
      %mul3A_7 = arith.constant 32 : i32
      %mul3A_8 = arith.muli %add3A, %mul3A_7 : i32
      %add3A_9 = arith.addi %mul3A_8, %scan3A_6 : i32
      "tpu.region"() ({
        %run_scoped3A = tpu.sem_alloc : memref<!tpu.dma_semaphore, #tpu.memory_space<semaphore_mem>>
        %dma_start3A_170 = arith.constant 0 : i32
        %dma_start3A_171 = arith.constant 0 : i32
        %dma_start3A_172 = tpu.memref_slice %arg3[%add3A_9, %dma_start3A_170, %dma_start3A_171] : memref<1024x8x80xi32, #tpu.memory_space<hbm>> -> memref<1x8x80xi32, #tpu.memory_space<hbm>>
        %dma_start3A_173 = tpu.memref_squeeze %dma_start3A_172 : memref<1x8x80xi32, #tpu.memory_space<hbm>> -> memref<8x80xi32, #tpu.memory_space<hbm>>
        %dma_start3A_174 = arith.constant 0 : i32
        %dma_start3A_175 = arith.constant 0 : i32
        %dma_start3A_176 = tpu.memref_slice %arg3[%add3A_9, %dma_start3A_174, %dma_start3A_175] : memref<1024x8x80xi32, #tpu.memory_space<hbm>> -> memref<1x8x80xi32, #tpu.memory_space<hbm>>
        %dma_start3A_177 = tpu.memref_squeeze %dma_start3A_176 : memref<1x8x80xi32, #tpu.memory_space<hbm>> -> memref<8x80xi32, #tpu.memory_space<hbm>>
        tpu.enqueue_dma source(%dma_start3A_177 : memref<8x80xi32, #tpu.memory_space<hbm>>) target(%arg5 : memref<8x80xi32, #tpu.memory_space<vmem>>) target_semaphore(%run_scoped3A : memref<!tpu.dma_semaphore, #tpu.memory_space<semaphore_mem>>)
        %dma_wait3A_178 = arith.constant 0 : i32
        %dma_wait3A_179 = arith.constant 0 : i32
        %dma_wait3A_180 = tpu.memref_slice %arg3[%add3A_9, %dma_wait3A_178, %dma_wait3A_179] : memref<1024x8x80xi32, #tpu.memory_space<hbm>> -> memref<1x8x80xi32, #tpu.memory_space<hbm>>
        %dma_wait3A_181 = tpu.memref_squeeze %dma_wait3A_180 : memref<1x8x80xi32, #tpu.memory_space<hbm>> -> memref<8x80xi32, #tpu.memory_space<hbm>>
        %dma_wait3A_182 = arith.constant 0 : i32
        %dma_wait3A_183 = arith.constant 0 : i32
        %dma_wait3A_184 = tpu.memref_slice %arg3[%add3A_9, %dma_wait3A_182, %dma_wait3A_183] : memref<1024x8x80xi32, #tpu.memory_space<hbm>> -> memref<1x8x80xi32, #tpu.memory_space<hbm>>
        %dma_wait3A_185 = tpu.memref_squeeze %dma_wait3A_184 : memref<1x8x80xi32, #tpu.memory_space<hbm>> -> memref<8x80xi32, #tpu.memory_space<hbm>>
        tpu.wait_dma2 semaphore(%run_scoped3A : memref<!tpu.dma_semaphore, #tpu.memory_space<semaphore_mem>>) src(%dma_wait3A_185 : memref<8x80xi32, #tpu.memory_space<hbm>>) dst(%arg5 : memref<8x80xi32, #tpu.memory_space<vmem>>)
        tpu.yield
      }) : () -> ()
      %dma_start3A = arith.constant 0 : i32
      %dma_start3A_10 = arith.constant 0 : i32
      %dma_start3A_11 = arith.constant 0 : i32
      %dma_start3A_12 = tpu.memref_slice %arg6[%dma_start3A_10, %dma_start3A_11] : memref<640x128xf32, #tpu.memory_space<vmem>> -> memref<80x128xf32, #tpu.memory_space<vmem>>
      %dma_start3A_13 = arith.constant 0 : i32
      %dma_start3A_14 = tpu.memref_slice %arg5[%dma_start3A, %dma_start3A_13] : memref<8x80xi32, #tpu.memory_space<vmem>> -> memref<1x80xi32, #tpu.memory_space<vmem>>
      %dma_start3A_15 = tpu.memref_squeeze %dma_start3A_14 : memref<1x80xi32, #tpu.memory_space<vmem>> -> memref<80xi32, #tpu.memory_space<vmem>>
      %dma_start3A_16 = arith.constant 0 : i32
      %dma_start3A_17 = arith.constant 0 : i32
      %dma_start3A_18 = tpu.memref_slice %arg2[%dma_start3A_16, %dma_start3A_17] : memref<32768x128xf32, #tpu.memory_space<hbm>> -> memref<32768x128xf32, #tpu.memory_space<hbm>>
      tpu.enqueue_indirect_dma source(%dma_start3A_18 : memref<32768x128xf32, #tpu.memory_space<hbm>>) target(%dma_start3A_12 : memref<80x128xf32, #tpu.memory_space<vmem>>) offsets(%dma_start3A_15 : memref<80xi32, #tpu.memory_space<vmem>>) semaphore(%arg7 : memref<!tpu.dma_semaphore, #tpu.memory_space<semaphore_mem>>)
      %dma_start3A_19 = arith.constant 1 : i32
      %dma_start3A_20 = arith.constant 80 : i32
      %dma_start3A_21 = arith.constant 0 : i32
      %dma_start3A_22 = tpu.memref_slice %arg6[%dma_start3A_20, %dma_start3A_21] : memref<640x128xf32, #tpu.memory_space<vmem>> -> memref<80x128xf32, #tpu.memory_space<vmem>>
      %dma_start3A_23 = arith.constant 0 : i32
      %dma_start3A_24 = tpu.memref_slice %arg5[%dma_start3A_19, %dma_start3A_23] : memref<8x80xi32, #tpu.memory_space<vmem>> -> memref<1x80xi32, #tpu.memory_space<vmem>>
      %dma_start3A_25 = tpu.memref_squeeze %dma_start3A_24 : memref<1x80xi32, #tpu.memory_space<vmem>> -> memref<80xi32, #tpu.memory_space<vmem>>
      %dma_start3A_26 = arith.constant 0 : i32
      %dma_start3A_27 = arith.constant 0 : i32
      %dma_start3A_28 = tpu.memref_slice %arg2[%dma_start3A_26, %dma_start3A_27] : memref<32768x128xf32, #tpu.memory_space<hbm>> -> memref<32768x128xf32, #tpu.memory_space<hbm>>
      tpu.enqueue_indirect_dma source(%dma_start3A_28 : memref<32768x128xf32, #tpu.memory_space<hbm>>) target(%dma_start3A_22 : memref<80x128xf32, #tpu.memory_space<vmem>>) offsets(%dma_start3A_25 : memref<80xi32, #tpu.memory_space<vmem>>) semaphore(%arg7 : memref<!tpu.dma_semaphore, #tpu.memory_space<semaphore_mem>>)
      %dma_start3A_29 = arith.constant 2 : i32
      %dma_start3A_30 = arith.constant 160 : i32
      %dma_start3A_31 = arith.constant 0 : i32
      %dma_start3A_32 = tpu.memref_slice %arg6[%dma_start3A_30, %dma_start3A_31] : memref<640x128xf32, #tpu.memory_space<vmem>> -> memref<80x128xf32, #tpu.memory_space<vmem>>
      %dma_start3A_33 = arith.constant 0 : i32
      %dma_start3A_34 = tpu.memref_slice %arg5[%dma_start3A_29, %dma_start3A_33] : memref<8x80xi32, #tpu.memory_space<vmem>> -> memref<1x80xi32, #tpu.memory_space<vmem>>
      %dma_start3A_35 = tpu.memref_squeeze %dma_start3A_34 : memref<1x80xi32, #tpu.memory_space<vmem>> -> memref<80xi32, #tpu.memory_space<vmem>>
      %dma_start3A_36 = arith.constant 0 : i32
      %dma_start3A_37 = arith.constant 0 : i32
      %dma_start3A_38 = tpu.memref_slice %arg2[%dma_start3A_36, %dma_start3A_37] : memref<32768x128xf32, #tpu.memory_space<hbm>> -> memref<32768x128xf32, #tpu.memory_space<hbm>>
      tpu.enqueue_indirect_dma source(%dma_start3A_38 : memref<32768x128xf32, #tpu.memory_space<hbm>>) target(%dma_start3A_32 : memref<80x128xf32, #tpu.memory_space<vmem>>) offsets(%dma_start3A_35 : memref<80xi32, #tpu.memory_space<vmem>>) semaphore(%arg7 : memref<!tpu.dma_semaphore, #tpu.memory_space<semaphore_mem>>)
      %dma_start3A_39 = arith.constant 3 : i32
      %dma_start3A_40 = arith.constant 240 : i32
      %dma_start3A_41 = arith.constant 0 : i32
      %dma_start3A_42 = tpu.memref_slice %arg6[%dma_start3A_40, %dma_start3A_41] : memref<640x128xf32, #tpu.memory_space<vmem>> -> memref<80x128xf32, #tpu.memory_space<vmem>>
      %dma_start3A_43 = arith.constant 0 : i32
      %dma_start3A_44 = tpu.memref_slice %arg5[%dma_start3A_39, %dma_start3A_43] : memref<8x80xi32, #tpu.memory_space<vmem>> -> memref<1x80xi32, #tpu.memory_space<vmem>>
      %dma_start3A_45 = tpu.memref_squeeze %dma_start3A_44 : memref<1x80xi32, #tpu.memory_space<vmem>> -> memref<80xi32, #tpu.memory_space<vmem>>
      %dma_start3A_46 = arith.constant 0 : i32
      %dma_start3A_47 = arith.constant 0 : i32
      %dma_start3A_48 = tpu.memref_slice %arg2[%dma_start3A_46, %dma_start3A_47] : memref<32768x128xf32, #tpu.memory_space<hbm>> -> memref<32768x128xf32, #tpu.memory_space<hbm>>
      tpu.enqueue_indirect_dma source(%dma_start3A_48 : memref<32768x128xf32, #tpu.memory_space<hbm>>) target(%dma_start3A_42 : memref<80x128xf32, #tpu.memory_space<vmem>>) offsets(%dma_start3A_45 : memref<80xi32, #tpu.memory_space<vmem>>) semaphore(%arg7 : memref<!tpu.dma_semaphore, #tpu.memory_space<semaphore_mem>>)
      %dma_start3A_49 = arith.constant 4 : i32
      %dma_start3A_50 = arith.constant 320 : i32
      %dma_start3A_51 = arith.constant 0 : i32
      %dma_start3A_52 = tpu.memref_slice %arg6[%dma_start3A_50, %dma_start3A_51] : memref<640x128xf32, #tpu.memory_space<vmem>> -> memref<80x128xf32, #tpu.memory_space<vmem>>
      %dma_start3A_53 = arith.constant 0 : i32
      %dma_start3A_54 = tpu.memref_slice %arg5[%dma_start3A_49, %dma_start3A_53] : memref<8x80xi32, #tpu.memory_space<vmem>> -> memref<1x80xi32, #tpu.memory_space<vmem>>
      %dma_start3A_55 = tpu.memref_squeeze %dma_start3A_54 : memref<1x80xi32, #tpu.memory_space<vmem>> -> memref<80xi32, #tpu.memory_space<vmem>>
      %dma_start3A_56 = arith.constant 0 : i32
      %dma_start3A_57 = arith.constant 0 : i32
      %dma_start3A_58 = tpu.memref_slice %arg2[%dma_start3A_56, %dma_start3A_57] : memref<32768x128xf32, #tpu.memory_space<hbm>> -> memref<32768x128xf32, #tpu.memory_space<hbm>>
      tpu.enqueue_indirect_dma source(%dma_start3A_58 : memref<32768x128xf32, #tpu.memory_space<hbm>>) target(%dma_start3A_52 : memref<80x128xf32, #tpu.memory_space<vmem>>) offsets(%dma_start3A_55 : memref<80xi32, #tpu.memory_space<vmem>>) semaphore(%arg7 : memref<!tpu.dma_semaphore, #tpu.memory_space<semaphore_mem>>)
      %dma_start3A_59 = arith.constant 5 : i32
      %dma_start3A_60 = arith.constant 400 : i32
      %dma_start3A_61 = arith.constant 0 : i32
      %dma_start3A_62 = tpu.memref_slice %arg6[%dma_start3A_60, %dma_start3A_61] : memref<640x128xf32, #tpu.memory_space<vmem>> -> memref<80x128xf32, #tpu.memory_space<vmem>>
      %dma_start3A_63 = arith.constant 0 : i32
      %dma_start3A_64 = tpu.memref_slice %arg5[%dma_start3A_59, %dma_start3A_63] : memref<8x80xi32, #tpu.memory_space<vmem>> -> memref<1x80xi32, #tpu.memory_space<vmem>>
      %dma_start3A_65 = tpu.memref_squeeze %dma_start3A_64 : memref<1x80xi32, #tpu.memory_space<vmem>> -> memref<80xi32, #tpu.memory_space<vmem>>
      %dma_start3A_66 = arith.constant 0 : i32
      %dma_start3A_67 = arith.constant 0 : i32
      %dma_start3A_68 = tpu.memref_slice %arg2[%dma_start3A_66, %dma_start3A_67] : memref<32768x128xf32, #tpu.memory_space<hbm>> -> memref<32768x128xf32, #tpu.memory_space<hbm>>
      tpu.enqueue_indirect_dma source(%dma_start3A_68 : memref<32768x128xf32, #tpu.memory_space<hbm>>) target(%dma_start3A_62 : memref<80x128xf32, #tpu.memory_space<vmem>>) offsets(%dma_start3A_65 : memref<80xi32, #tpu.memory_space<vmem>>) semaphore(%arg7 : memref<!tpu.dma_semaphore, #tpu.memory_space<semaphore_mem>>)
      %dma_start3A_69 = arith.constant 6 : i32
      %dma_start3A_70 = arith.constant 480 : i32
      %dma_start3A_71 = arith.constant 0 : i32
      %dma_start3A_72 = tpu.memref_slice %arg6[%dma_start3A_70, %dma_start3A_71] : memref<640x128xf32, #tpu.memory_space<vmem>> -> memref<80x128xf32, #tpu.memory_space<vmem>>
      %dma_start3A_73 = arith.constant 0 : i32
      %dma_start3A_74 = tpu.memref_slice %arg5[%dma_start3A_69, %dma_start3A_73] : memref<8x80xi32, #tpu.memory_space<vmem>> -> memref<1x80xi32, #tpu.memory_space<vmem>>
      %dma_start3A_75 = tpu.memref_squeeze %dma_start3A_74 : memref<1x80xi32, #tpu.memory_space<vmem>> -> memref<80xi32, #tpu.memory_space<vmem>>
      %dma_start3A_76 = arith.constant 0 : i32
      %dma_start3A_77 = arith.constant 0 : i32
      %dma_start3A_78 = tpu.memref_slice %arg2[%dma_start3A_76, %dma_start3A_77] : memref<32768x128xf32, #tpu.memory_space<hbm>> -> memref<32768x128xf32, #tpu.memory_space<hbm>>
      tpu.enqueue_indirect_dma source(%dma_start3A_78 : memref<32768x128xf32, #tpu.memory_space<hbm>>) target(%dma_start3A_72 : memref<80x128xf32, #tpu.memory_space<vmem>>) offsets(%dma_start3A_75 : memref<80xi32, #tpu.memory_space<vmem>>) semaphore(%arg7 : memref<!tpu.dma_semaphore, #tpu.memory_space<semaphore_mem>>)
      %dma_start3A_79 = arith.constant 7 : i32
      %dma_start3A_80 = arith.constant 560 : i32
      %dma_start3A_81 = arith.constant 0 : i32
      %dma_start3A_82 = tpu.memref_slice %arg6[%dma_start3A_80, %dma_start3A_81] : memref<640x128xf32, #tpu.memory_space<vmem>> -> memref<80x128xf32, #tpu.memory_space<vmem>>
      %dma_start3A_83 = arith.constant 0 : i32
      %dma_start3A_84 = tpu.memref_slice %arg5[%dma_start3A_79, %dma_start3A_83] : memref<8x80xi32, #tpu.memory_space<vmem>> -> memref<1x80xi32, #tpu.memory_space<vmem>>
      %dma_start3A_85 = tpu.memref_squeeze %dma_start3A_84 : memref<1x80xi32, #tpu.memory_space<vmem>> -> memref<80xi32, #tpu.memory_space<vmem>>
      %dma_start3A_86 = arith.constant 0 : i32
      %dma_start3A_87 = arith.constant 0 : i32
      %dma_start3A_88 = tpu.memref_slice %arg2[%dma_start3A_86, %dma_start3A_87] : memref<32768x128xf32, #tpu.memory_space<hbm>> -> memref<32768x128xf32, #tpu.memory_space<hbm>>
      tpu.enqueue_indirect_dma source(%dma_start3A_88 : memref<32768x128xf32, #tpu.memory_space<hbm>>) target(%dma_start3A_82 : memref<80x128xf32, #tpu.memory_space<vmem>>) offsets(%dma_start3A_85 : memref<80xi32, #tpu.memory_space<vmem>>) semaphore(%arg7 : memref<!tpu.dma_semaphore, #tpu.memory_space<semaphore_mem>>)
      %dma_wait3A = arith.constant 0 : i32
      %dma_wait3A_89 = arith.constant 0 : i32
      %dma_wait3A_90 = arith.constant 0 : i32
      %dma_wait3A_91 = tpu.memref_slice %arg6[%dma_wait3A_89, %dma_wait3A_90] : memref<640x128xf32, #tpu.memory_space<vmem>> -> memref<80x128xf32, #tpu.memory_space<vmem>>
      %dma_wait3A_92 = arith.constant 0 : i32
      %dma_wait3A_93 = tpu.memref_slice %arg5[%dma_wait3A, %dma_wait3A_92] : memref<8x80xi32, #tpu.memory_space<vmem>> -> memref<1x80xi32, #tpu.memory_space<vmem>>
      %dma_wait3A_94 = tpu.memref_squeeze %dma_wait3A_93 : memref<1x80xi32, #tpu.memory_space<vmem>> -> memref<80xi32, #tpu.memory_space<vmem>>
      %dma_wait3A_95 = arith.constant 0 : i32
      %dma_wait3A_96 = arith.constant 0 : i32
      %dma_wait3A_97 = tpu.memref_slice %arg2[%dma_wait3A_95, %dma_wait3A_96] : memref<32768x128xf32, #tpu.memory_space<hbm>> -> memref<32768x128xf32, #tpu.memory_space<hbm>>
      tpu.wait_indirect_dma semaphore(%arg7 : memref<!tpu.dma_semaphore, #tpu.memory_space<semaphore_mem>>) src(%dma_wait3A_97 : memref<32768x128xf32, #tpu.memory_space<hbm>>) dst(%dma_wait3A_91 : memref<80x128xf32, #tpu.memory_space<vmem>>)
      %dma_wait3A_98 = arith.constant 1 : i32
      %dma_wait3A_99 = arith.constant 80 : i32
      %dma_wait3A_100 = arith.constant 0 : i32
      %dma_wait3A_101 = tpu.memref_slice %arg6[%dma_wait3A_99, %dma_wait3A_100] : memref<640x128xf32, #tpu.memory_space<vmem>> -> memref<80x128xf32, #tpu.memory_space<vmem>>
      %dma_wait3A_102 = arith.constant 0 : i32
      %dma_wait3A_103 = tpu.memref_slice %arg5[%dma_wait3A_98, %dma_wait3A_102] : memref<8x80xi32, #tpu.memory_space<vmem>> -> memref<1x80xi32, #tpu.memory_space<vmem>>
      %dma_wait3A_104 = tpu.memref_squeeze %dma_wait3A_103 : memref<1x80xi32, #tpu.memory_space<vmem>> -> memref<80xi32, #tpu.memory_space<vmem>>
      %dma_wait3A_105 = arith.constant 0 : i32
      %dma_wait3A_106 = arith.constant 0 : i32
      %dma_wait3A_107 = tpu.memref_slice %arg2[%dma_wait3A_105, %dma_wait3A_106] : memref<32768x128xf32, #tpu.memory_space<hbm>> -> memref<32768x128xf32, #tpu.memory_space<hbm>>
      tpu.wait_indirect_dma semaphore(%arg7 : memref<!tpu.dma_semaphore, #tpu.memory_space<semaphore_mem>>) src(%dma_wait3A_107 : memref<32768x128xf32, #tpu.memory_space<hbm>>) dst(%dma_wait3A_101 : memref<80x128xf32, #tpu.memory_space<vmem>>)
      %dma_wait3A_108 = arith.constant 2 : i32
      %dma_wait3A_109 = arith.constant 160 : i32
      %dma_wait3A_110 = arith.constant 0 : i32
      %dma_wait3A_111 = tpu.memref_slice %arg6[%dma_wait3A_109, %dma_wait3A_110] : memref<640x128xf32, #tpu.memory_space<vmem>> -> memref<80x128xf32, #tpu.memory_space<vmem>>
      %dma_wait3A_112 = arith.constant 0 : i32
      %dma_wait3A_113 = tpu.memref_slice %arg5[%dma_wait3A_108, %dma_wait3A_112] : memref<8x80xi32, #tpu.memory_space<vmem>> -> memref<1x80xi32, #tpu.memory_space<vmem>>
      %dma_wait3A_114 = tpu.memref_squeeze %dma_wait3A_113 : memref<1x80xi32, #tpu.memory_space<vmem>> -> memref<80xi32, #tpu.memory_space<vmem>>
      %dma_wait3A_115 = arith.constant 0 : i32
      %dma_wait3A_116 = arith.constant 0 : i32
      %dma_wait3A_117 = tpu.memref_slice %arg2[%dma_wait3A_115, %dma_wait3A_116] : memref<32768x128xf32, #tpu.memory_space<hbm>> -> memref<32768x128xf32, #tpu.memory_space<hbm>>
      tpu.wait_indirect_dma semaphore(%arg7 : memref<!tpu.dma_semaphore, #tpu.memory_space<semaphore_mem>>) src(%dma_wait3A_117 : memref<32768x128xf32, #tpu.memory_space<hbm>>) dst(%dma_wait3A_111 : memref<80x128xf32, #tpu.memory_space<vmem>>)
      %dma_wait3A_118 = arith.constant 3 : i32
      %dma_wait3A_119 = arith.constant 240 : i32
      %dma_wait3A_120 = arith.constant 0 : i32
      %dma_wait3A_121 = tpu.memref_slice %arg6[%dma_wait3A_119, %dma_wait3A_120] : memref<640x128xf32, #tpu.memory_space<vmem>> -> memref<80x128xf32, #tpu.memory_space<vmem>>
      %dma_wait3A_122 = arith.constant 0 : i32
      %dma_wait3A_123 = tpu.memref_slice %arg5[%dma_wait3A_118, %dma_wait3A_122] : memref<8x80xi32, #tpu.memory_space<vmem>> -> memref<1x80xi32, #tpu.memory_space<vmem>>
      %dma_wait3A_124 = tpu.memref_squeeze %dma_wait3A_123 : memref<1x80xi32, #tpu.memory_space<vmem>> -> memref<80xi32, #tpu.memory_space<vmem>>
      %dma_wait3A_125 = arith.constant 0 : i32
      %dma_wait3A_126 = arith.constant 0 : i32
      %dma_wait3A_127 = tpu.memref_slice %arg2[%dma_wait3A_125, %dma_wait3A_126] : memref<32768x128xf32, #tpu.memory_space<hbm>> -> memref<32768x128xf32, #tpu.memory_space<hbm>>
      tpu.wait_indirect_dma semaphore(%arg7 : memref<!tpu.dma_semaphore, #tpu.memory_space<semaphore_mem>>) src(%dma_wait3A_127 : memref<32768x128xf32, #tpu.memory_space<hbm>>) dst(%dma_wait3A_121 : memref<80x128xf32, #tpu.memory_space<vmem>>)
      %dma_wait3A_128 = arith.constant 4 : i32
      %dma_wait3A_129 = arith.constant 320 : i32
      %dma_wait3A_130 = arith.constant 0 : i32
      %dma_wait3A_131 = tpu.memref_slice %arg6[%dma_wait3A_129, %dma_wait3A_130] : memref<640x128xf32, #tpu.memory_space<vmem>> -> memref<80x128xf32, #tpu.memory_space<vmem>>
      %dma_wait3A_132 = arith.constant 0 : i32
      %dma_wait3A_133 = tpu.memref_slice %arg5[%dma_wait3A_128, %dma_wait3A_132] : memref<8x80xi32, #tpu.memory_space<vmem>> -> memref<1x80xi32, #tpu.memory_space<vmem>>
      %dma_wait3A_134 = tpu.memref_squeeze %dma_wait3A_133 : memref<1x80xi32, #tpu.memory_space<vmem>> -> memref<80xi32, #tpu.memory_space<vmem>>
      %dma_wait3A_135 = arith.constant 0 : i32
      %dma_wait3A_136 = arith.constant 0 : i32
      %dma_wait3A_137 = tpu.memref_slice %arg2[%dma_wait3A_135, %dma_wait3A_136] : memref<32768x128xf32, #tpu.memory_space<hbm>> -> memref<32768x128xf32, #tpu.memory_space<hbm>>
      tpu.wait_indirect_dma semaphore(%arg7 : memref<!tpu.dma_semaphore, #tpu.memory_space<semaphore_mem>>) src(%dma_wait3A_137 : memref<32768x128xf32, #tpu.memory_space<hbm>>) dst(%dma_wait3A_131 : memref<80x128xf32, #tpu.memory_space<vmem>>)
      %dma_wait3A_138 = arith.constant 5 : i32
      %dma_wait3A_139 = arith.constant 400 : i32
      %dma_wait3A_140 = arith.constant 0 : i32
      %dma_wait3A_141 = tpu.memref_slice %arg6[%dma_wait3A_139, %dma_wait3A_140] : memref<640x128xf32, #tpu.memory_space<vmem>> -> memref<80x128xf32, #tpu.memory_space<vmem>>
      %dma_wait3A_142 = arith.constant 0 : i32
      %dma_wait3A_143 = tpu.memref_slice %arg5[%dma_wait3A_138, %dma_wait3A_142] : memref<8x80xi32, #tpu.memory_space<vmem>> -> memref<1x80xi32, #tpu.memory_space<vmem>>
      %dma_wait3A_144 = tpu.memref_squeeze %dma_wait3A_143 : memref<1x80xi32, #tpu.memory_space<vmem>> -> memref<80xi32, #tpu.memory_space<vmem>>
      %dma_wait3A_145 = arith.constant 0 : i32
      %dma_wait3A_146 = arith.constant 0 : i32
      %dma_wait3A_147 = tpu.memref_slice %arg2[%dma_wait3A_145, %dma_wait3A_146] : memref<32768x128xf32, #tpu.memory_space<hbm>> -> memref<32768x128xf32, #tpu.memory_space<hbm>>
      tpu.wait_indirect_dma semaphore(%arg7 : memref<!tpu.dma_semaphore, #tpu.memory_space<semaphore_mem>>) src(%dma_wait3A_147 : memref<32768x128xf32, #tpu.memory_space<hbm>>) dst(%dma_wait3A_141 : memref<80x128xf32, #tpu.memory_space<vmem>>)
      %dma_wait3A_148 = arith.constant 6 : i32
      %dma_wait3A_149 = arith.constant 480 : i32
      %dma_wait3A_150 = arith.constant 0 : i32
      %dma_wait3A_151 = tpu.memref_slice %arg6[%dma_wait3A_149, %dma_wait3A_150] : memref<640x128xf32, #tpu.memory_space<vmem>> -> memref<80x128xf32, #tpu.memory_space<vmem>>
      %dma_wait3A_152 = arith.constant 0 : i32
      %dma_wait3A_153 = tpu.memref_slice %arg5[%dma_wait3A_148, %dma_wait3A_152] : memref<8x80xi32, #tpu.memory_space<vmem>> -> memref<1x80xi32, #tpu.memory_space<vmem>>
      %dma_wait3A_154 = tpu.memref_squeeze %dma_wait3A_153 : memref<1x80xi32, #tpu.memory_space<vmem>> -> memref<80xi32, #tpu.memory_space<vmem>>
      %dma_wait3A_155 = arith.constant 0 : i32
      %dma_wait3A_156 = arith.constant 0 : i32
      %dma_wait3A_157 = tpu.memref_slice %arg2[%dma_wait3A_155, %dma_wait3A_156] : memref<32768x128xf32, #tpu.memory_space<hbm>> -> memref<32768x128xf32, #tpu.memory_space<hbm>>
      tpu.wait_indirect_dma semaphore(%arg7 : memref<!tpu.dma_semaphore, #tpu.memory_space<semaphore_mem>>) src(%dma_wait3A_157 : memref<32768x128xf32, #tpu.memory_space<hbm>>) dst(%dma_wait3A_151 : memref<80x128xf32, #tpu.memory_space<vmem>>)
      %dma_wait3A_158 = arith.constant 7 : i32
      %dma_wait3A_159 = arith.constant 560 : i32
      %dma_wait3A_160 = arith.constant 0 : i32
      %dma_wait3A_161 = tpu.memref_slice %arg6[%dma_wait3A_159, %dma_wait3A_160] : memref<640x128xf32, #tpu.memory_space<vmem>> -> memref<80x128xf32, #tpu.memory_space<vmem>>
      %dma_wait3A_162 = arith.constant 0 : i32
      %dma_wait3A_163 = tpu.memref_slice %arg5[%dma_wait3A_158, %dma_wait3A_162] : memref<8x80xi32, #tpu.memory_space<vmem>> -> memref<1x80xi32, #tpu.memory_space<vmem>>
      %dma_wait3A_164 = tpu.memref_squeeze %dma_wait3A_163 : memref<1x80xi32, #tpu.memory_space<vmem>> -> memref<80xi32, #tpu.memory_space<vmem>>
      %dma_wait3A_165 = arith.constant 0 : i32
      %dma_wait3A_166 = arith.constant 0 : i32
      %dma_wait3A_167 = tpu.memref_slice %arg2[%dma_wait3A_165, %dma_wait3A_166] : memref<32768x128xf32, #tpu.memory_space<hbm>> -> memref<32768x128xf32, #tpu.memory_space<hbm>>
      tpu.wait_indirect_dma semaphore(%arg7 : memref<!tpu.dma_semaphore, #tpu.memory_space<semaphore_mem>>) src(%dma_wait3A_167 : memref<32768x128xf32, #tpu.memory_space<hbm>>) dst(%dma_wait3A_161 : memref<80x128xf32, #tpu.memory_space<vmem>>)
      %mul3A_168 = arith.constant 640 : i32
      %mul3A_169 = arith.muli %add3A_9, %mul3A_168 : i32
      "tpu.region"() ({
        %run_scoped3A = tpu.sem_alloc : memref<!tpu.dma_semaphore, #tpu.memory_space<semaphore_mem>>
        %dma_start3A_170 = arith.constant 0 : i32
        %dma_start3A_171 = tpu.memref_slice %arg4[%mul3A_169, %dma_start3A_170] : memref<655360x128xf32, #tpu.memory_space<hbm>> -> memref<640x128xf32, #tpu.memory_space<hbm>>
        %dma_start3A_172 = arith.constant 0 : i32
        %dma_start3A_173 = tpu.memref_slice %arg4[%mul3A_169, %dma_start3A_172] : memref<655360x128xf32, #tpu.memory_space<hbm>> -> memref<640x128xf32, #tpu.memory_space<hbm>>
        tpu.enqueue_dma source(%arg6 : memref<640x128xf32, #tpu.memory_space<vmem>>) target(%dma_start3A_173 : memref<640x128xf32, #tpu.memory_space<hbm>>) target_semaphore(%run_scoped3A : memref<!tpu.dma_semaphore, #tpu.memory_space<semaphore_mem>>)
        %dma_wait3A_174 = arith.constant 0 : i32
        %dma_wait3A_175 = tpu.memref_slice %arg4[%mul3A_169, %dma_wait3A_174] : memref<655360x128xf32, #tpu.memory_space<hbm>> -> memref<640x128xf32, #tpu.memory_space<hbm>>
        %dma_wait3A_176 = arith.constant 0 : i32
        %dma_wait3A_177 = tpu.memref_slice %arg4[%mul3A_169, %dma_wait3A_176] : memref<655360x128xf32, #tpu.memory_space<hbm>> -> memref<640x128xf32, #tpu.memory_space<hbm>>
        tpu.wait_dma2 semaphore(%run_scoped3A : memref<!tpu.dma_semaphore, #tpu.memory_space<semaphore_mem>>) src(%arg6 : memref<640x128xf32, #tpu.memory_space<vmem>>) dst(%dma_wait3A_177 : memref<640x128xf32, #tpu.memory_space<hbm>>)
        tpu.yield
      }) : () -> ()
    }
    %scan3A_5 = arith.constant 32 : i32
    return
  }
}

#map = affine_map<(d0, d1) -> (0, 0)>
#map1 = affine_map<(d0, d1) -> (0, 0, 0)>
module attributes {stable_mosaic.version = 14 : i64} {
  func.func @kfn(%arg0: i32, %arg1: i32, %arg2: memref<32768x128xf32, #tpu.memory_space<hbm>>, %arg3: memref<1024x8x80xi32, #tpu.memory_space<hbm>>, %arg4: memref<655360x128xf32, #tpu.memory_space<hbm>>, %arg5: memref<8x80xi32, #tpu.memory_space<vmem>>, %arg6: memref<640x128xf32, #tpu.memory_space<vmem>>, %arg7: memref<!tpu.dma_semaphore, #tpu.memory_space<semaphore_mem>>) attributes {dimension_semantics = [#tpu.dimension_semantics<core_parallel>, #tpu.dimension_semantics<subcore_parallel>], iteration_bounds = array<i64: 2, 16>, scalar_prefetch = 0 : i64, scratch_operands = 3 : i64, tpu.core_type = #tpu.core_type<sc_vector_subcore>, window_params = [{transform_indices = #map}, {transform_indices = #map1}, {transform_indices = #map}]} {
    %mul3A = arith.constant 2 : i32
    %mul3A_0 = arith.muli %arg1, %mul3A : i32
    %add3A = arith.addi %mul3A_0, %arg0 : i32
    %scan3A = arith.constant 0 : i32
    %scan3A_1 = arith.constant 0 : i32
    %scan3A_2 = arith.constant 32 : i32
    %scan3A_3 = arith.addi %scan3A_1, %scan3A_2 : i32
    %scan3A_4 = arith.constant 1 : i32
    scf.for %scan3A_6 = %scan3A_1 to %scan3A_3 step %scan3A_4  : i32 {
      %mul3A_7 = arith.constant 32 : i32
      %mul3A_8 = arith.muli %add3A, %mul3A_7 : i32
      %add3A_9 = arith.addi %mul3A_8, %scan3A_6 : i32
      "tpu.region"() ({
        %run_scoped3A = tpu.sem_alloc : memref<!tpu.dma_semaphore, #tpu.memory_space<semaphore_mem>>
        %dma_start3A_170 = arith.constant 0 : i32
        %dma_start3A_171 = arith.constant 0 : i32
        %dma_start3A_172 = tpu.memref_slice %arg3[%add3A_9, %dma_start3A_170, %dma_start3A_171] : memref<1024x8x80xi32, #tpu.memory_space<hbm>> -> memref<1x8x80xi32, #tpu.memory_space<hbm>>
        %dma_start3A_173 = tpu.memref_squeeze %dma_start3A_172 : memref<1x8x80xi32, #tpu.memory_space<hbm>> -> memref<8x80xi32, #tpu.memory_space<hbm>>
        %dma_start3A_174 = arith.constant 0 : i32
        %dma_start3A_175 = arith.constant 0 : i32
        %dma_start3A_176 = tpu.memref_slice %arg3[%add3A_9, %dma_start3A_174, %dma_start3A_175] : memref<1024x8x80xi32, #tpu.memory_space<hbm>> -> memref<1x8x80xi32, #tpu.memory_space<hbm>>
        %dma_start3A_177 = tpu.memref_squeeze %dma_start3A_176 : memref<1x8x80xi32, #tpu.memory_space<hbm>> -> memref<8x80xi32, #tpu.memory_space<hbm>>
        tpu.enqueue_dma source(%dma_start3A_177 : memref<8x80xi32, #tpu.memory_space<hbm>>) target(%arg5 : memref<8x80xi32, #tpu.memory_space<vmem>>) target_semaphore(%run_scoped3A : memref<!tpu.dma_semaphore, #tpu.memory_space<semaphore_mem>>)
        %dma_wait3A_178 = arith.constant 0 : i32
        %dma_wait3A_179 = arith.constant 0 : i32
        %dma_wait3A_180 = tpu.memref_slice %arg3[%add3A_9, %dma_wait3A_178, %dma_wait3A_179] : memref<1024x8x80xi32, #tpu.memory_space<hbm>> -> memref<1x8x80xi32, #tpu.memory_space<hbm>>
        %dma_wait3A_181 = tpu.memref_squeeze %dma_wait3A_180 : memref<1x8x80xi32, #tpu.memory_space<hbm>> -> memref<8x80xi32, #tpu.memory_space<hbm>>
        %dma_wait3A_182 = arith.constant 0 : i32
        %dma_wait3A_183 = arith.constant 0 : i32
        %dma_wait3A_184 = tpu.memref_slice %arg3[%add3A_9, %dma_wait3A_182, %dma_wait3A_183] : memref<1024x8x80xi32, #tpu.memory_space<hbm>> -> memref<1x8x80xi32, #tpu.memory_space<hbm>>
        %dma_wait3A_185 = tpu.memref_squeeze %dma_wait3A_184 : memref<1x8x80xi32, #tpu.memory_space<hbm>> -> memref<8x80xi32, #tpu.memory_space<hbm>>
        tpu.wait_dma2 semaphore(%run_scoped3A : memref<!tpu.dma_semaphore, #tpu.memory_space<semaphore_mem>>) src(%dma_wait3A_185 : memref<8x80xi32, #tpu.memory_space<hbm>>) dst(%arg5 : memref<8x80xi32, #tpu.memory_space<vmem>>)
        tpu.yield
      }) : () -> ()
      %dma_start3A = arith.constant 0 : i32
      %dma_start3A_10 = arith.constant 0 : i32
      %dma_start3A_11 = arith.constant 0 : i32
      %dma_start3A_12 = tpu.memref_slice %arg6[%dma_start3A_10, %dma_start3A_11] : memref<640x128xf32, #tpu.memory_space<vmem>> -> memref<80x128xf32, #tpu.memory_space<vmem>>
      %dma_start3A_13 = arith.constant 0 : i32
      %dma_start3A_14 = tpu.memref_slice %arg5[%dma_start3A, %dma_start3A_13] : memref<8x80xi32, #tpu.memory_space<vmem>> -> memref<1x80xi32, #tpu.memory_space<vmem>>
      %dma_start3A_15 = tpu.memref_squeeze %dma_start3A_14 : memref<1x80xi32, #tpu.memory_space<vmem>> -> memref<80xi32, #tpu.memory_space<vmem>>
      %dma_start3A_16 = arith.constant 0 : i32
      %dma_start3A_17 = arith.constant 0 : i32
      %dma_start3A_18 = tpu.memref_slice %arg2[%dma_start3A_16, %dma_start3A_17] : memref<32768x128xf32, #tpu.memory_space<hbm>> -> memref<32768x128xf32, #tpu.memory_space<hbm>>
      tpu.enqueue_indirect_dma source(%dma_start3A_18 : memref<32768x128xf32, #tpu.memory_space<hbm>>) target(%dma_start3A_12 : memref<80x128xf32, #tpu.memory_space<vmem>>) offsets(%dma_start3A_15 : memref<80xi32, #tpu.memory_space<vmem>>) semaphore(%arg7 : memref<!tpu.dma_semaphore, #tpu.memory_space<semaphore_mem>>)
      %dma_start3A_19 = arith.constant 1 : i32
      %dma_start3A_20 = arith.constant 80 : i32
      %dma_start3A_21 = arith.constant 0 : i32
      %dma_start3A_22 = tpu.memref_slice %arg6[%dma_start3A_20, %dma_start3A_21] : memref<640x128xf32, #tpu.memory_space<vmem>> -> memref<80x128xf32, #tpu.memory_space<vmem>>
      %dma_start3A_23 = arith.constant 0 : i32
      %dma_start3A_24 = tpu.memref_slice %arg5[%dma_start3A_19, %dma_start3A_23] : memref<8x80xi32, #tpu.memory_space<vmem>> -> memref<1x80xi32, #tpu.memory_space<vmem>>
      %dma_start3A_25 = tpu.memref_squeeze %dma_start3A_24 : memref<1x80xi32, #tpu.memory_space<vmem>> -> memref<80xi32, #tpu.memory_space<vmem>>
      %dma_start3A_26 = arith.constant 0 : i32
      %dma_start3A_27 = arith.constant 0 : i32
      %dma_start3A_28 = tpu.memref_slice %arg2[%dma_start3A_26, %dma_start3A_27] : memref<32768x128xf32, #tpu.memory_space<hbm>> -> memref<32768x128xf32, #tpu.memory_space<hbm>>
      tpu.enqueue_indirect_dma source(%dma_start3A_28 : memref<32768x128xf32, #tpu.memory_space<hbm>>) target(%dma_start3A_22 : memref<80x128xf32, #tpu.memory_space<vmem>>) offsets(%dma_start3A_25 : memref<80xi32, #tpu.memory_space<vmem>>) semaphore(%arg7 : memref<!tpu.dma_semaphore, #tpu.memory_space<semaphore_mem>>)
      %dma_start3A_29 = arith.constant 2 : i32
      %dma_start3A_30 = arith.constant 160 : i32
      %dma_start3A_31 = arith.constant 0 : i32
      %dma_start3A_32 = tpu.memref_slice %arg6[%dma_start3A_30, %dma_start3A_31] : memref<640x128xf32, #tpu.memory_space<vmem>> -> memref<80x128xf32, #tpu.memory_space<vmem>>
      %dma_start3A_33 = arith.constant 0 : i32
      %dma_start3A_34 = tpu.memref_slice %arg5[%dma_start3A_29, %dma_start3A_33] : memref<8x80xi32, #tpu.memory_space<vmem>> -> memref<1x80xi32, #tpu.memory_space<vmem>>
      %dma_start3A_35 = tpu.memref_squeeze %dma_start3A_34 : memref<1x80xi32, #tpu.memory_space<vmem>> -> memref<80xi32, #tpu.memory_space<vmem>>
      %dma_start3A_36 = arith.constant 0 : i32
      %dma_start3A_37 = arith.constant 0 : i32
      %dma_start3A_38 = tpu.memref_slice %arg2[%dma_start3A_36, %dma_start3A_37] : memref<32768x128xf32, #tpu.memory_space<hbm>> -> memref<32768x128xf32, #tpu.memory_space<hbm>>
      tpu.enqueue_indirect_dma source(%dma_start3A_38 : memref<32768x128xf32, #tpu.memory_space<hbm>>) target(%dma_start3A_32 : memref<80x128xf32, #tpu.memory_space<vmem>>) offsets(%dma_start3A_35 : memref<80xi32, #tpu.memory_space<vmem>>) semaphore(%arg7 : memref<!tpu.dma_semaphore, #tpu.memory_space<semaphore_mem>>)
      %dma_start3A_39 = arith.constant 3 : i32
      %dma_start3A_40 = arith.constant 240 : i32
      %dma_start3A_41 = arith.constant 0 : i32
      %dma_start3A_42 = tpu.memref_slice %arg6[%dma_start3A_40, %dma_start3A_41] : memref<640x128xf32, #tpu.memory_space<vmem>> -> memref<80x128xf32, #tpu.memory_space<vmem>>
      %dma_start3A_43 = arith.constant 0 : i32
      %dma_start3A_44 = tpu.memref_slice %arg5[%dma_start3A_39, %dma_start3A_43] : memref<8x80xi32, #tpu.memory_space<vmem>> -> memref<1x80xi32, #tpu.memory_space<vmem>>
      %dma_start3A_45 = tpu.memref_squeeze %dma_start3A_44 : memref<1x80xi32, #tpu.memory_space<vmem>> -> memref<80xi32, #tpu.memory_space<vmem>>
      %dma_start3A_46 = arith.constant 0 : i32
      %dma_start3A_47 = arith.constant 0 : i32
      %dma_start3A_48 = tpu.memref_slice %arg2[%dma_start3A_46, %dma_start3A_47] : memref<32768x128xf32, #tpu.memory_space<hbm>> -> memref<32768x128xf32, #tpu.memory_space<hbm>>
      tpu.enqueue_indirect_dma source(%dma_start3A_48 : memref<32768x128xf32, #tpu.memory_space<hbm>>) target(%dma_start3A_42 : memref<80x128xf32, #tpu.memory_space<vmem>>) offsets(%dma_start3A_45 : memref<80xi32, #tpu.memory_space<vmem>>) semaphore(%arg7 : memref<!tpu.dma_semaphore, #tpu.memory_space<semaphore_mem>>)
      %dma_start3A_49 = arith.constant 4 : i32
      %dma_start3A_50 = arith.constant 320 : i32
      %dma_start3A_51 = arith.constant 0 : i32
      %dma_start3A_52 = tpu.memref_slice %arg6[%dma_start3A_50, %dma_start3A_51] : memref<640x128xf32, #tpu.memory_space<vmem>> -> memref<80x128xf32, #tpu.memory_space<vmem>>
      %dma_start3A_53 = arith.constant 0 : i32
      %dma_start3A_54 = tpu.memref_slice %arg5[%dma_start3A_49, %dma_start3A_53] : memref<8x80xi32, #tpu.memory_space<vmem>> -> memref<1x80xi32, #tpu.memory_space<vmem>>
      %dma_start3A_55 = tpu.memref_squeeze %dma_start3A_54 : memref<1x80xi32, #tpu.memory_space<vmem>> -> memref<80xi32, #tpu.memory_space<vmem>>
      %dma_start3A_56 = arith.constant 0 : i32
      %dma_start3A_57 = arith.constant 0 : i32
      %dma_start3A_58 = tpu.memref_slice %arg2[%dma_start3A_56, %dma_start3A_57] : memref<32768x128xf32, #tpu.memory_space<hbm>> -> memref<32768x128xf32, #tpu.memory_space<hbm>>
      tpu.enqueue_indirect_dma source(%dma_start3A_58 : memref<32768x128xf32, #tpu.memory_space<hbm>>) target(%dma_start3A_52 : memref<80x128xf32, #tpu.memory_space<vmem>>) offsets(%dma_start3A_55 : memref<80xi32, #tpu.memory_space<vmem>>) semaphore(%arg7 : memref<!tpu.dma_semaphore, #tpu.memory_space<semaphore_mem>>)
      %dma_start3A_59 = arith.constant 5 : i32
      %dma_start3A_60 = arith.constant 400 : i32
      %dma_start3A_61 = arith.constant 0 : i32
      %dma_start3A_62 = tpu.memref_slice %arg6[%dma_start3A_60, %dma_start3A_61] : memref<640x128xf32, #tpu.memory_space<vmem>> -> memref<80x128xf32, #tpu.memory_space<vmem>>
      %dma_start3A_63 = arith.constant 0 : i32
      %dma_start3A_64 = tpu.memref_slice %arg5[%dma_start3A_59, %dma_start3A_63] : memref<8x80xi32, #tpu.memory_space<vmem>> -> memref<1x80xi32, #tpu.memory_space<vmem>>
      %dma_start3A_65 = tpu.memref_squeeze %dma_start3A_64 : memref<1x80xi32, #tpu.memory_space<vmem>> -> memref<80xi32, #tpu.memory_space<vmem>>
      %dma_start3A_66 = arith.constant 0 : i32
      %dma_start3A_67 = arith.constant 0 : i32
      %dma_start3A_68 = tpu.memref_slice %arg2[%dma_start3A_66, %dma_start3A_67] : memref<32768x128xf32, #tpu.memory_space<hbm>> -> memref<32768x128xf32, #tpu.memory_space<hbm>>
      tpu.enqueue_indirect_dma source(%dma_start3A_68 : memref<32768x128xf32, #tpu.memory_space<hbm>>) target(%dma_start3A_62 : memref<80x128xf32, #tpu.memory_space<vmem>>) offsets(%dma_start3A_65 : memref<80xi32, #tpu.memory_space<vmem>>) semaphore(%arg7 : memref<!tpu.dma_semaphore, #tpu.memory_space<semaphore_mem>>)
      %dma_start3A_69 = arith.constant 6 : i32
      %dma_start3A_70 = arith.constant 480 : i32
      %dma_start3A_71 = arith.constant 0 : i32
      %dma_start3A_72 = tpu.memref_slice %arg6[%dma_start3A_70, %dma_start3A_71] : memref<640x128xf32, #tpu.memory_space<vmem>> -> memref<80x128xf32, #tpu.memory_space<vmem>>
      %dma_start3A_73 = arith.constant 0 : i32
      %dma_start3A_74 = tpu.memref_slice %arg5[%dma_start3A_69, %dma_start3A_73] : memref<8x80xi32, #tpu.memory_space<vmem>> -> memref<1x80xi32, #tpu.memory_space<vmem>>
      %dma_start3A_75 = tpu.memref_squeeze %dma_start3A_74 : memref<1x80xi32, #tpu.memory_space<vmem>> -> memref<80xi32, #tpu.memory_space<vmem>>
      %dma_start3A_76 = arith.constant 0 : i32
      %dma_start3A_77 = arith.constant 0 : i32
      %dma_start3A_78 = tpu.memref_slice %arg2[%dma_start3A_76, %dma_start3A_77] : memref<32768x128xf32, #tpu.memory_space<hbm>> -> memref<32768x128xf32, #tpu.memory_space<hbm>>
      tpu.enqueue_indirect_dma source(%dma_start3A_78 : memref<32768x128xf32, #tpu.memory_space<hbm>>) target(%dma_start3A_72 : memref<80x128xf32, #tpu.memory_space<vmem>>) offsets(%dma_start3A_75 : memref<80xi32, #tpu.memory_space<vmem>>) semaphore(%arg7 : memref<!tpu.dma_semaphore, #tpu.memory_space<semaphore_mem>>)
      %dma_start3A_79 = arith.constant 7 : i32
      %dma_start3A_80 = arith.constant 560 : i32
      %dma_start3A_81 = arith.constant 0 : i32
      %dma_start3A_82 = tpu.memref_slice %arg6[%dma_start3A_80, %dma_start3A_81] : memref<640x128xf32, #tpu.memory_space<vmem>> -> memref<80x128xf32, #tpu.memory_space<vmem>>
      %dma_start3A_83 = arith.constant 0 : i32
      %dma_start3A_84 = tpu.memref_slice %arg5[%dma_start3A_79, %dma_start3A_83] : memref<8x80xi32, #tpu.memory_space<vmem>> -> memref<1x80xi32, #tpu.memory_space<vmem>>
      %dma_start3A_85 = tpu.memref_squeeze %dma_start3A_84 : memref<1x80xi32, #tpu.memory_space<vmem>> -> memref<80xi32, #tpu.memory_space<vmem>>
      %dma_start3A_86 = arith.constant 0 : i32
      %dma_start3A_87 = arith.constant 0 : i32
      %dma_start3A_88 = tpu.memref_slice %arg2[%dma_start3A_86, %dma_start3A_87] : memref<32768x128xf32, #tpu.memory_space<hbm>> -> memref<32768x128xf32, #tpu.memory_space<hbm>>
      tpu.enqueue_indirect_dma source(%dma_start3A_88 : memref<32768x128xf32, #tpu.memory_space<hbm>>) target(%dma_start3A_82 : memref<80x128xf32, #tpu.memory_space<vmem>>) offsets(%dma_start3A_85 : memref<80xi32, #tpu.memory_space<vmem>>) semaphore(%arg7 : memref<!tpu.dma_semaphore, #tpu.memory_space<semaphore_mem>>)
      %dma_wait3A = arith.constant 0 : i32
      %dma_wait3A_89 = arith.constant 0 : i32
      %dma_wait3A_90 = arith.constant 0 : i32
      %dma_wait3A_91 = tpu.memref_slice %arg6[%dma_wait3A_89, %dma_wait3A_90] : memref<640x128xf32, #tpu.memory_space<vmem>> -> memref<80x128xf32, #tpu.memory_space<vmem>>
      %dma_wait3A_92 = arith.constant 0 : i32
      %dma_wait3A_93 = tpu.memref_slice %arg5[%dma_wait3A, %dma_wait3A_92] : memref<8x80xi32, #tpu.memory_space<vmem>> -> memref<1x80xi32, #tpu.memory_space<vmem>>
      %dma_wait3A_94 = tpu.memref_squeeze %dma_wait3A_93 : memref<1x80xi32, #tpu.memory_space<vmem>> -> memref<80xi32, #tpu.memory_space<vmem>>
      %dma_wait3A_95 = arith.constant 0 : i32
      %dma_wait3A_96 = arith.constant 0 : i32
      %dma_wait3A_97 = tpu.memref_slice %arg2[%dma_wait3A_95, %dma_wait3A_96] : memref<32768x128xf32, #tpu.memory_space<hbm>> -> memref<32768x128xf32, #tpu.memory_space<hbm>>
      tpu.wait_indirect_dma semaphore(%arg7 : memref<!tpu.dma_semaphore, #tpu.memory_space<semaphore_mem>>) src(%dma_wait3A_97 : memref<32768x128xf32, #tpu.memory_space<hbm>>) dst(%dma_wait3A_91 : memref<80x128xf32, #tpu.memory_space<vmem>>)
      %dma_wait3A_98 = arith.constant 1 : i32
      %dma_wait3A_99 = arith.constant 80 : i32
      %dma_wait3A_100 = arith.constant 0 : i32
      %dma_wait3A_101 = tpu.memref_slice %arg6[%dma_wait3A_99, %dma_wait3A_100] : memref<640x128xf32, #tpu.memory_space<vmem>> -> memref<80x128xf32, #tpu.memory_space<vmem>>
      %dma_wait3A_102 = arith.constant 0 : i32
      %dma_wait3A_103 = tpu.memref_slice %arg5[%dma_wait3A_98, %dma_wait3A_102] : memref<8x80xi32, #tpu.memory_space<vmem>> -> memref<1x80xi32, #tpu.memory_space<vmem>>
      %dma_wait3A_104 = tpu.memref_squeeze %dma_wait3A_103 : memref<1x80xi32, #tpu.memory_space<vmem>> -> memref<80xi32, #tpu.memory_space<vmem>>
      %dma_wait3A_105 = arith.constant 0 : i32
      %dma_wait3A_106 = arith.constant 0 : i32
      %dma_wait3A_107 = tpu.memref_slice %arg2[%dma_wait3A_105, %dma_wait3A_106] : memref<32768x128xf32, #tpu.memory_space<hbm>> -> memref<32768x128xf32, #tpu.memory_space<hbm>>
      tpu.wait_indirect_dma semaphore(%arg7 : memref<!tpu.dma_semaphore, #tpu.memory_space<semaphore_mem>>) src(%dma_wait3A_107 : memref<32768x128xf32, #tpu.memory_space<hbm>>) dst(%dma_wait3A_101 : memref<80x128xf32, #tpu.memory_space<vmem>>)
      %dma_wait3A_108 = arith.constant 2 : i32
      %dma_wait3A_109 = arith.constant 160 : i32
      %dma_wait3A_110 = arith.constant 0 : i32
      %dma_wait3A_111 = tpu.memref_slice %arg6[%dma_wait3A_109, %dma_wait3A_110] : memref<640x128xf32, #tpu.memory_space<vmem>> -> memref<80x128xf32, #tpu.memory_space<vmem>>
      %dma_wait3A_112 = arith.constant 0 : i32
      %dma_wait3A_113 = tpu.memref_slice %arg5[%dma_wait3A_108, %dma_wait3A_112] : memref<8x80xi32, #tpu.memory_space<vmem>> -> memref<1x80xi32, #tpu.memory_space<vmem>>
      %dma_wait3A_114 = tpu.memref_squeeze %dma_wait3A_113 : memref<1x80xi32, #tpu.memory_space<vmem>> -> memref<80xi32, #tpu.memory_space<vmem>>
      %dma_wait3A_115 = arith.constant 0 : i32
      %dma_wait3A_116 = arith.constant 0 : i32
      %dma_wait3A_117 = tpu.memref_slice %arg2[%dma_wait3A_115, %dma_wait3A_116] : memref<32768x128xf32, #tpu.memory_space<hbm>> -> memref<32768x128xf32, #tpu.memory_space<hbm>>
      tpu.wait_indirect_dma semaphore(%arg7 : memref<!tpu.dma_semaphore, #tpu.memory_space<semaphore_mem>>) src(%dma_wait3A_117 : memref<32768x128xf32, #tpu.memory_space<hbm>>) dst(%dma_wait3A_111 : memref<80x128xf32, #tpu.memory_space<vmem>>)
      %dma_wait3A_118 = arith.constant 3 : i32
      %dma_wait3A_119 = arith.constant 240 : i32
      %dma_wait3A_120 = arith.constant 0 : i32
      %dma_wait3A_121 = tpu.memref_slice %arg6[%dma_wait3A_119, %dma_wait3A_120] : memref<640x128xf32, #tpu.memory_space<vmem>> -> memref<80x128xf32, #tpu.memory_space<vmem>>
      %dma_wait3A_122 = arith.constant 0 : i32
      %dma_wait3A_123 = tpu.memref_slice %arg5[%dma_wait3A_118, %dma_wait3A_122] : memref<8x80xi32, #tpu.memory_space<vmem>> -> memref<1x80xi32, #tpu.memory_space<vmem>>
      %dma_wait3A_124 = tpu.memref_squeeze %dma_wait3A_123 : memref<1x80xi32, #tpu.memory_space<vmem>> -> memref<80xi32, #tpu.memory_space<vmem>>
      %dma_wait3A_125 = arith.constant 0 : i32
      %dma_wait3A_126 = arith.constant 0 : i32
      %dma_wait3A_127 = tpu.memref_slice %arg2[%dma_wait3A_125, %dma_wait3A_126] : memref<32768x128xf32, #tpu.memory_space<hbm>> -> memref<32768x128xf32, #tpu.memory_space<hbm>>
      tpu.wait_indirect_dma semaphore(%arg7 : memref<!tpu.dma_semaphore, #tpu.memory_space<semaphore_mem>>) src(%dma_wait3A_127 : memref<32768x128xf32, #tpu.memory_space<hbm>>) dst(%dma_wait3A_121 : memref<80x128xf32, #tpu.memory_space<vmem>>)
      %dma_wait3A_128 = arith.constant 4 : i32
      %dma_wait3A_129 = arith.constant 320 : i32
      %dma_wait3A_130 = arith.constant 0 : i32
      %dma_wait3A_131 = tpu.memref_slice %arg6[%dma_wait3A_129, %dma_wait3A_130] : memref<640x128xf32, #tpu.memory_space<vmem>> -> memref<80x128xf32, #tpu.memory_space<vmem>>
      %dma_wait3A_132 = arith.constant 0 : i32
      %dma_wait3A_133 = tpu.memref_slice %arg5[%dma_wait3A_128, %dma_wait3A_132] : memref<8x80xi32, #tpu.memory_space<vmem>> -> memref<1x80xi32, #tpu.memory_space<vmem>>
      %dma_wait3A_134 = tpu.memref_squeeze %dma_wait3A_133 : memref<1x80xi32, #tpu.memory_space<vmem>> -> memref<80xi32, #tpu.memory_space<vmem>>
      %dma_wait3A_135 = arith.constant 0 : i32
      %dma_wait3A_136 = arith.constant 0 : i32
      %dma_wait3A_137 = tpu.memref_slice %arg2[%dma_wait3A_135, %dma_wait3A_136] : memref<32768x128xf32, #tpu.memory_space<hbm>> -> memref<32768x128xf32, #tpu.memory_space<hbm>>
      tpu.wait_indirect_dma semaphore(%arg7 : memref<!tpu.dma_semaphore, #tpu.memory_space<semaphore_mem>>) src(%dma_wait3A_137 : memref<32768x128xf32, #tpu.memory_space<hbm>>) dst(%dma_wait3A_131 : memref<80x128xf32, #tpu.memory_space<vmem>>)
      %dma_wait3A_138 = arith.constant 5 : i32
      %dma_wait3A_139 = arith.constant 400 : i32
      %dma_wait3A_140 = arith.constant 0 : i32
      %dma_wait3A_141 = tpu.memref_slice %arg6[%dma_wait3A_139, %dma_wait3A_140] : memref<640x128xf32, #tpu.memory_space<vmem>> -> memref<80x128xf32, #tpu.memory_space<vmem>>
      %dma_wait3A_142 = arith.constant 0 : i32
      %dma_wait3A_143 = tpu.memref_slice %arg5[%dma_wait3A_138, %dma_wait3A_142] : memref<8x80xi32, #tpu.memory_space<vmem>> -> memref<1x80xi32, #tpu.memory_space<vmem>>
      %dma_wait3A_144 = tpu.memref_squeeze %dma_wait3A_143 : memref<1x80xi32, #tpu.memory_space<vmem>> -> memref<80xi32, #tpu.memory_space<vmem>>
      %dma_wait3A_145 = arith.constant 0 : i32
      %dma_wait3A_146 = arith.constant 0 : i32
      %dma_wait3A_147 = tpu.memref_slice %arg2[%dma_wait3A_145, %dma_wait3A_146] : memref<32768x128xf32, #tpu.memory_space<hbm>> -> memref<32768x128xf32, #tpu.memory_space<hbm>>
      tpu.wait_indirect_dma semaphore(%arg7 : memref<!tpu.dma_semaphore, #tpu.memory_space<semaphore_mem>>) src(%dma_wait3A_147 : memref<32768x128xf32, #tpu.memory_space<hbm>>) dst(%dma_wait3A_141 : memref<80x128xf32, #tpu.memory_space<vmem>>)
      %dma_wait3A_148 = arith.constant 6 : i32
      %dma_wait3A_149 = arith.constant 480 : i32
      %dma_wait3A_150 = arith.constant 0 : i32
      %dma_wait3A_151 = tpu.memref_slice %arg6[%dma_wait3A_149, %dma_wait3A_150] : memref<640x128xf32, #tpu.memory_space<vmem>> -> memref<80x128xf32, #tpu.memory_space<vmem>>
      %dma_wait3A_152 = arith.constant 0 : i32
      %dma_wait3A_153 = tpu.memref_slice %arg5[%dma_wait3A_148, %dma_wait3A_152] : memref<8x80xi32, #tpu.memory_space<vmem>> -> memref<1x80xi32, #tpu.memory_space<vmem>>
      %dma_wait3A_154 = tpu.memref_squeeze %dma_wait3A_153 : memref<1x80xi32, #tpu.memory_space<vmem>> -> memref<80xi32, #tpu.memory_space<vmem>>
      %dma_wait3A_155 = arith.constant 0 : i32
      %dma_wait3A_156 = arith.constant 0 : i32
      %dma_wait3A_157 = tpu.memref_slice %arg2[%dma_wait3A_155, %dma_wait3A_156] : memref<32768x128xf32, #tpu.memory_space<hbm>> -> memref<32768x128xf32, #tpu.memory_space<hbm>>
      tpu.wait_indirect_dma semaphore(%arg7 : memref<!tpu.dma_semaphore, #tpu.memory_space<semaphore_mem>>) src(%dma_wait3A_157 : memref<32768x128xf32, #tpu.memory_space<hbm>>) dst(%dma_wait3A_151 : memref<80x128xf32, #tpu.memory_space<vmem>>)
      %dma_wait3A_158 = arith.constant 7 : i32
      %dma_wait3A_159 = arith.constant 560 : i32
      %dma_wait3A_160 = arith.constant 0 : i32
      %dma_wait3A_161 = tpu.memref_slice %arg6[%dma_wait3A_159, %dma_wait3A_160] : memref<640x128xf32, #tpu.memory_space<vmem>> -> memref<80x128xf32, #tpu.memory_space<vmem>>
      %dma_wait3A_162 = arith.constant 0 : i32
      %dma_wait3A_163 = tpu.memref_slice %arg5[%dma_wait3A_158, %dma_wait3A_162] : memref<8x80xi32, #tpu.memory_space<vmem>> -> memref<1x80xi32, #tpu.memory_space<vmem>>
      %dma_wait3A_164 = tpu.memref_squeeze %dma_wait3A_163 : memref<1x80xi32, #tpu.memory_space<vmem>> -> memref<80xi32, #tpu.memory_space<vmem>>
      %dma_wait3A_165 = arith.constant 0 : i32
      %dma_wait3A_166 = arith.constant 0 : i32
      %dma_wait3A_167 = tpu.memref_slice %arg2[%dma_wait3A_165, %dma_wait3A_166] : memref<32768x128xf32, #tpu.memory_space<hbm>> -> memref<32768x128xf32, #tpu.memory_space<hbm>>
      tpu.wait_indirect_dma semaphore(%arg7 : memref<!tpu.dma_semaphore, #tpu.memory_space<semaphore_mem>>) src(%dma_wait3A_167 : memref<32768x128xf32, #tpu.memory_space<hbm>>) dst(%dma_wait3A_161 : memref<80x128xf32, #tpu.memory_space<vmem>>)
      %mul3A_168 = arith.constant 640 : i32
      %mul3A_169 = arith.muli %add3A_9, %mul3A_168 : i32
      "tpu.region"() ({
        %run_scoped3A = tpu.sem_alloc : memref<!tpu.dma_semaphore, #tpu.memory_space<semaphore_mem>>
        %dma_start3A_170 = arith.constant 0 : i32
        %dma_start3A_171 = tpu.memref_slice %arg4[%mul3A_169, %dma_start3A_170] : memref<655360x128xf32, #tpu.memory_space<hbm>> -> memref<640x128xf32, #tpu.memory_space<hbm>>
        %dma_start3A_172 = arith.constant 0 : i32
        %dma_start3A_173 = tpu.memref_slice %arg4[%mul3A_169, %dma_start3A_172] : memref<655360x128xf32, #tpu.memory_space<hbm>> -> memref<640x128xf32, #tpu.memory_space<hbm>>
        tpu.enqueue_dma source(%arg6 : memref<640x128xf32, #tpu.memory_space<vmem>>) target(%dma_start3A_173 : memref<640x128xf32, #tpu.memory_space<hbm>>) target_semaphore(%run_scoped3A : memref<!tpu.dma_semaphore, #tpu.memory_space<semaphore_mem>>)
        %dma_wait3A_174 = arith.constant 0 : i32
        %dma_wait3A_175 = tpu.memref_slice %arg4[%mul3A_169, %dma_wait3A_174] : memref<655360x128xf32, #tpu.memory_space<hbm>> -> memref<640x128xf32, #tpu.memory_space<hbm>>
        %dma_wait3A_176 = arith.constant 0 : i32
        %dma_wait3A_177 = tpu.memref_slice %arg4[%mul3A_169, %dma_wait3A_176] : memref<655360x128xf32, #tpu.memory_space<hbm>> -> memref<640x128xf32, #tpu.memory_space<hbm>>
        tpu.wait_dma2 semaphore(%run_scoped3A : memref<!tpu.dma_semaphore, #tpu.memory_space<semaphore_mem>>) src(%arg6 : memref<640x128xf32, #tpu.memory_space<vmem>>) dst(%dma_wait3A_177 : memref<640x128xf32, #tpu.memory_space<hbm>>)
        tpu.yield
      }) : () -> ()
    }
    %scan3A_5 = arith.constant 32 : i32
    return
  }
}

module attributes {stable_mosaic.version = 14 : i64} {
  func.func @_pd_first_body(%arg0: i32, %arg1: i32, %arg2: memref<1x2048x128xf32, #tpu.memory_space<vmem>>, %arg3: memref<1x256x128xf32, #tpu.memory_space<vmem>>, %arg4: memref<256x20xi32, #tpu.memory_space<vmem>>) attributes {dimension_semantics = [#tpu.dimension_semantics<arbitrary>, #tpu.dimension_semantics<arbitrary>], iteration_bounds = array<i64: 16, 8>, scalar_prefetch = 0 : i64, scratch_operands = 0 : i64, tpu.core_type = #tpu.core_type<tc>, window_params = [{transform_indices = @transform_0, window_bounds = array<i64: 1, 2048, 128>}, {transform_indices = @transform_1, window_bounds = array<i64: 1, 256, 128>}, {transform_indices = @transform_2, window_bounds = array<i64: 256, 20>}]} {
    %get3A = arith.constant 0 : index
    %get3A_0 = arith.constant 0 : index
    %get3A_1 = arith.constant 0 : index
    %get3A_2 = vector.load %arg2[%get3A, %get3A_0, %get3A_1] : memref<1x2048x128xf32, #tpu.memory_space<vmem>>, vector<1x2048x128xf32>
    %get3A_3 = vector.shape_cast %get3A_2 : vector<1x2048x128xf32> to vector<2048x128xf32>
    %get3A_4 = arith.constant 0 : index
    %get3A_5 = arith.constant 0 : index
    %get3A_6 = arith.constant 0 : index
    %get3A_7 = vector.load %arg3[%get3A_4, %get3A_5, %get3A_6] : memref<1x256x128xf32, #tpu.memory_space<vmem>>, vector<1x256x128xf32>
    %get3A_8 = vector.shape_cast %get3A_7 : vector<1x256x128xf32> to vector<256x128xf32>
    %mul3A = arith.mulf %get3A_3, %get3A_3 : vector<2048x128xf32>
    %reduce_sum3A = arith.constant dense<0.000000e+00> : vector<2048xf32>
    %reduce_sum3A_9 = vector.multi_reduction <add>, %mul3A, %reduce_sum3A [1] : vector<2048x128xf32> to vector<2048xf32>
    %convert_element_type3A = arith.truncf %get3A_8 : vector<256x128xf32> to vector<256x128xbf16>
    %convert_element_type3A_10 = arith.truncf %get3A_3 : vector<2048x128xf32> to vector<2048x128xbf16>
    %dot_general3A = arith.constant dense<0.000000e+00> : vector<256x2048xf32>
    %dot_general3A_11 = tpu.matmul %convert_element_type3A, %convert_element_type3A_10, %dot_general3A {dimension_numbers = #tpu.dot_dimension_numbers<[1], [1], [0], [0], [0, 0, 1, 0], [], []>, transpose_lhs_hint = false} : vector<256x128xbf16>, vector<2048x128xbf16>, vector<256x2048xf32> -> vector<256x2048xf32>
    %mul3A_12 = arith.constant -2.000000e+00 : f32
    %mul3A_13 = vector.broadcast %mul3A_12 : f32 to vector<256x2048xf32>
    %mul3A_14 = arith.mulf %mul3A_13, %dot_general3A_11 : vector<256x2048xf32>
    %mul3A_15 = arith.mulf %get3A_8, %get3A_8 : vector<256x128xf32>
    %reduce_sum3A_16 = arith.constant dense<0.000000e+00> : vector<256xf32>
    %reduce_sum3A_17 = vector.multi_reduction <add>, %mul3A_15, %reduce_sum3A_16 [1] : vector<256x128xf32> to vector<256xf32>
    %broadcast_in_dim3A = vector.shape_cast %reduce_sum3A_17 : vector<256xf32> to vector<256x1xf32>
    %neg3A = arith.constant 0.000000e+00 : f32
    %neg3A_18 = vector.broadcast %neg3A : f32 to vector<256x1xf32>
    %neg3A_19 = arith.subf %neg3A_18, %broadcast_in_dim3A : vector<256x1xf32>
    %sub3A = vector.broadcast %neg3A_19 : vector<256x1xf32> to vector<256x2048xf32>
    %sub3A_20 = arith.subf %sub3A, %mul3A_14 : vector<256x2048xf32>
    %broadcast_in_dim3A_21 = vector.shape_cast %reduce_sum3A_9 : vector<2048xf32> to vector<1x2048xf32>
    %sub3A_22 = vector.broadcast %broadcast_in_dim3A_21 : vector<1x2048xf32> to vector<256x2048xf32>
    %sub3A_23 = arith.subf %sub3A_20, %sub3A_22 : vector<256x2048xf32>
    %iota3A = tpu.iota {dimensions = array<i32: 1>} : vector<256x2048xi32>
    %reduce_max3A = arith.constant dense<0xFF800000> : vector<256xf32>
    %reduce_max3A_24 = vector.multi_reduction <maximumf>, %sub3A_23, %reduce_max3A [1] : vector<256x2048xf32> to vector<256xf32>
    %broadcast_in_dim3A_25 = vector.shape_cast %reduce_max3A_24 : vector<256xf32> to vector<256x1xf32>
    %ge3A = vector.broadcast %broadcast_in_dim3A_25 : vector<256x1xf32> to vector<256x2048xf32>
    %ge3A_26 = arith.cmpf oge, %sub3A_23, %ge3A : vector<256x2048xf32>
    %jit3A = arith.constant 2048 : i32
    %broadcast_in_dim3A_27 = vector.broadcast %jit3A : i32 to vector<256x2048xi32>
    %select_n3A = arith.select %ge3A_26, %iota3A, %broadcast_in_dim3A_27 : vector<256x2048xi1>, vector<256x2048xi32>
    %reduce_min3A = arith.constant dense<2147483647> : vector<256xi32>
    %reduce_min3A_28 = vector.multi_reduction <minsi>, %select_n3A, %reduce_min3A [1] : vector<256x2048xi32> to vector<256xi32>
    %broadcast_in_dim3A_29 = vector.shape_cast %reduce_min3A_28 : vector<256xi32> to vector<256x1xi32>
    %eq3A = vector.broadcast %broadcast_in_dim3A_29 : vector<256x1xi32> to vector<256x2048xi32>
    %eq3A_30 = arith.cmpi eq, %iota3A, %eq3A : vector<256x2048xi32>
    %jit3A_31 = arith.constant -3.000000e+38 : f32
    %broadcast_in_dim3A_32 = vector.broadcast %jit3A_31 : f32 to vector<256x2048xf32>
    %select_n3A_33 = arith.select %eq3A_30, %broadcast_in_dim3A_32, %sub3A_23 : vector<256x2048xi1>, vector<256x2048xf32>
    %reduce_max3A_34 = arith.constant dense<0xFF800000> : vector<256xf32>
    %reduce_max3A_35 = vector.multi_reduction <maximumf>, %select_n3A_33, %reduce_max3A_34 [1] : vector<256x2048xf32> to vector<256xf32>
    %broadcast_in_dim3A_36 = vector.shape_cast %reduce_max3A_35 : vector<256xf32> to vector<256x1xf32>
    %ge3A_37 = vector.broadcast %broadcast_in_dim3A_36 : vector<256x1xf32> to vector<256x2048xf32>
    %ge3A_38 = arith.cmpf oge, %select_n3A_33, %ge3A_37 : vector<256x2048xf32>
    %jit3A_39 = arith.constant 2048 : i32
    %broadcast_in_dim3A_40 = vector.broadcast %jit3A_39 : i32 to vector<256x2048xi32>
    %select_n3A_41 = arith.select %ge3A_38, %iota3A, %broadcast_in_dim3A_40 : vector<256x2048xi1>, vector<256x2048xi32>
    %reduce_min3A_42 = arith.constant dense<2147483647> : vector<256xi32>
    %reduce_min3A_43 = vector.multi_reduction <minsi>, %select_n3A_41, %reduce_min3A_42 [1] : vector<256x2048xi32> to vector<256xi32>
    %broadcast_in_dim3A_44 = vector.shape_cast %reduce_min3A_43 : vector<256xi32> to vector<256x1xi32>
    %eq3A_45 = vector.broadcast %broadcast_in_dim3A_44 : vector<256x1xi32> to vector<256x2048xi32>
    %eq3A_46 = arith.cmpi eq, %iota3A, %eq3A_45 : vector<256x2048xi32>
    %jit3A_47 = arith.constant -3.000000e+38 : f32
    %broadcast_in_dim3A_48 = vector.broadcast %jit3A_47 : f32 to vector<256x2048xf32>
    %select_n3A_49 = arith.select %eq3A_46, %broadcast_in_dim3A_48, %select_n3A_33 : vector<256x2048xi1>, vector<256x2048xf32>
    %reduce_max3A_50 = arith.constant dense<0xFF800000> : vector<256xf32>
    %reduce_max3A_51 = vector.multi_reduction <maximumf>, %select_n3A_49, %reduce_max3A_50 [1] : vector<256x2048xf32> to vector<256xf32>
    %broadcast_in_dim3A_52 = vector.shape_cast %reduce_max3A_51 : vector<256xf32> to vector<256x1xf32>
    %ge3A_53 = vector.broadcast %broadcast_in_dim3A_52 : vector<256x1xf32> to vector<256x2048xf32>
    %ge3A_54 = arith.cmpf oge, %select_n3A_49, %ge3A_53 : vector<256x2048xf32>
    %jit3A_55 = arith.constant 2048 : i32
    %broadcast_in_dim3A_56 = vector.broadcast %jit3A_55 : i32 to vector<256x2048xi32>
    %select_n3A_57 = arith.select %ge3A_54, %iota3A, %broadcast_in_dim3A_56 : vector<256x2048xi1>, vector<256x2048xi32>
    %reduce_min3A_58 = arith.constant dense<2147483647> : vector<256xi32>
    %reduce_min3A_59 = vector.multi_reduction <minsi>, %select_n3A_57, %reduce_min3A_58 [1] : vector<256x2048xi32> to vector<256xi32>
    %broadcast_in_dim3A_60 = vector.shape_cast %reduce_min3A_59 : vector<256xi32> to vector<256x1xi32>
    %eq3A_61 = vector.broadcast %broadcast_in_dim3A_60 : vector<256x1xi32> to vector<256x2048xi32>
    %eq3A_62 = arith.cmpi eq, %iota3A, %eq3A_61 : vector<256x2048xi32>
    %jit3A_63 = arith.constant -3.000000e+38 : f32
    %broadcast_in_dim3A_64 = vector.broadcast %jit3A_63 : f32 to vector<256x2048xf32>
    %select_n3A_65 = arith.select %eq3A_62, %broadcast_in_dim3A_64, %select_n3A_49 : vector<256x2048xi1>, vector<256x2048xf32>
    %reduce_max3A_66 = arith.constant dense<0xFF800000> : vector<256xf32>
    %reduce_max3A_67 = vector.multi_reduction <maximumf>, %select_n3A_65, %reduce_max3A_66 [1] : vector<256x2048xf32> to vector<256xf32>
    %broadcast_in_dim3A_68 = vector.shape_cast %reduce_max3A_67 : vector<256xf32> to vector<256x1xf32>
    %ge3A_69 = vector.broadcast %broadcast_in_dim3A_68 : vector<256x1xf32> to vector<256x2048xf32>
    %ge3A_70 = arith.cmpf oge, %select_n3A_65, %ge3A_69 : vector<256x2048xf32>
    %jit3A_71 = arith.constant 2048 : i32
    %broadcast_in_dim3A_72 = vector.broadcast %jit3A_71 : i32 to vector<256x2048xi32>
    %select_n3A_73 = arith.select %ge3A_70, %iota3A, %broadcast_in_dim3A_72 : vector<256x2048xi1>, vector<256x2048xi32>
    %reduce_min3A_74 = arith.constant dense<2147483647> : vector<256xi32>
    %reduce_min3A_75 = vector.multi_reduction <minsi>, %select_n3A_73, %reduce_min3A_74 [1] : vector<256x2048xi32> to vector<256xi32>
    %broadcast_in_dim3A_76 = vector.shape_cast %reduce_min3A_75 : vector<256xi32> to vector<256x1xi32>
    %eq3A_77 = vector.broadcast %broadcast_in_dim3A_76 : vector<256x1xi32> to vector<256x2048xi32>
    %eq3A_78 = arith.cmpi eq, %iota3A, %eq3A_77 : vector<256x2048xi32>
    %jit3A_79 = arith.constant -3.000000e+38 : f32
    %broadcast_in_dim3A_80 = vector.broadcast %jit3A_79 : f32 to vector<256x2048xf32>
    %select_n3A_81 = arith.select %eq3A_78, %broadcast_in_dim3A_80, %select_n3A_65 : vector<256x2048xi1>, vector<256x2048xf32>
    %reduce_max3A_82 = arith.constant dense<0xFF800000> : vector<256xf32>
    %reduce_max3A_83 = vector.multi_reduction <maximumf>, %select_n3A_81, %reduce_max3A_82 [1] : vector<256x2048xf32> to vector<256xf32>
    %broadcast_in_dim3A_84 = vector.shape_cast %reduce_max3A_83 : vector<256xf32> to vector<256x1xf32>
    %ge3A_85 = vector.broadcast %broadcast_in_dim3A_84 : vector<256x1xf32> to vector<256x2048xf32>
    %ge3A_86 = arith.cmpf oge, %select_n3A_81, %ge3A_85 : vector<256x2048xf32>
    %jit3A_87 = arith.constant 2048 : i32
    %broadcast_in_dim3A_88 = vector.broadcast %jit3A_87 : i32 to vector<256x2048xi32>
    %select_n3A_89 = arith.select %ge3A_86, %iota3A, %broadcast_in_dim3A_88 : vector<256x2048xi1>, vector<256x2048xi32>
    %reduce_min3A_90 = arith.constant dense<2147483647> : vector<256xi32>
    %reduce_min3A_91 = vector.multi_reduction <minsi>, %select_n3A_89, %reduce_min3A_90 [1] : vector<256x2048xi32> to vector<256xi32>
    %broadcast_in_dim3A_92 = vector.shape_cast %reduce_min3A_91 : vector<256xi32> to vector<256x1xi32>
    %eq3A_93 = vector.broadcast %broadcast_in_dim3A_92 : vector<256x1xi32> to vector<256x2048xi32>
    %eq3A_94 = arith.cmpi eq, %iota3A, %eq3A_93 : vector<256x2048xi32>
    %jit3A_95 = arith.constant -3.000000e+38 : f32
    %broadcast_in_dim3A_96 = vector.broadcast %jit3A_95 : f32 to vector<256x2048xf32>
    %select_n3A_97 = arith.select %eq3A_94, %broadcast_in_dim3A_96, %select_n3A_81 : vector<256x2048xi1>, vector<256x2048xf32>
    %reduce_max3A_98 = arith.constant dense<0xFF800000> : vector<256xf32>
    %reduce_max3A_99 = vector.multi_reduction <maximumf>, %select_n3A_97, %reduce_max3A_98 [1] : vector<256x2048xf32> to vector<256xf32>
    %broadcast_in_dim3A_100 = vector.shape_cast %reduce_max3A_99 : vector<256xf32> to vector<256x1xf32>
    %ge3A_101 = vector.broadcast %broadcast_in_dim3A_100 : vector<256x1xf32> to vector<256x2048xf32>
    %ge3A_102 = arith.cmpf oge, %select_n3A_97, %ge3A_101 : vector<256x2048xf32>
    %jit3A_103 = arith.constant 2048 : i32
    %broadcast_in_dim3A_104 = vector.broadcast %jit3A_103 : i32 to vector<256x2048xi32>
    %select_n3A_105 = arith.select %ge3A_102, %iota3A, %broadcast_in_dim3A_104 : vector<256x2048xi1>, vector<256x2048xi32>
    %reduce_min3A_106 = arith.constant dense<2147483647> : vector<256xi32>
    %reduce_min3A_107 = vector.multi_reduction <minsi>, %select_n3A_105, %reduce_min3A_106 [1] : vector<256x2048xi32> to vector<256xi32>
    %broadcast_in_dim3A_108 = vector.shape_cast %reduce_min3A_107 : vector<256xi32> to vector<256x1xi32>
    %eq3A_109 = vector.broadcast %broadcast_in_dim3A_108 : vector<256x1xi32> to vector<256x2048xi32>
    %eq3A_110 = arith.cmpi eq, %iota3A, %eq3A_109 : vector<256x2048xi32>
    %jit3A_111 = arith.constant -3.000000e+38 : f32
    %broadcast_in_dim3A_112 = vector.broadcast %jit3A_111 : f32 to vector<256x2048xf32>
    %select_n3A_113 = arith.select %eq3A_110, %broadcast_in_dim3A_112, %select_n3A_97 : vector<256x2048xi1>, vector<256x2048xf32>
    %reduce_max3A_114 = arith.constant dense<0xFF800000> : vector<256xf32>
    %reduce_max3A_115 = vector.multi_reduction <maximumf>, %select_n3A_113, %reduce_max3A_114 [1] : vector<256x2048xf32> to vector<256xf32>
    %broadcast_in_dim3A_116 = vector.shape_cast %reduce_max3A_115 : vector<256xf32> to vector<256x1xf32>
    %ge3A_117 = vector.broadcast %broadcast_in_dim3A_116 : vector<256x1xf32> to vector<256x2048xf32>
    %ge3A_118 = arith.cmpf oge, %select_n3A_113, %ge3A_117 : vector<256x2048xf32>
    %jit3A_119 = arith.constant 2048 : i32
    %broadcast_in_dim3A_120 = vector.broadcast %jit3A_119 : i32 to vector<256x2048xi32>
    %select_n3A_121 = arith.select %ge3A_118, %iota3A, %broadcast_in_dim3A_120 : vector<256x2048xi1>, vector<256x2048xi32>
    %reduce_min3A_122 = arith.constant dense<2147483647> : vector<256xi32>
    %reduce_min3A_123 = vector.multi_reduction <minsi>, %select_n3A_121, %reduce_min3A_122 [1] : vector<256x2048xi32> to vector<256xi32>
    %broadcast_in_dim3A_124 = vector.shape_cast %reduce_min3A_123 : vector<256xi32> to vector<256x1xi32>
    %eq3A_125 = vector.broadcast %broadcast_in_dim3A_124 : vector<256x1xi32> to vector<256x2048xi32>
    %eq3A_126 = arith.cmpi eq, %iota3A, %eq3A_125 : vector<256x2048xi32>
    %jit3A_127 = arith.constant -3.000000e+38 : f32
    %broadcast_in_dim3A_128 = vector.broadcast %jit3A_127 : f32 to vector<256x2048xf32>
    %select_n3A_129 = arith.select %eq3A_126, %broadcast_in_dim3A_128, %select_n3A_113 : vector<256x2048xi1>, vector<256x2048xf32>
    %reduce_max3A_130 = arith.constant dense<0xFF800000> : vector<256xf32>
    %reduce_max3A_131 = vector.multi_reduction <maximumf>, %select_n3A_129, %reduce_max3A_130 [1] : vector<256x2048xf32> to vector<256xf32>
    %broadcast_in_dim3A_132 = vector.shape_cast %reduce_max3A_131 : vector<256xf32> to vector<256x1xf32>
    %ge3A_133 = vector.broadcast %broadcast_in_dim3A_132 : vector<256x1xf32> to vector<256x2048xf32>
    %ge3A_134 = arith.cmpf oge, %select_n3A_129, %ge3A_133 : vector<256x2048xf32>
    %jit3A_135 = arith.constant 2048 : i32
    %broadcast_in_dim3A_136 = vector.broadcast %jit3A_135 : i32 to vector<256x2048xi32>
    %select_n3A_137 = arith.select %ge3A_134, %iota3A, %broadcast_in_dim3A_136 : vector<256x2048xi1>, vector<256x2048xi32>
    %reduce_min3A_138 = arith.constant dense<2147483647> : vector<256xi32>
    %reduce_min3A_139 = vector.multi_reduction <minsi>, %select_n3A_137, %reduce_min3A_138 [1] : vector<256x2048xi32> to vector<256xi32>
    %broadcast_in_dim3A_140 = vector.shape_cast %reduce_min3A_139 : vector<256xi32> to vector<256x1xi32>
    %eq3A_141 = vector.broadcast %broadcast_in_dim3A_140 : vector<256x1xi32> to vector<256x2048xi32>
    %eq3A_142 = arith.cmpi eq, %iota3A, %eq3A_141 : vector<256x2048xi32>
    %jit3A_143 = arith.constant -3.000000e+38 : f32
    %broadcast_in_dim3A_144 = vector.broadcast %jit3A_143 : f32 to vector<256x2048xf32>
    %select_n3A_145 = arith.select %eq3A_142, %broadcast_in_dim3A_144, %select_n3A_129 : vector<256x2048xi1>, vector<256x2048xf32>
    %reduce_max3A_146 = arith.constant dense<0xFF800000> : vector<256xf32>
    %reduce_max3A_147 = vector.multi_reduction <maximumf>, %select_n3A_145, %reduce_max3A_146 [1] : vector<256x2048xf32> to vector<256xf32>
    %broadcast_in_dim3A_148 = vector.shape_cast %reduce_max3A_147 : vector<256xf32> to vector<256x1xf32>
    %ge3A_149 = vector.broadcast %broadcast_in_dim3A_148 : vector<256x1xf32> to vector<256x2048xf32>
    %ge3A_150 = arith.cmpf oge, %select_n3A_145, %ge3A_149 : vector<256x2048xf32>
    %jit3A_151 = arith.constant 2048 : i32
    %broadcast_in_dim3A_152 = vector.broadcast %jit3A_151 : i32 to vector<256x2048xi32>
    %select_n3A_153 = arith.select %ge3A_150, %iota3A, %broadcast_in_dim3A_152 : vector<256x2048xi1>, vector<256x2048xi32>
    %reduce_min3A_154 = arith.constant dense<2147483647> : vector<256xi32>
    %reduce_min3A_155 = vector.multi_reduction <minsi>, %select_n3A_153, %reduce_min3A_154 [1] : vector<256x2048xi32> to vector<256xi32>
    %broadcast_in_dim3A_156 = vector.shape_cast %reduce_min3A_155 : vector<256xi32> to vector<256x1xi32>
    %eq3A_157 = vector.broadcast %broadcast_in_dim3A_156 : vector<256x1xi32> to vector<256x2048xi32>
    %eq3A_158 = arith.cmpi eq, %iota3A, %eq3A_157 : vector<256x2048xi32>
    %jit3A_159 = arith.constant -3.000000e+38 : f32
    %broadcast_in_dim3A_160 = vector.broadcast %jit3A_159 : f32 to vector<256x2048xf32>
    %select_n3A_161 = arith.select %eq3A_158, %broadcast_in_dim3A_160, %select_n3A_145 : vector<256x2048xi1>, vector<256x2048xf32>
    %reduce_max3A_162 = arith.constant dense<0xFF800000> : vector<256xf32>
    %reduce_max3A_163 = vector.multi_reduction <maximumf>, %select_n3A_161, %reduce_max3A_162 [1] : vector<256x2048xf32> to vector<256xf32>
    %broadcast_in_dim3A_164 = vector.shape_cast %reduce_max3A_163 : vector<256xf32> to vector<256x1xf32>
    %ge3A_165 = vector.broadcast %broadcast_in_dim3A_164 : vector<256x1xf32> to vector<256x2048xf32>
    %ge3A_166 = arith.cmpf oge, %select_n3A_161, %ge3A_165 : vector<256x2048xf32>
    %jit3A_167 = arith.constant 2048 : i32
    %broadcast_in_dim3A_168 = vector.broadcast %jit3A_167 : i32 to vector<256x2048xi32>
    %select_n3A_169 = arith.select %ge3A_166, %iota3A, %broadcast_in_dim3A_168 : vector<256x2048xi1>, vector<256x2048xi32>
    %reduce_min3A_170 = arith.constant dense<2147483647> : vector<256xi32>
    %reduce_min3A_171 = vector.multi_reduction <minsi>, %select_n3A_169, %reduce_min3A_170 [1] : vector<256x2048xi32> to vector<256xi32>
    %broadcast_in_dim3A_172 = vector.shape_cast %reduce_min3A_171 : vector<256xi32> to vector<256x1xi32>
    %eq3A_173 = vector.broadcast %broadcast_in_dim3A_172 : vector<256x1xi32> to vector<256x2048xi32>
    %eq3A_174 = arith.cmpi eq, %iota3A, %eq3A_173 : vector<256x2048xi32>
    %jit3A_175 = arith.constant -3.000000e+38 : f32
    %broadcast_in_dim3A_176 = vector.broadcast %jit3A_175 : f32 to vector<256x2048xf32>
    %select_n3A_177 = arith.select %eq3A_174, %broadcast_in_dim3A_176, %select_n3A_161 : vector<256x2048xi1>, vector<256x2048xf32>
    %reduce_max3A_178 = arith.constant dense<0xFF800000> : vector<256xf32>
    %reduce_max3A_179 = vector.multi_reduction <maximumf>, %select_n3A_177, %reduce_max3A_178 [1] : vector<256x2048xf32> to vector<256xf32>
    %broadcast_in_dim3A_180 = vector.shape_cast %reduce_max3A_179 : vector<256xf32> to vector<256x1xf32>
    %ge3A_181 = vector.broadcast %broadcast_in_dim3A_180 : vector<256x1xf32> to vector<256x2048xf32>
    %ge3A_182 = arith.cmpf oge, %select_n3A_177, %ge3A_181 : vector<256x2048xf32>
    %jit3A_183 = arith.constant 2048 : i32
    %broadcast_in_dim3A_184 = vector.broadcast %jit3A_183 : i32 to vector<256x2048xi32>
    %select_n3A_185 = arith.select %ge3A_182, %iota3A, %broadcast_in_dim3A_184 : vector<256x2048xi1>, vector<256x2048xi32>
    %reduce_min3A_186 = arith.constant dense<2147483647> : vector<256xi32>
    %reduce_min3A_187 = vector.multi_reduction <minsi>, %select_n3A_185, %reduce_min3A_186 [1] : vector<256x2048xi32> to vector<256xi32>
    %broadcast_in_dim3A_188 = vector.shape_cast %reduce_min3A_187 : vector<256xi32> to vector<256x1xi32>
    %eq3A_189 = vector.broadcast %broadcast_in_dim3A_188 : vector<256x1xi32> to vector<256x2048xi32>
    %eq3A_190 = arith.cmpi eq, %iota3A, %eq3A_189 : vector<256x2048xi32>
    %jit3A_191 = arith.constant -3.000000e+38 : f32
    %broadcast_in_dim3A_192 = vector.broadcast %jit3A_191 : f32 to vector<256x2048xf32>
    %select_n3A_193 = arith.select %eq3A_190, %broadcast_in_dim3A_192, %select_n3A_177 : vector<256x2048xi1>, vector<256x2048xf32>
    %reduce_max3A_194 = arith.constant dense<0xFF800000> : vector<256xf32>
    %reduce_max3A_195 = vector.multi_reduction <maximumf>, %select_n3A_193, %reduce_max3A_194 [1] : vector<256x2048xf32> to vector<256xf32>
    %broadcast_in_dim3A_196 = vector.shape_cast %reduce_max3A_195 : vector<256xf32> to vector<256x1xf32>
    %ge3A_197 = vector.broadcast %broadcast_in_dim3A_196 : vector<256x1xf32> to vector<256x2048xf32>
    %ge3A_198 = arith.cmpf oge, %select_n3A_193, %ge3A_197 : vector<256x2048xf32>
    %jit3A_199 = arith.constant 2048 : i32
    %broadcast_in_dim3A_200 = vector.broadcast %jit3A_199 : i32 to vector<256x2048xi32>
    %select_n3A_201 = arith.select %ge3A_198, %iota3A, %broadcast_in_dim3A_200 : vector<256x2048xi1>, vector<256x2048xi32>
    %reduce_min3A_202 = arith.constant dense<2147483647> : vector<256xi32>
    %reduce_min3A_203 = vector.multi_reduction <minsi>, %select_n3A_201, %reduce_min3A_202 [1] : vector<256x2048xi32> to vector<256xi32>
    %broadcast_in_dim3A_204 = vector.shape_cast %reduce_min3A_203 : vector<256xi32> to vector<256x1xi32>
    %eq3A_205 = vector.broadcast %broadcast_in_dim3A_204 : vector<256x1xi32> to vector<256x2048xi32>
    %eq3A_206 = arith.cmpi eq, %iota3A, %eq3A_205 : vector<256x2048xi32>
    %jit3A_207 = arith.constant -3.000000e+38 : f32
    %broadcast_in_dim3A_208 = vector.broadcast %jit3A_207 : f32 to vector<256x2048xf32>
    %select_n3A_209 = arith.select %eq3A_206, %broadcast_in_dim3A_208, %select_n3A_193 : vector<256x2048xi1>, vector<256x2048xf32>
    %reduce_max3A_210 = arith.constant dense<0xFF800000> : vector<256xf32>
    %reduce_max3A_211 = vector.multi_reduction <maximumf>, %select_n3A_209, %reduce_max3A_210 [1] : vector<256x2048xf32> to vector<256xf32>
    %broadcast_in_dim3A_212 = vector.shape_cast %reduce_max3A_211 : vector<256xf32> to vector<256x1xf32>
    %ge3A_213 = vector.broadcast %broadcast_in_dim3A_212 : vector<256x1xf32> to vector<256x2048xf32>
    %ge3A_214 = arith.cmpf oge, %select_n3A_209, %ge3A_213 : vector<256x2048xf32>
    %jit3A_215 = arith.constant 2048 : i32
    %broadcast_in_dim3A_216 = vector.broadcast %jit3A_215 : i32 to vector<256x2048xi32>
    %select_n3A_217 = arith.select %ge3A_214, %iota3A, %broadcast_in_dim3A_216 : vector<256x2048xi1>, vector<256x2048xi32>
    %reduce_min3A_218 = arith.constant dense<2147483647> : vector<256xi32>
    %reduce_min3A_219 = vector.multi_reduction <minsi>, %select_n3A_217, %reduce_min3A_218 [1] : vector<256x2048xi32> to vector<256xi32>
    %broadcast_in_dim3A_220 = vector.shape_cast %reduce_min3A_219 : vector<256xi32> to vector<256x1xi32>
    %eq3A_221 = vector.broadcast %broadcast_in_dim3A_220 : vector<256x1xi32> to vector<256x2048xi32>
    %eq3A_222 = arith.cmpi eq, %iota3A, %eq3A_221 : vector<256x2048xi32>
    %jit3A_223 = arith.constant -3.000000e+38 : f32
    %broadcast_in_dim3A_224 = vector.broadcast %jit3A_223 : f32 to vector<256x2048xf32>
    %select_n3A_225 = arith.select %eq3A_222, %broadcast_in_dim3A_224, %select_n3A_209 : vector<256x2048xi1>, vector<256x2048xf32>
    %reduce_max3A_226 = arith.constant dense<0xFF800000> : vector<256xf32>
    %reduce_max3A_227 = vector.multi_reduction <maximumf>, %select_n3A_225, %reduce_max3A_226 [1] : vector<256x2048xf32> to vector<256xf32>
    %broadcast_in_dim3A_228 = vector.shape_cast %reduce_max3A_227 : vector<256xf32> to vector<256x1xf32>
    %ge3A_229 = vector.broadcast %broadcast_in_dim3A_228 : vector<256x1xf32> to vector<256x2048xf32>
    %ge3A_230 = arith.cmpf oge, %select_n3A_225, %ge3A_229 : vector<256x2048xf32>
    %jit3A_231 = arith.constant 2048 : i32
    %broadcast_in_dim3A_232 = vector.broadcast %jit3A_231 : i32 to vector<256x2048xi32>
    %select_n3A_233 = arith.select %ge3A_230, %iota3A, %broadcast_in_dim3A_232 : vector<256x2048xi1>, vector<256x2048xi32>
    %reduce_min3A_234 = arith.constant dense<2147483647> : vector<256xi32>
    %reduce_min3A_235 = vector.multi_reduction <minsi>, %select_n3A_233, %reduce_min3A_234 [1] : vector<256x2048xi32> to vector<256xi32>
    %broadcast_in_dim3A_236 = vector.shape_cast %reduce_min3A_235 : vector<256xi32> to vector<256x1xi32>
    %eq3A_237 = vector.broadcast %broadcast_in_dim3A_236 : vector<256x1xi32> to vector<256x2048xi32>
    %eq3A_238 = arith.cmpi eq, %iota3A, %eq3A_237 : vector<256x2048xi32>
    %jit3A_239 = arith.constant -3.000000e+38 : f32
    %broadcast_in_dim3A_240 = vector.broadcast %jit3A_239 : f32 to vector<256x2048xf32>
    %select_n3A_241 = arith.select %eq3A_238, %broadcast_in_dim3A_240, %select_n3A_225 : vector<256x2048xi1>, vector<256x2048xf32>
    %reduce_max3A_242 = arith.constant dense<0xFF800000> : vector<256xf32>
    %reduce_max3A_243 = vector.multi_reduction <maximumf>, %select_n3A_241, %reduce_max3A_242 [1] : vector<256x2048xf32> to vector<256xf32>
    %broadcast_in_dim3A_244 = vector.shape_cast %reduce_max3A_243 : vector<256xf32> to vector<256x1xf32>
    %ge3A_245 = vector.broadcast %broadcast_in_dim3A_244 : vector<256x1xf32> to vector<256x2048xf32>
    %ge3A_246 = arith.cmpf oge, %select_n3A_241, %ge3A_245 : vector<256x2048xf32>
    %jit3A_247 = arith.constant 2048 : i32
    %broadcast_in_dim3A_248 = vector.broadcast %jit3A_247 : i32 to vector<256x2048xi32>
    %select_n3A_249 = arith.select %ge3A_246, %iota3A, %broadcast_in_dim3A_248 : vector<256x2048xi1>, vector<256x2048xi32>
    %reduce_min3A_250 = arith.constant dense<2147483647> : vector<256xi32>
    %reduce_min3A_251 = vector.multi_reduction <minsi>, %select_n3A_249, %reduce_min3A_250 [1] : vector<256x2048xi32> to vector<256xi32>
    %broadcast_in_dim3A_252 = vector.shape_cast %reduce_min3A_251 : vector<256xi32> to vector<256x1xi32>
    %eq3A_253 = vector.broadcast %broadcast_in_dim3A_252 : vector<256x1xi32> to vector<256x2048xi32>
    %eq3A_254 = arith.cmpi eq, %iota3A, %eq3A_253 : vector<256x2048xi32>
    %jit3A_255 = arith.constant -3.000000e+38 : f32
    %broadcast_in_dim3A_256 = vector.broadcast %jit3A_255 : f32 to vector<256x2048xf32>
    %select_n3A_257 = arith.select %eq3A_254, %broadcast_in_dim3A_256, %select_n3A_241 : vector<256x2048xi1>, vector<256x2048xf32>
    %reduce_max3A_258 = arith.constant dense<0xFF800000> : vector<256xf32>
    %reduce_max3A_259 = vector.multi_reduction <maximumf>, %select_n3A_257, %reduce_max3A_258 [1] : vector<256x2048xf32> to vector<256xf32>
    %broadcast_in_dim3A_260 = vector.shape_cast %reduce_max3A_259 : vector<256xf32> to vector<256x1xf32>
    %ge3A_261 = vector.broadcast %broadcast_in_dim3A_260 : vector<256x1xf32> to vector<256x2048xf32>
    %ge3A_262 = arith.cmpf oge, %select_n3A_257, %ge3A_261 : vector<256x2048xf32>
    %jit3A_263 = arith.constant 2048 : i32
    %broadcast_in_dim3A_264 = vector.broadcast %jit3A_263 : i32 to vector<256x2048xi32>
    %select_n3A_265 = arith.select %ge3A_262, %iota3A, %broadcast_in_dim3A_264 : vector<256x2048xi1>, vector<256x2048xi32>
    %reduce_min3A_266 = arith.constant dense<2147483647> : vector<256xi32>
    %reduce_min3A_267 = vector.multi_reduction <minsi>, %select_n3A_265, %reduce_min3A_266 [1] : vector<256x2048xi32> to vector<256xi32>
    %broadcast_in_dim3A_268 = vector.shape_cast %reduce_min3A_267 : vector<256xi32> to vector<256x1xi32>
    %eq3A_269 = vector.broadcast %broadcast_in_dim3A_268 : vector<256x1xi32> to vector<256x2048xi32>
    %eq3A_270 = arith.cmpi eq, %iota3A, %eq3A_269 : vector<256x2048xi32>
    %jit3A_271 = arith.constant -3.000000e+38 : f32
    %broadcast_in_dim3A_272 = vector.broadcast %jit3A_271 : f32 to vector<256x2048xf32>
    %select_n3A_273 = arith.select %eq3A_270, %broadcast_in_dim3A_272, %select_n3A_257 : vector<256x2048xi1>, vector<256x2048xf32>
    %reduce_max3A_274 = arith.constant dense<0xFF800000> : vector<256xf32>
    %reduce_max3A_275 = vector.multi_reduction <maximumf>, %select_n3A_273, %reduce_max3A_274 [1] : vector<256x2048xf32> to vector<256xf32>
    %broadcast_in_dim3A_276 = vector.shape_cast %reduce_max3A_275 : vector<256xf32> to vector<256x1xf32>
    %ge3A_277 = vector.broadcast %broadcast_in_dim3A_276 : vector<256x1xf32> to vector<256x2048xf32>
    %ge3A_278 = arith.cmpf oge, %select_n3A_273, %ge3A_277 : vector<256x2048xf32>
    %jit3A_279 = arith.constant 2048 : i32
    %broadcast_in_dim3A_280 = vector.broadcast %jit3A_279 : i32 to vector<256x2048xi32>
    %select_n3A_281 = arith.select %ge3A_278, %iota3A, %broadcast_in_dim3A_280 : vector<256x2048xi1>, vector<256x2048xi32>
    %reduce_min3A_282 = arith.constant dense<2147483647> : vector<256xi32>
    %reduce_min3A_283 = vector.multi_reduction <minsi>, %select_n3A_281, %reduce_min3A_282 [1] : vector<256x2048xi32> to vector<256xi32>
    %broadcast_in_dim3A_284 = vector.shape_cast %reduce_min3A_283 : vector<256xi32> to vector<256x1xi32>
    %eq3A_285 = vector.broadcast %broadcast_in_dim3A_284 : vector<256x1xi32> to vector<256x2048xi32>
    %eq3A_286 = arith.cmpi eq, %iota3A, %eq3A_285 : vector<256x2048xi32>
    %jit3A_287 = arith.constant -3.000000e+38 : f32
    %broadcast_in_dim3A_288 = vector.broadcast %jit3A_287 : f32 to vector<256x2048xf32>
    %select_n3A_289 = arith.select %eq3A_286, %broadcast_in_dim3A_288, %select_n3A_273 : vector<256x2048xi1>, vector<256x2048xf32>
    %reduce_max3A_290 = arith.constant dense<0xFF800000> : vector<256xf32>
    %reduce_max3A_291 = vector.multi_reduction <maximumf>, %select_n3A_289, %reduce_max3A_290 [1] : vector<256x2048xf32> to vector<256xf32>
    %broadcast_in_dim3A_292 = vector.shape_cast %reduce_max3A_291 : vector<256xf32> to vector<256x1xf32>
    %ge3A_293 = vector.broadcast %broadcast_in_dim3A_292 : vector<256x1xf32> to vector<256x2048xf32>
    %ge3A_294 = arith.cmpf oge, %select_n3A_289, %ge3A_293 : vector<256x2048xf32>
    %jit3A_295 = arith.constant 2048 : i32
    %broadcast_in_dim3A_296 = vector.broadcast %jit3A_295 : i32 to vector<256x2048xi32>
    %select_n3A_297 = arith.select %ge3A_294, %iota3A, %broadcast_in_dim3A_296 : vector<256x2048xi1>, vector<256x2048xi32>
    %reduce_min3A_298 = arith.constant dense<2147483647> : vector<256xi32>
    %reduce_min3A_299 = vector.multi_reduction <minsi>, %select_n3A_297, %reduce_min3A_298 [1] : vector<256x2048xi32> to vector<256xi32>
    %broadcast_in_dim3A_300 = vector.shape_cast %reduce_min3A_299 : vector<256xi32> to vector<256x1xi32>
    %eq3A_301 = vector.broadcast %broadcast_in_dim3A_300 : vector<256x1xi32> to vector<256x2048xi32>
    %eq3A_302 = arith.cmpi eq, %iota3A, %eq3A_301 : vector<256x2048xi32>
    %jit3A_303 = arith.constant -3.000000e+38 : f32
    %broadcast_in_dim3A_304 = vector.broadcast %jit3A_303 : f32 to vector<256x2048xf32>
    %select_n3A_305 = arith.select %eq3A_302, %broadcast_in_dim3A_304, %select_n3A_289 : vector<256x2048xi1>, vector<256x2048xf32>
    %reduce_max3A_306 = arith.constant dense<0xFF800000> : vector<256xf32>
    %reduce_max3A_307 = vector.multi_reduction <maximumf>, %select_n3A_305, %reduce_max3A_306 [1] : vector<256x2048xf32> to vector<256xf32>
    %broadcast_in_dim3A_308 = vector.shape_cast %reduce_max3A_307 : vector<256xf32> to vector<256x1xf32>
    %ge3A_309 = vector.broadcast %broadcast_in_dim3A_308 : vector<256x1xf32> to vector<256x2048xf32>
    %ge3A_310 = arith.cmpf oge, %select_n3A_305, %ge3A_309 : vector<256x2048xf32>
    %jit3A_311 = arith.constant 2048 : i32
    %broadcast_in_dim3A_312 = vector.broadcast %jit3A_311 : i32 to vector<256x2048xi32>
    %select_n3A_313 = arith.select %ge3A_310, %iota3A, %broadcast_in_dim3A_312 : vector<256x2048xi1>, vector<256x2048xi32>
    %reduce_min3A_314 = arith.constant dense<2147483647> : vector<256xi32>
    %reduce_min3A_315 = vector.multi_reduction <minsi>, %select_n3A_313, %reduce_min3A_314 [1] : vector<256x2048xi32> to vector<256xi32>
    %broadcast_in_dim3A_316 = vector.shape_cast %reduce_min3A_315 : vector<256xi32> to vector<256x1xi32>
    %eq3A_317 = vector.broadcast %broadcast_in_dim3A_316 : vector<256x1xi32> to vector<256x2048xi32>
    %eq3A_318 = arith.cmpi eq, %iota3A, %eq3A_317 : vector<256x2048xi32>
    %jit3A_319 = arith.constant -3.000000e+38 : f32
    %broadcast_in_dim3A_320 = vector.broadcast %jit3A_319 : f32 to vector<256x2048xf32>
    %select_n3A_321 = arith.select %eq3A_318, %broadcast_in_dim3A_320, %select_n3A_305 : vector<256x2048xi1>, vector<256x2048xf32>
    %reduce_max3A_322 = arith.constant dense<0xFF800000> : vector<256xf32>
    %reduce_max3A_323 = vector.multi_reduction <maximumf>, %select_n3A_321, %reduce_max3A_322 [1] : vector<256x2048xf32> to vector<256xf32>
    %broadcast_in_dim3A_324 = vector.shape_cast %reduce_max3A_323 : vector<256xf32> to vector<256x1xf32>
    %ge3A_325 = vector.broadcast %broadcast_in_dim3A_324 : vector<256x1xf32> to vector<256x2048xf32>
    %ge3A_326 = arith.cmpf oge, %select_n3A_321, %ge3A_325 : vector<256x2048xf32>
    %jit3A_327 = arith.constant 2048 : i32
    %broadcast_in_dim3A_328 = vector.broadcast %jit3A_327 : i32 to vector<256x2048xi32>
    %select_n3A_329 = arith.select %ge3A_326, %iota3A, %broadcast_in_dim3A_328 : vector<256x2048xi1>, vector<256x2048xi32>
    %reduce_min3A_330 = arith.constant dense<2147483647> : vector<256xi32>
    %reduce_min3A_331 = vector.multi_reduction <minsi>, %select_n3A_329, %reduce_min3A_330 [1] : vector<256x2048xi32> to vector<256xi32>
    %broadcast_in_dim3A_332 = vector.shape_cast %reduce_min3A_331 : vector<256xi32> to vector<256x1xi32>
    %concatenate3A = tpu.concatenate %broadcast_in_dim3A_29, %broadcast_in_dim3A_44, %broadcast_in_dim3A_60, %broadcast_in_dim3A_76, %broadcast_in_dim3A_92, %broadcast_in_dim3A_108, %broadcast_in_dim3A_124, %broadcast_in_dim3A_140, %broadcast_in_dim3A_156, %broadcast_in_dim3A_172, %broadcast_in_dim3A_188, %broadcast_in_dim3A_204, %broadcast_in_dim3A_220, %broadcast_in_dim3A_236, %broadcast_in_dim3A_252, %broadcast_in_dim3A_268, %broadcast_in_dim3A_284, %broadcast_in_dim3A_300, %broadcast_in_dim3A_316, %broadcast_in_dim3A_332 in 1 : vector<256x1xi32>, vector<256x1xi32>, vector<256x1xi32>, vector<256x1xi32>, vector<256x1xi32>, vector<256x1xi32>, vector<256x1xi32>, vector<256x1xi32>, vector<256x1xi32>, vector<256x1xi32>, vector<256x1xi32>, vector<256x1xi32>, vector<256x1xi32>, vector<256x1xi32>, vector<256x1xi32>, vector<256x1xi32>, vector<256x1xi32>, vector<256x1xi32>, vector<256x1xi32>, vector<256x1xi32> -> vector<256x20xi32>
    %mul3A_333 = arith.constant 2048 : i32
    %mul3A_334 = arith.muli %arg0, %mul3A_333 : i32
    %add3A = vector.broadcast %mul3A_334 : i32 to vector<256x20xi32>
    %add3A_335 = arith.addi %concatenate3A, %add3A : vector<256x20xi32>
    %swap3A = arith.constant 0 : index
    %swap3A_336 = arith.constant 0 : index
    %swap3A_337 = vector.load %arg4[%swap3A, %swap3A_336] : memref<256x20xi32, #tpu.memory_space<vmem>>, vector<256x20xi32>
    tpu.vector_store %arg4[%swap3A, %swap3A_336], %add3A_335 {strides = array<i32>} : memref<256x20xi32, #tpu.memory_space<vmem>>, vector<256x20xi32>,
    return
  }
  func.func @transform_0(%arg0: i32, %arg1: i32) -> (i32, i32, i32) {
    %c0_i32 = arith.constant 0 : i32
    %c0_i32_0 = arith.constant 0 : i32
    %c0_i32_1 = arith.constant 0 : i32
    return %arg0, %c0_i32, %c0_i32_0 : i32, i32, i32
  }
  func.func @transform_1(%arg0: i32, %arg1: i32) -> (i32, i32, i32) {
    %c0_i32 = arith.constant 0 : i32
    %c0_i32_0 = arith.constant 0 : i32
    return %arg0, %arg1, %c0_i32 : i32, i32, i32
  }
  func.func @transform_2(%arg0: i32, %arg1: i32) -> (i32, i32) {
    %mul3A = arith.constant 8 : i32
    %mul3A_0 = arith.muli %arg0, %mul3A : i32
    %add3A = arith.addi %mul3A_0, %arg1 : i32
    %c0_i32 = arith.constant 0 : i32
    %c0_i32_1 = arith.constant 0 : i32
    return %add3A, %c0_i32 : i32, i32
  }
}

module attributes {stable_mosaic.version = 14 : i64} {
  func.func @_conv_body(%arg0: i32, %arg1: memref<2560x128xf32, #tpu.memory_space<vmem>>, %arg2: memref<128x128xf32, #tpu.memory_space<vmem>>, %arg3: memref<256x64xbf16, #tpu.memory_space<vmem>>, %arg4: memref<128x64xf32, #tpu.memory_space<vmem>>, %arg5: memref<2x64xf32, #tpu.memory_space<vmem>>, %arg6: memref<2x64xf32, #tpu.memory_space<vmem>>) attributes {dimension_semantics = [#tpu.dimension_semantics<arbitrary>], iteration_bounds = array<i64: 256>, scalar_prefetch = 0 : i64, scratch_operands = 1 : i64, tpu.core_type = #tpu.core_type<tc>, window_params = [{transform_indices = @transform_0, window_bounds = array<i64: 2560, 128>}, {transform_indices = @transform_1, window_bounds = array<i64: 128, 128>}, {pipeline_mode = #tpu.pipeline_mode<synchronous>, transform_indices = @transform_2, window_bounds = array<i64: 256, 64>}, {transform_indices = @transform_3, window_bounds = array<i64: 128, 64>}, {pipeline_mode = #tpu.pipeline_mode<synchronous>, transform_indices = @transform_4, window_bounds = array<i64: 2, 64>}]} {
    %get3A = arith.constant 0 : index
    %get3A_0 = arith.constant 0 : index
    %get3A_1 = vector.load %arg2[%get3A, %get3A_0] : memref<128x128xf32, #tpu.memory_space<vmem>>, vector<128x128xf32>
    %get3A_2 = arith.constant 0 : index
    %get3A_3 = arith.constant 0 : index
    %get3A_4 = vector.load %arg1[%get3A_2, %get3A_3] : memref<2560x128xf32, #tpu.memory_space<vmem>>, vector<2560x128xf32>
    %broadcast_in_dim3A = vector.shape_cast %get3A_1 : vector<128x128xf32> to vector<128x1x128xf32>
    %broadcast_in_dim3A_5 = vector.shape_cast %broadcast_in_dim3A : vector<128x1x128xf32> to vector<128x1x128xf32>
    %broadcast_in_dim3A_6 = vector.broadcast %broadcast_in_dim3A_5 : vector<128x1x128xf32> to vector<128x20x128xf32>
    %reshape3A = vector.shape_cast %get3A_4 : vector<2560x128xf32> to vector<128x20x128xf32>
    %sub3A = arith.subf %reshape3A, %broadcast_in_dim3A_6 : vector<128x20x128xf32>
    %reshape3A_7 = vector.shape_cast %sub3A : vector<128x20x128xf32> to vector<2560x128xf32>
    %reshape3A_8 = vector.shape_cast %broadcast_in_dim3A_6 : vector<128x20x128xf32> to vector<2560x128xf32>
    %concatenate3A = tpu.concatenate %reshape3A_7, %reshape3A_8 in 1 : vector<2560x128xf32>, vector<2560x128xf32> -> vector<2560x256xf32>
    %convert_element_type3A = arith.truncf %concatenate3A : vector<2560x256xf32> to vector<2560x256xbf16>
    %get3A_9 = arith.constant 0 : index
    %get3A_10 = arith.constant 0 : index
    %get3A_11 = vector.load %arg3[%get3A_9, %get3A_10] : memref<256x64xbf16, #tpu.memory_space<vmem>>, vector<256x64xbf16>
    %dot_general3A = arith.constant dense<0.000000e+00> : vector<2560x64xf32>
    %dot_general3A_12 = tpu.matmul %convert_element_type3A, %get3A_11, %dot_general3A {dimension_numbers = #tpu.dot_dimension_numbers<[1], [0], [0], [1], [0, 0, 1, 1], [], []>, transpose_lhs_hint = false} : vector<2560x256xbf16>, vector<256x64xbf16>, vector<2560x64xf32> -> vector<2560x64xf32>
    %reshape3A_13 = vector.shape_cast %dot_general3A_12 : vector<2560x64xf32> to vector<128x20x64xf32>
    %reduce_max3A = arith.constant dense<0xFF800000> : vector<128x64xf32>
    %reduce_max3A_14 = vector.multi_reduction <maximumf>, %reshape3A_13, %reduce_max3A [1] : vector<128x20x64xf32> to vector<128x64xf32>
    %swap3A = arith.constant 0 : index
    %swap3A_15 = arith.constant 0 : index
    %swap3A_16 = vector.load %arg4[%swap3A, %swap3A_15] : memref<128x64xf32, #tpu.memory_space<vmem>>, vector<128x64xf32>
    tpu.vector_store %arg4[%swap3A, %swap3A_15], %reduce_max3A_14 {strides = array<i32>} : memref<128x64xf32, #tpu.memory_space<vmem>>, vector<128x64xf32>,
    %reshape3A_17 = vector.shape_cast %reshape3A_13 : vector<128x20x64xf32> to vector<2560x64xf32>
    %reduce_sum3A = arith.constant dense<0.000000e+00> : vector<64xf32>
    %reduce_sum3A_18 = vector.multi_reduction <add>, %reshape3A_17, %reduce_sum3A [0] : vector<2560x64xf32> to vector<64xf32>
    %broadcast_in_dim3A_19 = vector.shape_cast %reduce_sum3A_18 : vector<64xf32> to vector<1x64xf32>
    %mul3A = arith.mulf %reshape3A_13, %reshape3A_13 : vector<128x20x64xf32>
    %reshape3A_20 = vector.shape_cast %mul3A : vector<128x20x64xf32> to vector<2560x64xf32>
    %reduce_sum3A_21 = arith.constant dense<0.000000e+00> : vector<64xf32>
    %reduce_sum3A_22 = vector.multi_reduction <add>, %reshape3A_20, %reduce_sum3A_21 [0] : vector<2560x64xf32> to vector<64xf32>
    %broadcast_in_dim3A_23 = vector.shape_cast %reduce_sum3A_22 : vector<64xf32> to vector<1x64xf32>
    %concatenate3A_24 = tpu.concatenate %broadcast_in_dim3A_19, %broadcast_in_dim3A_23 in 0 : vector<1x64xf32>, vector<1x64xf32> -> vector<2x64xf32>
    %eq3A = arith.constant 0 : i32
    %eq3A_25 = arith.cmpi eq, %arg0, %eq3A : i32
    %convert_element_type3A_26 = arith.extui %eq3A_25 : i1 to i32
    %cond3A = arith.constant 0 : i32
    %cond3A_27 = arith.cmpi ne, %convert_element_type3A_26, %cond3A : i32
    scf.if %cond3A_27 {
      %swap3A_37 = arith.constant 0 : index
      %swap3A_38 = arith.constant 0 : index
      %swap3A_39 = vector.load %arg6[%swap3A_37, %swap3A_38] : memref<2x64xf32, #tpu.memory_space<vmem>>, vector<2x64xf32>
      tpu.vector_store %arg6[%swap3A_37, %swap3A_38], %concatenate3A_24 {strides = array<i32>} : memref<2x64xf32, #tpu.memory_space<vmem>>, vector<2x64xf32>,
    } else {
    }
    %gt3A = arith.constant 0 : i32
    %gt3A_28 = arith.cmpi sgt, %arg0, %gt3A : i32
    %convert_element_type3A_29 = arith.extui %gt3A_28 : i1 to i32
    %cond3A_30 = arith.constant 0 : i32
    %cond3A_31 = arith.cmpi ne, %convert_element_type3A_29, %cond3A_30 : i32
    scf.if %cond3A_31 {
      %get3A_37 = arith.constant 0 : index
      %get3A_38 = arith.constant 0 : index
      %get3A_39 = vector.load %arg6[%get3A_37, %get3A_38] : memref<2x64xf32, #tpu.memory_space<vmem>>, vector<2x64xf32>
      %add3A = arith.addf %get3A_39, %concatenate3A_24 : vector<2x64xf32>
      %swap3A_40 = arith.constant 0 : index
      %swap3A_41 = arith.constant 0 : index
      %swap3A_42 = vector.load %arg6[%swap3A_40, %swap3A_41] : memref<2x64xf32, #tpu.memory_space<vmem>>, vector<2x64xf32>
      tpu.vector_store %arg6[%swap3A_40, %swap3A_41], %add3A {strides = array<i32>} : memref<2x64xf32, #tpu.memory_space<vmem>>, vector<2x64xf32>,
    } else {
    }
    %eq3A_32 = arith.constant 255 : i32
    %eq3A_33 = arith.cmpi eq, %arg0, %eq3A_32 : i32
    %convert_element_type3A_34 = arith.extui %eq3A_33 : i1 to i32
    %cond3A_35 = arith.constant 0 : i32
    %cond3A_36 = arith.cmpi ne, %convert_element_type3A_34, %cond3A_35 : i32
    scf.if %cond3A_36 {
      %get3A_37 = arith.constant 0 : index
      %get3A_38 = arith.constant 0 : index
      %get3A_39 = vector.load %arg6[%get3A_37, %get3A_38] : memref<2x64xf32, #tpu.memory_space<vmem>>, vector<2x64xf32>
      %swap3A_40 = arith.constant 0 : index
      %swap3A_41 = arith.constant 0 : index
      %swap3A_42 = vector.load %arg5[%swap3A_40, %swap3A_41] : memref<2x64xf32, #tpu.memory_space<vmem>>, vector<2x64xf32>
      tpu.vector_store %arg5[%swap3A_40, %swap3A_41], %get3A_39 {strides = array<i32>} : memref<2x64xf32, #tpu.memory_space<vmem>>, vector<2x64xf32>,
    } else {
    }
    return
  }
  func.func @transform_0(%arg0: i32) -> (i32, i32) {
    %c0_i32 = arith.constant 0 : i32
    %c0_i32_0 = arith.constant 0 : i32
    return %arg0, %c0_i32 : i32, i32
  }
  func.func @transform_1(%arg0: i32) -> (i32, i32) {
    %c0_i32 = arith.constant 0 : i32
    %c0_i32_0 = arith.constant 0 : i32
    return %arg0, %c0_i32 : i32, i32
  }
  func.func @transform_2(%arg0: i32) -> (i32, i32) {
    %c0_i32 = arith.constant 0 : i32
    %c0_i32_0 = arith.constant 0 : i32
    %c0_i32_1 = arith.constant 0 : i32
    return %c0_i32, %c0_i32_0 : i32, i32
  }
  func.func @transform_3(%arg0: i32) -> (i32, i32) {
    %c0_i32 = arith.constant 0 : i32
    %c0_i32_0 = arith.constant 0 : i32
    return %arg0, %c0_i32 : i32, i32
  }
  func.func @transform_4(%arg0: i32) -> (i32, i32) {
    %c0_i32 = arith.constant 0 : i32
    %c0_i32_0 = arith.constant 0 : i32
    %c0_i32_1 = arith.constant 0 : i32
    return %c0_i32, %c0_i32_0 : i32, i32
  }
}

module attributes {stable_mosaic.version = 14 : i64} {
  func.func @_pd_next_body(%arg0: i32, %arg1: i32, %arg2: memref<1x2048x64xf32, #tpu.memory_space<vmem>>, %arg3: memref<1x256x64xf32, #tpu.memory_space<vmem>>, %arg4: memref<2x64xf32, #tpu.memory_space<vmem>>, %arg5: memref<1x64xf32, #tpu.memory_space<vmem>>, %arg6: memref<1x64xf32, #tpu.memory_space<vmem>>, %arg7: memref<256x20xi32, #tpu.memory_space<vmem>>, %arg8: memref<256x128xf32, #tpu.memory_space<vmem>>) attributes {dimension_semantics = [#tpu.dimension_semantics<arbitrary>, #tpu.dimension_semantics<arbitrary>], iteration_bounds = array<i64: 16, 8>, scalar_prefetch = 0 : i64, scratch_operands = 0 : i64, tpu.core_type = #tpu.core_type<tc>, window_params = [{transform_indices = @transform_0, window_bounds = array<i64: 1, 2048, 64>}, {transform_indices = @transform_1, window_bounds = array<i64: 1, 256, 64>}, {pipeline_mode = #tpu.pipeline_mode<synchronous>, transform_indices = @transform_2, window_bounds = array<i64: 2, 64>}, {pipeline_mode = #tpu.pipeline_mode<synchronous>, transform_indices = @transform_3, window_bounds = array<i64: 1, 64>}, {pipeline_mode = #tpu.pipeline_mode<synchronous>, transform_indices = @transform_4, window_bounds = array<i64: 1, 64>}, {transform_indices = @transform_5, window_bounds = array<i64: 256, 20>}, {transform_indices = @transform_6, window_bounds = array<i64: 256, 128>}]} {
    %get3A = arith.constant 0 : index
    %get3A_0 = arith.constant 0 : index
    %get3A_1 = arith.constant 0 : index
    %get3A_2 = vector.load %arg2[%get3A, %get3A_0, %get3A_1] : memref<1x2048x64xf32, #tpu.memory_space<vmem>>, vector<1x2048x64xf32>
    %get3A_3 = vector.shape_cast %get3A_2 : vector<1x2048x64xf32> to vector<2048x64xf32>
    %get3A_4 = arith.constant 0 : index
    %get3A_5 = arith.constant 0 : index
    %get3A_6 = vector.load %arg4[%get3A_4, %get3A_5] : memref<2x64xf32, #tpu.memory_space<vmem>>, vector<2x64xf32>
    %get3A_7 = arith.constant 0 : index
    %get3A_8 = arith.constant 0 : index
    %get3A_9 = vector.load %arg5[%get3A_7, %get3A_8] : memref<1x64xf32, #tpu.memory_space<vmem>>, vector<1x64xf32>
    %get3A_10 = arith.constant 0 : index
    %get3A_11 = arith.constant 0 : index
    %get3A_12 = vector.load %arg6[%get3A_10, %get3A_11] : memref<1x64xf32, #tpu.memory_space<vmem>>, vector<1x64xf32>
    %slice3A = vector.extract_strided_slice %get3A_6 {offsets = [0, 0], sizes = [1, 64], strides = [1, 1]} : vector<2x64xf32> to vector<1x64xf32>
    %div3A = arith.constant 6.553600e+05 : f32
    %div3A_13 = vector.broadcast %div3A : f32 to vector<1x64xf32>
    %div3A_14 = arith.divf %slice3A, %div3A_13 : vector<1x64xf32>
    %slice3A_15 = vector.extract_strided_slice %get3A_6 {offsets = [1, 0], sizes = [1, 64], strides = [1, 1]} : vector<2x64xf32> to vector<1x64xf32>
    %div3A_16 = arith.constant 6.553600e+05 : f32
    %div3A_17 = vector.broadcast %div3A_16 : f32 to vector<1x64xf32>
    %div3A_18 = arith.divf %slice3A_15, %div3A_17 : vector<1x64xf32>
    %mul3A = arith.mulf %div3A_14, %div3A_14 : vector<1x64xf32>
    %sub3A = arith.subf %div3A_18, %mul3A : vector<1x64xf32>
    %sub3A_19 = vector.broadcast %div3A_14 : vector<1x64xf32> to vector<2048x64xf32>
    %sub3A_20 = arith.subf %get3A_3, %sub3A_19 : vector<2048x64xf32>
    %add3A = arith.constant 9.99999974E-6 : f32
    %add3A_21 = vector.broadcast %add3A : f32 to vector<1x64xf32>
    %add3A_22 = arith.addf %sub3A, %add3A_21 : vector<1x64xf32>
    %sqrt3A = math.sqrt %add3A_22 : vector<1x64xf32>
    %div3A_23 = vector.broadcast %sqrt3A : vector<1x64xf32> to vector<2048x64xf32>
    %div3A_24 = arith.divf %sub3A_20, %div3A_23 : vector<2048x64xf32>
    %mul3A_25 = vector.broadcast %get3A_9 : vector<1x64xf32> to vector<2048x64xf32>
    %mul3A_26 = arith.mulf %div3A_24, %mul3A_25 : vector<2048x64xf32>
    %add3A_27 = vector.broadcast %get3A_12 : vector<1x64xf32> to vector<2048x64xf32>
    %add3A_28 = arith.addf %mul3A_26, %add3A_27 : vector<2048x64xf32>
    %ge3A = arith.constant 0.000000e+00 : f32
    %ge3A_29 = vector.broadcast %ge3A : f32 to vector<2048x64xf32>
    %ge3A_30 = arith.cmpf oge, %add3A_28, %ge3A_29 : vector<2048x64xf32>
    %mul3A_31 = arith.constant 2.000000e-01 : f32
    %mul3A_32 = vector.broadcast %mul3A_31 : f32 to vector<2048x64xf32>
    %mul3A_33 = arith.mulf %mul3A_32, %add3A_28 : vector<2048x64xf32>
    %select_n3A = arith.select %ge3A_30, %add3A_28, %mul3A_33 : vector<2048x64xi1>, vector<2048x64xf32>
    %get3A_34 = arith.constant 0 : index
    %get3A_35 = arith.constant 0 : index
    %get3A_36 = arith.constant 0 : index
    %get3A_37 = vector.load %arg3[%get3A_34, %get3A_35, %get3A_36] : memref<1x256x64xf32, #tpu.memory_space<vmem>>, vector<1x256x64xf32>
    %get3A_38 = vector.shape_cast %get3A_37 : vector<1x256x64xf32> to vector<256x64xf32>
    %get3A_39 = arith.constant 0 : index
    %get3A_40 = arith.constant 0 : index
    %get3A_41 = vector.load %arg4[%get3A_39, %get3A_40] : memref<2x64xf32, #tpu.memory_space<vmem>>, vector<2x64xf32>
    %get3A_42 = arith.constant 0 : index
    %get3A_43 = arith.constant 0 : index
    %get3A_44 = vector.load %arg5[%get3A_42, %get3A_43] : memref<1x64xf32, #tpu.memory_space<vmem>>, vector<1x64xf32>
    %get3A_45 = arith.constant 0 : index
    %get3A_46 = arith.constant 0 : index
    %get3A_47 = vector.load %arg6[%get3A_45, %get3A_46] : memref<1x64xf32, #tpu.memory_space<vmem>>, vector<1x64xf32>
    %slice3A_48 = vector.extract_strided_slice %get3A_41 {offsets = [0, 0], sizes = [1, 64], strides = [1, 1]} : vector<2x64xf32> to vector<1x64xf32>
    %div3A_49 = arith.constant 6.553600e+05 : f32
    %div3A_50 = vector.broadcast %div3A_49 : f32 to vector<1x64xf32>
    %div3A_51 = arith.divf %slice3A_48, %div3A_50 : vector<1x64xf32>
    %slice3A_52 = vector.extract_strided_slice %get3A_41 {offsets = [1, 0], sizes = [1, 64], strides = [1, 1]} : vector<2x64xf32> to vector<1x64xf32>
    %div3A_53 = arith.constant 6.553600e+05 : f32
    %div3A_54 = vector.broadcast %div3A_53 : f32 to vector<1x64xf32>
    %div3A_55 = arith.divf %slice3A_52, %div3A_54 : vector<1x64xf32>
    %mul3A_56 = arith.mulf %div3A_51, %div3A_51 : vector<1x64xf32>
    %sub3A_57 = arith.subf %div3A_55, %mul3A_56 : vector<1x64xf32>
    %sub3A_58 = vector.broadcast %div3A_51 : vector<1x64xf32> to vector<256x64xf32>
    %sub3A_59 = arith.subf %get3A_38, %sub3A_58 : vector<256x64xf32>
    %add3A_60 = arith.constant 9.99999974E-6 : f32
    %add3A_61 = vector.broadcast %add3A_60 : f32 to vector<1x64xf32>
    %add3A_62 = arith.addf %sub3A_57, %add3A_61 : vector<1x64xf32>
    %sqrt3A_63 = math.sqrt %add3A_62 : vector<1x64xf32>
    %div3A_64 = vector.broadcast %sqrt3A_63 : vector<1x64xf32> to vector<256x64xf32>
    %div3A_65 = arith.divf %sub3A_59, %div3A_64 : vector<256x64xf32>
    %mul3A_66 = vector.broadcast %get3A_44 : vector<1x64xf32> to vector<256x64xf32>
    %mul3A_67 = arith.mulf %div3A_65, %mul3A_66 : vector<256x64xf32>
    %add3A_68 = vector.broadcast %get3A_47 : vector<1x64xf32> to vector<256x64xf32>
    %add3A_69 = arith.addf %mul3A_67, %add3A_68 : vector<256x64xf32>
    %ge3A_70 = arith.constant 0.000000e+00 : f32
    %ge3A_71 = vector.broadcast %ge3A_70 : f32 to vector<256x64xf32>
    %ge3A_72 = arith.cmpf oge, %add3A_69, %ge3A_71 : vector<256x64xf32>
    %mul3A_73 = arith.constant 2.000000e-01 : f32
    %mul3A_74 = vector.broadcast %mul3A_73 : f32 to vector<256x64xf32>
    %mul3A_75 = arith.mulf %mul3A_74, %add3A_69 : vector<256x64xf32>
    %select_n3A_76 = arith.select %ge3A_72, %add3A_69, %mul3A_75 : vector<256x64xi1>, vector<256x64xf32>
    %broadcast_in_dim3A = arith.constant 0.000000e+00 : f32
    %broadcast_in_dim3A_77 = vector.broadcast %broadcast_in_dim3A : f32 to vector<256x64xf32>
    %concatenate3A = tpu.concatenate %select_n3A_76, %broadcast_in_dim3A_77 in 1 : vector<256x64xf32>, vector<256x64xf32> -> vector<256x128xf32>
    %swap3A = arith.constant 0 : index
    %swap3A_78 = arith.constant 0 : index
    %swap3A_79 = vector.load %arg8[%swap3A, %swap3A_78] : memref<256x128xf32, #tpu.memory_space<vmem>>, vector<256x128xf32>
    tpu.vector_store %arg8[%swap3A, %swap3A_78], %concatenate3A {strides = array<i32>} : memref<256x128xf32, #tpu.memory_space<vmem>>, vector<256x128xf32>,
    %mul3A_80 = arith.mulf %select_n3A, %select_n3A : vector<2048x64xf32>
    %reduce_sum3A = arith.constant dense<0.000000e+00> : vector<2048xf32>
    %reduce_sum3A_81 = vector.multi_reduction <add>, %mul3A_80, %reduce_sum3A [1] : vector<2048x64xf32> to vector<2048xf32>
    %convert_element_type3A = arith.truncf %select_n3A_76 : vector<256x64xf32> to vector<256x64xbf16>
    %convert_element_type3A_82 = arith.truncf %select_n3A : vector<2048x64xf32> to vector<2048x64xbf16>
    %dot_general3A = arith.constant dense<0.000000e+00> : vector<256x2048xf32>
    %dot_general3A_83 = tpu.matmul %convert_element_type3A, %convert_element_type3A_82, %dot_general3A {dimension_numbers = #tpu.dot_dimension_numbers<[1], [1], [0], [0], [0, 0, 1, 0], [], []>, transpose_lhs_hint = false} : vector<256x64xbf16>, vector<2048x64xbf16>, vector<256x2048xf32> -> vector<256x2048xf32>
    %mul3A_84 = arith.constant -2.000000e+00 : f32
    %mul3A_85 = vector.broadcast %mul3A_84 : f32 to vector<256x2048xf32>
    %mul3A_86 = arith.mulf %mul3A_85, %dot_general3A_83 : vector<256x2048xf32>
    %mul3A_87 = arith.mulf %select_n3A_76, %select_n3A_76 : vector<256x64xf32>
    %reduce_sum3A_88 = arith.constant dense<0.000000e+00> : vector<256xf32>
    %reduce_sum3A_89 = vector.multi_reduction <add>, %mul3A_87, %reduce_sum3A_88 [1] : vector<256x64xf32> to vector<256xf32>
    %broadcast_in_dim3A_90 = vector.shape_cast %reduce_sum3A_89 : vector<256xf32> to vector<256x1xf32>
    %neg3A = arith.constant 0.000000e+00 : f32
    %neg3A_91 = vector.broadcast %neg3A : f32 to vector<256x1xf32>
    %neg3A_92 = arith.subf %neg3A_91, %broadcast_in_dim3A_90 : vector<256x1xf32>
    %sub3A_93 = vector.broadcast %neg3A_92 : vector<256x1xf32> to vector<256x2048xf32>
    %sub3A_94 = arith.subf %sub3A_93, %mul3A_86 : vector<256x2048xf32>
    %broadcast_in_dim3A_95 = vector.shape_cast %reduce_sum3A_81 : vector<2048xf32> to vector<1x2048xf32>
    %sub3A_96 = vector.broadcast %broadcast_in_dim3A_95 : vector<1x2048xf32> to vector<256x2048xf32>
    %sub3A_97 = arith.subf %sub3A_94, %sub3A_96 : vector<256x2048xf32>
    %iota3A = tpu.iota {dimensions = array<i32: 1>} : vector<256x2048xi32>
    %reduce_max3A = arith.constant dense<0xFF800000> : vector<256xf32>
    %reduce_max3A_98 = vector.multi_reduction <maximumf>, %sub3A_97, %reduce_max3A [1] : vector<256x2048xf32> to vector<256xf32>
    %broadcast_in_dim3A_99 = vector.shape_cast %reduce_max3A_98 : vector<256xf32> to vector<256x1xf32>
    %ge3A_100 = vector.broadcast %broadcast_in_dim3A_99 : vector<256x1xf32> to vector<256x2048xf32>
    %ge3A_101 = arith.cmpf oge, %sub3A_97, %ge3A_100 : vector<256x2048xf32>
    %jit3A = arith.constant 2048 : i32
    %broadcast_in_dim3A_102 = vector.broadcast %jit3A : i32 to vector<256x2048xi32>
    %select_n3A_103 = arith.select %ge3A_101, %iota3A, %broadcast_in_dim3A_102 : vector<256x2048xi1>, vector<256x2048xi32>
    %reduce_min3A = arith.constant dense<2147483647> : vector<256xi32>
    %reduce_min3A_104 = vector.multi_reduction <minsi>, %select_n3A_103, %reduce_min3A [1] : vector<256x2048xi32> to vector<256xi32>
    %broadcast_in_dim3A_105 = vector.shape_cast %reduce_min3A_104 : vector<256xi32> to vector<256x1xi32>
    %eq3A = vector.broadcast %broadcast_in_dim3A_105 : vector<256x1xi32> to vector<256x2048xi32>
    %eq3A_106 = arith.cmpi eq, %iota3A, %eq3A : vector<256x2048xi32>
    %jit3A_107 = arith.constant -3.000000e+38 : f32
    %broadcast_in_dim3A_108 = vector.broadcast %jit3A_107 : f32 to vector<256x2048xf32>
    %select_n3A_109 = arith.select %eq3A_106, %broadcast_in_dim3A_108, %sub3A_97 : vector<256x2048xi1>, vector<256x2048xf32>
    %reduce_max3A_110 = arith.constant dense<0xFF800000> : vector<256xf32>
    %reduce_max3A_111 = vector.multi_reduction <maximumf>, %select_n3A_109, %reduce_max3A_110 [1] : vector<256x2048xf32> to vector<256xf32>
    %broadcast_in_dim3A_112 = vector.shape_cast %reduce_max3A_111 : vector<256xf32> to vector<256x1xf32>
    %ge3A_113 = vector.broadcast %broadcast_in_dim3A_112 : vector<256x1xf32> to vector<256x2048xf32>
    %ge3A_114 = arith.cmpf oge, %select_n3A_109, %ge3A_113 : vector<256x2048xf32>
    %jit3A_115 = arith.constant 2048 : i32
    %broadcast_in_dim3A_116 = vector.broadcast %jit3A_115 : i32 to vector<256x2048xi32>
    %select_n3A_117 = arith.select %ge3A_114, %iota3A, %broadcast_in_dim3A_116 : vector<256x2048xi1>, vector<256x2048xi32>
    %reduce_min3A_118 = arith.constant dense<2147483647> : vector<256xi32>
    %reduce_min3A_119 = vector.multi_reduction <minsi>, %select_n3A_117, %reduce_min3A_118 [1] : vector<256x2048xi32> to vector<256xi32>
    %broadcast_in_dim3A_120 = vector.shape_cast %reduce_min3A_119 : vector<256xi32> to vector<256x1xi32>
    %eq3A_121 = vector.broadcast %broadcast_in_dim3A_120 : vector<256x1xi32> to vector<256x2048xi32>
    %eq3A_122 = arith.cmpi eq, %iota3A, %eq3A_121 : vector<256x2048xi32>
    %jit3A_123 = arith.constant -3.000000e+38 : f32
    %broadcast_in_dim3A_124 = vector.broadcast %jit3A_123 : f32 to vector<256x2048xf32>
    %select_n3A_125 = arith.select %eq3A_122, %broadcast_in_dim3A_124, %select_n3A_109 : vector<256x2048xi1>, vector<256x2048xf32>
    %reduce_max3A_126 = arith.constant dense<0xFF800000> : vector<256xf32>
    %reduce_max3A_127 = vector.multi_reduction <maximumf>, %select_n3A_125, %reduce_max3A_126 [1] : vector<256x2048xf32> to vector<256xf32>
    %broadcast_in_dim3A_128 = vector.shape_cast %reduce_max3A_127 : vector<256xf32> to vector<256x1xf32>
    %ge3A_129 = vector.broadcast %broadcast_in_dim3A_128 : vector<256x1xf32> to vector<256x2048xf32>
    %ge3A_130 = arith.cmpf oge, %select_n3A_125, %ge3A_129 : vector<256x2048xf32>
    %jit3A_131 = arith.constant 2048 : i32
    %broadcast_in_dim3A_132 = vector.broadcast %jit3A_131 : i32 to vector<256x2048xi32>
    %select_n3A_133 = arith.select %ge3A_130, %iota3A, %broadcast_in_dim3A_132 : vector<256x2048xi1>, vector<256x2048xi32>
    %reduce_min3A_134 = arith.constant dense<2147483647> : vector<256xi32>
    %reduce_min3A_135 = vector.multi_reduction <minsi>, %select_n3A_133, %reduce_min3A_134 [1] : vector<256x2048xi32> to vector<256xi32>
    %broadcast_in_dim3A_136 = vector.shape_cast %reduce_min3A_135 : vector<256xi32> to vector<256x1xi32>
    %eq3A_137 = vector.broadcast %broadcast_in_dim3A_136 : vector<256x1xi32> to vector<256x2048xi32>
    %eq3A_138 = arith.cmpi eq, %iota3A, %eq3A_137 : vector<256x2048xi32>
    %jit3A_139 = arith.constant -3.000000e+38 : f32
    %broadcast_in_dim3A_140 = vector.broadcast %jit3A_139 : f32 to vector<256x2048xf32>
    %select_n3A_141 = arith.select %eq3A_138, %broadcast_in_dim3A_140, %select_n3A_125 : vector<256x2048xi1>, vector<256x2048xf32>
    %reduce_max3A_142 = arith.constant dense<0xFF800000> : vector<256xf32>
    %reduce_max3A_143 = vector.multi_reduction <maximumf>, %select_n3A_141, %reduce_max3A_142 [1] : vector<256x2048xf32> to vector<256xf32>
    %broadcast_in_dim3A_144 = vector.shape_cast %reduce_max3A_143 : vector<256xf32> to vector<256x1xf32>
    %ge3A_145 = vector.broadcast %broadcast_in_dim3A_144 : vector<256x1xf32> to vector<256x2048xf32>
    %ge3A_146 = arith.cmpf oge, %select_n3A_141, %ge3A_145 : vector<256x2048xf32>
    %jit3A_147 = arith.constant 2048 : i32
    %broadcast_in_dim3A_148 = vector.broadcast %jit3A_147 : i32 to vector<256x2048xi32>
    %select_n3A_149 = arith.select %ge3A_146, %iota3A, %broadcast_in_dim3A_148 : vector<256x2048xi1>, vector<256x2048xi32>
    %reduce_min3A_150 = arith.constant dense<2147483647> : vector<256xi32>
    %reduce_min3A_151 = vector.multi_reduction <minsi>, %select_n3A_149, %reduce_min3A_150 [1] : vector<256x2048xi32> to vector<256xi32>
    %broadcast_in_dim3A_152 = vector.shape_cast %reduce_min3A_151 : vector<256xi32> to vector<256x1xi32>
    %eq3A_153 = vector.broadcast %broadcast_in_dim3A_152 : vector<256x1xi32> to vector<256x2048xi32>
    %eq3A_154 = arith.cmpi eq, %iota3A, %eq3A_153 : vector<256x2048xi32>
    %jit3A_155 = arith.constant -3.000000e+38 : f32
    %broadcast_in_dim3A_156 = vector.broadcast %jit3A_155 : f32 to vector<256x2048xf32>
    %select_n3A_157 = arith.select %eq3A_154, %broadcast_in_dim3A_156, %select_n3A_141 : vector<256x2048xi1>, vector<256x2048xf32>
    %reduce_max3A_158 = arith.constant dense<0xFF800000> : vector<256xf32>
    %reduce_max3A_159 = vector.multi_reduction <maximumf>, %select_n3A_157, %reduce_max3A_158 [1] : vector<256x2048xf32> to vector<256xf32>
    %broadcast_in_dim3A_160 = vector.shape_cast %reduce_max3A_159 : vector<256xf32> to vector<256x1xf32>
    %ge3A_161 = vector.broadcast %broadcast_in_dim3A_160 : vector<256x1xf32> to vector<256x2048xf32>
    %ge3A_162 = arith.cmpf oge, %select_n3A_157, %ge3A_161 : vector<256x2048xf32>
    %jit3A_163 = arith.constant 2048 : i32
    %broadcast_in_dim3A_164 = vector.broadcast %jit3A_163 : i32 to vector<256x2048xi32>
    %select_n3A_165 = arith.select %ge3A_162, %iota3A, %broadcast_in_dim3A_164 : vector<256x2048xi1>, vector<256x2048xi32>
    %reduce_min3A_166 = arith.constant dense<2147483647> : vector<256xi32>
    %reduce_min3A_167 = vector.multi_reduction <minsi>, %select_n3A_165, %reduce_min3A_166 [1] : vector<256x2048xi32> to vector<256xi32>
    %broadcast_in_dim3A_168 = vector.shape_cast %reduce_min3A_167 : vector<256xi32> to vector<256x1xi32>
    %eq3A_169 = vector.broadcast %broadcast_in_dim3A_168 : vector<256x1xi32> to vector<256x2048xi32>
    %eq3A_170 = arith.cmpi eq, %iota3A, %eq3A_169 : vector<256x2048xi32>
    %jit3A_171 = arith.constant -3.000000e+38 : f32
    %broadcast_in_dim3A_172 = vector.broadcast %jit3A_171 : f32 to vector<256x2048xf32>
    %select_n3A_173 = arith.select %eq3A_170, %broadcast_in_dim3A_172, %select_n3A_157 : vector<256x2048xi1>, vector<256x2048xf32>
    %reduce_max3A_174 = arith.constant dense<0xFF800000> : vector<256xf32>
    %reduce_max3A_175 = vector.multi_reduction <maximumf>, %select_n3A_173, %reduce_max3A_174 [1] : vector<256x2048xf32> to vector<256xf32>
    %broadcast_in_dim3A_176 = vector.shape_cast %reduce_max3A_175 : vector<256xf32> to vector<256x1xf32>
    %ge3A_177 = vector.broadcast %broadcast_in_dim3A_176 : vector<256x1xf32> to vector<256x2048xf32>
    %ge3A_178 = arith.cmpf oge, %select_n3A_173, %ge3A_177 : vector<256x2048xf32>
    %jit3A_179 = arith.constant 2048 : i32
    %broadcast_in_dim3A_180 = vector.broadcast %jit3A_179 : i32 to vector<256x2048xi32>
    %select_n3A_181 = arith.select %ge3A_178, %iota3A, %broadcast_in_dim3A_180 : vector<256x2048xi1>, vector<256x2048xi32>
    %reduce_min3A_182 = arith.constant dense<2147483647> : vector<256xi32>
    %reduce_min3A_183 = vector.multi_reduction <minsi>, %select_n3A_181, %reduce_min3A_182 [1] : vector<256x2048xi32> to vector<256xi32>
    %broadcast_in_dim3A_184 = vector.shape_cast %reduce_min3A_183 : vector<256xi32> to vector<256x1xi32>
    %eq3A_185 = vector.broadcast %broadcast_in_dim3A_184 : vector<256x1xi32> to vector<256x2048xi32>
    %eq3A_186 = arith.cmpi eq, %iota3A, %eq3A_185 : vector<256x2048xi32>
    %jit3A_187 = arith.constant -3.000000e+38 : f32
    %broadcast_in_dim3A_188 = vector.broadcast %jit3A_187 : f32 to vector<256x2048xf32>
    %select_n3A_189 = arith.select %eq3A_186, %broadcast_in_dim3A_188, %select_n3A_173 : vector<256x2048xi1>, vector<256x2048xf32>
    %reduce_max3A_190 = arith.constant dense<0xFF800000> : vector<256xf32>
    %reduce_max3A_191 = vector.multi_reduction <maximumf>, %select_n3A_189, %reduce_max3A_190 [1] : vector<256x2048xf32> to vector<256xf32>
    %broadcast_in_dim3A_192 = vector.shape_cast %reduce_max3A_191 : vector<256xf32> to vector<256x1xf32>
    %ge3A_193 = vector.broadcast %broadcast_in_dim3A_192 : vector<256x1xf32> to vector<256x2048xf32>
    %ge3A_194 = arith.cmpf oge, %select_n3A_189, %ge3A_193 : vector<256x2048xf32>
    %jit3A_195 = arith.constant 2048 : i32
    %broadcast_in_dim3A_196 = vector.broadcast %jit3A_195 : i32 to vector<256x2048xi32>
    %select_n3A_197 = arith.select %ge3A_194, %iota3A, %broadcast_in_dim3A_196 : vector<256x2048xi1>, vector<256x2048xi32>
    %reduce_min3A_198 = arith.constant dense<2147483647> : vector<256xi32>
    %reduce_min3A_199 = vector.multi_reduction <minsi>, %select_n3A_197, %reduce_min3A_198 [1] : vector<256x2048xi32> to vector<256xi32>
    %broadcast_in_dim3A_200 = vector.shape_cast %reduce_min3A_199 : vector<256xi32> to vector<256x1xi32>
    %eq3A_201 = vector.broadcast %broadcast_in_dim3A_200 : vector<256x1xi32> to vector<256x2048xi32>
    %eq3A_202 = arith.cmpi eq, %iota3A, %eq3A_201 : vector<256x2048xi32>
    %jit3A_203 = arith.constant -3.000000e+38 : f32
    %broadcast_in_dim3A_204 = vector.broadcast %jit3A_203 : f32 to vector<256x2048xf32>
    %select_n3A_205 = arith.select %eq3A_202, %broadcast_in_dim3A_204, %select_n3A_189 : vector<256x2048xi1>, vector<256x2048xf32>
    %reduce_max3A_206 = arith.constant dense<0xFF800000> : vector<256xf32>
    %reduce_max3A_207 = vector.multi_reduction <maximumf>, %select_n3A_205, %reduce_max3A_206 [1] : vector<256x2048xf32> to vector<256xf32>
    %broadcast_in_dim3A_208 = vector.shape_cast %reduce_max3A_207 : vector<256xf32> to vector<256x1xf32>
    %ge3A_209 = vector.broadcast %broadcast_in_dim3A_208 : vector<256x1xf32> to vector<256x2048xf32>
    %ge3A_210 = arith.cmpf oge, %select_n3A_205, %ge3A_209 : vector<256x2048xf32>
    %jit3A_211 = arith.constant 2048 : i32
    %broadcast_in_dim3A_212 = vector.broadcast %jit3A_211 : i32 to vector<256x2048xi32>
    %select_n3A_213 = arith.select %ge3A_210, %iota3A, %broadcast_in_dim3A_212 : vector<256x2048xi1>, vector<256x2048xi32>
    %reduce_min3A_214 = arith.constant dense<2147483647> : vector<256xi32>
    %reduce_min3A_215 = vector.multi_reduction <minsi>, %select_n3A_213, %reduce_min3A_214 [1] : vector<256x2048xi32> to vector<256xi32>
    %broadcast_in_dim3A_216 = vector.shape_cast %reduce_min3A_215 : vector<256xi32> to vector<256x1xi32>
    %eq3A_217 = vector.broadcast %broadcast_in_dim3A_216 : vector<256x1xi32> to vector<256x2048xi32>
    %eq3A_218 = arith.cmpi eq, %iota3A, %eq3A_217 : vector<256x2048xi32>
    %jit3A_219 = arith.constant -3.000000e+38 : f32
    %broadcast_in_dim3A_220 = vector.broadcast %jit3A_219 : f32 to vector<256x2048xf32>
    %select_n3A_221 = arith.select %eq3A_218, %broadcast_in_dim3A_220, %select_n3A_205 : vector<256x2048xi1>, vector<256x2048xf32>
    %reduce_max3A_222 = arith.constant dense<0xFF800000> : vector<256xf32>
    %reduce_max3A_223 = vector.multi_reduction <maximumf>, %select_n3A_221, %reduce_max3A_222 [1] : vector<256x2048xf32> to vector<256xf32>
    %broadcast_in_dim3A_224 = vector.shape_cast %reduce_max3A_223 : vector<256xf32> to vector<256x1xf32>
    %ge3A_225 = vector.broadcast %broadcast_in_dim3A_224 : vector<256x1xf32> to vector<256x2048xf32>
    %ge3A_226 = arith.cmpf oge, %select_n3A_221, %ge3A_225 : vector<256x2048xf32>
    %jit3A_227 = arith.constant 2048 : i32
    %broadcast_in_dim3A_228 = vector.broadcast %jit3A_227 : i32 to vector<256x2048xi32>
    %select_n3A_229 = arith.select %ge3A_226, %iota3A, %broadcast_in_dim3A_228 : vector<256x2048xi1>, vector<256x2048xi32>
    %reduce_min3A_230 = arith.constant dense<2147483647> : vector<256xi32>
    %reduce_min3A_231 = vector.multi_reduction <minsi>, %select_n3A_229, %reduce_min3A_230 [1] : vector<256x2048xi32> to vector<256xi32>
    %broadcast_in_dim3A_232 = vector.shape_cast %reduce_min3A_231 : vector<256xi32> to vector<256x1xi32>
    %eq3A_233 = vector.broadcast %broadcast_in_dim3A_232 : vector<256x1xi32> to vector<256x2048xi32>
    %eq3A_234 = arith.cmpi eq, %iota3A, %eq3A_233 : vector<256x2048xi32>
    %jit3A_235 = arith.constant -3.000000e+38 : f32
    %broadcast_in_dim3A_236 = vector.broadcast %jit3A_235 : f32 to vector<256x2048xf32>
    %select_n3A_237 = arith.select %eq3A_234, %broadcast_in_dim3A_236, %select_n3A_221 : vector<256x2048xi1>, vector<256x2048xf32>
    %reduce_max3A_238 = arith.constant dense<0xFF800000> : vector<256xf32>
    %reduce_max3A_239 = vector.multi_reduction <maximumf>, %select_n3A_237, %reduce_max3A_238 [1] : vector<256x2048xf32> to vector<256xf32>
    %broadcast_in_dim3A_240 = vector.shape_cast %reduce_max3A_239 : vector<256xf32> to vector<256x1xf32>
    %ge3A_241 = vector.broadcast %broadcast_in_dim3A_240 : vector<256x1xf32> to vector<256x2048xf32>
    %ge3A_242 = arith.cmpf oge, %select_n3A_237, %ge3A_241 : vector<256x2048xf32>
    %jit3A_243 = arith.constant 2048 : i32
    %broadcast_in_dim3A_244 = vector.broadcast %jit3A_243 : i32 to vector<256x2048xi32>
    %select_n3A_245 = arith.select %ge3A_242, %iota3A, %broadcast_in_dim3A_244 : vector<256x2048xi1>, vector<256x2048xi32>
    %reduce_min3A_246 = arith.constant dense<2147483647> : vector<256xi32>
    %reduce_min3A_247 = vector.multi_reduction <minsi>, %select_n3A_245, %reduce_min3A_246 [1] : vector<256x2048xi32> to vector<256xi32>
    %broadcast_in_dim3A_248 = vector.shape_cast %reduce_min3A_247 : vector<256xi32> to vector<256x1xi32>
    %eq3A_249 = vector.broadcast %broadcast_in_dim3A_248 : vector<256x1xi32> to vector<256x2048xi32>
    %eq3A_250 = arith.cmpi eq, %iota3A, %eq3A_249 : vector<256x2048xi32>
    %jit3A_251 = arith.constant -3.000000e+38 : f32
    %broadcast_in_dim3A_252 = vector.broadcast %jit3A_251 : f32 to vector<256x2048xf32>
    %select_n3A_253 = arith.select %eq3A_250, %broadcast_in_dim3A_252, %select_n3A_237 : vector<256x2048xi1>, vector<256x2048xf32>
    %reduce_max3A_254 = arith.constant dense<0xFF800000> : vector<256xf32>
    %reduce_max3A_255 = vector.multi_reduction <maximumf>, %select_n3A_253, %reduce_max3A_254 [1] : vector<256x2048xf32> to vector<256xf32>
    %broadcast_in_dim3A_256 = vector.shape_cast %reduce_max3A_255 : vector<256xf32> to vector<256x1xf32>
    %ge3A_257 = vector.broadcast %broadcast_in_dim3A_256 : vector<256x1xf32> to vector<256x2048xf32>
    %ge3A_258 = arith.cmpf oge, %select_n3A_253, %ge3A_257 : vector<256x2048xf32>
    %jit3A_259 = arith.constant 2048 : i32
    %broadcast_in_dim3A_260 = vector.broadcast %jit3A_259 : i32 to vector<256x2048xi32>
    %select_n3A_261 = arith.select %ge3A_258, %iota3A, %broadcast_in_dim3A_260 : vector<256x2048xi1>, vector<256x2048xi32>
    %reduce_min3A_262 = arith.constant dense<2147483647> : vector<256xi32>
    %reduce_min3A_263 = vector.multi_reduction <minsi>, %select_n3A_261, %reduce_min3A_262 [1] : vector<256x2048xi32> to vector<256xi32>
    %broadcast_in_dim3A_264 = vector.shape_cast %reduce_min3A_263 : vector<256xi32> to vector<256x1xi32>
    %eq3A_265 = vector.broadcast %broadcast_in_dim3A_264 : vector<256x1xi32> to vector<256x2048xi32>
    %eq3A_266 = arith.cmpi eq, %iota3A, %eq3A_265 : vector<256x2048xi32>
    %jit3A_267 = arith.constant -3.000000e+38 : f32
    %broadcast_in_dim3A_268 = vector.broadcast %jit3A_267 : f32 to vector<256x2048xf32>
    %select_n3A_269 = arith.select %eq3A_266, %broadcast_in_dim3A_268, %select_n3A_253 : vector<256x2048xi1>, vector<256x2048xf32>
    %reduce_max3A_270 = arith.constant dense<0xFF800000> : vector<256xf32>
    %reduce_max3A_271 = vector.multi_reduction <maximumf>, %select_n3A_269, %reduce_max3A_270 [1] : vector<256x2048xf32> to vector<256xf32>
    %broadcast_in_dim3A_272 = vector.shape_cast %reduce_max3A_271 : vector<256xf32> to vector<256x1xf32>
    %ge3A_273 = vector.broadcast %broadcast_in_dim3A_272 : vector<256x1xf32> to vector<256x2048xf32>
    %ge3A_274 = arith.cmpf oge, %select_n3A_269, %ge3A_273 : vector<256x2048xf32>
    %jit3A_275 = arith.constant 2048 : i32
    %broadcast_in_dim3A_276 = vector.broadcast %jit3A_275 : i32 to vector<256x2048xi32>
    %select_n3A_277 = arith.select %ge3A_274, %iota3A, %broadcast_in_dim3A_276 : vector<256x2048xi1>, vector<256x2048xi32>
    %reduce_min3A_278 = arith.constant dense<2147483647> : vector<256xi32>
    %reduce_min3A_279 = vector.multi_reduction <minsi>, %select_n3A_277, %reduce_min3A_278 [1] : vector<256x2048xi32> to vector<256xi32>
    %broadcast_in_dim3A_280 = vector.shape_cast %reduce_min3A_279 : vector<256xi32> to vector<256x1xi32>
    %eq3A_281 = vector.broadcast %broadcast_in_dim3A_280 : vector<256x1xi32> to vector<256x2048xi32>
    %eq3A_282 = arith.cmpi eq, %iota3A, %eq3A_281 : vector<256x2048xi32>
    %jit3A_283 = arith.constant -3.000000e+38 : f32
    %broadcast_in_dim3A_284 = vector.broadcast %jit3A_283 : f32 to vector<256x2048xf32>
    %select_n3A_285 = arith.select %eq3A_282, %broadcast_in_dim3A_284, %select_n3A_269 : vector<256x2048xi1>, vector<256x2048xf32>
    %reduce_max3A_286 = arith.constant dense<0xFF800000> : vector<256xf32>
    %reduce_max3A_287 = vector.multi_reduction <maximumf>, %select_n3A_285, %reduce_max3A_286 [1] : vector<256x2048xf32> to vector<256xf32>
    %broadcast_in_dim3A_288 = vector.shape_cast %reduce_max3A_287 : vector<256xf32> to vector<256x1xf32>
    %ge3A_289 = vector.broadcast %broadcast_in_dim3A_288 : vector<256x1xf32> to vector<256x2048xf32>
    %ge3A_290 = arith.cmpf oge, %select_n3A_285, %ge3A_289 : vector<256x2048xf32>
    %jit3A_291 = arith.constant 2048 : i32
    %broadcast_in_dim3A_292 = vector.broadcast %jit3A_291 : i32 to vector<256x2048xi32>
    %select_n3A_293 = arith.select %ge3A_290, %iota3A, %broadcast_in_dim3A_292 : vector<256x2048xi1>, vector<256x2048xi32>
    %reduce_min3A_294 = arith.constant dense<2147483647> : vector<256xi32>
    %reduce_min3A_295 = vector.multi_reduction <minsi>, %select_n3A_293, %reduce_min3A_294 [1] : vector<256x2048xi32> to vector<256xi32>
    %broadcast_in_dim3A_296 = vector.shape_cast %reduce_min3A_295 : vector<256xi32> to vector<256x1xi32>
    %eq3A_297 = vector.broadcast %broadcast_in_dim3A_296 : vector<256x1xi32> to vector<256x2048xi32>
    %eq3A_298 = arith.cmpi eq, %iota3A, %eq3A_297 : vector<256x2048xi32>
    %jit3A_299 = arith.constant -3.000000e+38 : f32
    %broadcast_in_dim3A_300 = vector.broadcast %jit3A_299 : f32 to vector<256x2048xf32>
    %select_n3A_301 = arith.select %eq3A_298, %broadcast_in_dim3A_300, %select_n3A_285 : vector<256x2048xi1>, vector<256x2048xf32>
    %reduce_max3A_302 = arith.constant dense<0xFF800000> : vector<256xf32>
    %reduce_max3A_303 = vector.multi_reduction <maximumf>, %select_n3A_301, %reduce_max3A_302 [1] : vector<256x2048xf32> to vector<256xf32>
    %broadcast_in_dim3A_304 = vector.shape_cast %reduce_max3A_303 : vector<256xf32> to vector<256x1xf32>
    %ge3A_305 = vector.broadcast %broadcast_in_dim3A_304 : vector<256x1xf32> to vector<256x2048xf32>
    %ge3A_306 = arith.cmpf oge, %select_n3A_301, %ge3A_305 : vector<256x2048xf32>
    %jit3A_307 = arith.constant 2048 : i32
    %broadcast_in_dim3A_308 = vector.broadcast %jit3A_307 : i32 to vector<256x2048xi32>
    %select_n3A_309 = arith.select %ge3A_306, %iota3A, %broadcast_in_dim3A_308 : vector<256x2048xi1>, vector<256x2048xi32>
    %reduce_min3A_310 = arith.constant dense<2147483647> : vector<256xi32>
    %reduce_min3A_311 = vector.multi_reduction <minsi>, %select_n3A_309, %reduce_min3A_310 [1] : vector<256x2048xi32> to vector<256xi32>
    %broadcast_in_dim3A_312 = vector.shape_cast %reduce_min3A_311 : vector<256xi32> to vector<256x1xi32>
    %eq3A_313 = vector.broadcast %broadcast_in_dim3A_312 : vector<256x1xi32> to vector<256x2048xi32>
    %eq3A_314 = arith.cmpi eq, %iota3A, %eq3A_313 : vector<256x2048xi32>
    %jit3A_315 = arith.constant -3.000000e+38 : f32
    %broadcast_in_dim3A_316 = vector.broadcast %jit3A_315 : f32 to vector<256x2048xf32>
    %select_n3A_317 = arith.select %eq3A_314, %broadcast_in_dim3A_316, %select_n3A_301 : vector<256x2048xi1>, vector<256x2048xf32>
    %reduce_max3A_318 = arith.constant dense<0xFF800000> : vector<256xf32>
    %reduce_max3A_319 = vector.multi_reduction <maximumf>, %select_n3A_317, %reduce_max3A_318 [1] : vector<256x2048xf32> to vector<256xf32>
    %broadcast_in_dim3A_320 = vector.shape_cast %reduce_max3A_319 : vector<256xf32> to vector<256x1xf32>
    %ge3A_321 = vector.broadcast %broadcast_in_dim3A_320 : vector<256x1xf32> to vector<256x2048xf32>
    %ge3A_322 = arith.cmpf oge, %select_n3A_317, %ge3A_321 : vector<256x2048xf32>
    %jit3A_323 = arith.constant 2048 : i32
    %broadcast_in_dim3A_324 = vector.broadcast %jit3A_323 : i32 to vector<256x2048xi32>
    %select_n3A_325 = arith.select %ge3A_322, %iota3A, %broadcast_in_dim3A_324 : vector<256x2048xi1>, vector<256x2048xi32>
    %reduce_min3A_326 = arith.constant dense<2147483647> : vector<256xi32>
    %reduce_min3A_327 = vector.multi_reduction <minsi>, %select_n3A_325, %reduce_min3A_326 [1] : vector<256x2048xi32> to vector<256xi32>
    %broadcast_in_dim3A_328 = vector.shape_cast %reduce_min3A_327 : vector<256xi32> to vector<256x1xi32>
    %eq3A_329 = vector.broadcast %broadcast_in_dim3A_328 : vector<256x1xi32> to vector<256x2048xi32>
    %eq3A_330 = arith.cmpi eq, %iota3A, %eq3A_329 : vector<256x2048xi32>
    %jit3A_331 = arith.constant -3.000000e+38 : f32
    %broadcast_in_dim3A_332 = vector.broadcast %jit3A_331 : f32 to vector<256x2048xf32>
    %select_n3A_333 = arith.select %eq3A_330, %broadcast_in_dim3A_332, %select_n3A_317 : vector<256x2048xi1>, vector<256x2048xf32>
    %reduce_max3A_334 = arith.constant dense<0xFF800000> : vector<256xf32>
    %reduce_max3A_335 = vector.multi_reduction <maximumf>, %select_n3A_333, %reduce_max3A_334 [1] : vector<256x2048xf32> to vector<256xf32>
    %broadcast_in_dim3A_336 = vector.shape_cast %reduce_max3A_335 : vector<256xf32> to vector<256x1xf32>
    %ge3A_337 = vector.broadcast %broadcast_in_dim3A_336 : vector<256x1xf32> to vector<256x2048xf32>
    %ge3A_338 = arith.cmpf oge, %select_n3A_333, %ge3A_337 : vector<256x2048xf32>
    %jit3A_339 = arith.constant 2048 : i32
    %broadcast_in_dim3A_340 = vector.broadcast %jit3A_339 : i32 to vector<256x2048xi32>
    %select_n3A_341 = arith.select %ge3A_338, %iota3A, %broadcast_in_dim3A_340 : vector<256x2048xi1>, vector<256x2048xi32>
    %reduce_min3A_342 = arith.constant dense<2147483647> : vector<256xi32>
    %reduce_min3A_343 = vector.multi_reduction <minsi>, %select_n3A_341, %reduce_min3A_342 [1] : vector<256x2048xi32> to vector<256xi32>
    %broadcast_in_dim3A_344 = vector.shape_cast %reduce_min3A_343 : vector<256xi32> to vector<256x1xi32>
    %eq3A_345 = vector.broadcast %broadcast_in_dim3A_344 : vector<256x1xi32> to vector<256x2048xi32>
    %eq3A_346 = arith.cmpi eq, %iota3A, %eq3A_345 : vector<256x2048xi32>
    %jit3A_347 = arith.constant -3.000000e+38 : f32
    %broadcast_in_dim3A_348 = vector.broadcast %jit3A_347 : f32 to vector<256x2048xf32>
    %select_n3A_349 = arith.select %eq3A_346, %broadcast_in_dim3A_348, %select_n3A_333 : vector<256x2048xi1>, vector<256x2048xf32>
    %reduce_max3A_350 = arith.constant dense<0xFF800000> : vector<256xf32>
    %reduce_max3A_351 = vector.multi_reduction <maximumf>, %select_n3A_349, %reduce_max3A_350 [1] : vector<256x2048xf32> to vector<256xf32>
    %broadcast_in_dim3A_352 = vector.shape_cast %reduce_max3A_351 : vector<256xf32> to vector<256x1xf32>
    %ge3A_353 = vector.broadcast %broadcast_in_dim3A_352 : vector<256x1xf32> to vector<256x2048xf32>
    %ge3A_354 = arith.cmpf oge, %select_n3A_349, %ge3A_353 : vector<256x2048xf32>
    %jit3A_355 = arith.constant 2048 : i32
    %broadcast_in_dim3A_356 = vector.broadcast %jit3A_355 : i32 to vector<256x2048xi32>
    %select_n3A_357 = arith.select %ge3A_354, %iota3A, %broadcast_in_dim3A_356 : vector<256x2048xi1>, vector<256x2048xi32>
    %reduce_min3A_358 = arith.constant dense<2147483647> : vector<256xi32>
    %reduce_min3A_359 = vector.multi_reduction <minsi>, %select_n3A_357, %reduce_min3A_358 [1] : vector<256x2048xi32> to vector<256xi32>
    %broadcast_in_dim3A_360 = vector.shape_cast %reduce_min3A_359 : vector<256xi32> to vector<256x1xi32>
    %eq3A_361 = vector.broadcast %broadcast_in_dim3A_360 : vector<256x1xi32> to vector<256x2048xi32>
    %eq3A_362 = arith.cmpi eq, %iota3A, %eq3A_361 : vector<256x2048xi32>
    %jit3A_363 = arith.constant -3.000000e+38 : f32
    %broadcast_in_dim3A_364 = vector.broadcast %jit3A_363 : f32 to vector<256x2048xf32>
    %select_n3A_365 = arith.select %eq3A_362, %broadcast_in_dim3A_364, %select_n3A_349 : vector<256x2048xi1>, vector<256x2048xf32>
    %reduce_max3A_366 = arith.constant dense<0xFF800000> : vector<256xf32>
    %reduce_max3A_367 = vector.multi_reduction <maximumf>, %select_n3A_365, %reduce_max3A_366 [1] : vector<256x2048xf32> to vector<256xf32>
    %broadcast_in_dim3A_368 = vector.shape_cast %reduce_max3A_367 : vector<256xf32> to vector<256x1xf32>
    %ge3A_369 = vector.broadcast %broadcast_in_dim3A_368 : vector<256x1xf32> to vector<256x2048xf32>
    %ge3A_370 = arith.cmpf oge, %select_n3A_365, %ge3A_369 : vector<256x2048xf32>
    %jit3A_371 = arith.constant 2048 : i32
    %broadcast_in_dim3A_372 = vector.broadcast %jit3A_371 : i32 to vector<256x2048xi32>
    %select_n3A_373 = arith.select %ge3A_370, %iota3A, %broadcast_in_dim3A_372 : vector<256x2048xi1>, vector<256x2048xi32>
    %reduce_min3A_374 = arith.constant dense<2147483647> : vector<256xi32>
    %reduce_min3A_375 = vector.multi_reduction <minsi>, %select_n3A_373, %reduce_min3A_374 [1] : vector<256x2048xi32> to vector<256xi32>
    %broadcast_in_dim3A_376 = vector.shape_cast %reduce_min3A_375 : vector<256xi32> to vector<256x1xi32>
    %eq3A_377 = vector.broadcast %broadcast_in_dim3A_376 : vector<256x1xi32> to vector<256x2048xi32>
    %eq3A_378 = arith.cmpi eq, %iota3A, %eq3A_377 : vector<256x2048xi32>
    %jit3A_379 = arith.constant -3.000000e+38 : f32
    %broadcast_in_dim3A_380 = vector.broadcast %jit3A_379 : f32 to vector<256x2048xf32>
    %select_n3A_381 = arith.select %eq3A_378, %broadcast_in_dim3A_380, %select_n3A_365 : vector<256x2048xi1>, vector<256x2048xf32>
    %reduce_max3A_382 = arith.constant dense<0xFF800000> : vector<256xf32>
    %reduce_max3A_383 = vector.multi_reduction <maximumf>, %select_n3A_381, %reduce_max3A_382 [1] : vector<256x2048xf32> to vector<256xf32>
    %broadcast_in_dim3A_384 = vector.shape_cast %reduce_max3A_383 : vector<256xf32> to vector<256x1xf32>
    %ge3A_385 = vector.broadcast %broadcast_in_dim3A_384 : vector<256x1xf32> to vector<256x2048xf32>
    %ge3A_386 = arith.cmpf oge, %select_n3A_381, %ge3A_385 : vector<256x2048xf32>
    %jit3A_387 = arith.constant 2048 : i32
    %broadcast_in_dim3A_388 = vector.broadcast %jit3A_387 : i32 to vector<256x2048xi32>
    %select_n3A_389 = arith.select %ge3A_386, %iota3A, %broadcast_in_dim3A_388 : vector<256x2048xi1>, vector<256x2048xi32>
    %reduce_min3A_390 = arith.constant dense<2147483647> : vector<256xi32>
    %reduce_min3A_391 = vector.multi_reduction <minsi>, %select_n3A_389, %reduce_min3A_390 [1] : vector<256x2048xi32> to vector<256xi32>
    %broadcast_in_dim3A_392 = vector.shape_cast %reduce_min3A_391 : vector<256xi32> to vector<256x1xi32>
    %eq3A_393 = vector.broadcast %broadcast_in_dim3A_392 : vector<256x1xi32> to vector<256x2048xi32>
    %eq3A_394 = arith.cmpi eq, %iota3A, %eq3A_393 : vector<256x2048xi32>
    %jit3A_395 = arith.constant -3.000000e+38 : f32
    %broadcast_in_dim3A_396 = vector.broadcast %jit3A_395 : f32 to vector<256x2048xf32>
    %select_n3A_397 = arith.select %eq3A_394, %broadcast_in_dim3A_396, %select_n3A_381 : vector<256x2048xi1>, vector<256x2048xf32>
    %reduce_max3A_398 = arith.constant dense<0xFF800000> : vector<256xf32>
    %reduce_max3A_399 = vector.multi_reduction <maximumf>, %select_n3A_397, %reduce_max3A_398 [1] : vector<256x2048xf32> to vector<256xf32>
    %broadcast_in_dim3A_400 = vector.shape_cast %reduce_max3A_399 : vector<256xf32> to vector<256x1xf32>
    %ge3A_401 = vector.broadcast %broadcast_in_dim3A_400 : vector<256x1xf32> to vector<256x2048xf32>
    %ge3A_402 = arith.cmpf oge, %select_n3A_397, %ge3A_401 : vector<256x2048xf32>
    %jit3A_403 = arith.constant 2048 : i32
    %broadcast_in_dim3A_404 = vector.broadcast %jit3A_403 : i32 to vector<256x2048xi32>
    %select_n3A_405 = arith.select %ge3A_402, %iota3A, %broadcast_in_dim3A_404 : vector<256x2048xi1>, vector<256x2048xi32>
    %reduce_min3A_406 = arith.constant dense<2147483647> : vector<256xi32>
    %reduce_min3A_407 = vector.multi_reduction <minsi>, %select_n3A_405, %reduce_min3A_406 [1] : vector<256x2048xi32> to vector<256xi32>
    %broadcast_in_dim3A_408 = vector.shape_cast %reduce_min3A_407 : vector<256xi32> to vector<256x1xi32>
    %concatenate3A_409 = tpu.concatenate %broadcast_in_dim3A_105, %broadcast_in_dim3A_120, %broadcast_in_dim3A_136, %broadcast_in_dim3A_152, %broadcast_in_dim3A_168, %broadcast_in_dim3A_184, %broadcast_in_dim3A_200, %broadcast_in_dim3A_216, %broadcast_in_dim3A_232, %broadcast_in_dim3A_248, %broadcast_in_dim3A_264, %broadcast_in_dim3A_280, %broadcast_in_dim3A_296, %broadcast_in_dim3A_312, %broadcast_in_dim3A_328, %broadcast_in_dim3A_344, %broadcast_in_dim3A_360, %broadcast_in_dim3A_376, %broadcast_in_dim3A_392, %broadcast_in_dim3A_408 in 1 : vector<256x1xi32>, vector<256x1xi32>, vector<256x1xi32>, vector<256x1xi32>, vector<256x1xi32>, vector<256x1xi32>, vector<256x1xi32>, vector<256x1xi32>, vector<256x1xi32>, vector<256x1xi32>, vector<256x1xi32>, vector<256x1xi32>, vector<256x1xi32>, vector<256x1xi32>, vector<256x1xi32>, vector<256x1xi32>, vector<256x1xi32>, vector<256x1xi32>, vector<256x1xi32>, vector<256x1xi32> -> vector<256x20xi32>
    %mul3A_410 = arith.constant 2048 : i32
    %mul3A_411 = arith.muli %arg0, %mul3A_410 : i32
    %add3A_412 = vector.broadcast %mul3A_411 : i32 to vector<256x20xi32>
    %add3A_413 = arith.addi %concatenate3A_409, %add3A_412 : vector<256x20xi32>
    %swap3A_414 = arith.constant 0 : index
    %swap3A_415 = arith.constant 0 : index
    %swap3A_416 = vector.load %arg7[%swap3A_414, %swap3A_415] : memref<256x20xi32, #tpu.memory_space<vmem>>, vector<256x20xi32>
    tpu.vector_store %arg7[%swap3A_414, %swap3A_415], %add3A_413 {strides = array<i32>} : memref<256x20xi32, #tpu.memory_space<vmem>>, vector<256x20xi32>,
    return
  }
  func.func @transform_0(%arg0: i32, %arg1: i32) -> (i32, i32, i32) {
    %c0_i32 = arith.constant 0 : i32
    %c0_i32_0 = arith.constant 0 : i32
    %c0_i32_1 = arith.constant 0 : i32
    return %arg0, %c0_i32, %c0_i32_0 : i32, i32, i32
  }
  func.func @transform_1(%arg0: i32, %arg1: i32) -> (i32, i32, i32) {
    %c0_i32 = arith.constant 0 : i32
    %c0_i32_0 = arith.constant 0 : i32
    return %arg0, %arg1, %c0_i32 : i32, i32, i32
  }
  func.func @transform_2(%arg0: i32, %arg1: i32) -> (i32, i32) {
    %c0_i32 = arith.constant 0 : i32
    %c0_i32_0 = arith.constant 0 : i32
    %c0_i32_1 = arith.constant 0 : i32
    return %c0_i32, %c0_i32_0 : i32, i32
  }
  func.func @transform_3(%arg0: i32, %arg1: i32) -> (i32, i32) {
    %c0_i32 = arith.constant 0 : i32
    %c0_i32_0 = arith.constant 0 : i32
    %c0_i32_1 = arith.constant 0 : i32
    return %c0_i32, %c0_i32_0 : i32, i32
  }
  func.func @transform_4(%arg0: i32, %arg1: i32) -> (i32, i32) {
    %c0_i32 = arith.constant 0 : i32
    %c0_i32_0 = arith.constant 0 : i32
    %c0_i32_1 = arith.constant 0 : i32
    return %c0_i32, %c0_i32_0 : i32, i32
  }
  func.func @transform_5(%arg0: i32, %arg1: i32) -> (i32, i32) {
    %mul3A = arith.constant 8 : i32
    %mul3A_0 = arith.muli %arg0, %mul3A : i32
    %add3A = arith.addi %mul3A_0, %arg1 : i32
    %c0_i32 = arith.constant 0 : i32
    %c0_i32_1 = arith.constant 0 : i32
    return %add3A, %c0_i32 : i32, i32
  }
  func.func @transform_6(%arg0: i32, %arg1: i32) -> (i32, i32) {
    %mul3A = arith.constant 8 : i32
    %mul3A_0 = arith.muli %arg0, %mul3A : i32
    %add3A = arith.addi %mul3A_0, %arg1 : i32
    %c0_i32 = arith.constant 0 : i32
    %c0_i32_1 = arith.constant 0 : i32
    return %add3A, %c0_i32 : i32, i32
  }
}

module attributes {stable_mosaic.version = 14 : i64} {
  func.func @_conv_body(%arg0: i32, %arg1: memref<2560x128xf32, #tpu.memory_space<vmem>>, %arg2: memref<128x128xf32, #tpu.memory_space<vmem>>, %arg3: memref<256x128xbf16, #tpu.memory_space<vmem>>, %arg4: memref<128x128xf32, #tpu.memory_space<vmem>>, %arg5: memref<2x128xf32, #tpu.memory_space<vmem>>, %arg6: memref<2x128xf32, #tpu.memory_space<vmem>>) attributes {dimension_semantics = [#tpu.dimension_semantics<arbitrary>], iteration_bounds = array<i64: 256>, scalar_prefetch = 0 : i64, scratch_operands = 1 : i64, tpu.core_type = #tpu.core_type<tc>, window_params = [{transform_indices = @transform_0, window_bounds = array<i64: 2560, 128>}, {transform_indices = @transform_1, window_bounds = array<i64: 128, 128>}, {pipeline_mode = #tpu.pipeline_mode<synchronous>, transform_indices = @transform_2, window_bounds = array<i64: 256, 128>}, {transform_indices = @transform_3, window_bounds = array<i64: 128, 128>}, {pipeline_mode = #tpu.pipeline_mode<synchronous>, transform_indices = @transform_4, window_bounds = array<i64: 2, 128>}]} {
    %get3A = arith.constant 0 : index
    %get3A_0 = arith.constant 0 : index
    %get3A_1 = vector.load %arg2[%get3A, %get3A_0] : memref<128x128xf32, #tpu.memory_space<vmem>>, vector<128x128xf32>
    %get3A_2 = arith.constant 0 : index
    %get3A_3 = arith.constant 0 : index
    %get3A_4 = vector.load %arg1[%get3A_2, %get3A_3] : memref<2560x128xf32, #tpu.memory_space<vmem>>, vector<2560x128xf32>
    %broadcast_in_dim3A = vector.shape_cast %get3A_1 : vector<128x128xf32> to vector<128x1x128xf32>
    %broadcast_in_dim3A_5 = vector.shape_cast %broadcast_in_dim3A : vector<128x1x128xf32> to vector<128x1x128xf32>
    %broadcast_in_dim3A_6 = vector.broadcast %broadcast_in_dim3A_5 : vector<128x1x128xf32> to vector<128x20x128xf32>
    %reshape3A = vector.shape_cast %get3A_4 : vector<2560x128xf32> to vector<128x20x128xf32>
    %sub3A = arith.subf %reshape3A, %broadcast_in_dim3A_6 : vector<128x20x128xf32>
    %reshape3A_7 = vector.shape_cast %sub3A : vector<128x20x128xf32> to vector<2560x128xf32>
    %reshape3A_8 = vector.shape_cast %broadcast_in_dim3A_6 : vector<128x20x128xf32> to vector<2560x128xf32>
    %concatenate3A = tpu.concatenate %reshape3A_7, %reshape3A_8 in 1 : vector<2560x128xf32>, vector<2560x128xf32> -> vector<2560x256xf32>
    %convert_element_type3A = arith.truncf %concatenate3A : vector<2560x256xf32> to vector<2560x256xbf16>
    %get3A_9 = arith.constant 0 : index
    %get3A_10 = arith.constant 0 : index
    %get3A_11 = vector.load %arg3[%get3A_9, %get3A_10] : memref<256x128xbf16, #tpu.memory_space<vmem>>, vector<256x128xbf16>
    %dot_general3A = arith.constant dense<0.000000e+00> : vector<2560x128xf32>
    %dot_general3A_12 = tpu.matmul %convert_element_type3A, %get3A_11, %dot_general3A {dimension_numbers = #tpu.dot_dimension_numbers<[1], [0], [0], [1], [0, 0, 1, 1], [], []>, transpose_lhs_hint = false} : vector<2560x256xbf16>, vector<256x128xbf16>, vector<2560x128xf32> -> vector<2560x128xf32>
    %reshape3A_13 = vector.shape_cast %dot_general3A_12 : vector<2560x128xf32> to vector<128x20x128xf32>
    %reduce_max3A = arith.constant dense<0xFF800000> : vector<128x128xf32>
    %reduce_max3A_14 = vector.multi_reduction <maximumf>, %reshape3A_13, %reduce_max3A [1] : vector<128x20x128xf32> to vector<128x128xf32>
    %swap3A = arith.constant 0 : index
    %swap3A_15 = arith.constant 0 : index
    %swap3A_16 = vector.load %arg4[%swap3A, %swap3A_15] : memref<128x128xf32, #tpu.memory_space<vmem>>, vector<128x128xf32>
    tpu.vector_store %arg4[%swap3A, %swap3A_15], %reduce_max3A_14 {strides = array<i32>} : memref<128x128xf32, #tpu.memory_space<vmem>>, vector<128x128xf32>,
    %reshape3A_17 = vector.shape_cast %reshape3A_13 : vector<128x20x128xf32> to vector<2560x128xf32>
    %reduce_sum3A = arith.constant dense<0.000000e+00> : vector<128xf32>
    %reduce_sum3A_18 = vector.multi_reduction <add>, %reshape3A_17, %reduce_sum3A [0] : vector<2560x128xf32> to vector<128xf32>
    %broadcast_in_dim3A_19 = vector.shape_cast %reduce_sum3A_18 : vector<128xf32> to vector<1x128xf32>
    %mul3A = arith.mulf %reshape3A_13, %reshape3A_13 : vector<128x20x128xf32>
    %reshape3A_20 = vector.shape_cast %mul3A : vector<128x20x128xf32> to vector<2560x128xf32>
    %reduce_sum3A_21 = arith.constant dense<0.000000e+00> : vector<128xf32>
    %reduce_sum3A_22 = vector.multi_reduction <add>, %reshape3A_20, %reduce_sum3A_21 [0] : vector<2560x128xf32> to vector<128xf32>
    %broadcast_in_dim3A_23 = vector.shape_cast %reduce_sum3A_22 : vector<128xf32> to vector<1x128xf32>
    %concatenate3A_24 = tpu.concatenate %broadcast_in_dim3A_19, %broadcast_in_dim3A_23 in 0 : vector<1x128xf32>, vector<1x128xf32> -> vector<2x128xf32>
    %eq3A = arith.constant 0 : i32
    %eq3A_25 = arith.cmpi eq, %arg0, %eq3A : i32
    %convert_element_type3A_26 = arith.extui %eq3A_25 : i1 to i32
    %cond3A = arith.constant 0 : i32
    %cond3A_27 = arith.cmpi ne, %convert_element_type3A_26, %cond3A : i32
    scf.if %cond3A_27 {
      %swap3A_37 = arith.constant 0 : index
      %swap3A_38 = arith.constant 0 : index
      %swap3A_39 = vector.load %arg6[%swap3A_37, %swap3A_38] : memref<2x128xf32, #tpu.memory_space<vmem>>, vector<2x128xf32>
      tpu.vector_store %arg6[%swap3A_37, %swap3A_38], %concatenate3A_24 {strides = array<i32>} : memref<2x128xf32, #tpu.memory_space<vmem>>, vector<2x128xf32>,
    } else {
    }
    %gt3A = arith.constant 0 : i32
    %gt3A_28 = arith.cmpi sgt, %arg0, %gt3A : i32
    %convert_element_type3A_29 = arith.extui %gt3A_28 : i1 to i32
    %cond3A_30 = arith.constant 0 : i32
    %cond3A_31 = arith.cmpi ne, %convert_element_type3A_29, %cond3A_30 : i32
    scf.if %cond3A_31 {
      %get3A_37 = arith.constant 0 : index
      %get3A_38 = arith.constant 0 : index
      %get3A_39 = vector.load %arg6[%get3A_37, %get3A_38] : memref<2x128xf32, #tpu.memory_space<vmem>>, vector<2x128xf32>
      %add3A = arith.addf %get3A_39, %concatenate3A_24 : vector<2x128xf32>
      %swap3A_40 = arith.constant 0 : index
      %swap3A_41 = arith.constant 0 : index
      %swap3A_42 = vector.load %arg6[%swap3A_40, %swap3A_41] : memref<2x128xf32, #tpu.memory_space<vmem>>, vector<2x128xf32>
      tpu.vector_store %arg6[%swap3A_40, %swap3A_41], %add3A {strides = array<i32>} : memref<2x128xf32, #tpu.memory_space<vmem>>, vector<2x128xf32>,
    } else {
    }
    %eq3A_32 = arith.constant 255 : i32
    %eq3A_33 = arith.cmpi eq, %arg0, %eq3A_32 : i32
    %convert_element_type3A_34 = arith.extui %eq3A_33 : i1 to i32
    %cond3A_35 = arith.constant 0 : i32
    %cond3A_36 = arith.cmpi ne, %convert_element_type3A_34, %cond3A_35 : i32
    scf.if %cond3A_36 {
      %get3A_37 = arith.constant 0 : index
      %get3A_38 = arith.constant 0 : index
      %get3A_39 = vector.load %arg6[%get3A_37, %get3A_38] : memref<2x128xf32, #tpu.memory_space<vmem>>, vector<2x128xf32>
      %swap3A_40 = arith.constant 0 : index
      %swap3A_41 = arith.constant 0 : index
      %swap3A_42 = vector.load %arg5[%swap3A_40, %swap3A_41] : memref<2x128xf32, #tpu.memory_space<vmem>>, vector<2x128xf32>
      tpu.vector_store %arg5[%swap3A_40, %swap3A_41], %get3A_39 {strides = array<i32>} : memref<2x128xf32, #tpu.memory_space<vmem>>, vector<2x128xf32>,
    } else {
    }
    return
  }
  func.func @transform_0(%arg0: i32) -> (i32, i32) {
    %c0_i32 = arith.constant 0 : i32
    %c0_i32_0 = arith.constant 0 : i32
    return %arg0, %c0_i32 : i32, i32
  }
  func.func @transform_1(%arg0: i32) -> (i32, i32) {
    %c0_i32 = arith.constant 0 : i32
    %c0_i32_0 = arith.constant 0 : i32
    return %arg0, %c0_i32 : i32, i32
  }
  func.func @transform_2(%arg0: i32) -> (i32, i32) {
    %c0_i32 = arith.constant 0 : i32
    %c0_i32_0 = arith.constant 0 : i32
    %c0_i32_1 = arith.constant 0 : i32
    return %c0_i32, %c0_i32_0 : i32, i32
  }
  func.func @transform_3(%arg0: i32) -> (i32, i32) {
    %c0_i32 = arith.constant 0 : i32
    %c0_i32_0 = arith.constant 0 : i32
    return %arg0, %c0_i32 : i32, i32
  }
  func.func @transform_4(%arg0: i32) -> (i32, i32) {
    %c0_i32 = arith.constant 0 : i32
    %c0_i32_0 = arith.constant 0 : i32
    %c0_i32_1 = arith.constant 0 : i32
    return %c0_i32, %c0_i32_0 : i32, i32
  }
}

module attributes {stable_mosaic.version = 14 : i64} {
  func.func @_pd_next_body(%arg0: i32, %arg1: i32, %arg2: memref<1x2048x128xf32, #tpu.memory_space<vmem>>, %arg3: memref<1x256x128xf32, #tpu.memory_space<vmem>>, %arg4: memref<2x128xf32, #tpu.memory_space<vmem>>, %arg5: memref<1x128xf32, #tpu.memory_space<vmem>>, %arg6: memref<1x128xf32, #tpu.memory_space<vmem>>, %arg7: memref<256x20xi32, #tpu.memory_space<vmem>>, %arg8: memref<256x128xf32, #tpu.memory_space<vmem>>) attributes {dimension_semantics = [#tpu.dimension_semantics<arbitrary>, #tpu.dimension_semantics<arbitrary>], iteration_bounds = array<i64: 16, 8>, scalar_prefetch = 0 : i64, scratch_operands = 0 : i64, tpu.core_type = #tpu.core_type<tc>, window_params = [{transform_indices = @transform_0, window_bounds = array<i64: 1, 2048, 128>}, {transform_indices = @transform_1, window_bounds = array<i64: 1, 256, 128>}, {pipeline_mode = #tpu.pipeline_mode<synchronous>, transform_indices = @transform_2, window_bounds = array<i64: 2, 128>}, {pipeline_mode = #tpu.pipeline_mode<synchronous>, transform_indices = @transform_3, window_bounds = array<i64: 1, 128>}, {pipeline_mode = #tpu.pipeline_mode<synchronous>, transform_indices = @transform_4, window_bounds = array<i64: 1, 128>}, {transform_indices = @transform_5, window_bounds = array<i64: 256, 20>}, {transform_indices = @transform_6, window_bounds = array<i64: 256, 128>}]} {
    %get3A = arith.constant 0 : index
    %get3A_0 = arith.constant 0 : index
    %get3A_1 = arith.constant 0 : index
    %get3A_2 = vector.load %arg2[%get3A, %get3A_0, %get3A_1] : memref<1x2048x128xf32, #tpu.memory_space<vmem>>, vector<1x2048x128xf32>
    %get3A_3 = vector.shape_cast %get3A_2 : vector<1x2048x128xf32> to vector<2048x128xf32>
    %get3A_4 = arith.constant 0 : index
    %get3A_5 = arith.constant 0 : index
    %get3A_6 = vector.load %arg4[%get3A_4, %get3A_5] : memref<2x128xf32, #tpu.memory_space<vmem>>, vector<2x128xf32>
    %get3A_7 = arith.constant 0 : index
    %get3A_8 = arith.constant 0 : index
    %get3A_9 = vector.load %arg5[%get3A_7, %get3A_8] : memref<1x128xf32, #tpu.memory_space<vmem>>, vector<1x128xf32>
    %get3A_10 = arith.constant 0 : index
    %get3A_11 = arith.constant 0 : index
    %get3A_12 = vector.load %arg6[%get3A_10, %get3A_11] : memref<1x128xf32, #tpu.memory_space<vmem>>, vector<1x128xf32>
    %slice3A = vector.extract_strided_slice %get3A_6 {offsets = [0, 0], sizes = [1, 128], strides = [1, 1]} : vector<2x128xf32> to vector<1x128xf32>
    %div3A = arith.constant 6.553600e+05 : f32
    %div3A_13 = vector.broadcast %div3A : f32 to vector<1x128xf32>
    %div3A_14 = arith.divf %slice3A, %div3A_13 : vector<1x128xf32>
    %slice3A_15 = vector.extract_strided_slice %get3A_6 {offsets = [1, 0], sizes = [1, 128], strides = [1, 1]} : vector<2x128xf32> to vector<1x128xf32>
    %div3A_16 = arith.constant 6.553600e+05 : f32
    %div3A_17 = vector.broadcast %div3A_16 : f32 to vector<1x128xf32>
    %div3A_18 = arith.divf %slice3A_15, %div3A_17 : vector<1x128xf32>
    %mul3A = arith.mulf %div3A_14, %div3A_14 : vector<1x128xf32>
    %sub3A = arith.subf %div3A_18, %mul3A : vector<1x128xf32>
    %sub3A_19 = vector.broadcast %div3A_14 : vector<1x128xf32> to vector<2048x128xf32>
    %sub3A_20 = arith.subf %get3A_3, %sub3A_19 : vector<2048x128xf32>
    %add3A = arith.constant 9.99999974E-6 : f32
    %add3A_21 = vector.broadcast %add3A : f32 to vector<1x128xf32>
    %add3A_22 = arith.addf %sub3A, %add3A_21 : vector<1x128xf32>
    %sqrt3A = math.sqrt %add3A_22 : vector<1x128xf32>
    %div3A_23 = vector.broadcast %sqrt3A : vector<1x128xf32> to vector<2048x128xf32>
    %div3A_24 = arith.divf %sub3A_20, %div3A_23 : vector<2048x128xf32>
    %mul3A_25 = vector.broadcast %get3A_9 : vector<1x128xf32> to vector<2048x128xf32>
    %mul3A_26 = arith.mulf %div3A_24, %mul3A_25 : vector<2048x128xf32>
    %add3A_27 = vector.broadcast %get3A_12 : vector<1x128xf32> to vector<2048x128xf32>
    %add3A_28 = arith.addf %mul3A_26, %add3A_27 : vector<2048x128xf32>
    %ge3A = arith.constant 0.000000e+00 : f32
    %ge3A_29 = vector.broadcast %ge3A : f32 to vector<2048x128xf32>
    %ge3A_30 = arith.cmpf oge, %add3A_28, %ge3A_29 : vector<2048x128xf32>
    %mul3A_31 = arith.constant 2.000000e-01 : f32
    %mul3A_32 = vector.broadcast %mul3A_31 : f32 to vector<2048x128xf32>
    %mul3A_33 = arith.mulf %mul3A_32, %add3A_28 : vector<2048x128xf32>
    %select_n3A = arith.select %ge3A_30, %add3A_28, %mul3A_33 : vector<2048x128xi1>, vector<2048x128xf32>
    %get3A_34 = arith.constant 0 : index
    %get3A_35 = arith.constant 0 : index
    %get3A_36 = arith.constant 0 : index
    %get3A_37 = vector.load %arg3[%get3A_34, %get3A_35, %get3A_36] : memref<1x256x128xf32, #tpu.memory_space<vmem>>, vector<1x256x128xf32>
    %get3A_38 = vector.shape_cast %get3A_37 : vector<1x256x128xf32> to vector<256x128xf32>
    %get3A_39 = arith.constant 0 : index
    %get3A_40 = arith.constant 0 : index
    %get3A_41 = vector.load %arg4[%get3A_39, %get3A_40] : memref<2x128xf32, #tpu.memory_space<vmem>>, vector<2x128xf32>
    %get3A_42 = arith.constant 0 : index
    %get3A_43 = arith.constant 0 : index
    %get3A_44 = vector.load %arg5[%get3A_42, %get3A_43] : memref<1x128xf32, #tpu.memory_space<vmem>>, vector<1x128xf32>
    %get3A_45 = arith.constant 0 : index
    %get3A_46 = arith.constant 0 : index
    %get3A_47 = vector.load %arg6[%get3A_45, %get3A_46] : memref<1x128xf32, #tpu.memory_space<vmem>>, vector<1x128xf32>
    %slice3A_48 = vector.extract_strided_slice %get3A_41 {offsets = [0, 0], sizes = [1, 128], strides = [1, 1]} : vector<2x128xf32> to vector<1x128xf32>
    %div3A_49 = arith.constant 6.553600e+05 : f32
    %div3A_50 = vector.broadcast %div3A_49 : f32 to vector<1x128xf32>
    %div3A_51 = arith.divf %slice3A_48, %div3A_50 : vector<1x128xf32>
    %slice3A_52 = vector.extract_strided_slice %get3A_41 {offsets = [1, 0], sizes = [1, 128], strides = [1, 1]} : vector<2x128xf32> to vector<1x128xf32>
    %div3A_53 = arith.constant 6.553600e+05 : f32
    %div3A_54 = vector.broadcast %div3A_53 : f32 to vector<1x128xf32>
    %div3A_55 = arith.divf %slice3A_52, %div3A_54 : vector<1x128xf32>
    %mul3A_56 = arith.mulf %div3A_51, %div3A_51 : vector<1x128xf32>
    %sub3A_57 = arith.subf %div3A_55, %mul3A_56 : vector<1x128xf32>
    %sub3A_58 = vector.broadcast %div3A_51 : vector<1x128xf32> to vector<256x128xf32>
    %sub3A_59 = arith.subf %get3A_38, %sub3A_58 : vector<256x128xf32>
    %add3A_60 = arith.constant 9.99999974E-6 : f32
    %add3A_61 = vector.broadcast %add3A_60 : f32 to vector<1x128xf32>
    %add3A_62 = arith.addf %sub3A_57, %add3A_61 : vector<1x128xf32>
    %sqrt3A_63 = math.sqrt %add3A_62 : vector<1x128xf32>
    %div3A_64 = vector.broadcast %sqrt3A_63 : vector<1x128xf32> to vector<256x128xf32>
    %div3A_65 = arith.divf %sub3A_59, %div3A_64 : vector<256x128xf32>
    %mul3A_66 = vector.broadcast %get3A_44 : vector<1x128xf32> to vector<256x128xf32>
    %mul3A_67 = arith.mulf %div3A_65, %mul3A_66 : vector<256x128xf32>
    %add3A_68 = vector.broadcast %get3A_47 : vector<1x128xf32> to vector<256x128xf32>
    %add3A_69 = arith.addf %mul3A_67, %add3A_68 : vector<256x128xf32>
    %ge3A_70 = arith.constant 0.000000e+00 : f32
    %ge3A_71 = vector.broadcast %ge3A_70 : f32 to vector<256x128xf32>
    %ge3A_72 = arith.cmpf oge, %add3A_69, %ge3A_71 : vector<256x128xf32>
    %mul3A_73 = arith.constant 2.000000e-01 : f32
    %mul3A_74 = vector.broadcast %mul3A_73 : f32 to vector<256x128xf32>
    %mul3A_75 = arith.mulf %mul3A_74, %add3A_69 : vector<256x128xf32>
    %select_n3A_76 = arith.select %ge3A_72, %add3A_69, %mul3A_75 : vector<256x128xi1>, vector<256x128xf32>
    %swap3A = arith.constant 0 : index
    %swap3A_77 = arith.constant 0 : index
    %swap3A_78 = vector.load %arg8[%swap3A, %swap3A_77] : memref<256x128xf32, #tpu.memory_space<vmem>>, vector<256x128xf32>
    tpu.vector_store %arg8[%swap3A, %swap3A_77], %select_n3A_76 {strides = array<i32>} : memref<256x128xf32, #tpu.memory_space<vmem>>, vector<256x128xf32>,
    %mul3A_79 = arith.mulf %select_n3A, %select_n3A : vector<2048x128xf32>
    %reduce_sum3A = arith.constant dense<0.000000e+00> : vector<2048xf32>
    %reduce_sum3A_80 = vector.multi_reduction <add>, %mul3A_79, %reduce_sum3A [1] : vector<2048x128xf32> to vector<2048xf32>
    %convert_element_type3A = arith.truncf %select_n3A_76 : vector<256x128xf32> to vector<256x128xbf16>
    %convert_element_type3A_81 = arith.truncf %select_n3A : vector<2048x128xf32> to vector<2048x128xbf16>
    %dot_general3A = arith.constant dense<0.000000e+00> : vector<256x2048xf32>
    %dot_general3A_82 = tpu.matmul %convert_element_type3A, %convert_element_type3A_81, %dot_general3A {dimension_numbers = #tpu.dot_dimension_numbers<[1], [1], [0], [0], [0, 0, 1, 0], [], []>, transpose_lhs_hint = false} : vector<256x128xbf16>, vector<2048x128xbf16>, vector<256x2048xf32> -> vector<256x2048xf32>
    %mul3A_83 = arith.constant -2.000000e+00 : f32
    %mul3A_84 = vector.broadcast %mul3A_83 : f32 to vector<256x2048xf32>
    %mul3A_85 = arith.mulf %mul3A_84, %dot_general3A_82 : vector<256x2048xf32>
    %mul3A_86 = arith.mulf %select_n3A_76, %select_n3A_76 : vector<256x128xf32>
    %reduce_sum3A_87 = arith.constant dense<0.000000e+00> : vector<256xf32>
    %reduce_sum3A_88 = vector.multi_reduction <add>, %mul3A_86, %reduce_sum3A_87 [1] : vector<256x128xf32> to vector<256xf32>
    %broadcast_in_dim3A = vector.shape_cast %reduce_sum3A_88 : vector<256xf32> to vector<256x1xf32>
    %neg3A = arith.constant 0.000000e+00 : f32
    %neg3A_89 = vector.broadcast %neg3A : f32 to vector<256x1xf32>
    %neg3A_90 = arith.subf %neg3A_89, %broadcast_in_dim3A : vector<256x1xf32>
    %sub3A_91 = vector.broadcast %neg3A_90 : vector<256x1xf32> to vector<256x2048xf32>
    %sub3A_92 = arith.subf %sub3A_91, %mul3A_85 : vector<256x2048xf32>
    %broadcast_in_dim3A_93 = vector.shape_cast %reduce_sum3A_80 : vector<2048xf32> to vector<1x2048xf32>
    %sub3A_94 = vector.broadcast %broadcast_in_dim3A_93 : vector<1x2048xf32> to vector<256x2048xf32>
    %sub3A_95 = arith.subf %sub3A_92, %sub3A_94 : vector<256x2048xf32>
    %iota3A = tpu.iota {dimensions = array<i32: 1>} : vector<256x2048xi32>
    %reduce_max3A = arith.constant dense<0xFF800000> : vector<256xf32>
    %reduce_max3A_96 = vector.multi_reduction <maximumf>, %sub3A_95, %reduce_max3A [1] : vector<256x2048xf32> to vector<256xf32>
    %broadcast_in_dim3A_97 = vector.shape_cast %reduce_max3A_96 : vector<256xf32> to vector<256x1xf32>
    %ge3A_98 = vector.broadcast %broadcast_in_dim3A_97 : vector<256x1xf32> to vector<256x2048xf32>
    %ge3A_99 = arith.cmpf oge, %sub3A_95, %ge3A_98 : vector<256x2048xf32>
    %jit3A = arith.constant 2048 : i32
    %broadcast_in_dim3A_100 = vector.broadcast %jit3A : i32 to vector<256x2048xi32>
    %select_n3A_101 = arith.select %ge3A_99, %iota3A, %broadcast_in_dim3A_100 : vector<256x2048xi1>, vector<256x2048xi32>
    %reduce_min3A = arith.constant dense<2147483647> : vector<256xi32>
    %reduce_min3A_102 = vector.multi_reduction <minsi>, %select_n3A_101, %reduce_min3A [1] : vector<256x2048xi32> to vector<256xi32>
    %broadcast_in_dim3A_103 = vector.shape_cast %reduce_min3A_102 : vector<256xi32> to vector<256x1xi32>
    %eq3A = vector.broadcast %broadcast_in_dim3A_103 : vector<256x1xi32> to vector<256x2048xi32>
    %eq3A_104 = arith.cmpi eq, %iota3A, %eq3A : vector<256x2048xi32>
    %jit3A_105 = arith.constant -3.000000e+38 : f32
    %broadcast_in_dim3A_106 = vector.broadcast %jit3A_105 : f32 to vector<256x2048xf32>
    %select_n3A_107 = arith.select %eq3A_104, %broadcast_in_dim3A_106, %sub3A_95 : vector<256x2048xi1>, vector<256x2048xf32>
    %reduce_max3A_108 = arith.constant dense<0xFF800000> : vector<256xf32>
    %reduce_max3A_109 = vector.multi_reduction <maximumf>, %select_n3A_107, %reduce_max3A_108 [1] : vector<256x2048xf32> to vector<256xf32>
    %broadcast_in_dim3A_110 = vector.shape_cast %reduce_max3A_109 : vector<256xf32> to vector<256x1xf32>
    %ge3A_111 = vector.broadcast %broadcast_in_dim3A_110 : vector<256x1xf32> to vector<256x2048xf32>
    %ge3A_112 = arith.cmpf oge, %select_n3A_107, %ge3A_111 : vector<256x2048xf32>
    %jit3A_113 = arith.constant 2048 : i32
    %broadcast_in_dim3A_114 = vector.broadcast %jit3A_113 : i32 to vector<256x2048xi32>
    %select_n3A_115 = arith.select %ge3A_112, %iota3A, %broadcast_in_dim3A_114 : vector<256x2048xi1>, vector<256x2048xi32>
    %reduce_min3A_116 = arith.constant dense<2147483647> : vector<256xi32>
    %reduce_min3A_117 = vector.multi_reduction <minsi>, %select_n3A_115, %reduce_min3A_116 [1] : vector<256x2048xi32> to vector<256xi32>
    %broadcast_in_dim3A_118 = vector.shape_cast %reduce_min3A_117 : vector<256xi32> to vector<256x1xi32>
    %eq3A_119 = vector.broadcast %broadcast_in_dim3A_118 : vector<256x1xi32> to vector<256x2048xi32>
    %eq3A_120 = arith.cmpi eq, %iota3A, %eq3A_119 : vector<256x2048xi32>
    %jit3A_121 = arith.constant -3.000000e+38 : f32
    %broadcast_in_dim3A_122 = vector.broadcast %jit3A_121 : f32 to vector<256x2048xf32>
    %select_n3A_123 = arith.select %eq3A_120, %broadcast_in_dim3A_122, %select_n3A_107 : vector<256x2048xi1>, vector<256x2048xf32>
    %reduce_max3A_124 = arith.constant dense<0xFF800000> : vector<256xf32>
    %reduce_max3A_125 = vector.multi_reduction <maximumf>, %select_n3A_123, %reduce_max3A_124 [1] : vector<256x2048xf32> to vector<256xf32>
    %broadcast_in_dim3A_126 = vector.shape_cast %reduce_max3A_125 : vector<256xf32> to vector<256x1xf32>
    %ge3A_127 = vector.broadcast %broadcast_in_dim3A_126 : vector<256x1xf32> to vector<256x2048xf32>
    %ge3A_128 = arith.cmpf oge, %select_n3A_123, %ge3A_127 : vector<256x2048xf32>
    %jit3A_129 = arith.constant 2048 : i32
    %broadcast_in_dim3A_130 = vector.broadcast %jit3A_129 : i32 to vector<256x2048xi32>
    %select_n3A_131 = arith.select %ge3A_128, %iota3A, %broadcast_in_dim3A_130 : vector<256x2048xi1>, vector<256x2048xi32>
    %reduce_min3A_132 = arith.constant dense<2147483647> : vector<256xi32>
    %reduce_min3A_133 = vector.multi_reduction <minsi>, %select_n3A_131, %reduce_min3A_132 [1] : vector<256x2048xi32> to vector<256xi32>
    %broadcast_in_dim3A_134 = vector.shape_cast %reduce_min3A_133 : vector<256xi32> to vector<256x1xi32>
    %eq3A_135 = vector.broadcast %broadcast_in_dim3A_134 : vector<256x1xi32> to vector<256x2048xi32>
    %eq3A_136 = arith.cmpi eq, %iota3A, %eq3A_135 : vector<256x2048xi32>
    %jit3A_137 = arith.constant -3.000000e+38 : f32
    %broadcast_in_dim3A_138 = vector.broadcast %jit3A_137 : f32 to vector<256x2048xf32>
    %select_n3A_139 = arith.select %eq3A_136, %broadcast_in_dim3A_138, %select_n3A_123 : vector<256x2048xi1>, vector<256x2048xf32>
    %reduce_max3A_140 = arith.constant dense<0xFF800000> : vector<256xf32>
    %reduce_max3A_141 = vector.multi_reduction <maximumf>, %select_n3A_139, %reduce_max3A_140 [1] : vector<256x2048xf32> to vector<256xf32>
    %broadcast_in_dim3A_142 = vector.shape_cast %reduce_max3A_141 : vector<256xf32> to vector<256x1xf32>
    %ge3A_143 = vector.broadcast %broadcast_in_dim3A_142 : vector<256x1xf32> to vector<256x2048xf32>
    %ge3A_144 = arith.cmpf oge, %select_n3A_139, %ge3A_143 : vector<256x2048xf32>
    %jit3A_145 = arith.constant 2048 : i32
    %broadcast_in_dim3A_146 = vector.broadcast %jit3A_145 : i32 to vector<256x2048xi32>
    %select_n3A_147 = arith.select %ge3A_144, %iota3A, %broadcast_in_dim3A_146 : vector<256x2048xi1>, vector<256x2048xi32>
    %reduce_min3A_148 = arith.constant dense<2147483647> : vector<256xi32>
    %reduce_min3A_149 = vector.multi_reduction <minsi>, %select_n3A_147, %reduce_min3A_148 [1] : vector<256x2048xi32> to vector<256xi32>
    %broadcast_in_dim3A_150 = vector.shape_cast %reduce_min3A_149 : vector<256xi32> to vector<256x1xi32>
    %eq3A_151 = vector.broadcast %broadcast_in_dim3A_150 : vector<256x1xi32> to vector<256x2048xi32>
    %eq3A_152 = arith.cmpi eq, %iota3A, %eq3A_151 : vector<256x2048xi32>
    %jit3A_153 = arith.constant -3.000000e+38 : f32
    %broadcast_in_dim3A_154 = vector.broadcast %jit3A_153 : f32 to vector<256x2048xf32>
    %select_n3A_155 = arith.select %eq3A_152, %broadcast_in_dim3A_154, %select_n3A_139 : vector<256x2048xi1>, vector<256x2048xf32>
    %reduce_max3A_156 = arith.constant dense<0xFF800000> : vector<256xf32>
    %reduce_max3A_157 = vector.multi_reduction <maximumf>, %select_n3A_155, %reduce_max3A_156 [1] : vector<256x2048xf32> to vector<256xf32>
    %broadcast_in_dim3A_158 = vector.shape_cast %reduce_max3A_157 : vector<256xf32> to vector<256x1xf32>
    %ge3A_159 = vector.broadcast %broadcast_in_dim3A_158 : vector<256x1xf32> to vector<256x2048xf32>
    %ge3A_160 = arith.cmpf oge, %select_n3A_155, %ge3A_159 : vector<256x2048xf32>
    %jit3A_161 = arith.constant 2048 : i32
    %broadcast_in_dim3A_162 = vector.broadcast %jit3A_161 : i32 to vector<256x2048xi32>
    %select_n3A_163 = arith.select %ge3A_160, %iota3A, %broadcast_in_dim3A_162 : vector<256x2048xi1>, vector<256x2048xi32>
    %reduce_min3A_164 = arith.constant dense<2147483647> : vector<256xi32>
    %reduce_min3A_165 = vector.multi_reduction <minsi>, %select_n3A_163, %reduce_min3A_164 [1] : vector<256x2048xi32> to vector<256xi32>
    %broadcast_in_dim3A_166 = vector.shape_cast %reduce_min3A_165 : vector<256xi32> to vector<256x1xi32>
    %eq3A_167 = vector.broadcast %broadcast_in_dim3A_166 : vector<256x1xi32> to vector<256x2048xi32>
    %eq3A_168 = arith.cmpi eq, %iota3A, %eq3A_167 : vector<256x2048xi32>
    %jit3A_169 = arith.constant -3.000000e+38 : f32
    %broadcast_in_dim3A_170 = vector.broadcast %jit3A_169 : f32 to vector<256x2048xf32>
    %select_n3A_171 = arith.select %eq3A_168, %broadcast_in_dim3A_170, %select_n3A_155 : vector<256x2048xi1>, vector<256x2048xf32>
    %reduce_max3A_172 = arith.constant dense<0xFF800000> : vector<256xf32>
    %reduce_max3A_173 = vector.multi_reduction <maximumf>, %select_n3A_171, %reduce_max3A_172 [1] : vector<256x2048xf32> to vector<256xf32>
    %broadcast_in_dim3A_174 = vector.shape_cast %reduce_max3A_173 : vector<256xf32> to vector<256x1xf32>
    %ge3A_175 = vector.broadcast %broadcast_in_dim3A_174 : vector<256x1xf32> to vector<256x2048xf32>
    %ge3A_176 = arith.cmpf oge, %select_n3A_171, %ge3A_175 : vector<256x2048xf32>
    %jit3A_177 = arith.constant 2048 : i32
    %broadcast_in_dim3A_178 = vector.broadcast %jit3A_177 : i32 to vector<256x2048xi32>
    %select_n3A_179 = arith.select %ge3A_176, %iota3A, %broadcast_in_dim3A_178 : vector<256x2048xi1>, vector<256x2048xi32>
    %reduce_min3A_180 = arith.constant dense<2147483647> : vector<256xi32>
    %reduce_min3A_181 = vector.multi_reduction <minsi>, %select_n3A_179, %reduce_min3A_180 [1] : vector<256x2048xi32> to vector<256xi32>
    %broadcast_in_dim3A_182 = vector.shape_cast %reduce_min3A_181 : vector<256xi32> to vector<256x1xi32>
    %eq3A_183 = vector.broadcast %broadcast_in_dim3A_182 : vector<256x1xi32> to vector<256x2048xi32>
    %eq3A_184 = arith.cmpi eq, %iota3A, %eq3A_183 : vector<256x2048xi32>
    %jit3A_185 = arith.constant -3.000000e+38 : f32
    %broadcast_in_dim3A_186 = vector.broadcast %jit3A_185 : f32 to vector<256x2048xf32>
    %select_n3A_187 = arith.select %eq3A_184, %broadcast_in_dim3A_186, %select_n3A_171 : vector<256x2048xi1>, vector<256x2048xf32>
    %reduce_max3A_188 = arith.constant dense<0xFF800000> : vector<256xf32>
    %reduce_max3A_189 = vector.multi_reduction <maximumf>, %select_n3A_187, %reduce_max3A_188 [1] : vector<256x2048xf32> to vector<256xf32>
    %broadcast_in_dim3A_190 = vector.shape_cast %reduce_max3A_189 : vector<256xf32> to vector<256x1xf32>
    %ge3A_191 = vector.broadcast %broadcast_in_dim3A_190 : vector<256x1xf32> to vector<256x2048xf32>
    %ge3A_192 = arith.cmpf oge, %select_n3A_187, %ge3A_191 : vector<256x2048xf32>
    %jit3A_193 = arith.constant 2048 : i32
    %broadcast_in_dim3A_194 = vector.broadcast %jit3A_193 : i32 to vector<256x2048xi32>
    %select_n3A_195 = arith.select %ge3A_192, %iota3A, %broadcast_in_dim3A_194 : vector<256x2048xi1>, vector<256x2048xi32>
    %reduce_min3A_196 = arith.constant dense<2147483647> : vector<256xi32>
    %reduce_min3A_197 = vector.multi_reduction <minsi>, %select_n3A_195, %reduce_min3A_196 [1] : vector<256x2048xi32> to vector<256xi32>
    %broadcast_in_dim3A_198 = vector.shape_cast %reduce_min3A_197 : vector<256xi32> to vector<256x1xi32>
    %eq3A_199 = vector.broadcast %broadcast_in_dim3A_198 : vector<256x1xi32> to vector<256x2048xi32>
    %eq3A_200 = arith.cmpi eq, %iota3A, %eq3A_199 : vector<256x2048xi32>
    %jit3A_201 = arith.constant -3.000000e+38 : f32
    %broadcast_in_dim3A_202 = vector.broadcast %jit3A_201 : f32 to vector<256x2048xf32>
    %select_n3A_203 = arith.select %eq3A_200, %broadcast_in_dim3A_202, %select_n3A_187 : vector<256x2048xi1>, vector<256x2048xf32>
    %reduce_max3A_204 = arith.constant dense<0xFF800000> : vector<256xf32>
    %reduce_max3A_205 = vector.multi_reduction <maximumf>, %select_n3A_203, %reduce_max3A_204 [1] : vector<256x2048xf32> to vector<256xf32>
    %broadcast_in_dim3A_206 = vector.shape_cast %reduce_max3A_205 : vector<256xf32> to vector<256x1xf32>
    %ge3A_207 = vector.broadcast %broadcast_in_dim3A_206 : vector<256x1xf32> to vector<256x2048xf32>
    %ge3A_208 = arith.cmpf oge, %select_n3A_203, %ge3A_207 : vector<256x2048xf32>
    %jit3A_209 = arith.constant 2048 : i32
    %broadcast_in_dim3A_210 = vector.broadcast %jit3A_209 : i32 to vector<256x2048xi32>
    %select_n3A_211 = arith.select %ge3A_208, %iota3A, %broadcast_in_dim3A_210 : vector<256x2048xi1>, vector<256x2048xi32>
    %reduce_min3A_212 = arith.constant dense<2147483647> : vector<256xi32>
    %reduce_min3A_213 = vector.multi_reduction <minsi>, %select_n3A_211, %reduce_min3A_212 [1] : vector<256x2048xi32> to vector<256xi32>
    %broadcast_in_dim3A_214 = vector.shape_cast %reduce_min3A_213 : vector<256xi32> to vector<256x1xi32>
    %eq3A_215 = vector.broadcast %broadcast_in_dim3A_214 : vector<256x1xi32> to vector<256x2048xi32>
    %eq3A_216 = arith.cmpi eq, %iota3A, %eq3A_215 : vector<256x2048xi32>
    %jit3A_217 = arith.constant -3.000000e+38 : f32
    %broadcast_in_dim3A_218 = vector.broadcast %jit3A_217 : f32 to vector<256x2048xf32>
    %select_n3A_219 = arith.select %eq3A_216, %broadcast_in_dim3A_218, %select_n3A_203 : vector<256x2048xi1>, vector<256x2048xf32>
    %reduce_max3A_220 = arith.constant dense<0xFF800000> : vector<256xf32>
    %reduce_max3A_221 = vector.multi_reduction <maximumf>, %select_n3A_219, %reduce_max3A_220 [1] : vector<256x2048xf32> to vector<256xf32>
    %broadcast_in_dim3A_222 = vector.shape_cast %reduce_max3A_221 : vector<256xf32> to vector<256x1xf32>
    %ge3A_223 = vector.broadcast %broadcast_in_dim3A_222 : vector<256x1xf32> to vector<256x2048xf32>
    %ge3A_224 = arith.cmpf oge, %select_n3A_219, %ge3A_223 : vector<256x2048xf32>
    %jit3A_225 = arith.constant 2048 : i32
    %broadcast_in_dim3A_226 = vector.broadcast %jit3A_225 : i32 to vector<256x2048xi32>
    %select_n3A_227 = arith.select %ge3A_224, %iota3A, %broadcast_in_dim3A_226 : vector<256x2048xi1>, vector<256x2048xi32>
    %reduce_min3A_228 = arith.constant dense<2147483647> : vector<256xi32>
    %reduce_min3A_229 = vector.multi_reduction <minsi>, %select_n3A_227, %reduce_min3A_228 [1] : vector<256x2048xi32> to vector<256xi32>
    %broadcast_in_dim3A_230 = vector.shape_cast %reduce_min3A_229 : vector<256xi32> to vector<256x1xi32>
    %eq3A_231 = vector.broadcast %broadcast_in_dim3A_230 : vector<256x1xi32> to vector<256x2048xi32>
    %eq3A_232 = arith.cmpi eq, %iota3A, %eq3A_231 : vector<256x2048xi32>
    %jit3A_233 = arith.constant -3.000000e+38 : f32
    %broadcast_in_dim3A_234 = vector.broadcast %jit3A_233 : f32 to vector<256x2048xf32>
    %select_n3A_235 = arith.select %eq3A_232, %broadcast_in_dim3A_234, %select_n3A_219 : vector<256x2048xi1>, vector<256x2048xf32>
    %reduce_max3A_236 = arith.constant dense<0xFF800000> : vector<256xf32>
    %reduce_max3A_237 = vector.multi_reduction <maximumf>, %select_n3A_235, %reduce_max3A_236 [1] : vector<256x2048xf32> to vector<256xf32>
    %broadcast_in_dim3A_238 = vector.shape_cast %reduce_max3A_237 : vector<256xf32> to vector<256x1xf32>
    %ge3A_239 = vector.broadcast %broadcast_in_dim3A_238 : vector<256x1xf32> to vector<256x2048xf32>
    %ge3A_240 = arith.cmpf oge, %select_n3A_235, %ge3A_239 : vector<256x2048xf32>
    %jit3A_241 = arith.constant 2048 : i32
    %broadcast_in_dim3A_242 = vector.broadcast %jit3A_241 : i32 to vector<256x2048xi32>
    %select_n3A_243 = arith.select %ge3A_240, %iota3A, %broadcast_in_dim3A_242 : vector<256x2048xi1>, vector<256x2048xi32>
    %reduce_min3A_244 = arith.constant dense<2147483647> : vector<256xi32>
    %reduce_min3A_245 = vector.multi_reduction <minsi>, %select_n3A_243, %reduce_min3A_244 [1] : vector<256x2048xi32> to vector<256xi32>
    %broadcast_in_dim3A_246 = vector.shape_cast %reduce_min3A_245 : vector<256xi32> to vector<256x1xi32>
    %eq3A_247 = vector.broadcast %broadcast_in_dim3A_246 : vector<256x1xi32> to vector<256x2048xi32>
    %eq3A_248 = arith.cmpi eq, %iota3A, %eq3A_247 : vector<256x2048xi32>
    %jit3A_249 = arith.constant -3.000000e+38 : f32
    %broadcast_in_dim3A_250 = vector.broadcast %jit3A_249 : f32 to vector<256x2048xf32>
    %select_n3A_251 = arith.select %eq3A_248, %broadcast_in_dim3A_250, %select_n3A_235 : vector<256x2048xi1>, vector<256x2048xf32>
    %reduce_max3A_252 = arith.constant dense<0xFF800000> : vector<256xf32>
    %reduce_max3A_253 = vector.multi_reduction <maximumf>, %select_n3A_251, %reduce_max3A_252 [1] : vector<256x2048xf32> to vector<256xf32>
    %broadcast_in_dim3A_254 = vector.shape_cast %reduce_max3A_253 : vector<256xf32> to vector<256x1xf32>
    %ge3A_255 = vector.broadcast %broadcast_in_dim3A_254 : vector<256x1xf32> to vector<256x2048xf32>
    %ge3A_256 = arith.cmpf oge, %select_n3A_251, %ge3A_255 : vector<256x2048xf32>
    %jit3A_257 = arith.constant 2048 : i32
    %broadcast_in_dim3A_258 = vector.broadcast %jit3A_257 : i32 to vector<256x2048xi32>
    %select_n3A_259 = arith.select %ge3A_256, %iota3A, %broadcast_in_dim3A_258 : vector<256x2048xi1>, vector<256x2048xi32>
    %reduce_min3A_260 = arith.constant dense<2147483647> : vector<256xi32>
    %reduce_min3A_261 = vector.multi_reduction <minsi>, %select_n3A_259, %reduce_min3A_260 [1] : vector<256x2048xi32> to vector<256xi32>
    %broadcast_in_dim3A_262 = vector.shape_cast %reduce_min3A_261 : vector<256xi32> to vector<256x1xi32>
    %eq3A_263 = vector.broadcast %broadcast_in_dim3A_262 : vector<256x1xi32> to vector<256x2048xi32>
    %eq3A_264 = arith.cmpi eq, %iota3A, %eq3A_263 : vector<256x2048xi32>
    %jit3A_265 = arith.constant -3.000000e+38 : f32
    %broadcast_in_dim3A_266 = vector.broadcast %jit3A_265 : f32 to vector<256x2048xf32>
    %select_n3A_267 = arith.select %eq3A_264, %broadcast_in_dim3A_266, %select_n3A_251 : vector<256x2048xi1>, vector<256x2048xf32>
    %reduce_max3A_268 = arith.constant dense<0xFF800000> : vector<256xf32>
    %reduce_max3A_269 = vector.multi_reduction <maximumf>, %select_n3A_267, %reduce_max3A_268 [1] : vector<256x2048xf32> to vector<256xf32>
    %broadcast_in_dim3A_270 = vector.shape_cast %reduce_max3A_269 : vector<256xf32> to vector<256x1xf32>
    %ge3A_271 = vector.broadcast %broadcast_in_dim3A_270 : vector<256x1xf32> to vector<256x2048xf32>
    %ge3A_272 = arith.cmpf oge, %select_n3A_267, %ge3A_271 : vector<256x2048xf32>
    %jit3A_273 = arith.constant 2048 : i32
    %broadcast_in_dim3A_274 = vector.broadcast %jit3A_273 : i32 to vector<256x2048xi32>
    %select_n3A_275 = arith.select %ge3A_272, %iota3A, %broadcast_in_dim3A_274 : vector<256x2048xi1>, vector<256x2048xi32>
    %reduce_min3A_276 = arith.constant dense<2147483647> : vector<256xi32>
    %reduce_min3A_277 = vector.multi_reduction <minsi>, %select_n3A_275, %reduce_min3A_276 [1] : vector<256x2048xi32> to vector<256xi32>
    %broadcast_in_dim3A_278 = vector.shape_cast %reduce_min3A_277 : vector<256xi32> to vector<256x1xi32>
    %eq3A_279 = vector.broadcast %broadcast_in_dim3A_278 : vector<256x1xi32> to vector<256x2048xi32>
    %eq3A_280 = arith.cmpi eq, %iota3A, %eq3A_279 : vector<256x2048xi32>
    %jit3A_281 = arith.constant -3.000000e+38 : f32
    %broadcast_in_dim3A_282 = vector.broadcast %jit3A_281 : f32 to vector<256x2048xf32>
    %select_n3A_283 = arith.select %eq3A_280, %broadcast_in_dim3A_282, %select_n3A_267 : vector<256x2048xi1>, vector<256x2048xf32>
    %reduce_max3A_284 = arith.constant dense<0xFF800000> : vector<256xf32>
    %reduce_max3A_285 = vector.multi_reduction <maximumf>, %select_n3A_283, %reduce_max3A_284 [1] : vector<256x2048xf32> to vector<256xf32>
    %broadcast_in_dim3A_286 = vector.shape_cast %reduce_max3A_285 : vector<256xf32> to vector<256x1xf32>
    %ge3A_287 = vector.broadcast %broadcast_in_dim3A_286 : vector<256x1xf32> to vector<256x2048xf32>
    %ge3A_288 = arith.cmpf oge, %select_n3A_283, %ge3A_287 : vector<256x2048xf32>
    %jit3A_289 = arith.constant 2048 : i32
    %broadcast_in_dim3A_290 = vector.broadcast %jit3A_289 : i32 to vector<256x2048xi32>
    %select_n3A_291 = arith.select %ge3A_288, %iota3A, %broadcast_in_dim3A_290 : vector<256x2048xi1>, vector<256x2048xi32>
    %reduce_min3A_292 = arith.constant dense<2147483647> : vector<256xi32>
    %reduce_min3A_293 = vector.multi_reduction <minsi>, %select_n3A_291, %reduce_min3A_292 [1] : vector<256x2048xi32> to vector<256xi32>
    %broadcast_in_dim3A_294 = vector.shape_cast %reduce_min3A_293 : vector<256xi32> to vector<256x1xi32>
    %eq3A_295 = vector.broadcast %broadcast_in_dim3A_294 : vector<256x1xi32> to vector<256x2048xi32>
    %eq3A_296 = arith.cmpi eq, %iota3A, %eq3A_295 : vector<256x2048xi32>
    %jit3A_297 = arith.constant -3.000000e+38 : f32
    %broadcast_in_dim3A_298 = vector.broadcast %jit3A_297 : f32 to vector<256x2048xf32>
    %select_n3A_299 = arith.select %eq3A_296, %broadcast_in_dim3A_298, %select_n3A_283 : vector<256x2048xi1>, vector<256x2048xf32>
    %reduce_max3A_300 = arith.constant dense<0xFF800000> : vector<256xf32>
    %reduce_max3A_301 = vector.multi_reduction <maximumf>, %select_n3A_299, %reduce_max3A_300 [1] : vector<256x2048xf32> to vector<256xf32>
    %broadcast_in_dim3A_302 = vector.shape_cast %reduce_max3A_301 : vector<256xf32> to vector<256x1xf32>
    %ge3A_303 = vector.broadcast %broadcast_in_dim3A_302 : vector<256x1xf32> to vector<256x2048xf32>
    %ge3A_304 = arith.cmpf oge, %select_n3A_299, %ge3A_303 : vector<256x2048xf32>
    %jit3A_305 = arith.constant 2048 : i32
    %broadcast_in_dim3A_306 = vector.broadcast %jit3A_305 : i32 to vector<256x2048xi32>
    %select_n3A_307 = arith.select %ge3A_304, %iota3A, %broadcast_in_dim3A_306 : vector<256x2048xi1>, vector<256x2048xi32>
    %reduce_min3A_308 = arith.constant dense<2147483647> : vector<256xi32>
    %reduce_min3A_309 = vector.multi_reduction <minsi>, %select_n3A_307, %reduce_min3A_308 [1] : vector<256x2048xi32> to vector<256xi32>
    %broadcast_in_dim3A_310 = vector.shape_cast %reduce_min3A_309 : vector<256xi32> to vector<256x1xi32>
    %eq3A_311 = vector.broadcast %broadcast_in_dim3A_310 : vector<256x1xi32> to vector<256x2048xi32>
    %eq3A_312 = arith.cmpi eq, %iota3A, %eq3A_311 : vector<256x2048xi32>
    %jit3A_313 = arith.constant -3.000000e+38 : f32
    %broadcast_in_dim3A_314 = vector.broadcast %jit3A_313 : f32 to vector<256x2048xf32>
    %select_n3A_315 = arith.select %eq3A_312, %broadcast_in_dim3A_314, %select_n3A_299 : vector<256x2048xi1>, vector<256x2048xf32>
    %reduce_max3A_316 = arith.constant dense<0xFF800000> : vector<256xf32>
    %reduce_max3A_317 = vector.multi_reduction <maximumf>, %select_n3A_315, %reduce_max3A_316 [1] : vector<256x2048xf32> to vector<256xf32>
    %broadcast_in_dim3A_318 = vector.shape_cast %reduce_max3A_317 : vector<256xf32> to vector<256x1xf32>
    %ge3A_319 = vector.broadcast %broadcast_in_dim3A_318 : vector<256x1xf32> to vector<256x2048xf32>
    %ge3A_320 = arith.cmpf oge, %select_n3A_315, %ge3A_319 : vector<256x2048xf32>
    %jit3A_321 = arith.constant 2048 : i32
    %broadcast_in_dim3A_322 = vector.broadcast %jit3A_321 : i32 to vector<256x2048xi32>
    %select_n3A_323 = arith.select %ge3A_320, %iota3A, %broadcast_in_dim3A_322 : vector<256x2048xi1>, vector<256x2048xi32>
    %reduce_min3A_324 = arith.constant dense<2147483647> : vector<256xi32>
    %reduce_min3A_325 = vector.multi_reduction <minsi>, %select_n3A_323, %reduce_min3A_324 [1] : vector<256x2048xi32> to vector<256xi32>
    %broadcast_in_dim3A_326 = vector.shape_cast %reduce_min3A_325 : vector<256xi32> to vector<256x1xi32>
    %eq3A_327 = vector.broadcast %broadcast_in_dim3A_326 : vector<256x1xi32> to vector<256x2048xi32>
    %eq3A_328 = arith.cmpi eq, %iota3A, %eq3A_327 : vector<256x2048xi32>
    %jit3A_329 = arith.constant -3.000000e+38 : f32
    %broadcast_in_dim3A_330 = vector.broadcast %jit3A_329 : f32 to vector<256x2048xf32>
    %select_n3A_331 = arith.select %eq3A_328, %broadcast_in_dim3A_330, %select_n3A_315 : vector<256x2048xi1>, vector<256x2048xf32>
    %reduce_max3A_332 = arith.constant dense<0xFF800000> : vector<256xf32>
    %reduce_max3A_333 = vector.multi_reduction <maximumf>, %select_n3A_331, %reduce_max3A_332 [1] : vector<256x2048xf32> to vector<256xf32>
    %broadcast_in_dim3A_334 = vector.shape_cast %reduce_max3A_333 : vector<256xf32> to vector<256x1xf32>
    %ge3A_335 = vector.broadcast %broadcast_in_dim3A_334 : vector<256x1xf32> to vector<256x2048xf32>
    %ge3A_336 = arith.cmpf oge, %select_n3A_331, %ge3A_335 : vector<256x2048xf32>
    %jit3A_337 = arith.constant 2048 : i32
    %broadcast_in_dim3A_338 = vector.broadcast %jit3A_337 : i32 to vector<256x2048xi32>
    %select_n3A_339 = arith.select %ge3A_336, %iota3A, %broadcast_in_dim3A_338 : vector<256x2048xi1>, vector<256x2048xi32>
    %reduce_min3A_340 = arith.constant dense<2147483647> : vector<256xi32>
    %reduce_min3A_341 = vector.multi_reduction <minsi>, %select_n3A_339, %reduce_min3A_340 [1] : vector<256x2048xi32> to vector<256xi32>
    %broadcast_in_dim3A_342 = vector.shape_cast %reduce_min3A_341 : vector<256xi32> to vector<256x1xi32>
    %eq3A_343 = vector.broadcast %broadcast_in_dim3A_342 : vector<256x1xi32> to vector<256x2048xi32>
    %eq3A_344 = arith.cmpi eq, %iota3A, %eq3A_343 : vector<256x2048xi32>
    %jit3A_345 = arith.constant -3.000000e+38 : f32
    %broadcast_in_dim3A_346 = vector.broadcast %jit3A_345 : f32 to vector<256x2048xf32>
    %select_n3A_347 = arith.select %eq3A_344, %broadcast_in_dim3A_346, %select_n3A_331 : vector<256x2048xi1>, vector<256x2048xf32>
    %reduce_max3A_348 = arith.constant dense<0xFF800000> : vector<256xf32>
    %reduce_max3A_349 = vector.multi_reduction <maximumf>, %select_n3A_347, %reduce_max3A_348 [1] : vector<256x2048xf32> to vector<256xf32>
    %broadcast_in_dim3A_350 = vector.shape_cast %reduce_max3A_349 : vector<256xf32> to vector<256x1xf32>
    %ge3A_351 = vector.broadcast %broadcast_in_dim3A_350 : vector<256x1xf32> to vector<256x2048xf32>
    %ge3A_352 = arith.cmpf oge, %select_n3A_347, %ge3A_351 : vector<256x2048xf32>
    %jit3A_353 = arith.constant 2048 : i32
    %broadcast_in_dim3A_354 = vector.broadcast %jit3A_353 : i32 to vector<256x2048xi32>
    %select_n3A_355 = arith.select %ge3A_352, %iota3A, %broadcast_in_dim3A_354 : vector<256x2048xi1>, vector<256x2048xi32>
    %reduce_min3A_356 = arith.constant dense<2147483647> : vector<256xi32>
    %reduce_min3A_357 = vector.multi_reduction <minsi>, %select_n3A_355, %reduce_min3A_356 [1] : vector<256x2048xi32> to vector<256xi32>
    %broadcast_in_dim3A_358 = vector.shape_cast %reduce_min3A_357 : vector<256xi32> to vector<256x1xi32>
    %eq3A_359 = vector.broadcast %broadcast_in_dim3A_358 : vector<256x1xi32> to vector<256x2048xi32>
    %eq3A_360 = arith.cmpi eq, %iota3A, %eq3A_359 : vector<256x2048xi32>
    %jit3A_361 = arith.constant -3.000000e+38 : f32
    %broadcast_in_dim3A_362 = vector.broadcast %jit3A_361 : f32 to vector<256x2048xf32>
    %select_n3A_363 = arith.select %eq3A_360, %broadcast_in_dim3A_362, %select_n3A_347 : vector<256x2048xi1>, vector<256x2048xf32>
    %reduce_max3A_364 = arith.constant dense<0xFF800000> : vector<256xf32>
    %reduce_max3A_365 = vector.multi_reduction <maximumf>, %select_n3A_363, %reduce_max3A_364 [1] : vector<256x2048xf32> to vector<256xf32>
    %broadcast_in_dim3A_366 = vector.shape_cast %reduce_max3A_365 : vector<256xf32> to vector<256x1xf32>
    %ge3A_367 = vector.broadcast %broadcast_in_dim3A_366 : vector<256x1xf32> to vector<256x2048xf32>
    %ge3A_368 = arith.cmpf oge, %select_n3A_363, %ge3A_367 : vector<256x2048xf32>
    %jit3A_369 = arith.constant 2048 : i32
    %broadcast_in_dim3A_370 = vector.broadcast %jit3A_369 : i32 to vector<256x2048xi32>
    %select_n3A_371 = arith.select %ge3A_368, %iota3A, %broadcast_in_dim3A_370 : vector<256x2048xi1>, vector<256x2048xi32>
    %reduce_min3A_372 = arith.constant dense<2147483647> : vector<256xi32>
    %reduce_min3A_373 = vector.multi_reduction <minsi>, %select_n3A_371, %reduce_min3A_372 [1] : vector<256x2048xi32> to vector<256xi32>
    %broadcast_in_dim3A_374 = vector.shape_cast %reduce_min3A_373 : vector<256xi32> to vector<256x1xi32>
    %eq3A_375 = vector.broadcast %broadcast_in_dim3A_374 : vector<256x1xi32> to vector<256x2048xi32>
    %eq3A_376 = arith.cmpi eq, %iota3A, %eq3A_375 : vector<256x2048xi32>
    %jit3A_377 = arith.constant -3.000000e+38 : f32
    %broadcast_in_dim3A_378 = vector.broadcast %jit3A_377 : f32 to vector<256x2048xf32>
    %select_n3A_379 = arith.select %eq3A_376, %broadcast_in_dim3A_378, %select_n3A_363 : vector<256x2048xi1>, vector<256x2048xf32>
    %reduce_max3A_380 = arith.constant dense<0xFF800000> : vector<256xf32>
    %reduce_max3A_381 = vector.multi_reduction <maximumf>, %select_n3A_379, %reduce_max3A_380 [1] : vector<256x2048xf32> to vector<256xf32>
    %broadcast_in_dim3A_382 = vector.shape_cast %reduce_max3A_381 : vector<256xf32> to vector<256x1xf32>
    %ge3A_383 = vector.broadcast %broadcast_in_dim3A_382 : vector<256x1xf32> to vector<256x2048xf32>
    %ge3A_384 = arith.cmpf oge, %select_n3A_379, %ge3A_383 : vector<256x2048xf32>
    %jit3A_385 = arith.constant 2048 : i32
    %broadcast_in_dim3A_386 = vector.broadcast %jit3A_385 : i32 to vector<256x2048xi32>
    %select_n3A_387 = arith.select %ge3A_384, %iota3A, %broadcast_in_dim3A_386 : vector<256x2048xi1>, vector<256x2048xi32>
    %reduce_min3A_388 = arith.constant dense<2147483647> : vector<256xi32>
    %reduce_min3A_389 = vector.multi_reduction <minsi>, %select_n3A_387, %reduce_min3A_388 [1] : vector<256x2048xi32> to vector<256xi32>
    %broadcast_in_dim3A_390 = vector.shape_cast %reduce_min3A_389 : vector<256xi32> to vector<256x1xi32>
    %eq3A_391 = vector.broadcast %broadcast_in_dim3A_390 : vector<256x1xi32> to vector<256x2048xi32>
    %eq3A_392 = arith.cmpi eq, %iota3A, %eq3A_391 : vector<256x2048xi32>
    %jit3A_393 = arith.constant -3.000000e+38 : f32
    %broadcast_in_dim3A_394 = vector.broadcast %jit3A_393 : f32 to vector<256x2048xf32>
    %select_n3A_395 = arith.select %eq3A_392, %broadcast_in_dim3A_394, %select_n3A_379 : vector<256x2048xi1>, vector<256x2048xf32>
    %reduce_max3A_396 = arith.constant dense<0xFF800000> : vector<256xf32>
    %reduce_max3A_397 = vector.multi_reduction <maximumf>, %select_n3A_395, %reduce_max3A_396 [1] : vector<256x2048xf32> to vector<256xf32>
    %broadcast_in_dim3A_398 = vector.shape_cast %reduce_max3A_397 : vector<256xf32> to vector<256x1xf32>
    %ge3A_399 = vector.broadcast %broadcast_in_dim3A_398 : vector<256x1xf32> to vector<256x2048xf32>
    %ge3A_400 = arith.cmpf oge, %select_n3A_395, %ge3A_399 : vector<256x2048xf32>
    %jit3A_401 = arith.constant 2048 : i32
    %broadcast_in_dim3A_402 = vector.broadcast %jit3A_401 : i32 to vector<256x2048xi32>
    %select_n3A_403 = arith.select %ge3A_400, %iota3A, %broadcast_in_dim3A_402 : vector<256x2048xi1>, vector<256x2048xi32>
    %reduce_min3A_404 = arith.constant dense<2147483647> : vector<256xi32>
    %reduce_min3A_405 = vector.multi_reduction <minsi>, %select_n3A_403, %reduce_min3A_404 [1] : vector<256x2048xi32> to vector<256xi32>
    %broadcast_in_dim3A_406 = vector.shape_cast %reduce_min3A_405 : vector<256xi32> to vector<256x1xi32>
    %concatenate3A = tpu.concatenate %broadcast_in_dim3A_103, %broadcast_in_dim3A_118, %broadcast_in_dim3A_134, %broadcast_in_dim3A_150, %broadcast_in_dim3A_166, %broadcast_in_dim3A_182, %broadcast_in_dim3A_198, %broadcast_in_dim3A_214, %broadcast_in_dim3A_230, %broadcast_in_dim3A_246, %broadcast_in_dim3A_262, %broadcast_in_dim3A_278, %broadcast_in_dim3A_294, %broadcast_in_dim3A_310, %broadcast_in_dim3A_326, %broadcast_in_dim3A_342, %broadcast_in_dim3A_358, %broadcast_in_dim3A_374, %broadcast_in_dim3A_390, %broadcast_in_dim3A_406 in 1 : vector<256x1xi32>, vector<256x1xi32>, vector<256x1xi32>, vector<256x1xi32>, vector<256x1xi32>, vector<256x1xi32>, vector<256x1xi32>, vector<256x1xi32>, vector<256x1xi32>, vector<256x1xi32>, vector<256x1xi32>, vector<256x1xi32>, vector<256x1xi32>, vector<256x1xi32>, vector<256x1xi32>, vector<256x1xi32>, vector<256x1xi32>, vector<256x1xi32>, vector<256x1xi32>, vector<256x1xi32> -> vector<256x20xi32>
    %mul3A_407 = arith.constant 2048 : i32
    %mul3A_408 = arith.muli %arg0, %mul3A_407 : i32
    %add3A_409 = vector.broadcast %mul3A_408 : i32 to vector<256x20xi32>
    %add3A_410 = arith.addi %concatenate3A, %add3A_409 : vector<256x20xi32>
    %swap3A_411 = arith.constant 0 : index
    %swap3A_412 = arith.constant 0 : index
    %swap3A_413 = vector.load %arg7[%swap3A_411, %swap3A_412] : memref<256x20xi32, #tpu.memory_space<vmem>>, vector<256x20xi32>
    tpu.vector_store %arg7[%swap3A_411, %swap3A_412], %add3A_410 {strides = array<i32>} : memref<256x20xi32, #tpu.memory_space<vmem>>, vector<256x20xi32>,
    return
  }
  func.func @transform_0(%arg0: i32, %arg1: i32) -> (i32, i32, i32) {
    %c0_i32 = arith.constant 0 : i32
    %c0_i32_0 = arith.constant 0 : i32
    %c0_i32_1 = arith.constant 0 : i32
    return %arg0, %c0_i32, %c0_i32_0 : i32, i32, i32
  }
  func.func @transform_1(%arg0: i32, %arg1: i32) -> (i32, i32, i32) {
    %c0_i32 = arith.constant 0 : i32
    %c0_i32_0 = arith.constant 0 : i32
    return %arg0, %arg1, %c0_i32 : i32, i32, i32
  }
  func.func @transform_2(%arg0: i32, %arg1: i32) -> (i32, i32) {
    %c0_i32 = arith.constant 0 : i32
    %c0_i32_0 = arith.constant 0 : i32
    %c0_i32_1 = arith.constant 0 : i32
    return %c0_i32, %c0_i32_0 : i32, i32
  }
  func.func @transform_3(%arg0: i32, %arg1: i32) -> (i32, i32) {
    %c0_i32 = arith.constant 0 : i32
    %c0_i32_0 = arith.constant 0 : i32
    %c0_i32_1 = arith.constant 0 : i32
    return %c0_i32, %c0_i32_0 : i32, i32
  }
  func.func @transform_4(%arg0: i32, %arg1: i32) -> (i32, i32) {
    %c0_i32 = arith.constant 0 : i32
    %c0_i32_0 = arith.constant 0 : i32
    %c0_i32_1 = arith.constant 0 : i32
    return %c0_i32, %c0_i32_0 : i32, i32
  }
  func.func @transform_5(%arg0: i32, %arg1: i32) -> (i32, i32) {
    %mul3A = arith.constant 8 : i32
    %mul3A_0 = arith.muli %arg0, %mul3A : i32
    %add3A = arith.addi %mul3A_0, %arg1 : i32
    %c0_i32 = arith.constant 0 : i32
    %c0_i32_1 = arith.constant 0 : i32
    return %add3A, %c0_i32 : i32, i32
  }
  func.func @transform_6(%arg0: i32, %arg1: i32) -> (i32, i32) {
    %mul3A = arith.constant 8 : i32
    %mul3A_0 = arith.muli %arg0, %mul3A : i32
    %add3A = arith.addi %mul3A_0, %arg1 : i32
    %c0_i32 = arith.constant 0 : i32
    %c0_i32_1 = arith.constant 0 : i32
    return %add3A, %c0_i32 : i32, i32
  }
}

module attributes {stable_mosaic.version = 14 : i64} {
  func.func @_conv_body(%arg0: i32, %arg1: memref<2560x128xf32, #tpu.memory_space<vmem>>, %arg2: memref<128x128xf32, #tpu.memory_space<vmem>>, %arg3: memref<256x256xbf16, #tpu.memory_space<vmem>>, %arg4: memref<128x256xf32, #tpu.memory_space<vmem>>, %arg5: memref<2x256xf32, #tpu.memory_space<vmem>>, %arg6: memref<2x256xf32, #tpu.memory_space<vmem>>) attributes {dimension_semantics = [#tpu.dimension_semantics<arbitrary>], iteration_bounds = array<i64: 256>, scalar_prefetch = 0 : i64, scratch_operands = 1 : i64, tpu.core_type = #tpu.core_type<tc>, window_params = [{transform_indices = @transform_0, window_bounds = array<i64: 2560, 128>}, {transform_indices = @transform_1, window_bounds = array<i64: 128, 128>}, {pipeline_mode = #tpu.pipeline_mode<synchronous>, transform_indices = @transform_2, window_bounds = array<i64: 256, 256>}, {transform_indices = @transform_3, window_bounds = array<i64: 128, 256>}, {pipeline_mode = #tpu.pipeline_mode<synchronous>, transform_indices = @transform_4, window_bounds = array<i64: 2, 256>}]} {
    %get3A = arith.constant 0 : index
    %get3A_0 = arith.constant 0 : index
    %get3A_1 = vector.load %arg2[%get3A, %get3A_0] : memref<128x128xf32, #tpu.memory_space<vmem>>, vector<128x128xf32>
    %get3A_2 = arith.constant 0 : index
    %get3A_3 = arith.constant 0 : index
    %get3A_4 = vector.load %arg1[%get3A_2, %get3A_3] : memref<2560x128xf32, #tpu.memory_space<vmem>>, vector<2560x128xf32>
    %broadcast_in_dim3A = vector.shape_cast %get3A_1 : vector<128x128xf32> to vector<128x1x128xf32>
    %broadcast_in_dim3A_5 = vector.shape_cast %broadcast_in_dim3A : vector<128x1x128xf32> to vector<128x1x128xf32>
    %broadcast_in_dim3A_6 = vector.broadcast %broadcast_in_dim3A_5 : vector<128x1x128xf32> to vector<128x20x128xf32>
    %reshape3A = vector.shape_cast %get3A_4 : vector<2560x128xf32> to vector<128x20x128xf32>
    %sub3A = arith.subf %reshape3A, %broadcast_in_dim3A_6 : vector<128x20x128xf32>
    %reshape3A_7 = vector.shape_cast %sub3A : vector<128x20x128xf32> to vector<2560x128xf32>
    %reshape3A_8 = vector.shape_cast %broadcast_in_dim3A_6 : vector<128x20x128xf32> to vector<2560x128xf32>
    %concatenate3A = tpu.concatenate %reshape3A_7, %reshape3A_8 in 1 : vector<2560x128xf32>, vector<2560x128xf32> -> vector<2560x256xf32>
    %convert_element_type3A = arith.truncf %concatenate3A : vector<2560x256xf32> to vector<2560x256xbf16>
    %get3A_9 = arith.constant 0 : index
    %get3A_10 = arith.constant 0 : index
    %get3A_11 = vector.load %arg3[%get3A_9, %get3A_10] : memref<256x256xbf16, #tpu.memory_space<vmem>>, vector<256x256xbf16>
    %dot_general3A = arith.constant dense<0.000000e+00> : vector<2560x256xf32>
    %dot_general3A_12 = tpu.matmul %convert_element_type3A, %get3A_11, %dot_general3A {dimension_numbers = #tpu.dot_dimension_numbers<[1], [0], [0], [1], [0, 0, 1, 1], [], []>, transpose_lhs_hint = false} : vector<2560x256xbf16>, vector<256x256xbf16>, vector<2560x256xf32> -> vector<2560x256xf32>
    %reshape3A_13 = vector.shape_cast %dot_general3A_12 : vector<2560x256xf32> to vector<128x20x256xf32>
    %reduce_max3A = arith.constant dense<0xFF800000> : vector<128x256xf32>
    %reduce_max3A_14 = vector.multi_reduction <maximumf>, %reshape3A_13, %reduce_max3A [1] : vector<128x20x256xf32> to vector<128x256xf32>
    %swap3A = arith.constant 0 : index
    %swap3A_15 = arith.constant 0 : index
    %swap3A_16 = vector.load %arg4[%swap3A, %swap3A_15] : memref<128x256xf32, #tpu.memory_space<vmem>>, vector<128x256xf32>
    tpu.vector_store %arg4[%swap3A, %swap3A_15], %reduce_max3A_14 {strides = array<i32>} : memref<128x256xf32, #tpu.memory_space<vmem>>, vector<128x256xf32>,
    %reshape3A_17 = vector.shape_cast %reshape3A_13 : vector<128x20x256xf32> to vector<2560x256xf32>
    %reduce_sum3A = arith.constant dense<0.000000e+00> : vector<256xf32>
    %reduce_sum3A_18 = vector.multi_reduction <add>, %reshape3A_17, %reduce_sum3A [0] : vector<2560x256xf32> to vector<256xf32>
    %broadcast_in_dim3A_19 = vector.shape_cast %reduce_sum3A_18 : vector<256xf32> to vector<1x256xf32>
    %mul3A = arith.mulf %reshape3A_13, %reshape3A_13 : vector<128x20x256xf32>
    %reshape3A_20 = vector.shape_cast %mul3A : vector<128x20x256xf32> to vector<2560x256xf32>
    %reduce_sum3A_21 = arith.constant dense<0.000000e+00> : vector<256xf32>
    %reduce_sum3A_22 = vector.multi_reduction <add>, %reshape3A_20, %reduce_sum3A_21 [0] : vector<2560x256xf32> to vector<256xf32>
    %broadcast_in_dim3A_23 = vector.shape_cast %reduce_sum3A_22 : vector<256xf32> to vector<1x256xf32>
    %concatenate3A_24 = tpu.concatenate %broadcast_in_dim3A_19, %broadcast_in_dim3A_23 in 0 : vector<1x256xf32>, vector<1x256xf32> -> vector<2x256xf32>
    %eq3A = arith.constant 0 : i32
    %eq3A_25 = arith.cmpi eq, %arg0, %eq3A : i32
    %convert_element_type3A_26 = arith.extui %eq3A_25 : i1 to i32
    %cond3A = arith.constant 0 : i32
    %cond3A_27 = arith.cmpi ne, %convert_element_type3A_26, %cond3A : i32
    scf.if %cond3A_27 {
      %swap3A_37 = arith.constant 0 : index
      %swap3A_38 = arith.constant 0 : index
      %swap3A_39 = vector.load %arg6[%swap3A_37, %swap3A_38] : memref<2x256xf32, #tpu.memory_space<vmem>>, vector<2x256xf32>
      tpu.vector_store %arg6[%swap3A_37, %swap3A_38], %concatenate3A_24 {strides = array<i32>} : memref<2x256xf32, #tpu.memory_space<vmem>>, vector<2x256xf32>,
    } else {
    }
    %gt3A = arith.constant 0 : i32
    %gt3A_28 = arith.cmpi sgt, %arg0, %gt3A : i32
    %convert_element_type3A_29 = arith.extui %gt3A_28 : i1 to i32
    %cond3A_30 = arith.constant 0 : i32
    %cond3A_31 = arith.cmpi ne, %convert_element_type3A_29, %cond3A_30 : i32
    scf.if %cond3A_31 {
      %get3A_37 = arith.constant 0 : index
      %get3A_38 = arith.constant 0 : index
      %get3A_39 = vector.load %arg6[%get3A_37, %get3A_38] : memref<2x256xf32, #tpu.memory_space<vmem>>, vector<2x256xf32>
      %add3A = arith.addf %get3A_39, %concatenate3A_24 : vector<2x256xf32>
      %swap3A_40 = arith.constant 0 : index
      %swap3A_41 = arith.constant 0 : index
      %swap3A_42 = vector.load %arg6[%swap3A_40, %swap3A_41] : memref<2x256xf32, #tpu.memory_space<vmem>>, vector<2x256xf32>
      tpu.vector_store %arg6[%swap3A_40, %swap3A_41], %add3A {strides = array<i32>} : memref<2x256xf32, #tpu.memory_space<vmem>>, vector<2x256xf32>,
    } else {
    }
    %eq3A_32 = arith.constant 255 : i32
    %eq3A_33 = arith.cmpi eq, %arg0, %eq3A_32 : i32
    %convert_element_type3A_34 = arith.extui %eq3A_33 : i1 to i32
    %cond3A_35 = arith.constant 0 : i32
    %cond3A_36 = arith.cmpi ne, %convert_element_type3A_34, %cond3A_35 : i32
    scf.if %cond3A_36 {
      %get3A_37 = arith.constant 0 : index
      %get3A_38 = arith.constant 0 : index
      %get3A_39 = vector.load %arg6[%get3A_37, %get3A_38] : memref<2x256xf32, #tpu.memory_space<vmem>>, vector<2x256xf32>
      %swap3A_40 = arith.constant 0 : index
      %swap3A_41 = arith.constant 0 : index
      %swap3A_42 = vector.load %arg5[%swap3A_40, %swap3A_41] : memref<2x256xf32, #tpu.memory_space<vmem>>, vector<2x256xf32>
      tpu.vector_store %arg5[%swap3A_40, %swap3A_41], %get3A_39 {strides = array<i32>} : memref<2x256xf32, #tpu.memory_space<vmem>>, vector<2x256xf32>,
    } else {
    }
    return
  }
  func.func @transform_0(%arg0: i32) -> (i32, i32) {
    %c0_i32 = arith.constant 0 : i32
    %c0_i32_0 = arith.constant 0 : i32
    return %arg0, %c0_i32 : i32, i32
  }
  func.func @transform_1(%arg0: i32) -> (i32, i32) {
    %c0_i32 = arith.constant 0 : i32
    %c0_i32_0 = arith.constant 0 : i32
    return %arg0, %c0_i32 : i32, i32
  }
  func.func @transform_2(%arg0: i32) -> (i32, i32) {
    %c0_i32 = arith.constant 0 : i32
    %c0_i32_0 = arith.constant 0 : i32
    %c0_i32_1 = arith.constant 0 : i32
    return %c0_i32, %c0_i32_0 : i32, i32
  }
  func.func @transform_3(%arg0: i32) -> (i32, i32) {
    %c0_i32 = arith.constant 0 : i32
    %c0_i32_0 = arith.constant 0 : i32
    return %arg0, %c0_i32 : i32, i32
  }
  func.func @transform_4(%arg0: i32) -> (i32, i32) {
    %c0_i32 = arith.constant 0 : i32
    %c0_i32_0 = arith.constant 0 : i32
    %c0_i32_1 = arith.constant 0 : i32
    return %c0_i32, %c0_i32_0 : i32, i32
  }
}

module attributes {stable_mosaic.version = 14 : i64} {
  func.func @_f1_body(%arg0: i32, %arg1: i32, %arg2: memref<256x64xf32, #tpu.memory_space<vmem>>, %arg3: memref<2x64xf32, #tpu.memory_space<vmem>>, %arg4: memref<1x64xf32, #tpu.memory_space<vmem>>, %arg5: memref<1x64xf32, #tpu.memory_space<vmem>>, %arg6: memref<256x64xf32, #tpu.memory_space<vmem>>, %arg7: memref<2x64xf32, #tpu.memory_space<vmem>>, %arg8: memref<1x64xf32, #tpu.memory_space<vmem>>, %arg9: memref<1x64xf32, #tpu.memory_space<vmem>>, %arg10: memref<256x128xf32, #tpu.memory_space<vmem>>, %arg11: memref<2x128xf32, #tpu.memory_space<vmem>>, %arg12: memref<1x128xf32, #tpu.memory_space<vmem>>, %arg13: memref<1x128xf32, #tpu.memory_space<vmem>>, %arg14: memref<256x256xf32, #tpu.memory_space<vmem>>, %arg15: memref<2x256xf32, #tpu.memory_space<vmem>>, %arg16: memref<1x256xf32, #tpu.memory_space<vmem>>, %arg17: memref<1x256xf32, #tpu.memory_space<vmem>>, %arg18: memref<512x1024xbf16, #tpu.memory_space<vmem>>, %arg19: memref<256x1024xf32, #tpu.memory_space<vmem>>, %arg20: memref<2x1024xf32, #tpu.memory_space<vmem>>, %arg21: memref<2x1024xf32, #tpu.memory_space<vmem>>) attributes {dimension_semantics = [#tpu.dimension_semantics<arbitrary>, #tpu.dimension_semantics<arbitrary>], iteration_bounds = array<i64: 16, 8>, scalar_prefetch = 0 : i64, scratch_operands = 1 : i64, tpu.core_type = #tpu.core_type<tc>, window_params = [{transform_indices = @transform_0, window_bounds = array<i64: 256, 64>}, {pipeline_mode = #tpu.pipeline_mode<synchronous>, transform_indices = @transform_1, window_bounds = array<i64: 2, 64>}, {pipeline_mode = #tpu.pipeline_mode<synchronous>, transform_indices = @transform_2, window_bounds = array<i64: 1, 64>}, {pipeline_mode = #tpu.pipeline_mode<synchronous>, transform_indices = @transform_3, window_bounds = array<i64: 1, 64>}, {transform_indices = @transform_4, window_bounds = array<i64: 256, 64>}, {pipeline_mode = #tpu.pipeline_mode<synchronous>, transform_indices = @transform_5, window_bounds = array<i64: 2, 64>}, {pipeline_mode = #tpu.pipeline_mode<synchronous>, transform_indices = @transform_6, window_bounds = array<i64: 1, 64>}, {pipeline_mode = #tpu.pipeline_mode<synchronous>, transform_indices = @transform_7, window_bounds = array<i64: 1, 64>}, {transform_indices = @transform_8, window_bounds = array<i64: 256, 128>}, {pipeline_mode = #tpu.pipeline_mode<synchronous>, transform_indices = @transform_9, window_bounds = array<i64: 2, 128>}, {pipeline_mode = #tpu.pipeline_mode<synchronous>, transform_indices = @transform_10, window_bounds = array<i64: 1, 128>}, {pipeline_mode = #tpu.pipeline_mode<synchronous>, transform_indices = @transform_11, window_bounds = array<i64: 1, 128>}, {transform_indices = @transform_12, window_bounds = array<i64: 256, 256>}, {pipeline_mode = #tpu.pipeline_mode<synchronous>, transform_indices = @transform_13, window_bounds = array<i64: 2, 256>}, {pipeline_mode = #tpu.pipeline_mode<synchronous>, transform_indices = @transform_14, window_bounds = array<i64: 1, 256>}, {pipeline_mode = #tpu.pipeline_mode<synchronous>, transform_indices = @transform_15, window_bounds = array<i64: 1, 256>}, {pipeline_mode = #tpu.pipeline_mode<synchronous>, transform_indices = @transform_16, window_bounds = array<i64: 512, 1024>}, {transform_indices = @transform_17, window_bounds = array<i64: 256, 1024>}, {pipeline_mode = #tpu.pipeline_mode<synchronous>, transform_indices = @transform_18, window_bounds = array<i64: 2, 1024>}]} {
    %get3A = arith.constant 0 : index
    %get3A_0 = arith.constant 0 : index
    %get3A_1 = vector.load %arg2[%get3A, %get3A_0] : memref<256x64xf32, #tpu.memory_space<vmem>>, vector<256x64xf32>
    %get3A_2 = arith.constant 0 : index
    %get3A_3 = arith.constant 0 : index
    %get3A_4 = vector.load %arg3[%get3A_2, %get3A_3] : memref<2x64xf32, #tpu.memory_space<vmem>>, vector<2x64xf32>
    %get3A_5 = arith.constant 0 : index
    %get3A_6 = arith.constant 0 : index
    %get3A_7 = vector.load %arg4[%get3A_5, %get3A_6] : memref<1x64xf32, #tpu.memory_space<vmem>>, vector<1x64xf32>
    %get3A_8 = arith.constant 0 : index
    %get3A_9 = arith.constant 0 : index
    %get3A_10 = vector.load %arg5[%get3A_8, %get3A_9] : memref<1x64xf32, #tpu.memory_space<vmem>>, vector<1x64xf32>
    %slice3A = vector.extract_strided_slice %get3A_4 {offsets = [0, 0], sizes = [1, 64], strides = [1, 1]} : vector<2x64xf32> to vector<1x64xf32>
    %div3A = arith.constant 6.553600e+05 : f32
    %div3A_11 = vector.broadcast %div3A : f32 to vector<1x64xf32>
    %div3A_12 = arith.divf %slice3A, %div3A_11 : vector<1x64xf32>
    %slice3A_13 = vector.extract_strided_slice %get3A_4 {offsets = [1, 0], sizes = [1, 64], strides = [1, 1]} : vector<2x64xf32> to vector<1x64xf32>
    %div3A_14 = arith.constant 6.553600e+05 : f32
    %div3A_15 = vector.broadcast %div3A_14 : f32 to vector<1x64xf32>
    %div3A_16 = arith.divf %slice3A_13, %div3A_15 : vector<1x64xf32>
    %mul3A = arith.mulf %div3A_12, %div3A_12 : vector<1x64xf32>
    %sub3A = arith.subf %div3A_16, %mul3A : vector<1x64xf32>
    %sub3A_17 = vector.broadcast %div3A_12 : vector<1x64xf32> to vector<256x64xf32>
    %sub3A_18 = arith.subf %get3A_1, %sub3A_17 : vector<256x64xf32>
    %add3A = arith.constant 9.99999974E-6 : f32
    %add3A_19 = vector.broadcast %add3A : f32 to vector<1x64xf32>
    %add3A_20 = arith.addf %sub3A, %add3A_19 : vector<1x64xf32>
    %sqrt3A = math.sqrt %add3A_20 : vector<1x64xf32>
    %div3A_21 = vector.broadcast %sqrt3A : vector<1x64xf32> to vector<256x64xf32>
    %div3A_22 = arith.divf %sub3A_18, %div3A_21 : vector<256x64xf32>
    %mul3A_23 = vector.broadcast %get3A_7 : vector<1x64xf32> to vector<256x64xf32>
    %mul3A_24 = arith.mulf %div3A_22, %mul3A_23 : vector<256x64xf32>
    %add3A_25 = vector.broadcast %get3A_10 : vector<1x64xf32> to vector<256x64xf32>
    %add3A_26 = arith.addf %mul3A_24, %add3A_25 : vector<256x64xf32>
    %ge3A = arith.constant 0.000000e+00 : f32
    %ge3A_27 = vector.broadcast %ge3A : f32 to vector<256x64xf32>
    %ge3A_28 = arith.cmpf oge, %add3A_26, %ge3A_27 : vector<256x64xf32>
    %mul3A_29 = arith.constant 2.000000e-01 : f32
    %mul3A_30 = vector.broadcast %mul3A_29 : f32 to vector<256x64xf32>
    %mul3A_31 = arith.mulf %mul3A_30, %add3A_26 : vector<256x64xf32>
    %select_n3A = arith.select %ge3A_28, %add3A_26, %mul3A_31 : vector<256x64xi1>, vector<256x64xf32>
    %get3A_32 = arith.constant 0 : index
    %get3A_33 = arith.constant 0 : index
    %get3A_34 = vector.load %arg6[%get3A_32, %get3A_33] : memref<256x64xf32, #tpu.memory_space<vmem>>, vector<256x64xf32>
    %get3A_35 = arith.constant 0 : index
    %get3A_36 = arith.constant 0 : index
    %get3A_37 = vector.load %arg7[%get3A_35, %get3A_36] : memref<2x64xf32, #tpu.memory_space<vmem>>, vector<2x64xf32>
    %get3A_38 = arith.constant 0 : index
    %get3A_39 = arith.constant 0 : index
    %get3A_40 = vector.load %arg8[%get3A_38, %get3A_39] : memref<1x64xf32, #tpu.memory_space<vmem>>, vector<1x64xf32>
    %get3A_41 = arith.constant 0 : index
    %get3A_42 = arith.constant 0 : index
    %get3A_43 = vector.load %arg9[%get3A_41, %get3A_42] : memref<1x64xf32, #tpu.memory_space<vmem>>, vector<1x64xf32>
    %slice3A_44 = vector.extract_strided_slice %get3A_37 {offsets = [0, 0], sizes = [1, 64], strides = [1, 1]} : vector<2x64xf32> to vector<1x64xf32>
    %div3A_45 = arith.constant 6.553600e+05 : f32
    %div3A_46 = vector.broadcast %div3A_45 : f32 to vector<1x64xf32>
    %div3A_47 = arith.divf %slice3A_44, %div3A_46 : vector<1x64xf32>
    %slice3A_48 = vector.extract_strided_slice %get3A_37 {offsets = [1, 0], sizes = [1, 64], strides = [1, 1]} : vector<2x64xf32> to vector<1x64xf32>
    %div3A_49 = arith.constant 6.553600e+05 : f32
    %div3A_50 = vector.broadcast %div3A_49 : f32 to vector<1x64xf32>
    %div3A_51 = arith.divf %slice3A_48, %div3A_50 : vector<1x64xf32>
    %mul3A_52 = arith.mulf %div3A_47, %div3A_47 : vector<1x64xf32>
    %sub3A_53 = arith.subf %div3A_51, %mul3A_52 : vector<1x64xf32>
    %sub3A_54 = vector.broadcast %div3A_47 : vector<1x64xf32> to vector<256x64xf32>
    %sub3A_55 = arith.subf %get3A_34, %sub3A_54 : vector<256x64xf32>
    %add3A_56 = arith.constant 9.99999974E-6 : f32
    %add3A_57 = vector.broadcast %add3A_56 : f32 to vector<1x64xf32>
    %add3A_58 = arith.addf %sub3A_53, %add3A_57 : vector<1x64xf32>
    %sqrt3A_59 = math.sqrt %add3A_58 : vector<1x64xf32>
    %div3A_60 = vector.broadcast %sqrt3A_59 : vector<1x64xf32> to vector<256x64xf32>
    %div3A_61 = arith.divf %sub3A_55, %div3A_60 : vector<256x64xf32>
    %mul3A_62 = vector.broadcast %get3A_40 : vector<1x64xf32> to vector<256x64xf32>
    %mul3A_63 = arith.mulf %div3A_61, %mul3A_62 : vector<256x64xf32>
    %add3A_64 = vector.broadcast %get3A_43 : vector<1x64xf32> to vector<256x64xf32>
    %add3A_65 = arith.addf %mul3A_63, %add3A_64 : vector<256x64xf32>
    %ge3A_66 = arith.constant 0.000000e+00 : f32
    %ge3A_67 = vector.broadcast %ge3A_66 : f32 to vector<256x64xf32>
    %ge3A_68 = arith.cmpf oge, %add3A_65, %ge3A_67 : vector<256x64xf32>
    %mul3A_69 = arith.constant 2.000000e-01 : f32
    %mul3A_70 = vector.broadcast %mul3A_69 : f32 to vector<256x64xf32>
    %mul3A_71 = arith.mulf %mul3A_70, %add3A_65 : vector<256x64xf32>
    %select_n3A_72 = arith.select %ge3A_68, %add3A_65, %mul3A_71 : vector<256x64xi1>, vector<256x64xf32>
    %get3A_73 = arith.constant 0 : index
    %get3A_74 = arith.constant 0 : index
    %get3A_75 = vector.load %arg10[%get3A_73, %get3A_74] : memref<256x128xf32, #tpu.memory_space<vmem>>, vector<256x128xf32>
    %get3A_76 = arith.constant 0 : index
    %get3A_77 = arith.constant 0 : index
    %get3A_78 = vector.load %arg11[%get3A_76, %get3A_77] : memref<2x128xf32, #tpu.memory_space<vmem>>, vector<2x128xf32>
    %get3A_79 = arith.constant 0 : index
    %get3A_80 = arith.constant 0 : index
    %get3A_81 = vector.load %arg12[%get3A_79, %get3A_80] : memref<1x128xf32, #tpu.memory_space<vmem>>, vector<1x128xf32>
    %get3A_82 = arith.constant 0 : index
    %get3A_83 = arith.constant 0 : index
    %get3A_84 = vector.load %arg13[%get3A_82, %get3A_83] : memref<1x128xf32, #tpu.memory_space<vmem>>, vector<1x128xf32>
    %slice3A_85 = vector.extract_strided_slice %get3A_78 {offsets = [0, 0], sizes = [1, 128], strides = [1, 1]} : vector<2x128xf32> to vector<1x128xf32>
    %div3A_86 = arith.constant 6.553600e+05 : f32
    %div3A_87 = vector.broadcast %div3A_86 : f32 to vector<1x128xf32>
    %div3A_88 = arith.divf %slice3A_85, %div3A_87 : vector<1x128xf32>
    %slice3A_89 = vector.extract_strided_slice %get3A_78 {offsets = [1, 0], sizes = [1, 128], strides = [1, 1]} : vector<2x128xf32> to vector<1x128xf32>
    %div3A_90 = arith.constant 6.553600e+05 : f32
    %div3A_91 = vector.broadcast %div3A_90 : f32 to vector<1x128xf32>
    %div3A_92 = arith.divf %slice3A_89, %div3A_91 : vector<1x128xf32>
    %mul3A_93 = arith.mulf %div3A_88, %div3A_88 : vector<1x128xf32>
    %sub3A_94 = arith.subf %div3A_92, %mul3A_93 : vector<1x128xf32>
    %sub3A_95 = vector.broadcast %div3A_88 : vector<1x128xf32> to vector<256x128xf32>
    %sub3A_96 = arith.subf %get3A_75, %sub3A_95 : vector<256x128xf32>
    %add3A_97 = arith.constant 9.99999974E-6 : f32
    %add3A_98 = vector.broadcast %add3A_97 : f32 to vector<1x128xf32>
    %add3A_99 = arith.addf %sub3A_94, %add3A_98 : vector<1x128xf32>
    %sqrt3A_100 = math.sqrt %add3A_99 : vector<1x128xf32>
    %div3A_101 = vector.broadcast %sqrt3A_100 : vector<1x128xf32> to vector<256x128xf32>
    %div3A_102 = arith.divf %sub3A_96, %div3A_101 : vector<256x128xf32>
    %mul3A_103 = vector.broadcast %get3A_81 : vector<1x128xf32> to vector<256x128xf32>
    %mul3A_104 = arith.mulf %div3A_102, %mul3A_103 : vector<256x128xf32>
    %add3A_105 = vector.broadcast %get3A_84 : vector<1x128xf32> to vector<256x128xf32>
    %add3A_106 = arith.addf %mul3A_104, %add3A_105 : vector<256x128xf32>
    %ge3A_107 = arith.constant 0.000000e+00 : f32
    %ge3A_108 = vector.broadcast %ge3A_107 : f32 to vector<256x128xf32>
    %ge3A_109 = arith.cmpf oge, %add3A_106, %ge3A_108 : vector<256x128xf32>
    %mul3A_110 = arith.constant 2.000000e-01 : f32
    %mul3A_111 = vector.broadcast %mul3A_110 : f32 to vector<256x128xf32>
    %mul3A_112 = arith.mulf %mul3A_111, %add3A_106 : vector<256x128xf32>
    %select_n3A_113 = arith.select %ge3A_109, %add3A_106, %mul3A_112 : vector<256x128xi1>, vector<256x128xf32>
    %get3A_114 = arith.constant 0 : index
    %get3A_115 = arith.constant 0 : index
    %get3A_116 = vector.load %arg14[%get3A_114, %get3A_115] : memref<256x256xf32, #tpu.memory_space<vmem>>, vector<256x256xf32>
    %get3A_117 = arith.constant 0 : index
    %get3A_118 = arith.constant 0 : index
    %get3A_119 = vector.load %arg15[%get3A_117, %get3A_118] : memref<2x256xf32, #tpu.memory_space<vmem>>, vector<2x256xf32>
    %get3A_120 = arith.constant 0 : index
    %get3A_121 = arith.constant 0 : index
    %get3A_122 = vector.load %arg16[%get3A_120, %get3A_121] : memref<1x256xf32, #tpu.memory_space<vmem>>, vector<1x256xf32>
    %get3A_123 = arith.constant 0 : index
    %get3A_124 = arith.constant 0 : index
    %get3A_125 = vector.load %arg17[%get3A_123, %get3A_124] : memref<1x256xf32, #tpu.memory_space<vmem>>, vector<1x256xf32>
    %slice3A_126 = vector.extract_strided_slice %get3A_119 {offsets = [0, 0], sizes = [1, 256], strides = [1, 1]} : vector<2x256xf32> to vector<1x256xf32>
    %div3A_127 = arith.constant 6.553600e+05 : f32
    %div3A_128 = vector.broadcast %div3A_127 : f32 to vector<1x256xf32>
    %div3A_129 = arith.divf %slice3A_126, %div3A_128 : vector<1x256xf32>
    %slice3A_130 = vector.extract_strided_slice %get3A_119 {offsets = [1, 0], sizes = [1, 256], strides = [1, 1]} : vector<2x256xf32> to vector<1x256xf32>
    %div3A_131 = arith.constant 6.553600e+05 : f32
    %div3A_132 = vector.broadcast %div3A_131 : f32 to vector<1x256xf32>
    %div3A_133 = arith.divf %slice3A_130, %div3A_132 : vector<1x256xf32>
    %mul3A_134 = arith.mulf %div3A_129, %div3A_129 : vector<1x256xf32>
    %sub3A_135 = arith.subf %div3A_133, %mul3A_134 : vector<1x256xf32>
    %sub3A_136 = vector.broadcast %div3A_129 : vector<1x256xf32> to vector<256x256xf32>
    %sub3A_137 = arith.subf %get3A_116, %sub3A_136 : vector<256x256xf32>
    %add3A_138 = arith.constant 9.99999974E-6 : f32
    %add3A_139 = vector.broadcast %add3A_138 : f32 to vector<1x256xf32>
    %add3A_140 = arith.addf %sub3A_135, %add3A_139 : vector<1x256xf32>
    %sqrt3A_141 = math.sqrt %add3A_140 : vector<1x256xf32>
    %div3A_142 = vector.broadcast %sqrt3A_141 : vector<1x256xf32> to vector<256x256xf32>
    %div3A_143 = arith.divf %sub3A_137, %div3A_142 : vector<256x256xf32>
    %mul3A_144 = vector.broadcast %get3A_122 : vector<1x256xf32> to vector<256x256xf32>
    %mul3A_145 = arith.mulf %div3A_143, %mul3A_144 : vector<256x256xf32>
    %add3A_146 = vector.broadcast %get3A_125 : vector<1x256xf32> to vector<256x256xf32>
    %add3A_147 = arith.addf %mul3A_145, %add3A_146 : vector<256x256xf32>
    %ge3A_148 = arith.constant 0.000000e+00 : f32
    %ge3A_149 = vector.broadcast %ge3A_148 : f32 to vector<256x256xf32>
    %ge3A_150 = arith.cmpf oge, %add3A_147, %ge3A_149 : vector<256x256xf32>
    %mul3A_151 = arith.constant 2.000000e-01 : f32
    %mul3A_152 = vector.broadcast %mul3A_151 : f32 to vector<256x256xf32>
    %mul3A_153 = arith.mulf %mul3A_152, %add3A_147 : vector<256x256xf32>
    %select_n3A_154 = arith.select %ge3A_150, %add3A_147, %mul3A_153 : vector<256x256xi1>, vector<256x256xf32>
    %concatenate3A = tpu.concatenate %select_n3A, %select_n3A_72, %select_n3A_113, %select_n3A_154 in 1 : vector<256x64xf32>, vector<256x64xf32>, vector<256x128xf32>, vector<256x256xf32> -> vector<256x512xf32>
    %convert_element_type3A = arith.truncf %concatenate3A : vector<256x512xf32> to vector<256x512xbf16>
    %get3A_155 = arith.constant 0 : index
    %get3A_156 = arith.constant 0 : index
    %get3A_157 = vector.load %arg18[%get3A_155, %get3A_156] : memref<512x1024xbf16, #tpu.memory_space<vmem>>, vector<512x1024xbf16>
    %dot_general3A = arith.constant dense<0.000000e+00> : vector<256x1024xf32>
    %dot_general3A_158 = tpu.matmul %convert_element_type3A, %get3A_157, %dot_general3A {dimension_numbers = #tpu.dot_dimension_numbers<[1], [0], [0], [1], [0, 0, 1, 1], [], []>, transpose_lhs_hint = false} : vector<256x512xbf16>, vector<512x1024xbf16>, vector<256x1024xf32> -> vector<256x1024xf32>
    %swap3A = arith.constant 0 : index
    %swap3A_159 = arith.constant 0 : index
    %swap3A_160 = vector.load %arg19[%swap3A, %swap3A_159] : memref<256x1024xf32, #tpu.memory_space<vmem>>, vector<256x1024xf32>
    tpu.vector_store %arg19[%swap3A, %swap3A_159], %dot_general3A_158 {strides = array<i32>} : memref<256x1024xf32, #tpu.memory_space<vmem>>, vector<256x1024xf32>,
    %reduce_sum3A = arith.constant dense<0.000000e+00> : vector<1024xf32>
    %reduce_sum3A_161 = vector.multi_reduction <add>, %dot_general3A_158, %reduce_sum3A [0] : vector<256x1024xf32> to vector<1024xf32>
    %broadcast_in_dim3A = vector.shape_cast %reduce_sum3A_161 : vector<1024xf32> to vector<1x1024xf32>
    %mul3A_162 = arith.mulf %dot_general3A_158, %dot_general3A_158 : vector<256x1024xf32>
    %reduce_sum3A_163 = arith.constant dense<0.000000e+00> : vector<1024xf32>
    %reduce_sum3A_164 = vector.multi_reduction <add>, %mul3A_162, %reduce_sum3A_163 [0] : vector<256x1024xf32> to vector<1024xf32>
    %broadcast_in_dim3A_165 = vector.shape_cast %reduce_sum3A_164 : vector<1024xf32> to vector<1x1024xf32>
    %concatenate3A_166 = tpu.concatenate %broadcast_in_dim3A, %broadcast_in_dim3A_165 in 0 : vector<1x1024xf32>, vector<1x1024xf32> -> vector<2x1024xf32>
    %eq3A = arith.constant 0 : i32
    %eq3A_167 = arith.cmpi eq, %arg0, %eq3A : i32
    %eq3A_168 = arith.constant 0 : i32
    %eq3A_169 = arith.cmpi eq, %arg1, %eq3A_168 : i32
    %and3A = arith.andi %eq3A_167, %eq3A_169 : i1
    %convert_element_type3A_170 = arith.extui %and3A : i1 to i32
    %cond3A = arith.constant 0 : i32
    %cond3A_171 = arith.cmpi ne, %convert_element_type3A_170, %cond3A : i32
    scf.if %cond3A_171 {
      %swap3A_184 = arith.constant 0 : index
      %swap3A_185 = arith.constant 0 : index
      %swap3A_186 = vector.load %arg21[%swap3A_184, %swap3A_185] : memref<2x1024xf32, #tpu.memory_space<vmem>>, vector<2x1024xf32>
      tpu.vector_store %arg21[%swap3A_184, %swap3A_185], %concatenate3A_166 {strides = array<i32>} : memref<2x1024xf32, #tpu.memory_space<vmem>>, vector<2x1024xf32>,
    } else {
    }
    %not3A = arith.constant true
    %not3A_172 = arith.xori %and3A, %not3A : i1
    %convert_element_type3A_173 = arith.extui %not3A_172 : i1 to i32
    %cond3A_174 = arith.constant 0 : i32
    %cond3A_175 = arith.cmpi ne, %convert_element_type3A_173, %cond3A_174 : i32
    scf.if %cond3A_175 {
      %get3A_184 = arith.constant 0 : index
      %get3A_185 = arith.constant 0 : index
      %get3A_186 = vector.load %arg21[%get3A_184, %get3A_185] : memref<2x1024xf32, #tpu.memory_space<vmem>>, vector<2x1024xf32>
      %add3A_187 = arith.addf %get3A_186, %concatenate3A_166 : vector<2x1024xf32>
      %swap3A_188 = arith.constant 0 : index
      %swap3A_189 = arith.constant 0 : index
      %swap3A_190 = vector.load %arg21[%swap3A_188, %swap3A_189] : memref<2x1024xf32, #tpu.memory_space<vmem>>, vector<2x1024xf32>
      tpu.vector_store %arg21[%swap3A_188, %swap3A_189], %add3A_187 {strides = array<i32>} : memref<2x1024xf32, #tpu.memory_space<vmem>>, vector<2x1024xf32>,
    } else {
    }
    %eq3A_176 = arith.constant 15 : i32
    %eq3A_177 = arith.cmpi eq, %arg0, %eq3A_176 : i32
    %eq3A_178 = arith.constant 7 : i32
    %eq3A_179 = arith.cmpi eq, %arg1, %eq3A_178 : i32
    %and3A_180 = arith.andi %eq3A_177, %eq3A_179 : i1
    %convert_element_type3A_181 = arith.extui %and3A_180 : i1 to i32
    %cond3A_182 = arith.constant 0 : i32
    %cond3A_183 = arith.cmpi ne, %convert_element_type3A_181, %cond3A_182 : i32
    scf.if %cond3A_183 {
      %get3A_184 = arith.constant 0 : index
      %get3A_185 = arith.constant 0 : index
      %get3A_186 = vector.load %arg21[%get3A_184, %get3A_185] : memref<2x1024xf32, #tpu.memory_space<vmem>>, vector<2x1024xf32>
      %swap3A_187 = arith.constant 0 : index
      %swap3A_188 = arith.constant 0 : index
      %swap3A_189 = vector.load %arg20[%swap3A_187, %swap3A_188] : memref<2x1024xf32, #tpu.memory_space<vmem>>, vector<2x1024xf32>
      tpu.vector_store %arg20[%swap3A_187, %swap3A_188], %get3A_186 {strides = array<i32>} : memref<2x1024xf32, #tpu.memory_space<vmem>>, vector<2x1024xf32>,
    } else {
    }
    return
  }
  func.func @transform_0(%arg0: i32, %arg1: i32) -> (i32, i32) {
    %mul3A = arith.constant 8 : i32
    %mul3A_0 = arith.muli %arg0, %mul3A : i32
    %add3A = arith.addi %mul3A_0, %arg1 : i32
    %c0_i32 = arith.constant 0 : i32
    %c0_i32_1 = arith.constant 0 : i32
    return %add3A, %c0_i32 : i32, i32
  }
  func.func @transform_1(%arg0: i32, %arg1: i32) -> (i32, i32) {
    %c0_i32 = arith.constant 0 : i32
    %c0_i32_0 = arith.constant 0 : i32
    %c0_i32_1 = arith.constant 0 : i32
    return %c0_i32, %c0_i32_0 : i32, i32
  }
  func.func @transform_2(%arg0: i32, %arg1: i32) -> (i32, i32) {
    %c0_i32 = arith.constant 0 : i32
    %c0_i32_0 = arith.constant 0 : i32
    %c0_i32_1 = arith.constant 0 : i32
    return %c0_i32, %c0_i32_0 : i32, i32
  }
  func.func @transform_3(%arg0: i32, %arg1: i32) -> (i32, i32) {
    %c0_i32 = arith.constant 0 : i32
    %c0_i32_0 = arith.constant 0 : i32
    %c0_i32_1 = arith.constant 0 : i32
    return %c0_i32, %c0_i32_0 : i32, i32
  }
  func.func @transform_4(%arg0: i32, %arg1: i32) -> (i32, i32) {
    %mul3A = arith.constant 8 : i32
    %mul3A_0 = arith.muli %arg0, %mul3A : i32
    %add3A = arith.addi %mul3A_0, %arg1 : i32
    %c0_i32 = arith.constant 0 : i32
    %c0_i32_1 = arith.constant 0 : i32
    return %add3A, %c0_i32 : i32, i32
  }
  func.func @transform_5(%arg0: i32, %arg1: i32) -> (i32, i32) {
    %c0_i32 = arith.constant 0 : i32
    %c0_i32_0 = arith.constant 0 : i32
    %c0_i32_1 = arith.constant 0 : i32
    return %c0_i32, %c0_i32_0 : i32, i32
  }
  func.func @transform_6(%arg0: i32, %arg1: i32) -> (i32, i32) {
    %c0_i32 = arith.constant 0 : i32
    %c0_i32_0 = arith.constant 0 : i32
    %c0_i32_1 = arith.constant 0 : i32
    return %c0_i32, %c0_i32_0 : i32, i32
  }
  func.func @transform_7(%arg0: i32, %arg1: i32) -> (i32, i32) {
    %c0_i32 = arith.constant 0 : i32
    %c0_i32_0 = arith.constant 0 : i32
    %c0_i32_1 = arith.constant 0 : i32
    return %c0_i32, %c0_i32_0 : i32, i32
  }
  func.func @transform_8(%arg0: i32, %arg1: i32) -> (i32, i32) {
    %mul3A = arith.constant 8 : i32
    %mul3A_0 = arith.muli %arg0, %mul3A : i32
    %add3A = arith.addi %mul3A_0, %arg1 : i32
    %c0_i32 = arith.constant 0 : i32
    %c0_i32_1 = arith.constant 0 : i32
    return %add3A, %c0_i32 : i32, i32
  }
  func.func @transform_9(%arg0: i32, %arg1: i32) -> (i32, i32) {
    %c0_i32 = arith.constant 0 : i32
    %c0_i32_0 = arith.constant 0 : i32
    %c0_i32_1 = arith.constant 0 : i32
    return %c0_i32, %c0_i32_0 : i32, i32
  }
  func.func @transform_10(%arg0: i32, %arg1: i32) -> (i32, i32) {
    %c0_i32 = arith.constant 0 : i32
    %c0_i32_0 = arith.constant 0 : i32
    %c0_i32_1 = arith.constant 0 : i32
    return %c0_i32, %c0_i32_0 : i32, i32
  }
  func.func @transform_11(%arg0: i32, %arg1: i32) -> (i32, i32) {
    %c0_i32 = arith.constant 0 : i32
    %c0_i32_0 = arith.constant 0 : i32
    %c0_i32_1 = arith.constant 0 : i32
    return %c0_i32, %c0_i32_0 : i32, i32
  }
  func.func @transform_12(%arg0: i32, %arg1: i32) -> (i32, i32) {
    %mul3A = arith.constant 8 : i32
    %mul3A_0 = arith.muli %arg0, %mul3A : i32
    %add3A = arith.addi %mul3A_0, %arg1 : i32
    %c0_i32 = arith.constant 0 : i32
    %c0_i32_1 = arith.constant 0 : i32
    return %add3A, %c0_i32 : i32, i32
  }
  func.func @transform_13(%arg0: i32, %arg1: i32) -> (i32, i32) {
    %c0_i32 = arith.constant 0 : i32
    %c0_i32_0 = arith.constant 0 : i32
    %c0_i32_1 = arith.constant 0 : i32
    return %c0_i32, %c0_i32_0 : i32, i32
  }
  func.func @transform_14(%arg0: i32, %arg1: i32) -> (i32, i32) {
    %c0_i32 = arith.constant 0 : i32
    %c0_i32_0 = arith.constant 0 : i32
    %c0_i32_1 = arith.constant 0 : i32
    return %c0_i32, %c0_i32_0 : i32, i32
  }
  func.func @transform_15(%arg0: i32, %arg1: i32) -> (i32, i32) {
    %c0_i32 = arith.constant 0 : i32
    %c0_i32_0 = arith.constant 0 : i32
    %c0_i32_1 = arith.constant 0 : i32
    return %c0_i32, %c0_i32_0 : i32, i32
  }
  func.func @transform_16(%arg0: i32, %arg1: i32) -> (i32, i32) {
    %c0_i32 = arith.constant 0 : i32
    %c0_i32_0 = arith.constant 0 : i32
    %c0_i32_1 = arith.constant 0 : i32
    return %c0_i32, %c0_i32_0 : i32, i32
  }
  func.func @transform_17(%arg0: i32, %arg1: i32) -> (i32, i32) {
    %mul3A = arith.constant 8 : i32
    %mul3A_0 = arith.muli %arg0, %mul3A : i32
    %add3A = arith.addi %mul3A_0, %arg1 : i32
    %c0_i32 = arith.constant 0 : i32
    %c0_i32_1 = arith.constant 0 : i32
    return %add3A, %c0_i32 : i32, i32
  }
  func.func @transform_18(%arg0: i32, %arg1: i32) -> (i32, i32) {
    %c0_i32 = arith.constant 0 : i32
    %c0_i32_0 = arith.constant 0 : i32
    %c0_i32_1 = arith.constant 0 : i32
    return %c0_i32, %c0_i32_0 : i32, i32
  }
}

module attributes {stable_mosaic.version = 14 : i64} {
  func.func @_f2_body(%arg0: i32, %arg1: memref<16x128x1024xf32, #tpu.memory_space<vmem>>, %arg2: memref<2x1024xf32, #tpu.memory_space<vmem>>, %arg3: memref<1x1024xf32, #tpu.memory_space<vmem>>, %arg4: memref<1x1024xf32, #tpu.memory_space<vmem>>, %arg5: memref<2048x512xbf16, #tpu.memory_space<vmem>>, %arg6: memref<1x512xf32, #tpu.memory_space<vmem>>, %arg7: memref<1x512xf32, #tpu.memory_space<vmem>>, %arg8: memref<512x256xbf16, #tpu.memory_space<vmem>>, %arg9: memref<1x256xf32, #tpu.memory_space<vmem>>, %arg10: memref<1x256xf32, #tpu.memory_space<vmem>>, %arg11: memref<1x256xf32, #tpu.memory_space<vmem>>, %arg12: memref<256x8xbf16, #tpu.memory_space<vmem>>, %arg13: memref<1x8xf32, #tpu.memory_space<vmem>>, %arg14: memref<16x8xf32, #tpu.memory_space<vmem>>, %arg15: memref<16x1024xf32, #tpu.memory_space<vmem>>, %arg16: memref<16x1024xf32, #tpu.memory_space<vmem>>) attributes {dimension_semantics = [#tpu.dimension_semantics<arbitrary>], iteration_bounds = array<i64: 16>, scalar_prefetch = 0 : i64, scratch_operands = 2 : i64, tpu.core_type = #tpu.core_type<tc>, window_params = [{transform_indices = @transform_0, window_bounds = array<i64: 16, 128, 1024>}, {pipeline_mode = #tpu.pipeline_mode<synchronous>, transform_indices = @transform_1, window_bounds = array<i64: 2, 1024>}, {pipeline_mode = #tpu.pipeline_mode<synchronous>, transform_indices = @transform_2, window_bounds = array<i64: 1, 1024>}, {pipeline_mode = #tpu.pipeline_mode<synchronous>, transform_indices = @transform_3, window_bounds = array<i64: 1, 1024>}, {pipeline_mode = #tpu.pipeline_mode<synchronous>, transform_indices = @transform_4, window_bounds = array<i64: 2048, 512>}, {pipeline_mode = #tpu.pipeline_mode<synchronous>, transform_indices = @transform_5, window_bounds = array<i64: 1, 512>}, {pipeline_mode = #tpu.pipeline_mode<synchronous>, transform_indices = @transform_6, window_bounds = array<i64: 1, 512>}, {pipeline_mode = #tpu.pipeline_mode<synchronous>, transform_indices = @transform_7, window_bounds = array<i64: 512, 256>}, {pipeline_mode = #tpu.pipeline_mode<synchronous>, transform_indices = @transform_8, window_bounds = array<i64: 1, 256>}, {pipeline_mode = #tpu.pipeline_mode<synchronous>, transform_indices = @transform_9, window_bounds = array<i64: 1, 256>}, {pipeline_mode = #tpu.pipeline_mode<synchronous>, transform_indices = @transform_10, window_bounds = array<i64: 1, 256>}, {pipeline_mode = #tpu.pipeline_mode<synchronous>, transform_indices = @transform_11, window_bounds = array<i64: 256, 8>}, {pipeline_mode = #tpu.pipeline_mode<synchronous>, transform_indices = @transform_12, window_bounds = array<i64: 1, 8>}, {pipeline_mode = #tpu.pipeline_mode<synchronous>, transform_indices = @transform_13, window_bounds = array<i64: 16, 8>}]} {
    %get3A = arith.constant 0 : index
    %get3A_0 = arith.constant 0 : index
    %get3A_1 = vector.load %arg2[%get3A, %get3A_0] : memref<2x1024xf32, #tpu.memory_space<vmem>>, vector<1x1024xf32>
    %div3A = arith.constant 3.276800e+04 : f32
    %div3A_2 = vector.broadcast %div3A : f32 to vector<1x1024xf32>
    %div3A_3 = arith.divf %get3A_1, %div3A_2 : vector<1x1024xf32>
    %get3A_4 = arith.constant 1 : index
    %get3A_5 = arith.constant 0 : index
    %get3A_6 = vector.load %arg2[%get3A_4, %get3A_5] : memref<2x1024xf32, #tpu.memory_space<vmem>>, vector<1x1024xf32>
    %div3A_7 = arith.constant 3.276800e+04 : f32
    %div3A_8 = vector.broadcast %div3A_7 : f32 to vector<1x1024xf32>
    %div3A_9 = arith.divf %get3A_6, %div3A_8 : vector<1x1024xf32>
    %mul3A = arith.mulf %div3A_3, %div3A_3 : vector<1x1024xf32>
    %sub3A = arith.subf %div3A_9, %mul3A : vector<1x1024xf32>
    %get3A_10 = arith.constant 0 : index
    %get3A_11 = arith.constant 0 : index
    %get3A_12 = arith.constant 0 : index
    %get3A_13 = vector.load %arg1[%get3A_10, %get3A_11, %get3A_12] : memref<16x128x1024xf32, #tpu.memory_space<vmem>>, vector<16x128x1024xf32>
    %broadcast_in_dim3A = vector.shape_cast %div3A_3 : vector<1x1024xf32> to vector<1x1x1024xf32>
    %sub3A_14 = vector.broadcast %broadcast_in_dim3A : vector<1x1x1024xf32> to vector<16x128x1024xf32>
    %sub3A_15 = arith.subf %get3A_13, %sub3A_14 : vector<16x128x1024xf32>
    %add3A = arith.constant 9.99999974E-6 : f32
    %add3A_16 = vector.broadcast %add3A : f32 to vector<1x1024xf32>
    %add3A_17 = arith.addf %sub3A, %add3A_16 : vector<1x1024xf32>
    %sqrt3A = math.sqrt %add3A_17 : vector<1x1024xf32>
    %broadcast_in_dim3A_18 = vector.shape_cast %sqrt3A : vector<1x1024xf32> to vector<1x1x1024xf32>
    %div3A_19 = vector.broadcast %broadcast_in_dim3A_18 : vector<1x1x1024xf32> to vector<16x128x1024xf32>
    %div3A_20 = arith.divf %sub3A_15, %div3A_19 : vector<16x128x1024xf32>
    %get3A_21 = arith.constant 0 : index
    %get3A_22 = arith.constant 0 : index
    %get3A_23 = vector.load %arg3[%get3A_21, %get3A_22] : memref<1x1024xf32, #tpu.memory_space<vmem>>, vector<1x1024xf32>
    %broadcast_in_dim3A_24 = vector.shape_cast %get3A_23 : vector<1x1024xf32> to vector<1x1x1024xf32>
    %mul3A_25 = vector.broadcast %broadcast_in_dim3A_24 : vector<1x1x1024xf32> to vector<16x128x1024xf32>
    %mul3A_26 = arith.mulf %div3A_20, %mul3A_25 : vector<16x128x1024xf32>
    %get3A_27 = arith.constant 0 : index
    %get3A_28 = arith.constant 0 : index
    %get3A_29 = vector.load %arg4[%get3A_27, %get3A_28] : memref<1x1024xf32, #tpu.memory_space<vmem>>, vector<1x1024xf32>
    %broadcast_in_dim3A_30 = vector.shape_cast %get3A_29 : vector<1x1024xf32> to vector<1x1x1024xf32>
    %add3A_31 = vector.broadcast %broadcast_in_dim3A_30 : vector<1x1x1024xf32> to vector<16x128x1024xf32>
    %add3A_32 = arith.addf %mul3A_26, %add3A_31 : vector<16x128x1024xf32>
    %ge3A = arith.constant 0.000000e+00 : f32
    %ge3A_33 = vector.broadcast %ge3A : f32 to vector<16x128x1024xf32>
    %ge3A_34 = arith.cmpf oge, %add3A_32, %ge3A_33 : vector<16x128x1024xf32>
    %mul3A_35 = arith.constant 2.000000e-01 : f32
    %mul3A_36 = vector.broadcast %mul3A_35 : f32 to vector<16x128x1024xf32>
    %mul3A_37 = arith.mulf %mul3A_36, %add3A_32 : vector<16x128x1024xf32>
    %select_n3A = arith.select %ge3A_34, %add3A_32, %mul3A_37 : vector<16x128x1024xi1>, vector<16x128x1024xf32>
    %reduce_max3A = arith.constant dense<0xFF800000> : vector<16x1024xf32>
    %reduce_max3A_38 = vector.multi_reduction <maximumf>, %select_n3A, %reduce_max3A [1] : vector<16x128x1024xf32> to vector<16x1024xf32>
    %reduce_sum3A = arith.constant dense<0.000000e+00> : vector<16x1024xf32>
    %reduce_sum3A_39 = vector.multi_reduction <add>, %select_n3A, %reduce_sum3A [1] : vector<16x128x1024xf32> to vector<16x1024xf32>
    %eq3A = arith.constant 0 : i32
    %eq3A_40 = arith.cmpi eq, %arg0, %eq3A : i32
    %convert_element_type3A = arith.extui %eq3A_40 : i1 to i32
    %cond3A = arith.constant 0 : i32
    %cond3A_41 = arith.cmpi ne, %convert_element_type3A, %cond3A : i32
    scf.if %cond3A_41 {
      %swap3A = arith.constant 0 : index
      %swap3A_51 = arith.constant 0 : index
      %swap3A_52 = vector.load %arg15[%swap3A, %swap3A_51] : memref<16x1024xf32, #tpu.memory_space<vmem>>, vector<16x1024xf32>
      tpu.vector_store %arg15[%swap3A, %swap3A_51], %reduce_max3A_38 {strides = array<i32>} : memref<16x1024xf32, #tpu.memory_space<vmem>>, vector<16x1024xf32>,
      %swap3A_53 = arith.constant 0 : index
      %swap3A_54 = arith.constant 0 : index
      %swap3A_55 = vector.load %arg16[%swap3A_53, %swap3A_54] : memref<16x1024xf32, #tpu.memory_space<vmem>>, vector<16x1024xf32>
      tpu.vector_store %arg16[%swap3A_53, %swap3A_54], %reduce_sum3A_39 {strides = array<i32>} : memref<16x1024xf32, #tpu.memory_space<vmem>>, vector<16x1024xf32>,
    } else {
    }
    %gt3A = arith.constant 0 : i32
    %gt3A_42 = arith.cmpi sgt, %arg0, %gt3A : i32
    %convert_element_type3A_43 = arith.extui %gt3A_42 : i1 to i32
    %cond3A_44 = arith.constant 0 : i32
    %cond3A_45 = arith.cmpi ne, %convert_element_type3A_43, %cond3A_44 : i32
    scf.if %cond3A_45 {
      %get3A_51 = arith.constant 0 : index
      %get3A_52 = arith.constant 0 : index
      %get3A_53 = vector.load %arg15[%get3A_51, %get3A_52] : memref<16x1024xf32, #tpu.memory_space<vmem>>, vector<16x1024xf32>
      %max3A = arith.maximumf %get3A_53, %reduce_max3A_38 : vector<16x1024xf32>
      %swap3A = arith.constant 0 : index
      %swap3A_54 = arith.constant 0 : index
      %swap3A_55 = vector.load %arg15[%swap3A, %swap3A_54] : memref<16x1024xf32, #tpu.memory_space<vmem>>, vector<16x1024xf32>
      tpu.vector_store %arg15[%swap3A, %swap3A_54], %max3A {strides = array<i32>} : memref<16x1024xf32, #tpu.memory_space<vmem>>, vector<16x1024xf32>,
      %get3A_56 = arith.constant 0 : index
      %get3A_57 = arith.constant 0 : index
      %get3A_58 = vector.load %arg16[%get3A_56, %get3A_57] : memref<16x1024xf32, #tpu.memory_space<vmem>>, vector<16x1024xf32>
      %add3A_59 = arith.addf %get3A_58, %reduce_sum3A_39 : vector<16x1024xf32>
      %swap3A_60 = arith.constant 0 : index
      %swap3A_61 = arith.constant 0 : index
      %swap3A_62 = vector.load %arg16[%swap3A_60, %swap3A_61] : memref<16x1024xf32, #tpu.memory_space<vmem>>, vector<16x1024xf32>
      tpu.vector_store %arg16[%swap3A_60, %swap3A_61], %add3A_59 {strides = array<i32>} : memref<16x1024xf32, #tpu.memory_space<vmem>>, vector<16x1024xf32>,
    } else {
    }
    %eq3A_46 = arith.constant 15 : i32
    %eq3A_47 = arith.cmpi eq, %arg0, %eq3A_46 : i32
    %convert_element_type3A_48 = arith.extui %eq3A_47 : i1 to i32
    %cond3A_49 = arith.constant 0 : i32
    %cond3A_50 = arith.cmpi ne, %convert_element_type3A_48, %cond3A_49 : i32
    scf.if %cond3A_50 {
      %get3A_51 = arith.constant 0 : index
      %get3A_52 = arith.constant 0 : index
      %get3A_53 = vector.load %arg15[%get3A_51, %get3A_52] : memref<16x1024xf32, #tpu.memory_space<vmem>>, vector<16x1024xf32>
      %get3A_54 = arith.constant 0 : index
      %get3A_55 = arith.constant 0 : index
      %get3A_56 = vector.load %arg16[%get3A_54, %get3A_55] : memref<16x1024xf32, #tpu.memory_space<vmem>>, vector<16x1024xf32>
      %div3A_57 = arith.constant 2.048000e+03 : f32
      %div3A_58 = vector.broadcast %div3A_57 : f32 to vector<16x1024xf32>
      %div3A_59 = arith.divf %get3A_56, %div3A_58 : vector<16x1024xf32>
      %concatenate3A = tpu.concatenate %get3A_53, %div3A_59 in 1 : vector<16x1024xf32>, vector<16x1024xf32> -> vector<16x2048xf32>
      %convert_element_type3A_60 = arith.truncf %concatenate3A : vector<16x2048xf32> to vector<16x2048xbf16>
      %get3A_61 = arith.constant 0 : index
      %get3A_62 = arith.constant 0 : index
      %get3A_63 = vector.load %arg5[%get3A_61, %get3A_62] : memref<2048x512xbf16, #tpu.memory_space<vmem>>, vector<2048x512xbf16>
      %dot_general3A = arith.constant dense<0.000000e+00> : vector<16x512xf32>
      %dot_general3A_64 = tpu.matmul %convert_element_type3A_60, %get3A_63, %dot_general3A {dimension_numbers = #tpu.dot_dimension_numbers<[1], [0], [0], [1], [0, 0, 1, 1], [], []>, transpose_lhs_hint = false} : vector<16x2048xbf16>, vector<2048x512xbf16>, vector<16x512xf32> -> vector<16x512xf32>
      %get3A_65 = arith.constant 0 : index
      %get3A_66 = arith.constant 0 : index
      %get3A_67 = vector.load %arg6[%get3A_65, %get3A_66] : memref<1x512xf32, #tpu.memory_space<vmem>>, vector<1x512xf32>
      %get3A_68 = arith.constant 0 : index
      %get3A_69 = arith.constant 0 : index
      %get3A_70 = vector.load %arg7[%get3A_68, %get3A_69] : memref<1x512xf32, #tpu.memory_space<vmem>>, vector<1x512xf32>
      %reduce_sum3A_71 = arith.constant dense<0.000000e+00> : vector<512xf32>
      %reduce_sum3A_72 = vector.multi_reduction <add>, %dot_general3A_64, %reduce_sum3A_71 [0] : vector<16x512xf32> to vector<512xf32>
      %broadcast_in_dim3A_73 = vector.shape_cast %reduce_sum3A_72 : vector<512xf32> to vector<1x512xf32>
      %div3A_74 = arith.constant 1.600000e+01 : f32
      %div3A_75 = vector.broadcast %div3A_74 : f32 to vector<1x512xf32>
      %div3A_76 = arith.divf %broadcast_in_dim3A_73, %div3A_75 : vector<1x512xf32>
      %mul3A_77 = arith.mulf %dot_general3A_64, %dot_general3A_64 : vector<16x512xf32>
      %reduce_sum3A_78 = arith.constant dense<0.000000e+00> : vector<512xf32>
      %reduce_sum3A_79 = vector.multi_reduction <add>, %mul3A_77, %reduce_sum3A_78 [0] : vector<16x512xf32> to vector<512xf32>
      %broadcast_in_dim3A_80 = vector.shape_cast %reduce_sum3A_79 : vector<512xf32> to vector<1x512xf32>
      %div3A_81 = arith.constant 1.600000e+01 : f32
      %div3A_82 = vector.broadcast %div3A_81 : f32 to vector<1x512xf32>
      %div3A_83 = arith.divf %broadcast_in_dim3A_80, %div3A_82 : vector<1x512xf32>
      %mul3A_84 = arith.mulf %div3A_76, %div3A_76 : vector<1x512xf32>
      %sub3A_85 = arith.subf %div3A_83, %mul3A_84 : vector<1x512xf32>
      %sub3A_86 = vector.broadcast %div3A_76 : vector<1x512xf32> to vector<16x512xf32>
      %sub3A_87 = arith.subf %dot_general3A_64, %sub3A_86 : vector<16x512xf32>
      %add3A_88 = arith.constant 9.99999974E-6 : f32
      %add3A_89 = vector.broadcast %add3A_88 : f32 to vector<1x512xf32>
      %add3A_90 = arith.addf %sub3A_85, %add3A_89 : vector<1x512xf32>
      %sqrt3A_91 = math.sqrt %add3A_90 : vector<1x512xf32>
      %div3A_92 = vector.broadcast %sqrt3A_91 : vector<1x512xf32> to vector<16x512xf32>
      %div3A_93 = arith.divf %sub3A_87, %div3A_92 : vector<16x512xf32>
      %mul3A_94 = vector.broadcast %get3A_67 : vector<1x512xf32> to vector<16x512xf32>
      %mul3A_95 = arith.mulf %div3A_93, %mul3A_94 : vector<16x512xf32>
      %add3A_96 = vector.broadcast %get3A_70 : vector<1x512xf32> to vector<16x512xf32>
      %add3A_97 = arith.addf %mul3A_95, %add3A_96 : vector<16x512xf32>
      %ge3A_98 = arith.constant 0.000000e+00 : f32
      %ge3A_99 = vector.broadcast %ge3A_98 : f32 to vector<16x512xf32>
      %ge3A_100 = arith.cmpf oge, %add3A_97, %ge3A_99 : vector<16x512xf32>
      %mul3A_101 = arith.constant 2.000000e-01 : f32
      %mul3A_102 = vector.broadcast %mul3A_101 : f32 to vector<16x512xf32>
      %mul3A_103 = arith.mulf %mul3A_102, %add3A_97 : vector<16x512xf32>
      %select_n3A_104 = arith.select %ge3A_100, %add3A_97, %mul3A_103 : vector<16x512xi1>, vector<16x512xf32>
      %convert_element_type3A_105 = arith.truncf %select_n3A_104 : vector<16x512xf32> to vector<16x512xbf16>
      %get3A_106 = arith.constant 0 : index
      %get3A_107 = arith.constant 0 : index
      %get3A_108 = vector.load %arg8[%get3A_106, %get3A_107] : memref<512x256xbf16, #tpu.memory_space<vmem>>, vector<512x256xbf16>
      %dot_general3A_109 = arith.constant dense<0.000000e+00> : vector<16x256xf32>
      %dot_general3A_110 = tpu.matmul %convert_element_type3A_105, %get3A_108, %dot_general3A_109 {dimension_numbers = #tpu.dot_dimension_numbers<[1], [0], [0], [1], [0, 0, 1, 1], [], []>, transpose_lhs_hint = false} : vector<16x512xbf16>, vector<512x256xbf16>, vector<16x256xf32> -> vector<16x256xf32>
      %get3A_111 = arith.constant 0 : index
      %get3A_112 = arith.constant 0 : index
      %get3A_113 = vector.load %arg9[%get3A_111, %get3A_112] : memref<1x256xf32, #tpu.memory_space<vmem>>, vector<1x256xf32>
      %add3A_114 = vector.broadcast %get3A_113 : vector<1x256xf32> to vector<16x256xf32>
      %add3A_115 = arith.addf %dot_general3A_110, %add3A_114 : vector<16x256xf32>
      %get3A_116 = arith.constant 0 : index
      %get3A_117 = arith.constant 0 : index
      %get3A_118 = vector.load %arg10[%get3A_116, %get3A_117] : memref<1x256xf32, #tpu.memory_space<vmem>>, vector<1x256xf32>
      %get3A_119 = arith.constant 0 : index
      %get3A_120 = arith.constant 0 : index
      %get3A_121 = vector.load %arg11[%get3A_119, %get3A_120] : memref<1x256xf32, #tpu.memory_space<vmem>>, vector<1x256xf32>
      %reduce_sum3A_122 = arith.constant dense<0.000000e+00> : vector<256xf32>
      %reduce_sum3A_123 = vector.multi_reduction <add>, %add3A_115, %reduce_sum3A_122 [0] : vector<16x256xf32> to vector<256xf32>
      %broadcast_in_dim3A_124 = vector.shape_cast %reduce_sum3A_123 : vector<256xf32> to vector<1x256xf32>
      %div3A_125 = arith.constant 1.600000e+01 : f32
      %div3A_126 = vector.broadcast %div3A_125 : f32 to vector<1x256xf32>
      %div3A_127 = arith.divf %broadcast_in_dim3A_124, %div3A_126 : vector<1x256xf32>
      %mul3A_128 = arith.mulf %add3A_115, %add3A_115 : vector<16x256xf32>
      %reduce_sum3A_129 = arith.constant dense<0.000000e+00> : vector<256xf32>
      %reduce_sum3A_130 = vector.multi_reduction <add>, %mul3A_128, %reduce_sum3A_129 [0] : vector<16x256xf32> to vector<256xf32>
      %broadcast_in_dim3A_131 = vector.shape_cast %reduce_sum3A_130 : vector<256xf32> to vector<1x256xf32>
      %div3A_132 = arith.constant 1.600000e+01 : f32
      %div3A_133 = vector.broadcast %div3A_132 : f32 to vector<1x256xf32>
      %div3A_134 = arith.divf %broadcast_in_dim3A_131, %div3A_133 : vector<1x256xf32>
      %mul3A_135 = arith.mulf %div3A_127, %div3A_127 : vector<1x256xf32>
      %sub3A_136 = arith.subf %div3A_134, %mul3A_135 : vector<1x256xf32>
      %sub3A_137 = vector.broadcast %div3A_127 : vector<1x256xf32> to vector<16x256xf32>
      %sub3A_138 = arith.subf %add3A_115, %sub3A_137 : vector<16x256xf32>
      %add3A_139 = arith.constant 9.99999974E-6 : f32
      %add3A_140 = vector.broadcast %add3A_139 : f32 to vector<1x256xf32>
      %add3A_141 = arith.addf %sub3A_136, %add3A_140 : vector<1x256xf32>
      %sqrt3A_142 = math.sqrt %add3A_141 : vector<1x256xf32>
      %div3A_143 = vector.broadcast %sqrt3A_142 : vector<1x256xf32> to vector<16x256xf32>
      %div3A_144 = arith.divf %sub3A_138, %div3A_143 : vector<16x256xf32>
      %mul3A_145 = vector.broadcast %get3A_118 : vector<1x256xf32> to vector<16x256xf32>
      %mul3A_146 = arith.mulf %div3A_144, %mul3A_145 : vector<16x256xf32>
      %add3A_147 = vector.broadcast %get3A_121 : vector<1x256xf32> to vector<16x256xf32>
      %add3A_148 = arith.addf %mul3A_146, %add3A_147 : vector<16x256xf32>
      %ge3A_149 = arith.constant 0.000000e+00 : f32
      %ge3A_150 = vector.broadcast %ge3A_149 : f32 to vector<16x256xf32>
      %ge3A_151 = arith.cmpf oge, %add3A_148, %ge3A_150 : vector<16x256xf32>
      %mul3A_152 = arith.constant 2.000000e-01 : f32
      %mul3A_153 = vector.broadcast %mul3A_152 : f32 to vector<16x256xf32>
      %mul3A_154 = arith.mulf %mul3A_153, %add3A_148 : vector<16x256xf32>
      %select_n3A_155 = arith.select %ge3A_151, %add3A_148, %mul3A_154 : vector<16x256xi1>, vector<16x256xf32>
      %convert_element_type3A_156 = arith.truncf %select_n3A_155 : vector<16x256xf32> to vector<16x256xbf16>
      %get3A_157 = arith.constant 0 : index
      %get3A_158 = arith.constant 0 : index
      %get3A_159 = vector.load %arg12[%get3A_157, %get3A_158] : memref<256x8xbf16, #tpu.memory_space<vmem>>, vector<256x8xbf16>
      %dot_general3A_160 = arith.constant dense<0.000000e+00> : vector<16x8xf32>
      %dot_general3A_161 = tpu.matmul %convert_element_type3A_156, %get3A_159, %dot_general3A_160 {dimension_numbers = #tpu.dot_dimension_numbers<[1], [0], [0], [1], [0, 0, 1, 1], [], []>, transpose_lhs_hint = false} : vector<16x256xbf16>, vector<256x8xbf16>, vector<16x8xf32> -> vector<16x8xf32>
      %get3A_162 = arith.constant 0 : index
      %get3A_163 = arith.constant 0 : index
      %get3A_164 = vector.load %arg13[%get3A_162, %get3A_163] : memref<1x8xf32, #tpu.memory_space<vmem>>, vector<1x8xf32>
      %add3A_165 = vector.broadcast %get3A_164 : vector<1x8xf32> to vector<16x8xf32>
      %add3A_166 = arith.addf %dot_general3A_161, %add3A_165 : vector<16x8xf32>
      %swap3A = arith.constant 0 : index
      %swap3A_167 = arith.constant 0 : index
      %swap3A_168 = vector.load %arg14[%swap3A, %swap3A_167] : memref<16x8xf32, #tpu.memory_space<vmem>>, vector<16x8xf32>
      tpu.vector_store %arg14[%swap3A, %swap3A_167], %add3A_166 {strides = array<i32>} : memref<16x8xf32, #tpu.memory_space<vmem>>, vector<16x8xf32>,
    } else {
    }
    return
  }
  func.func @transform_0(%arg0: i32) -> (i32, i32, i32) {
    %c0_i32 = arith.constant 0 : i32
    %c0_i32_0 = arith.constant 0 : i32
    %c0_i32_1 = arith.constant 0 : i32
    return %c0_i32, %arg0, %c0_i32_0 : i32, i32, i32
  }
  func.func @transform_1(%arg0: i32) -> (i32, i32) {
    %c0_i32 = arith.constant 0 : i32
    %c0_i32_0 = arith.constant 0 : i32
    %c0_i32_1 = arith.constant 0 : i32
    return %c0_i32, %c0_i32_0 : i32, i32
  }
  func.func @transform_2(%arg0: i32) -> (i32, i32) {
    %c0_i32 = arith.constant 0 : i32
    %c0_i32_0 = arith.constant 0 : i32
    %c0_i32_1 = arith.constant 0 : i32
    return %c0_i32, %c0_i32_0 : i32, i32
  }
  func.func @transform_3(%arg0: i32) -> (i32, i32) {
    %c0_i32 = arith.constant 0 : i32
    %c0_i32_0 = arith.constant 0 : i32
    %c0_i32_1 = arith.constant 0 : i32
    return %c0_i32, %c0_i32_0 : i32, i32
  }
  func.func @transform_4(%arg0: i32) -> (i32, i32) {
    %c0_i32 = arith.constant 0 : i32
    %c0_i32_0 = arith.constant 0 : i32
    %c0_i32_1 = arith.constant 0 : i32
    return %c0_i32, %c0_i32_0 : i32, i32
  }
  func.func @transform_5(%arg0: i32) -> (i32, i32) {
    %c0_i32 = arith.constant 0 : i32
    %c0_i32_0 = arith.constant 0 : i32
    %c0_i32_1 = arith.constant 0 : i32
    return %c0_i32, %c0_i32_0 : i32, i32
  }
  func.func @transform_6(%arg0: i32) -> (i32, i32) {
    %c0_i32 = arith.constant 0 : i32
    %c0_i32_0 = arith.constant 0 : i32
    %c0_i32_1 = arith.constant 0 : i32
    return %c0_i32, %c0_i32_0 : i32, i32
  }
  func.func @transform_7(%arg0: i32) -> (i32, i32) {
    %c0_i32 = arith.constant 0 : i32
    %c0_i32_0 = arith.constant 0 : i32
    %c0_i32_1 = arith.constant 0 : i32
    return %c0_i32, %c0_i32_0 : i32, i32
  }
  func.func @transform_8(%arg0: i32) -> (i32, i32) {
    %c0_i32 = arith.constant 0 : i32
    %c0_i32_0 = arith.constant 0 : i32
    %c0_i32_1 = arith.constant 0 : i32
    return %c0_i32, %c0_i32_0 : i32, i32
  }
  func.func @transform_9(%arg0: i32) -> (i32, i32) {
    %c0_i32 = arith.constant 0 : i32
    %c0_i32_0 = arith.constant 0 : i32
    %c0_i32_1 = arith.constant 0 : i32
    return %c0_i32, %c0_i32_0 : i32, i32
  }
  func.func @transform_10(%arg0: i32) -> (i32, i32) {
    %c0_i32 = arith.constant 0 : i32
    %c0_i32_0 = arith.constant 0 : i32
    %c0_i32_1 = arith.constant 0 : i32
    return %c0_i32, %c0_i32_0 : i32, i32
  }
  func.func @transform_11(%arg0: i32) -> (i32, i32) {
    %c0_i32 = arith.constant 0 : i32
    %c0_i32_0 = arith.constant 0 : i32
    %c0_i32_1 = arith.constant 0 : i32
    return %c0_i32, %c0_i32_0 : i32, i32
  }
  func.func @transform_12(%arg0: i32) -> (i32, i32) {
    %c0_i32 = arith.constant 0 : i32
    %c0_i32_0 = arith.constant 0 : i32
    %c0_i32_1 = arith.constant 0 : i32
    return %c0_i32, %c0_i32_0 : i32, i32
  }
  func.func @transform_13(%arg0: i32) -> (i32, i32) {
    %c0_i32 = arith.constant 0 : i32
    %c0_i32_0 = arith.constant 0 : i32
    %c0_i32_1 = arith.constant 0 : i32
    return %c0_i32, %c0_i32_0 : i32, i32
  }
}

</mosaic_0001>

<sc_bundles>
// kernel: kernel.16.cloned.1.call-start
scs
__scs_entry_jumppad:
0x0: {  	(pc) =	sbr.rel $0x88, $3  }
0x1: {  	(tag) =	ssettag $0x0;
	lr =	simm.s32 $0x1  }
0x2: {  	[smem:$0x3F88] =	sst lr;
	_ =	strace $0xD0000000  }
0x3: {  	_ = 	snop  }
0x4: {  	_ = 	snop  }
0x5: {  	_ = 	snop  }
0x6: {  	_ = 	snop  }
0x7: {  	_ = 	snop  }
__scs_overlays_trampoline_lowered:
0x8: {  	[smem:$0x3F97] =	sst s0  }
0x9: {  	[smem:$0x3F98] =	sst s1  }
0xa: {  	[smem:$0x3F99] =	sst s2  }
0xb: {  	[smem:$0x3F9A] =	sst s3  }
0xc: {  	[smem:$0x3F9B] =	sst s4  }
0xd: {  	[smem:$0x3F9C] =	sst s5  }
0xe: {  	[smem:$0x3F9D] =	sst s6  }
0xf: {  	[smem:$0x3F9E] =	sst s7  }
0x10: {  	[smem:$0x3F9F] =	sst s8  }
0x11: {  	[smem:$0x3FA0] =	sst s9;
	s0 =	simm.s32 @!p0 $0x0  }
0x12: {  	s1 =	sld [smem:$0x3F86];
	s0 =	simm.s32 @p0 $0x1  }
0x13: {  	[smem:$0x3FA1] =	sst s0;
	s0 =	simm.s32 @!p1 $0x0  }
0x14: {  	s2 =	sld [smem:$0x3F85];
	s0 =	simm.s32 @p1 $0x1  }
0x15: {  	[smem:$0x3FA2] =	sst s0;
	s0 =	simm.s32 @!p2 $0x0  }
0x16: {  	s3 =	sld [smem:$0x3FDB];
	s0 =	simm.s32 @p2 $0x1  }
0x17: {  	s4 =	simm.s32 $0x1BF5;
	[smem:$0x3FA4] =	sst s0  }
0x18: {  	s0 =	sld [smem:$0x3F87];
	_ =	swait.ge [sflag:s4], $0x0  }
0x19: {  	s7 =	sld [smem:$0x3F88]  }
0x1a: {  	s8 =	sadd.s32 $0xFFFFE003, lr  }
0x1b: {  	s9 =	sadd.s32 $0xFFFFFEF7, lr;
	s5 =	simm.s32 $0xFFFFFFFF;
	p2 =	slt.u32 s8, $0xFFFFF086  }
0x1c: {  	p1 =	slt.u32 s9, $0xF7A;
	s5 =	simm.s32 @!p2 $0x0  }
0x1d: {  	s5 =	simm.s32 @p1 $0x1;
	p0 =	seq.s32 s7, s2  }
0x1e: {  	s7 =	smul.u32 @!p0 $0xF7A, s2;
	p2 =	seq.s32 @!p0 s5, $0x0  }
0x1f: {  	s9 =	smul.u32 $0xF7A, s1;
	s8 =	simm.s32 @!p0 $0x1BF5;
	p2 =	por !p2, p0  }
0x20: {  	[sflag:s8] =	ssyncset.s32 @!p0 $0xFFFFF086;
	s6 =	sadd.s32 @!p0 s3, s7;
	s7 =	simm.s32 @!p0 $0x108  }
0x21: {  	s3 =	sadd.s32 s3, s9;
	s6 =	sadd.s32 @!p0 $0x88, s6;
	s7 =	simm.s32 @p2 $0x1082  }
0x22: {  	[simem:s7], [sflag:s8] =	dma.local @!p0 [hbm:s6], $0xF7A  }
0x23: {  	s9 =	sor.u32 $0xD0000000, s2;
	s6 =	simm.s32 $0x108;
	_ =	swait.ge @!p0 [sflag:s8], $0x0  }
0x24: {  	s3 =	sadd.s32 $0x88, s3;
	s6 =	simm.s32 @!p1 $0x1082;
	[sflag:s4] =	ssyncset.s32 $0xFFFFF086  }
0x25: {  	[simem:s6], [sflag:s4] =	dma.local [hbm:s3], $0xF7A  }
0x26: {  	[smem:$0x3F88] =	sst s1;
	(tag) =	ssettag s2;
	_ =	strace s9  }
0x27: {  	s1 =	sld [smem:$0x3F98]  }
0x28: {  	s2 =	sld [smem:$0x3F99]  }
0x29: {  	s4 =	sld [smem:$0x3F9B]  }
0x2a: {  	p0 =	seq.s32 s5, $0x0;
	s5 =	sld [smem:$0x3F9C]  }
0x2b: {  	s6 =	sld [smem:$0x3F9D]  }
0x2c: {  	s7 =	sld [smem:$0x3F9E]  }
0x2d: {  	s3 =	simm.s32 $0x108;
	s8 =	sld [smem:$0x3F9F]  }
0x2e: {  	s3 =	simm.s32 @!p0 $0x1082;
	s9 =	sld [smem:$0x3FA0]  }
0x2f: {  	lr =	sadd.s32 s0, s3;
	s0 =	sld [smem:$0x3F97]  }
0x30: {  	s3 =	sld [smem:$0x3F9A]  }
0x31: {  	[smem:$0x3FA3] =	sst s10  }
0x32: {  	s10 =	sld [smem:$0x3FA1];
	_ =	sdelay $0x3  }
0x33: {  	p0 =	seq.s32 s10, $0x1;
	s10 =	sld [smem:$0x3FA3];
	_ =	sdelay $0x3  }
0x34: {  	[smem:$0x3FA3] =	sst s10  }
0x35: {  	s10 =	sld [smem:$0x3FA2];
	_ =	sdelay $0x3  }
0x36: {  	p1 =	seq.s32 s10, $0x1;
	s10 =	sld [smem:$0x3FA3];
	_ =	sdelay $0x3  }
0x37: {  	[smem:$0x3FA3] =	sst s10  }
0x38: {  	s10 =	sld [smem:$0x3FA4]  }
0x39: {  	_ = 	snop;
	(pc) =	sbr.ind lr, $3  }
0x3a: {  	_ = 	snop  }
0x3b: {  	_ = 	snop  }
0x3c: {  	p2 =	seq.s32 s10, $0x1;
	s10 =	sld [smem:$0x3FA3]  }
0x3d: {  	_ =	shalt  }
0x3e: {  	_ =	shalt  }
0x3f: {  	_ =	shalt  }
0x40: {  	_ =	shalt  }
0x41: {  	_ =	shalt  }
0x42: {  	_ =	shalt  }
0x43: {  	_ =	shalt  }
0x44: {  	_ =	shalt  }
0x45: {  	_ =	shalt  }
0x46: {  	_ =	shalt  }
0x47: {  	_ =	shalt  }
0x48: {  	_ =	shalt  }
0x49: {  	_ =	shalt  }
0x4a: {  	_ =	shalt  }
0x4b: {  	_ =	shalt  }
0x4c: {  	_ =	shalt  }
0x4d: {  	_ =	shalt  }
0x4e: {  	_ =	shalt  }
0x4f: {  	_ =	shalt  }
0x50: {  	_ =	shalt  }
0x51: {  	_ =	shalt  }
0x52: {  	_ =	shalt  }
0x53: {  	_ =	shalt  }
0x54: {  	_ =	shalt  }
0x55: {  	_ =	shalt  }
0x56: {  	_ =	shalt  }
0x57: {  	_ =	shalt  }
0x58: {  	_ =	shalt  }
0x59: {  	_ =	shalt  }
0x5a: {  	_ =	shalt  }
0x5b: {  	_ =	shalt  }
0x5c: {  	_ =	shalt  }
0x5d: {  	_ =	shalt  }
0x5e: {  	_ =	shalt  }
0x5f: {  	_ =	shalt  }
0x60: {  	_ =	shalt  }
0x61: {  	_ =	shalt  }
0x62: {  	_ =	shalt  }
0x63: {  	_ =	shalt  }
0x64: {  	_ =	shalt  }
0x65: {  	_ =	shalt  }
0x66: {  	_ =	shalt  }
0x67: {  	_ =	shalt  }
0x68: {  	_ =	shalt  }
0x69: {  	_ =	shalt  }
0x6a: {  	_ =	shalt  }
0x6b: {  	_ =	shalt  }
0x6c: {  	_ =	shalt  }
0x6d: {  	_ =	shalt  }
0x6e: {  	_ =	shalt  }
0x6f: {  	_ =	shalt  }
0x70: {  	_ =	shalt  }
0x71: {  	_ =	shalt  }
0x72: {  	_ =	shalt  }
0x73: {  	_ =	shalt  }
0x74: {  	_ =	shalt  }
0x75: {  	_ =	shalt  }
0x76: {  	_ =	shalt  }
0x77: {  	_ =	shalt  }
0x78: {  	_ =	shalt  }
0x79: {  	_ =	shalt  }
0x7a: {  	_ =	shalt  }
0x7b: {  	_ =	shalt  }
0x7c: {  	_ =	shalt  }
0x7d: {  	_ =	shalt  }
0x7e: {  	_ =	shalt  }
0x7f: {  	_ =	shalt  }
0x80: {  	_ =	shalt  }
0x81: {  	_ =	shalt  }
0x82: {  	_ =	shalt  }
0x83: {  	_ =	shalt  }
0x84: {  	_ =	shalt  }
0x85: {  	_ =	shalt  }
0x86: {  	_ =	shalt  }
0x87: {  	_ =	shalt  }
.Lfunc_end0:
.L_simem_size_0:
called_computation_lowered:
.L_overlay_start_0:
0x88: {  	s2 =	sld [smem:$0x3FD9]  }
0x89: {  	s3 =	sld [smem:$0x3FFE];
	_ =	sdelay $0x1  }
0x8a: {  	s1 =	srdreg.scid  }
0x8b: {  	s0 =	sand.u32 $0x1, s1  }
0x8c: {  	s16 =	sshll.u32 s0, $0xA;
	s2 =	sadd.s32 s3, s2  }
0x8d: {  	s2 =	sadd.s32 s2, s16  }
0x8e: {  	[smem:$0x3FAF] =	sst s2  }
0x8f: {  	_ = 	snop  }
0x90: {  	(tm) =	ssettm $0x1  }
0x91: {  	s17 =	sld [smem:$0x3FFB];
	_ =	sdelay $0x3  }
0x92: {  	_ =	strace s17  }
0x93: {  	s2 =	sld [smem:$0x3FFC];
	_ =	sdelay $0x3  }
0x94: {  	_ =	strace s2  }
0x95: {  	s2 =	sld [smem:$0x3FFD];
	_ =	sdelay $0x3  }
0x96: {  	_ =	strace s2  }
0x97: {  	_ =	strace $0x8FFFFFFF  }
0x98: {  	s18 =	sld [smem:$0x3FDB];
	_ =	sdelay $0x1  }
0x99: {  	s19 =	simm.s32 $_scs_section_size  }
0x9a: {  	s4 =	simm.s32 $_size__tile_overlayer_lowered;
	s5 =	simm.s32 $_tile_overlayer_lowered  }
0x9b: {  	s22 =	simm.s32 $0x1BFF;
	s21 =	sshll.u32 s5, $0x1;
	s2 =	sadd.s32 s19, s18  }
0x9c: {  	s6 =	simm.s32 $0x0;
	s20 =	sshll.u32 s4, $0x1;
	s4 =	sadd.s32 s21, s2  }
0x9d: {  	[timem:s6], [sflag:s22] =	dma.local [hbm:s4], s20  }
0x9e: {  	_ =	swait.ge [sflag:s22], s20  }
0x9f: {  	s3 =	ssub.s32 $0x0, s20;
	[sflag:s22] =	ssyncset.done $0x0  }
0xa0: {  	[sflag:s22] =	ssyncadd.s32 s3;
	_ =	sdelay $0x1  }
0xa1: {  	s23 =	simm.s32 $0x1B8B  }
0xa2: {  	_ =	swait.ge [sflag:s23], $0x1  }
0xa3: {  	[sflag:s23] =	ssyncset.done $0x0  }
0xa4: {  	s25 =	simm.s32 $0x1B8E;
	s24 =	sld [smem:$0x3FFE];
	[sflag:s23] =	ssyncadd.s32 $0xFFFFFFFF  }
0xa5: {  	s26 =	simm.s32 $execute0_lowered;
	[smem:$0x3FD2] =	sst s25  }
0xa6: {  	s4 =	sshll.u32 s26, $0x1;
	_ =	strace $0x80000046;
	[dreg:$0x1] =	wrdreg $0xFFFFFFFF  }
0xa7: {  	s28 =	simm.s32 $_size_execute0_lowered;
	s2 =	sadd.s32 s2, s4;
	[dreg:$0x0] =	wrdreg $0x0  }
0xa8: {  	s4 =	sshll.u32 s28, $0x1;
	[dreg:$0x2] =	wrdreg s2  }
0xa9: {  	[dreg:$0x3] =	wrdreg s4  }
0xaa: {  	[dreg:$0x4] =	wrdreg $0xC0  }
0xab: {  	_ =	task [dreg:s6], $0x5FFFF  }
0xac: {  	[dreg:$0x1] =	wrdreg $0xFFFFFFFF  }
0xad: {  	[dreg:$0x0] =	wrdreg $0x60  }
0xae: {  	[dreg:$0x2] =	wrdreg s24  }
0xaf: {  	[dreg:$0x3] =	wrdreg $0x9  }
0xb0: {  	_ =	task.clear_ibuf [dreg:s6], $0x4FFFF;
	_ =	strace $0x90000046  }
0xb1: {  	s29 =	simm.s32 $0x9;
	_ =	strace $0x80000048  }
0xb2: {  	_ =	swait.ge [sflag:s29], $0x1  }
0xb3: {  	[sflag:s29] =	ssyncadd.s32 $0xFFFFFFFF  }
0xb4: {  	_ =	strace $0x90000048  }
0xb5: {  	_ =	sfence  }
0xb6: {  	s30 =	sld [smem:$0x0];
	_ =	sdelay $0x2  }
0xb7: {  	s31 =	sshll.u32 s1, $0xD;
	s1 =	sshrl.u32 s1, $0x2  }
0xb8: {  	s3 =	sand.u32 $0x4000, s31;
	s1 =	sadd.s32 s1, s30  }
0xb9: {  	s0 =	sor.u32 s3, s0;
	s1 =	sshll.u32 s1, $0x11  }
0xba: {  	s0 =	sor.u32 s1, s0  }
0xbb: {  	s0 =	sadd.s32 $0x8F2B, s0  }
0xbc: {  	[sflag:s0] =	ssyncadd.remote.s32 $0x1  }
0xbd: {  	_ =	sfence.sel $0xFFFF  }
0xbe: {  	[dreg:$0x0] =	wrdreg $0xFFFFFFFF;
	(pc) =	sbr.abs _section_cstart, $3  }
0xbf: {  	[dreg:$0x1] =	wrdreg $0xFFFFFFFF  }
0xc0: {  	_ =	task.clear_ibuf [dreg:s6], $0x2FFFF;
	_ =	strace $0x9FFFFFFF  }
0xc1: {  	(tm) =	ssettm $0x7FFFFFFF  }
tec
execute0_lowered:
.L_overlay_start_1:
0x0: {  	(tag) =	ssettag $0x1  }
0x1: {  	s4 =	rddreg [dreg:$0x0]  }
0x2: {  	s0 =	rddreg [dreg:$0x1];
	s1 =	simm.s32 $0x0  }
0x3: {  	s5 =	srdreg.scid;
	s2 =	stileid.u32;
	s11 =	simm.s32 $0x2C00  }
0x4: {  	s12 =	simm.s32 $0x100;
	s13 =	simm.s32 $0x5400;
	s14 =	simm.s32 $0x180  }
0x5: {  	s15 =	simm.s32 $0x7C00;
	s16 =	simm.s32 $0x200;
	s17 =	simm.s32 $0xA400  }
0x6: {  	s18 =	simm.s32 $0x280;
	s19 =	simm.s32 $0xCC00;
	s20 =	simm.s32 $0x300  }
0x7: {  	s21 =	simm.s32 $0xF400;
	s22 =	simm.s32 $0x380;
	s23 =	simm.s32 $0x11C00  }
0x8: {  	s24 =	simm.s32 $0x1;
	s25 =	simm.s32 $0x0;
	[smem:$0x7FF] =	sst s1  }
0x9: {  	s3 =	sadd.s32 $0x7A00, s4;
	s5 =	sand.u32 $0x1, s5;
	s6 =	sshll.u32 s2, $0xD  }
0xa: {  	s7 =	smul.u32 $0xA0000, s2;
	_ =	strace $0x80000047;
	s8 =	ssub.s32 $0x2, s5  }
0xb: {  	s6 =	sadd.s32 s6, s4;
	s10 =	smul.u32 $0x50000, s5;
	s5 =	sshll.u32 s5, $0xC  }
0xc: {  	s9 =	sshrl.u32 s8, $0x1;
	s7 =	sadd.s32 s7, s4;
	s5 =	sadd.s32 s5, s6  }
0xd: {  	s30 =	ssub.s32 s8, s9;
	s31 =	sadd.s32 s10, s7;
	s5 =	sadd.s32 $0x87A00, s5  }
0xe: {  	s7 =	simm.s32 $0x2;
	s8 =	simm.s32 $0x50;
	s9 =	simm.s32 $0x400  }
0xf: {  	s10 =	simm.s32 $0x80;
	s4 =	smax.u32 s30, $0x1;
	s6 =	sadd.s32 $0xA7A00, s31  }
.LBB2_1:
0x10: {  	s26 =	sadd.s32 $0x0, s5  }
0x11: {  	[tilespmem:s1], [sflag:$0x2] =	stream.linear.gather [hbm4b:s26+s1], $0x400, $0x38;
	[tilespmem:$0x14400] =	vst v63  }
0x12: {  	_ =	swait.ge [sflag:s7], $0x400  }
0x13: {  	[sflag:s7] =	ssyncset.done $0x0  }
0x14: {  	[sflag:s7] =	ssyncadd.s32 $0xFFFFFC00  }
0x15: {  	[tilespmem:s9], [sflag:$0x1] =	stream.indirect.gather [hbm4b:s3+s8], $0x80, s1, s8, $0xb8;
	[tilespmem:$0x14400] =	vst v63  }
0x16: {  	_ = 	snop  }
0x17: {  	[tilespmem:s11], [sflag:$0x1] =	stream.indirect.gather [hbm4b:s3+s8], $0x80, s10, s8, $0xb8;
	[tilespmem:$0x14400] =	vst v63  }
0x18: {  	_ = 	snop  }
0x19: {  	[tilespmem:s13], [sflag:$0x1] =	stream.indirect.gather [hbm4b:s3+s8], $0x80, s12, s8, $0xb8;
	[tilespmem:$0x14400] =	vst v63  }
0x1a: {  	_ = 	snop  }
0x1b: {  	[tilespmem:s15], [sflag:$0x1] =	stream.indirect.gather [hbm4b:s3+s8], $0x80, s14, s8, $0xb8;
	[tilespmem:$0x14400] =	vst v63  }
0x1c: {  	_ = 	snop  }
0x1d: {  	[tilespmem:s17], [sflag:$0x1] =	stream.indirect.gather [hbm4b:s3+s8], $0x80, s16, s8, $0xb8;
	[tilespmem:$0x14400] =	vst v63  }
0x1e: {  	_ = 	snop  }
0x1f: {  	[tilespmem:s19], [sflag:$0x1] =	stream.indirect.gather [hbm4b:s3+s8], $0x80, s18, s8, $0xb8;
	[tilespmem:$0x14400] =	vst v63  }
0x20: {  	_ = 	snop  }
0x21: {  	[tilespmem:s21], [sflag:$0x1] =	stream.indirect.gather [hbm4b:s3+s8], $0x80, s20, s8, $0xb8;
	[tilespmem:$0x14400] =	vst v63  }
0x22: {  	_ = 	snop  }
0x23: {  	[tilespmem:s23], [sflag:$0x1] =	stream.indirect.gather [hbm4b:s3+s8], $0x80, s22, s8, $0xb8;
	[tilespmem:$0x14400] =	vst v63  }
0x24: {  	_ =	swait.ge [sflag:s24], $0x2800  }
0x25: {  	[sflag:s24] =	ssyncset.done $0x0  }
0x26: {  	[sflag:s24] =	ssyncadd.s32 $0xFFFFD800  }
0x27: {  	_ =	swait.ge [sflag:s24], $0x2800  }
0x28: {  	[sflag:s24] =	ssyncset.done $0x0  }
0x29: {  	[sflag:s24] =	ssyncadd.s32 $0xFFFFD800  }
0x2a: {  	_ =	swait.ge [sflag:s24], $0x2800  }
0x2b: {  	[sflag:s24] =	ssyncset.done $0x0  }
0x2c: {  	[sflag:s24] =	ssyncadd.s32 $0xFFFFD800  }
0x2d: {  	_ =	swait.ge [sflag:s24], $0x2800  }
0x2e: {  	[sflag:s24] =	ssyncset.done $0x0  }
0x2f: {  	[sflag:s24] =	ssyncadd.s32 $0xFFFFD800  }
0x30: {  	_ =	swait.ge [sflag:s24], $0x2800  }
0x31: {  	[sflag:s24] =	ssyncset.done $0x0  }
0x32: {  	[sflag:s24] =	ssyncadd.s32 $0xFFFFD800  }
0x33: {  	_ =	swait.ge [sflag:s24], $0x2800  }
0x34: {  	[sflag:s24] =	ssyncset.done $0x0  }
0x35: {  	[sflag:s24] =	ssyncadd.s32 $0xFFFFD800  }
0x36: {  	_ =	swait.ge [sflag:s24], $0x2800  }
0x37: {  	[sflag:s24] =	ssyncset.done $0x0  }
0x38: {  	[sflag:s24] =	ssyncadd.s32 $0xFFFFD800  }
0x39: {  	_ =	swait.ge [sflag:s24], $0x2800  }
0x3a: {  	[sflag:s24] =	ssyncset.done $0x0  }
0x3b: {  	[sflag:s24] =	ssyncadd.s32 $0xFFFFD800  }
0x3c: {  	[hbm4b:s6+s1] =	stream.linear.scatter [tilespmem:s9], [sflag:$0x2], $0x14000, $0x38;
	[tilespmem:$0x14400] =	vst v63  }
0x3d: {  	s28 =	simm.s32 $0x80;
	_ =	swait.ge [sflag:s7], $0x14000  }
0x3e: {  	s30 =	simm.s32 $0x100;
	s26 =	sadd.s32 $0x2800, s6;
	[sflag:s7] =	ssyncset.done $0x0  }
.LBB2_2:
0x3f: {  	s31 =	sadd.s32 s28, s5  }
0x40: {  	[sflag:s7] =	ssyncadd.s32 $0xFFFEC000;
	s28 =	smov.u32 s30;
	s29 =	sadd.s32 $0x80, s30  }
0x41: {  	[tilespmem:s1], [sflag:$0x2] =	stream.linear.gather [hbm4b:s31+s1], $0x400, $0x38;
	[tilespmem:$0x14400] =	vst v63  }
0x42: {  	p0 =	sne.s32 s30, $0xF80;
	_ =	swait.ge [sflag:s7], $0x400  }
0x43: {  	[sflag:s7] =	ssyncset.done $0x0  }
0x44: {  	[sflag:s7] =	ssyncadd.s32 $0xFFFFFC00  }
0x45: {  	[tilespmem:s9], [sflag:$0x1] =	stream.indirect.gather [hbm4b:s3+s8], $0x80, s1, s8, $0xb8;
	[tilespmem:$0x14400] =	vst v63  }
0x46: {  	_ = 	snop  }
0x47: {  	[tilespmem:s11], [sflag:$0x1] =	stream.indirect.gather [hbm4b:s3+s8], $0x80, s10, s8, $0xb8;
	[tilespmem:$0x14400] =	vst v63  }
0x48: {  	_ = 	snop  }
0x49: {  	[tilespmem:s13], [sflag:$0x1] =	stream.indirect.gather [hbm4b:s3+s8], $0x80, s12, s8, $0xb8;
	[tilespmem:$0x14400] =	vst v63  }
0x4a: {  	_ = 	snop  }
0x4b: {  	[tilespmem:s15], [sflag:$0x1] =	stream.indirect.gather [hbm4b:s3+s8], $0x80, s14, s8, $0xb8;
	[tilespmem:$0x14400] =	vst v63  }
0x4c: {  	_ = 	snop  }
0x4d: {  	[tilespmem:s17], [sflag:$0x1] =	stream.indirect.gather [hbm4b:s3+s8], $0x80, s16, s8, $0xb8;
	[tilespmem:$0x14400] =	vst v63  }
0x4e: {  	_ = 	snop  }
0x4f: {  	[tilespmem:s19], [sflag:$0x1] =	stream.indirect.gather [hbm4b:s3+s8], $0x80, s18, s8, $0xb8;
	[tilespmem:$0x14400] =	vst v63  }
0x50: {  	_ = 	snop  }
0x51: {  	[tilespmem:s21], [sflag:$0x1] =	stream.indirect.gather [hbm4b:s3+s8], $0x80, s20, s8, $0xb8;
	[tilespmem:$0x14400] =	vst v63  }
0x52: {  	_ = 	snop  }
0x53: {  	[tilespmem:s23], [sflag:$0x1] =	stream.indirect.gather [hbm4b:s3+s8], $0x80, s22, s8, $0xb8;
	[tilespmem:$0x14400] =	vst v63  }
0x54: {  	_ =	swait.ge [sflag:s24], $0x2800  }
0x55: {  	[sflag:s24] =	ssyncset.done $0x0  }
0x56: {  	[sflag:s24] =	ssyncadd.s32 $0xFFFFD800  }
0x57: {  	_ =	swait.ge [sflag:s24], $0x2800  }
0x58: {  	[sflag:s24] =	ssyncset.done $0x0  }
0x59: {  	[sflag:s24] =	ssyncadd.s32 $0xFFFFD800  }
0x5a: {  	_ =	swait.ge [sflag:s24], $0x2800  }
0x5b: {  	[sflag:s24] =	ssyncset.done $0x0  }
0x5c: {  	[sflag:s24] =	ssyncadd.s32 $0xFFFFD800  }
0x5d: {  	_ =	swait.ge [sflag:s24], $0x2800  }
0x5e: {  	[sflag:s24] =	ssyncset.done $0x0  }
0x5f: {  	[sflag:s24] =	ssyncadd.s32 $0xFFFFD800  }
0x60: {  	_ =	swait.ge [sflag:s24], $0x2800  }
0x61: {  	[sflag:s24] =	ssyncset.done $0x0  }
0x62: {  	[sflag:s24] =	ssyncadd.s32 $0xFFFFD800  }
0x63: {  	_ =	swait.ge [sflag:s24], $0x2800  }
0x64: {  	[sflag:s24] =	ssyncset.done $0x0  }
0x65: {  	[sflag:s24] =	ssyncadd.s32 $0xFFFFD800  }
0x66: {  	_ =	swait.ge [sflag:s24], $0x2800  }
0x67: {  	[sflag:s24] =	ssyncset.done $0x0  }
0x68: {  	[sflag:s24] =	ssyncadd.s32 $0xFFFFD800  }
0x69: {  	_ =	swait.ge [sflag:s24], $0x2800  }
.Ltmp0:
0x6a: {  	[sflag:s24] =	ssyncset.done $0x0;
	(pc) =	sbr.rel @p0 .LBB2_2-.Ltmp0, $4  }
0x6b: {  	[sflag:s24] =	ssyncadd.s32 $0xFFFFD800  }
0x6c: {  	[hbm4b:s26+s1] =	stream.linear.scatter [tilespmem:s9], [sflag:$0x2], $0x14000, $0x38;
	[tilespmem:$0x14400] =	vst v63  }
0x6d: {  	_ =	swait.ge [sflag:s7], $0x14000  }
0x6e: {  	s30 =	smov.u32 s29;
	s26 =	sadd.s32 $0x2800, s26;
	[sflag:s7] =	ssyncset.done $0x0  }
0x6f: {  	s28 =	sadd.s32 s28, s5;
	[sflag:s7] =	ssyncadd.s32 $0xFFFEC000  }
0x70: {  	[tilespmem:s1], [sflag:$0x2] =	stream.linear.gather [hbm4b:s28+s1], $0x400, $0x38;
	[tilespmem:$0x14400] =	vst v63  }
0x71: {  	_ =	swait.ge [sflag:s7], $0x400  }
0x72: {  	[sflag:s7] =	ssyncset.done $0x0  }
0x73: {  	[sflag:s7] =	ssyncadd.s32 $0xFFFFFC00  }
0x74: {  	[tilespmem:s9], [sflag:$0x1] =	stream.indirect.gather [hbm4b:s3+s8], $0x80, s1, s8, $0xb8;
	[tilespmem:$0x14400] =	vst v63  }
0x75: {  	_ = 	snop  }
0x76: {  	[tilespmem:s11], [sflag:$0x1] =	stream.indirect.gather [hbm4b:s3+s8], $0x80, s10, s8, $0xb8;
	[tilespmem:$0x14400] =	vst v63  }
0x77: {  	_ = 	snop  }
0x78: {  	[tilespmem:s13], [sflag:$0x1] =	stream.indirect.gather [hbm4b:s3+s8], $0x80, s12, s8, $0xb8;
	[tilespmem:$0x14400] =	vst v63  }
0x79: {  	_ = 	snop  }
0x7a: {  	[tilespmem:s15], [sflag:$0x1] =	stream.indirect.gather [hbm4b:s3+s8], $0x80, s14, s8, $0xb8;
	[tilespmem:$0x14400] =	vst v63  }
0x7b: {  	_ = 	snop  }
0x7c: {  	[tilespmem:s17], [sflag:$0x1] =	stream.indirect.gather [hbm4b:s3+s8], $0x80, s16, s8, $0xb8;
	[tilespmem:$0x14400] =	vst v63  }
0x7d: {  	_ = 	snop  }
0x7e: {  	[tilespmem:s19], [sflag:$0x1] =	stream.indirect.gather [hbm4b:s3+s8], $0x80, s18, s8, $0xb8;
	[tilespmem:$0x14400] =	vst v63  }
0x7f: {  	_ = 	snop  }
0x80: {  	[tilespmem:s21], [sflag:$0x1] =	stream.indirect.gather [hbm4b:s3+s8], $0x80, s20, s8, $0xb8;
	[tilespmem:$0x14400] =	vst v63  }
0x81: {  	_ = 	snop  }
0x82: {  	[tilespmem:s23], [sflag:$0x1] =	stream.indirect.gather [hbm4b:s3+s8], $0x80, s22, s8, $0xb8;
	[tilespmem:$0x14400] =	vst v63  }
0x83: {  	_ =	swait.ge [sflag:s24], $0x2800  }
0x84: {  	[sflag:s24] =	ssyncset.done $0x0  }
0x85: {  	[sflag:s24] =	ssyncadd.s32 $0xFFFFD800  }
0x86: {  	_ =	swait.ge [sflag:s24], $0x2800  }
0x87: {  	[sflag:s24] =	ssyncset.done $0x0  }
0x88: {  	[sflag:s24] =	ssyncadd.s32 $0xFFFFD800  }
0x89: {  	_ =	swait.ge [sflag:s24], $0x2800  }
0x8a: {  	[sflag:s24] =	ssyncset.done $0x0  }
0x8b: {  	[sflag:s24] =	ssyncadd.s32 $0xFFFFD800  }
0x8c: {  	_ =	swait.ge [sflag:s24], $0x2800  }
0x8d: {  	[sflag:s24] =	ssyncset.done $0x0  }
0x8e: {  	[sflag:s24] =	ssyncadd.s32 $0xFFFFD800  }
0x8f: {  	_ =	swait.ge [sflag:s24], $0x2800  }
0x90: {  	[sflag:s24] =	ssyncset.done $0x0  }
0x91: {  	[sflag:s24] =	ssyncadd.s32 $0xFFFFD800  }
0x92: {  	_ =	swait.ge [sflag:s24], $0x2800  }
0x93: {  	[sflag:s24] =	ssyncset.done $0x0  }
0x94: {  	[sflag:s24] =	ssyncadd.s32 $0xFFFFD800  }
0x95: {  	_ =	swait.ge [sflag:s24], $0x2800  }
0x96: {  	[sflag:s24] =	ssyncset.done $0x0  }
0x97: {  	[sflag:s24] =	ssyncadd.s32 $0xFFFFD800  }
0x98: {  	s25 =	sadd.s32 $0x1, s25;
	_ =	swait.ge [sflag:s24], $0x2800  }
0x99: {  	p0 =	sne.s32 s25, s4;
	[sflag:s24] =	ssyncset.done $0x0  }
.Ltmp1:
0x9a: {  	[sflag:s24] =	ssyncadd.s32 $0xFFFFD800;
	(pc) =	sbr.rel @p0 .LBB2_1-.Ltmp1, $4  }
0x9b: {  	[hbm4b:s26+s1] =	stream.linear.scatter [tilespmem:s9], [sflag:$0x2], $0x14000, $0x38;
	[tilespmem:$0x14400] =	vst v63  }
0x9c: {  	_ =	swait.ge [sflag:s7], $0x14000  }
0x9d: {  	[sflag:s7] =	ssyncset.done $0x0  }
0x9e: {  	[sflag:s7] =	ssyncadd.s32 $0xFFFEC000  }
0x9f: {  	_ =	sfence.sel $0x180000  }
0xa0: {  	[bflag:$0x0] =	sbarrier.arrive $0xFFFF  }
0xa1: {  	p0 =	sne.s32 s2, $0x0;
	_ =	strace $0x90000047  }
0xa2: {  	s0 =	sadd.s32 @!p0 $0x100000, s0;
	[bflag:$0x2] =	sbarrier.arrive $0xFFFF  }
0xa3: {  	[sflag:s0] =	ssyncadd.tile.s32 @!p0 $0x1;
	_ =	shalt  }
.Lfunc_end2:
_tile_overlayer_lowered:
.L_overlay_start_2:
0xa4: {  	(tag) =	ssettag $0x2  }
0xa5: {  	s0 =	rddreg [dreg:$0x0];
	s2 =	stileid.u32  }
0xa6: {  	s1 =	rddreg [dreg:$0x1];
	p0 =	sne.s32 s2, $0x0  }
0xa7: {  	s3 =	rddreg [dreg:$0x2];
	[bflag:$0x3] =	sbarrier.arrive $0xFFFF;
	s2 =	simm.s32 @!p0 $0x1C02  }
0xa8: {  	[timem:s3], [sflag:s2] =	dma.local @!p0 [hbm:s0], s1  }
0xa9: {  	s0 =	simm.s32 @!p0 $0x2  }
0xaa: {  	_ =	swait.ge @!p0 [sflag:s0], s1  }
0xab: {  	s1 =	ssub.s32 @!p0 $0x0, s1;
	[sflag:s0] =	ssyncset.done @!p0 $0x0  }
0xac: {  	[sflag:s0] =	ssyncadd.s32 @!p0 s1  }
0xad: {  	[bflag:$0x3] =	sbarrier.arrive $0xFFFF  }
0xae: {  	_ =	shalt  }

// kernel: kernel.19.cloned.1.call-start
scs
__scs_entry_jumppad:
0x0: {  	(pc) =	sbr.rel $0x88, $3  }
0x1: {  	(tag) =	ssettag $0x0;
	lr =	simm.s32 $0x1  }
0x2: {  	[smem:$0x3F88] =	sst lr;
	_ =	strace $0xD0000000  }
0x3: {  	_ = 	snop  }
0x4: {  	_ = 	snop  }
0x5: {  	_ = 	snop  }
0x6: {  	_ = 	snop  }
0x7: {  	_ = 	snop  }
__scs_overlays_trampoline_lowered:
0x8: {  	[smem:$0x3F97] =	sst s0  }
0x9: {  	[smem:$0x3F98] =	sst s1  }
0xa: {  	[smem:$0x3F99] =	sst s2  }
0xb: {  	[smem:$0x3F9A] =	sst s3  }
0xc: {  	[smem:$0x3F9B] =	sst s4  }
0xd: {  	[smem:$0x3F9C] =	sst s5  }
0xe: {  	[smem:$0x3F9D] =	sst s6  }
0xf: {  	[smem:$0x3F9E] =	sst s7  }
0x10: {  	[smem:$0x3F9F] =	sst s8  }
0x11: {  	[smem:$0x3FA0] =	sst s9;
	s0 =	simm.s32 @!p0 $0x0  }
0x12: {  	s1 =	sld [smem:$0x3F86];
	s0 =	simm.s32 @p0 $0x1  }
0x13: {  	[smem:$0x3FA1] =	sst s0;
	s0 =	simm.s32 @!p1 $0x0  }
0x14: {  	s2 =	sld [smem:$0x3F85];
	s0 =	simm.s32 @p1 $0x1  }
0x15: {  	[smem:$0x3FA2] =	sst s0;
	s0 =	simm.s32 @!p2 $0x0  }
0x16: {  	s3 =	sld [smem:$0x3FDB];
	s0 =	simm.s32 @p2 $0x1  }
0x17: {  	s4 =	simm.s32 $0x1BF5;
	[smem:$0x3FA4] =	sst s0  }
0x18: {  	s0 =	sld [smem:$0x3F87];
	_ =	swait.ge [sflag:s4], $0x0  }
0x19: {  	s7 =	sld [smem:$0x3F88]  }
0x1a: {  	s8 =	sadd.s32 $0xFFFFE003, lr  }
0x1b: {  	s9 =	sadd.s32 $0xFFFFFEF7, lr;
	s5 =	simm.s32 $0xFFFFFFFF;
	p2 =	slt.u32 s8, $0xFFFFF086  }
0x1c: {  	p1 =	slt.u32 s9, $0xF7A;
	s5 =	simm.s32 @!p2 $0x0  }
0x1d: {  	s5 =	simm.s32 @p1 $0x1;
	p0 =	seq.s32 s7, s2  }
0x1e: {  	s7 =	smul.u32 @!p0 $0xF7A, s2;
	p2 =	seq.s32 @!p0 s5, $0x0  }
0x1f: {  	s9 =	smul.u32 $0xF7A, s1;
	s8 =	simm.s32 @!p0 $0x1BF5;
	p2 =	por !p2, p0  }
0x20: {  	[sflag:s8] =	ssyncset.s32 @!p0 $0xFFFFF086;
	s6 =	sadd.s32 @!p0 s3, s7;
	s7 =	simm.s32 @!p0 $0x108  }
0x21: {  	s3 =	sadd.s32 s3, s9;
	s6 =	sadd.s32 @!p0 $0x88, s6;
	s7 =	simm.s32 @p2 $0x1082  }
0x22: {  	[simem:s7], [sflag:s8] =	dma.local @!p0 [hbm:s6], $0xF7A  }
0x23: {  	s9 =	sor.u32 $0xD0000000, s2;
	s6 =	simm.s32 $0x108;
	_ =	swait.ge @!p0 [sflag:s8], $0x0  }
0x24: {  	s3 =	sadd.s32 $0x88, s3;
	s6 =	simm.s32 @!p1 $0x1082;
	[sflag:s4] =	ssyncset.s32 $0xFFFFF086  }
0x25: {  	[simem:s6], [sflag:s4] =	dma.local [hbm:s3], $0xF7A  }
0x26: {  	[smem:$0x3F88] =	sst s1;
	(tag) =	ssettag s2;
	_ =	strace s9  }
0x27: {  	s1 =	sld [smem:$0x3F98]  }
0x28: {  	s2 =	sld [smem:$0x3F99]  }
0x29: {  	s4 =	sld [smem:$0x3F9B]  }
0x2a: {  	p0 =	seq.s32 s5, $0x0;
	s5 =	sld [smem:$0x3F9C]  }
0x2b: {  	s6 =	sld [smem:$0x3F9D]  }
0x2c: {  	s7 =	sld [smem:$0x3F9E]  }
0x2d: {  	s3 =	simm.s32 $0x108;
	s8 =	sld [smem:$0x3F9F]  }
0x2e: {  	s3 =	simm.s32 @!p0 $0x1082;
	s9 =	sld [smem:$0x3FA0]  }
0x2f: {  	lr =	sadd.s32 s0, s3;
	s0 =	sld [smem:$0x3F97]  }
0x30: {  	s3 =	sld [smem:$0x3F9A]  }
0x31: {  	[smem:$0x3FA3] =	sst s10  }
0x32: {  	s10 =	sld [smem:$0x3FA1];
	_ =	sdelay $0x3  }
0x33: {  	p0 =	seq.s32 s10, $0x1;
	s10 =	sld [smem:$0x3FA3];
	_ =	sdelay $0x3  }
0x34: {  	[smem:$0x3FA3] =	sst s10  }
0x35: {  	s10 =	sld [smem:$0x3FA2];
	_ =	sdelay $0x3  }
0x36: {  	p1 =	seq.s32 s10, $0x1;
	s10 =	sld [smem:$0x3FA3];
	_ =	sdelay $0x3  }
0x37: {  	[smem:$0x3FA3] =	sst s10  }
0x38: {  	s10 =	sld [smem:$0x3FA4]  }
0x39: {  	_ = 	snop;
	(pc) =	sbr.ind lr, $3  }
0x3a: {  	_ = 	snop  }
0x3b: {  	_ = 	snop  }
0x3c: {  	p2 =	seq.s32 s10, $0x1;
	s10 =	sld [smem:$0x3FA3]  }
0x3d: {  	_ =	shalt  }
0x3e: {  	_ =	shalt  }
0x3f: {  	_ =	shalt  }
0x40: {  	_ =	shalt  }
0x41: {  	_ =	shalt  }
0x42: {  	_ =	shalt  }
0x43: {  	_ =	shalt  }
0x44: {  	_ =	shalt  }
0x45: {  	_ =	shalt  }
0x46: {  	_ =	shalt  }
0x47: {  	_ =	shalt  }
0x48: {  	_ =	shalt  }
0x49: {  	_ =	shalt  }
0x4a: {  	_ =	shalt  }
0x4b: {  	_ =	shalt  }
0x4c: {  	_ =	shalt  }
0x4d: {  	_ =	shalt  }
0x4e: {  	_ =	shalt  }
0x4f: {  	_ =	shalt  }
0x50: {  	_ =	shalt  }
0x51: {  	_ =	shalt  }
0x52: {  	_ =	shalt  }
0x53: {  	_ =	shalt  }
0x54: {  	_ =	shalt  }
0x55: {  	_ =	shalt  }
0x56: {  	_ =	shalt  }
0x57: {  	_ =	shalt  }
0x58: {  	_ =	shalt  }
0x59: {  	_ =	shalt  }
0x5a: {  	_ =	shalt  }
0x5b: {  	_ =	shalt  }
0x5c: {  	_ =	shalt  }
0x5d: {  	_ =	shalt  }
0x5e: {  	_ =	shalt  }
0x5f: {  	_ =	shalt  }
0x60: {  	_ =	shalt  }
0x61: {  	_ =	shalt  }
0x62: {  	_ =	shalt  }
0x63: {  	_ =	shalt  }
0x64: {  	_ =	shalt  }
0x65: {  	_ =	shalt  }
0x66: {  	_ =	shalt  }
0x67: {  	_ =	shalt  }
0x68: {  	_ =	shalt  }
0x69: {  	_ =	shalt  }
0x6a: {  	_ =	shalt  }
0x6b: {  	_ =	shalt  }
0x6c: {  	_ =	shalt  }
0x6d: {  	_ =	shalt  }
0x6e: {  	_ =	shalt  }
0x6f: {  	_ =	shalt  }
0x70: {  	_ =	shalt  }
0x71: {  	_ =	shalt  }
0x72: {  	_ =	shalt  }
0x73: {  	_ =	shalt  }
0x74: {  	_ =	shalt  }
0x75: {  	_ =	shalt  }
0x76: {  	_ =	shalt  }
0x77: {  	_ =	shalt  }
0x78: {  	_ =	shalt  }
0x79: {  	_ =	shalt  }
0x7a: {  	_ =	shalt  }
0x7b: {  	_ =	shalt  }
0x7c: {  	_ =	shalt  }
0x7d: {  	_ =	shalt  }
0x7e: {  	_ =	shalt  }
0x7f: {  	_ =	shalt  }
0x80: {  	_ =	shalt  }
0x81: {  	_ =	shalt  }
0x82: {  	_ =	shalt  }
0x83: {  	_ =	shalt  }
0x84: {  	_ =	shalt  }
0x85: {  	_ =	shalt  }
0x86: {  	_ =	shalt  }
0x87: {  	_ =	shalt  }
.Lfunc_end0:
.L_simem_size_0:
called_computation.1_lowered:
.L_overlay_start_0:
0x88: {  	s2 =	sld [smem:$0x3FD9]  }
0x89: {  	s3 =	sld [smem:$0x3FFE];
	_ =	sdelay $0x1  }
0x8a: {  	s1 =	srdreg.scid  }
0x8b: {  	s0 =	sand.u32 $0x1, s1  }
0x8c: {  	s16 =	sshll.u32 s0, $0xA;
	s2 =	sadd.s32 s3, s2  }
0x8d: {  	s2 =	sadd.s32 s2, s16  }
0x8e: {  	[smem:$0x3FAF] =	sst s2  }
0x8f: {  	_ = 	snop  }
0x90: {  	(tm) =	ssettm $0x1  }
0x91: {  	s17 =	sld [smem:$0x3FFB];
	_ =	sdelay $0x3  }
0x92: {  	_ =	strace s17  }
0x93: {  	s2 =	sld [smem:$0x3FFC];
	_ =	sdelay $0x3  }
0x94: {  	_ =	strace s2  }
0x95: {  	s2 =	sld [smem:$0x3FFD];
	_ =	sdelay $0x3  }
0x96: {  	_ =	strace s2  }
0x97: {  	_ =	strace $0x8FFFFFFF  }
0x98: {  	s18 =	sld [smem:$0x3FDB];
	_ =	sdelay $0x1  }
0x99: {  	s19 =	simm.s32 $_scs_section_size  }
0x9a: {  	s4 =	simm.s32 $_size__tile_overlayer_lowered;
	s5 =	simm.s32 $_tile_overlayer_lowered  }
0x9b: {  	s22 =	simm.s32 $0x1BFF;
	s21 =	sshll.u32 s5, $0x1;
	s2 =	sadd.s32 s19, s18  }
0x9c: {  	s6 =	simm.s32 $0x0;
	s20 =	sshll.u32 s4, $0x1;
	s4 =	sadd.s32 s21, s2  }
0x9d: {  	[timem:s6], [sflag:s22] =	dma.local [hbm:s4], s20  }
0x9e: {  	_ =	swait.ge [sflag:s22], s20  }
0x9f: {  	s3 =	ssub.s32 $0x0, s20;
	[sflag:s22] =	ssyncset.done $0x0  }
0xa0: {  	[sflag:s22] =	ssyncadd.s32 s3;
	_ =	sdelay $0x1  }
0xa1: {  	s23 =	simm.s32 $0x1B8B  }
0xa2: {  	_ =	swait.ge [sflag:s23], $0x1  }
0xa3: {  	[sflag:s23] =	ssyncset.done $0x0  }
0xa4: {  	s25 =	simm.s32 $0x1B8E;
	s24 =	sld [smem:$0x3FFE];
	[sflag:s23] =	ssyncadd.s32 $0xFFFFFFFF  }
0xa5: {  	s26 =	simm.s32 $execute0_lowered;
	[smem:$0x3FD2] =	sst s25  }
0xa6: {  	s4 =	sshll.u32 s26, $0x1;
	_ =	strace $0x80000049;
	[dreg:$0x1] =	wrdreg $0xFFFFFFFF  }
0xa7: {  	s28 =	simm.s32 $_size_execute0_lowered;
	s2 =	sadd.s32 s2, s4;
	[dreg:$0x0] =	wrdreg $0x0  }
0xa8: {  	s4 =	sshll.u32 s28, $0x1;
	[dreg:$0x2] =	wrdreg s2  }
0xa9: {  	[dreg:$0x3] =	wrdreg s4  }
0xaa: {  	[dreg:$0x4] =	wrdreg $0xC0  }
0xab: {  	_ =	task [dreg:s6], $0x5FFFF  }
0xac: {  	[dreg:$0x1] =	wrdreg $0xFFFFFFFF  }
0xad: {  	[dreg:$0x0] =	wrdreg $0x60  }
0xae: {  	[dreg:$0x2] =	wrdreg s24  }
0xaf: {  	[dreg:$0x3] =	wrdreg $0x9  }
0xb0: {  	_ =	task.clear_ibuf [dreg:s6], $0x4FFFF;
	_ =	strace $0x90000049  }
0xb1: {  	s29 =	simm.s32 $0x9;
	_ =	strace $0x8000004B  }
0xb2: {  	_ =	swait.ge [sflag:s29], $0x1  }
0xb3: {  	[sflag:s29] =	ssyncadd.s32 $0xFFFFFFFF  }
0xb4: {  	_ =	strace $0x9000004B  }
0xb5: {  	_ =	sfence  }
0xb6: {  	s30 =	sld [smem:$0x0];
	_ =	sdelay $0x2  }
0xb7: {  	s31 =	sshll.u32 s1, $0xD;
	s1 =	sshrl.u32 s1, $0x2  }
0xb8: {  	s3 =	sand.u32 $0x4000, s31;
	s1 =	sadd.s32 s1, s30  }
0xb9: {  	s0 =	sor.u32 s3, s0;
	s1 =	sshll.u32 s1, $0x11  }
0xba: {  	s0 =	sor.u32 s1, s0  }
0xbb: {  	s0 =	sadd.s32 $0x8F2B, s0  }
0xbc: {  	[sflag:s0] =	ssyncadd.remote.s32 $0x1  }
0xbd: {  	_ =	sfence.sel $0xFFFF  }
0xbe: {  	[dreg:$0x0] =	wrdreg $0xFFFFFFFF;
	(pc) =	sbr.abs _section_cstart, $3  }
0xbf: {  	[dreg:$0x1] =	wrdreg $0xFFFFFFFF  }
0xc0: {  	_ =	task.clear_ibuf [dreg:s6], $0x2FFFF;
	_ =	strace $0x9FFFFFFF  }
0xc1: {  	(tm) =	ssettm $0x7FFFFFFF  }
tec
execute0_lowered:
.L_overlay_start_1:
0x0: {  	(tag) =	ssettag $0x1  }
0x1: {  	s4 =	rddreg [dreg:$0x0]  }
0x2: {  	s0 =	rddreg [dreg:$0x1];
	s1 =	simm.s32 $0x0  }
0x3: {  	s5 =	srdreg.scid;
	s2 =	stileid.u32;
	s11 =	simm.s32 $0x2C00  }
0x4: {  	s12 =	simm.s32 $0x100;
	s13 =	simm.s32 $0x5400;
	s14 =	simm.s32 $0x180  }
0x5: {  	s15 =	simm.s32 $0x7C00;
	s16 =	simm.s32 $0x200;
	s17 =	simm.s32 $0xA400  }
0x6: {  	s18 =	simm.s32 $0x280;
	s19 =	simm.s32 $0xCC00;
	s20 =	simm.s32 $0x300  }
0x7: {  	s21 =	simm.s32 $0xF400;
	s22 =	simm.s32 $0x380;
	s23 =	simm.s32 $0x11C00  }
0x8: {  	s24 =	simm.s32 $0x1;
	s25 =	simm.s32 $0x0;
	[smem:$0x7FF] =	sst s1  }
0x9: {  	s3 =	sadd.s32 $0x87A00, s4;
	s5 =	sand.u32 $0x1, s5;
	s6 =	sshll.u32 s2, $0xD  }
0xa: {  	s7 =	smul.u32 $0xA0000, s2;
	_ =	strace $0x8000004A;
	s8 =	ssub.s32 $0x2, s5  }
0xb: {  	s6 =	sadd.s32 s6, s4;
	s10 =	smul.u32 $0x50000, s5;
	s5 =	sshll.u32 s5, $0xC  }
0xc: {  	s9 =	sshrl.u32 s8, $0x1;
	s7 =	sadd.s32 s7, s4;
	s5 =	sadd.s32 s5, s6  }
0xd: {  	s30 =	ssub.s32 s8, s9;
	s31 =	sadd.s32 s10, s7;
	s5 =	sadd.s32 $0x107A00, s5  }
0xe: {  	s7 =	simm.s32 $0x2;
	s8 =	simm.s32 $0x50;
	s9 =	simm.s32 $0x400  }
0xf: {  	s10 =	simm.s32 $0x80;
	s4 =	smax.u32 s30, $0x1;
	s6 =	sadd.s32 $0x127A00, s31  }
.LBB2_1:
0x10: {  	s26 =	sadd.s32 $0x0, s5  }
0x11: {  	[tilespmem:s1], [sflag:$0x2] =	stream.linear.gather [hbm4b:s26+s1], $0x400, $0x38;
	[tilespmem:$0x14400] =	vst v63  }
0x12: {  	_ =	swait.ge [sflag:s7], $0x400  }
0x13: {  	[sflag:s7] =	ssyncset.done $0x0  }
0x14: {  	[sflag:s7] =	ssyncadd.s32 $0xFFFFFC00  }
0x15: {  	[tilespmem:s9], [sflag:$0x1] =	stream.indirect.gather [hbm4b:s3+s8], $0x80, s1, s8, $0xb8;
	[tilespmem:$0x14400] =	vst v63  }
0x16: {  	_ = 	snop  }
0x17: {  	[tilespmem:s11], [sflag:$0x1] =	stream.indirect.gather [hbm4b:s3+s8], $0x80, s10, s8, $0xb8;
	[tilespmem:$0x14400] =	vst v63  }
0x18: {  	_ = 	snop  }
0x19: {  	[tilespmem:s13], [sflag:$0x1] =	stream.indirect.gather [hbm4b:s3+s8], $0x80, s12, s8, $0xb8;
	[tilespmem:$0x14400] =	vst v63  }
0x1a: {  	_ = 	snop  }
0x1b: {  	[tilespmem:s15], [sflag:$0x1] =	stream.indirect.gather [hbm4b:s3+s8], $0x80, s14, s8, $0xb8;
	[tilespmem:$0x14400] =	vst v63  }
0x1c: {  	_ = 	snop  }
0x1d: {  	[tilespmem:s17], [sflag:$0x1] =	stream.indirect.gather [hbm4b:s3+s8], $0x80, s16, s8, $0xb8;
	[tilespmem:$0x14400] =	vst v63  }
0x1e: {  	_ = 	snop  }
0x1f: {  	[tilespmem:s19], [sflag:$0x1] =	stream.indirect.gather [hbm4b:s3+s8], $0x80, s18, s8, $0xb8;
	[tilespmem:$0x14400] =	vst v63  }
0x20: {  	_ = 	snop  }
0x21: {  	[tilespmem:s21], [sflag:$0x1] =	stream.indirect.gather [hbm4b:s3+s8], $0x80, s20, s8, $0xb8;
	[tilespmem:$0x14400] =	vst v63  }
0x22: {  	_ = 	snop  }
0x23: {  	[tilespmem:s23], [sflag:$0x1] =	stream.indirect.gather [hbm4b:s3+s8], $0x80, s22, s8, $0xb8;
	[tilespmem:$0x14400] =	vst v63  }
0x24: {  	_ =	swait.ge [sflag:s24], $0x2800  }
0x25: {  	[sflag:s24] =	ssyncset.done $0x0  }
0x26: {  	[sflag:s24] =	ssyncadd.s32 $0xFFFFD800  }
0x27: {  	_ =	swait.ge [sflag:s24], $0x2800  }
0x28: {  	[sflag:s24] =	ssyncset.done $0x0  }
0x29: {  	[sflag:s24] =	ssyncadd.s32 $0xFFFFD800  }
0x2a: {  	_ =	swait.ge [sflag:s24], $0x2800  }
0x2b: {  	[sflag:s24] =	ssyncset.done $0x0  }
0x2c: {  	[sflag:s24] =	ssyncadd.s32 $0xFFFFD800  }
0x2d: {  	_ =	swait.ge [sflag:s24], $0x2800  }
0x2e: {  	[sflag:s24] =	ssyncset.done $0x0  }
0x2f: {  	[sflag:s24] =	ssyncadd.s32 $0xFFFFD800  }
0x30: {  	_ =	swait.ge [sflag:s24], $0x2800  }
0x31: {  	[sflag:s24] =	ssyncset.done $0x0  }
0x32: {  	[sflag:s24] =	ssyncadd.s32 $0xFFFFD800  }
0x33: {  	_ =	swait.ge [sflag:s24], $0x2800  }
0x34: {  	[sflag:s24] =	ssyncset.done $0x0  }
0x35: {  	[sflag:s24] =	ssyncadd.s32 $0xFFFFD800  }
0x36: {  	_ =	swait.ge [sflag:s24], $0x2800  }
0x37: {  	[sflag:s24] =	ssyncset.done $0x0  }
0x38: {  	[sflag:s24] =	ssyncadd.s32 $0xFFFFD800  }
0x39: {  	_ =	swait.ge [sflag:s24], $0x2800  }
0x3a: {  	[sflag:s24] =	ssyncset.done $0x0  }
0x3b: {  	[sflag:s24] =	ssyncadd.s32 $0xFFFFD800  }
0x3c: {  	[hbm4b:s6+s1] =	stream.linear.scatter [tilespmem:s9], [sflag:$0x2], $0x14000, $0x38;
	[tilespmem:$0x14400] =	vst v63  }
0x3d: {  	s28 =	simm.s32 $0x80;
	_ =	swait.ge [sflag:s7], $0x14000  }
0x3e: {  	s30 =	simm.s32 $0x100;
	s26 =	sadd.s32 $0x2800, s6;
	[sflag:s7] =	ssyncset.done $0x0  }
.LBB2_2:
0x3f: {  	s31 =	sadd.s32 s28, s5  }
0x40: {  	[sflag:s7] =	ssyncadd.s32 $0xFFFEC000;
	s28 =	smov.u32 s30;
	s29 =	sadd.s32 $0x80, s30  }
0x41: {  	[tilespmem:s1], [sflag:$0x2] =	stream.linear.gather [hbm4b:s31+s1], $0x400, $0x38;
	[tilespmem:$0x14400] =	vst v63  }
0x42: {  	p0 =	sne.s32 s30, $0xF80;
	_ =	swait.ge [sflag:s7], $0x400  }
0x43: {  	[sflag:s7] =	ssyncset.done $0x0  }
0x44: {  	[sflag:s7] =	ssyncadd.s32 $0xFFFFFC00  }
0x45: {  	[tilespmem:s9], [sflag:$0x1] =	stream.indirect.gather [hbm4b:s3+s8], $0x80, s1, s8, $0xb8;
	[tilespmem:$0x14400] =	vst v63  }
0x46: {  	_ = 	snop  }
0x47: {  	[tilespmem:s11], [sflag:$0x1] =	stream.indirect.gather [hbm4b:s3+s8], $0x80, s10, s8, $0xb8;
	[tilespmem:$0x14400] =	vst v63  }
0x48: {  	_ = 	snop  }
0x49: {  	[tilespmem:s13], [sflag:$0x1] =	stream.indirect.gather [hbm4b:s3+s8], $0x80, s12, s8, $0xb8;
	[tilespmem:$0x14400] =	vst v63  }
0x4a: {  	_ = 	snop  }
0x4b: {  	[tilespmem:s15], [sflag:$0x1] =	stream.indirect.gather [hbm4b:s3+s8], $0x80, s14, s8, $0xb8;
	[tilespmem:$0x14400] =	vst v63  }
0x4c: {  	_ = 	snop  }
0x4d: {  	[tilespmem:s17], [sflag:$0x1] =	stream.indirect.gather [hbm4b:s3+s8], $0x80, s16, s8, $0xb8;
	[tilespmem:$0x14400] =	vst v63  }
0x4e: {  	_ = 	snop  }
0x4f: {  	[tilespmem:s19], [sflag:$0x1] =	stream.indirect.gather [hbm4b:s3+s8], $0x80, s18, s8, $0xb8;
	[tilespmem:$0x14400] =	vst v63  }
0x50: {  	_ = 	snop  }
0x51: {  	[tilespmem:s21], [sflag:$0x1] =	stream.indirect.gather [hbm4b:s3+s8], $0x80, s20, s8, $0xb8;
	[tilespmem:$0x14400] =	vst v63  }
0x52: {  	_ = 	snop  }
0x53: {  	[tilespmem:s23], [sflag:$0x1] =	stream.indirect.gather [hbm4b:s3+s8], $0x80, s22, s8, $0xb8;
	[tilespmem:$0x14400] =	vst v63  }
0x54: {  	_ =	swait.ge [sflag:s24], $0x2800  }
0x55: {  	[sflag:s24] =	ssyncset.done $0x0  }
0x56: {  	[sflag:s24] =	ssyncadd.s32 $0xFFFFD800  }
0x57: {  	_ =	swait.ge [sflag:s24], $0x2800  }
0x58: {  	[sflag:s24] =	ssyncset.done $0x0  }
0x59: {  	[sflag:s24] =	ssyncadd.s32 $0xFFFFD800  }
0x5a: {  	_ =	swait.ge [sflag:s24], $0x2800  }
0x5b: {  	[sflag:s24] =	ssyncset.done $0x0  }
0x5c: {  	[sflag:s24] =	ssyncadd.s32 $0xFFFFD800  }
0x5d: {  	_ =	swait.ge [sflag:s24], $0x2800  }
0x5e: {  	[sflag:s24] =	ssyncset.done $0x0  }
0x5f: {  	[sflag:s24] =	ssyncadd.s32 $0xFFFFD800  }
0x60: {  	_ =	swait.ge [sflag:s24], $0x2800  }
0x61: {  	[sflag:s24] =	ssyncset.done $0x0  }
0x62: {  	[sflag:s24] =	ssyncadd.s32 $0xFFFFD800  }
0x63: {  	_ =	swait.ge [sflag:s24], $0x2800  }
0x64: {  	[sflag:s24] =	ssyncset.done $0x0  }
0x65: {  	[sflag:s24] =	ssyncadd.s32 $0xFFFFD800  }
0x66: {  	_ =	swait.ge [sflag:s24], $0x2800  }
0x67: {  	[sflag:s24] =	ssyncset.done $0x0  }
0x68: {  	[sflag:s24] =	ssyncadd.s32 $0xFFFFD800  }
0x69: {  	_ =	swait.ge [sflag:s24], $0x2800  }
.Ltmp0:
0x6a: {  	[sflag:s24] =	ssyncset.done $0x0;
	(pc) =	sbr.rel @p0 .LBB2_2-.Ltmp0, $4  }
0x6b: {  	[sflag:s24] =	ssyncadd.s32 $0xFFFFD800  }
0x6c: {  	[hbm4b:s26+s1] =	stream.linear.scatter [tilespmem:s9], [sflag:$0x2], $0x14000, $0x38;
	[tilespmem:$0x14400] =	vst v63  }
0x6d: {  	_ =	swait.ge [sflag:s7], $0x14000  }
0x6e: {  	s30 =	smov.u32 s29;
	s26 =	sadd.s32 $0x2800, s26;
	[sflag:s7] =	ssyncset.done $0x0  }
0x6f: {  	s28 =	sadd.s32 s28, s5;
	[sflag:s7] =	ssyncadd.s32 $0xFFFEC000  }
0x70: {  	[tilespmem:s1], [sflag:$0x2] =	stream.linear.gather [hbm4b:s28+s1], $0x400, $0x38;
	[tilespmem:$0x14400] =	vst v63  }
0x71: {  	_ =	swait.ge [sflag:s7], $0x400  }
0x72: {  	[sflag:s7] =	ssyncset.done $0x0  }
0x73: {  	[sflag:s7] =	ssyncadd.s32 $0xFFFFFC00  }
0x74: {  	[tilespmem:s9], [sflag:$0x1] =	stream.indirect.gather [hbm4b:s3+s8], $0x80, s1, s8, $0xb8;
	[tilespmem:$0x14400] =	vst v63  }
0x75: {  	_ = 	snop  }
0x76: {  	[tilespmem:s11], [sflag:$0x1] =	stream.indirect.gather [hbm4b:s3+s8], $0x80, s10, s8, $0xb8;
	[tilespmem:$0x14400] =	vst v63  }
0x77: {  	_ = 	snop  }
0x78: {  	[tilespmem:s13], [sflag:$0x1] =	stream.indirect.gather [hbm4b:s3+s8], $0x80, s12, s8, $0xb8;
	[tilespmem:$0x14400] =	vst v63  }
0x79: {  	_ = 	snop  }
0x7a: {  	[tilespmem:s15], [sflag:$0x1] =	stream.indirect.gather [hbm4b:s3+s8], $0x80, s14, s8, $0xb8;
	[tilespmem:$0x14400] =	vst v63  }
0x7b: {  	_ = 	snop  }
0x7c: {  	[tilespmem:s17], [sflag:$0x1] =	stream.indirect.gather [hbm4b:s3+s8], $0x80, s16, s8, $0xb8;
	[tilespmem:$0x14400] =	vst v63  }
0x7d: {  	_ = 	snop  }
0x7e: {  	[tilespmem:s19], [sflag:$0x1] =	stream.indirect.gather [hbm4b:s3+s8], $0x80, s18, s8, $0xb8;
	[tilespmem:$0x14400] =	vst v63  }
0x7f: {  	_ = 	snop  }
0x80: {  	[tilespmem:s21], [sflag:$0x1] =	stream.indirect.gather [hbm4b:s3+s8], $0x80, s20, s8, $0xb8;
	[tilespmem:$0x14400] =	vst v63  }
0x81: {  	_ = 	snop  }
0x82: {  	[tilespmem:s23], [sflag:$0x1] =	stream.indirect.gather [hbm4b:s3+s8], $0x80, s22, s8, $0xb8;
	[tilespmem:$0x14400] =	vst v63  }
0x83: {  	_ =	swait.ge [sflag:s24], $0x2800  }
0x84: {  	[sflag:s24] =	ssyncset.done $0x0  }
0x85: {  	[sflag:s24] =	ssyncadd.s32 $0xFFFFD800  }
0x86: {  	_ =	swait.ge [sflag:s24], $0x2800  }
0x87: {  	[sflag:s24] =	ssyncset.done $0x0  }
0x88: {  	[sflag:s24] =	ssyncadd.s32 $0xFFFFD800  }
0x89: {  	_ =	swait.ge [sflag:s24], $0x2800  }
0x8a: {  	[sflag:s24] =	ssyncset.done $0x0  }
0x8b: {  	[sflag:s24] =	ssyncadd.s32 $0xFFFFD800  }
0x8c: {  	_ =	swait.ge [sflag:s24], $0x2800  }
0x8d: {  	[sflag:s24] =	ssyncset.done $0x0  }
0x8e: {  	[sflag:s24] =	ssyncadd.s32 $0xFFFFD800  }
0x8f: {  	_ =	swait.ge [sflag:s24], $0x2800  }
0x90: {  	[sflag:s24] =	ssyncset.done $0x0  }
0x91: {  	[sflag:s24] =	ssyncadd.s32 $0xFFFFD800  }
0x92: {  	_ =	swait.ge [sflag:s24], $0x2800  }
0x93: {  	[sflag:s24] =	ssyncset.done $0x0  }
0x94: {  	[sflag:s24] =	ssyncadd.s32 $0xFFFFD800  }
0x95: {  	_ =	swait.ge [sflag:s24], $0x2800  }
0x96: {  	[sflag:s24] =	ssyncset.done $0x0  }
0x97: {  	[sflag:s24] =	ssyncadd.s32 $0xFFFFD800  }
0x98: {  	s25 =	sadd.s32 $0x1, s25;
	_ =	swait.ge [sflag:s24], $0x2800  }
0x99: {  	p0 =	sne.s32 s25, s4;
	[sflag:s24] =	ssyncset.done $0x0  }
.Ltmp1:
0x9a: {  	[sflag:s24] =	ssyncadd.s32 $0xFFFFD800;
	(pc) =	sbr.rel @p0 .LBB2_1-.Ltmp1, $4  }
0x9b: {  	[hbm4b:s26+s1] =	stream.linear.scatter [tilespmem:s9], [sflag:$0x2], $0x14000, $0x38;
	[tilespmem:$0x14400] =	vst v63  }
0x9c: {  	_ =	swait.ge [sflag:s7], $0x14000  }
0x9d: {  	[sflag:s7] =	ssyncset.done $0x0  }
0x9e: {  	[sflag:s7] =	ssyncadd.s32 $0xFFFEC000  }
0x9f: {  	_ =	sfence.sel $0x180000  }
0xa0: {  	[bflag:$0x0] =	sbarrier.arrive $0xFFFF  }
0xa1: {  	p0 =	sne.s32 s2, $0x0;
	_ =	strace $0x9000004A  }
0xa2: {  	s0 =	sadd.s32 @!p0 $0x100000, s0;
	[bflag:$0x2] =	sbarrier.arrive $0xFFFF  }
0xa3: {  	[sflag:s0] =	ssyncadd.tile.s32 @!p0 $0x1;
	_ =	shalt  }
.Lfunc_end2:
_tile_overlayer_lowered:
.L_overlay_start_2:
0xa4: {  	(tag) =	ssettag $0x2  }
0xa5: {  	s0 =	rddreg [dreg:$0x0];
	s2 =	stileid.u32  }
0xa6: {  	s1 =	rddreg [dreg:$0x1];
	p0 =	sne.s32 s2, $0x0  }
0xa7: {  	s3 =	rddreg [dreg:$0x2];
	[bflag:$0x3] =	sbarrier.arrive $0xFFFF;
	s2 =	simm.s32 @!p0 $0x1C02  }
0xa8: {  	[timem:s3], [sflag:s2] =	dma.local @!p0 [hbm:s0], s1  }
0xa9: {  	s0 =	simm.s32 @!p0 $0x2  }
0xaa: {  	_ =	swait.ge @!p0 [sflag:s0], s1  }
0xab: {  	s1 =	ssub.s32 @!p0 $0x0, s1;
	[sflag:s0] =	ssyncset.done @!p0 $0x0  }
0xac: {  	[sflag:s0] =	ssyncadd.s32 @!p0 s1  }
0xad: {  	[bflag:$0x3] =	sbarrier.arrive $0xFFFF  }
0xae: {  	_ =	shalt  }

// kernel: kernel.22.cloned.1.call-start
scs
__scs_entry_jumppad:
0x0: {  	(pc) =	sbr.rel $0x88, $3  }
0x1: {  	(tag) =	ssettag $0x0;
	lr =	simm.s32 $0x1  }
0x2: {  	[smem:$0x3F88] =	sst lr;
	_ =	strace $0xD0000000  }
0x3: {  	_ = 	snop  }
0x4: {  	_ = 	snop  }
0x5: {  	_ = 	snop  }
0x6: {  	_ = 	snop  }
0x7: {  	_ = 	snop  }
__scs_overlays_trampoline_lowered:
0x8: {  	[smem:$0x3F97] =	sst s0  }
0x9: {  	[smem:$0x3F98] =	sst s1  }
0xa: {  	[smem:$0x3F99] =	sst s2  }
0xb: {  	[smem:$0x3F9A] =	sst s3  }
0xc: {  	[smem:$0x3F9B] =	sst s4  }
0xd: {  	[smem:$0x3F9C] =	sst s5  }
0xe: {  	[smem:$0x3F9D] =	sst s6  }
0xf: {  	[smem:$0x3F9E] =	sst s7  }
0x10: {  	[smem:$0x3F9F] =	sst s8  }
0x11: {  	[smem:$0x3FA0] =	sst s9;
	s0 =	simm.s32 @!p0 $0x0  }
0x12: {  	s1 =	sld [smem:$0x3F86];
	s0 =	simm.s32 @p0 $0x1  }
0x13: {  	[smem:$0x3FA1] =	sst s0;
	s0 =	simm.s32 @!p1 $0x0  }
0x14: {  	s2 =	sld [smem:$0x3F85];
	s0 =	simm.s32 @p1 $0x1  }
0x15: {  	[smem:$0x3FA2] =	sst s0;
	s0 =	simm.s32 @!p2 $0x0  }
0x16: {  	s3 =	sld [smem:$0x3FDB];
	s0 =	simm.s32 @p2 $0x1  }
0x17: {  	s4 =	simm.s32 $0x1BF5;
	[smem:$0x3FA4] =	sst s0  }
0x18: {  	s0 =	sld [smem:$0x3F87];
	_ =	swait.ge [sflag:s4], $0x0  }
0x19: {  	s7 =	sld [smem:$0x3F88]  }
0x1a: {  	s8 =	sadd.s32 $0xFFFFE003, lr  }
0x1b: {  	s9 =	sadd.s32 $0xFFFFFEF7, lr;
	s5 =	simm.s32 $0xFFFFFFFF;
	p2 =	slt.u32 s8, $0xFFFFF086  }
0x1c: {  	p1 =	slt.u32 s9, $0xF7A;
	s5 =	simm.s32 @!p2 $0x0  }
0x1d: {  	s5 =	simm.s32 @p1 $0x1;
	p0 =	seq.s32 s7, s2  }
0x1e: {  	s7 =	smul.u32 @!p0 $0xF7A, s2;
	p2 =	seq.s32 @!p0 s5, $0x0  }
0x1f: {  	s9 =	smul.u32 $0xF7A, s1;
	s8 =	simm.s32 @!p0 $0x1BF5;
	p2 =	por !p2, p0  }
0x20: {  	[sflag:s8] =	ssyncset.s32 @!p0 $0xFFFFF086;
	s6 =	sadd.s32 @!p0 s3, s7;
	s7 =	simm.s32 @!p0 $0x108  }
0x21: {  	s3 =	sadd.s32 s3, s9;
	s6 =	sadd.s32 @!p0 $0x88, s6;
	s7 =	simm.s32 @p2 $0x1082  }
0x22: {  	[simem:s7], [sflag:s8] =	dma.local @!p0 [hbm:s6], $0xF7A  }
0x23: {  	s9 =	sor.u32 $0xD0000000, s2;
	s6 =	simm.s32 $0x108;
	_ =	swait.ge @!p0 [sflag:s8], $0x0  }
0x24: {  	s3 =	sadd.s32 $0x88, s3;
	s6 =	simm.s32 @!p1 $0x1082;
	[sflag:s4] =	ssyncset.s32 $0xFFFFF086  }
0x25: {  	[simem:s6], [sflag:s4] =	dma.local [hbm:s3], $0xF7A  }
0x26: {  	[smem:$0x3F88] =	sst s1;
	(tag) =	ssettag s2;
	_ =	strace s9  }
0x27: {  	s1 =	sld [smem:$0x3F98]  }
0x28: {  	s2 =	sld [smem:$0x3F99]  }
0x29: {  	s4 =	sld [smem:$0x3F9B]  }
0x2a: {  	p0 =	seq.s32 s5, $0x0;
	s5 =	sld [smem:$0x3F9C]  }
0x2b: {  	s6 =	sld [smem:$0x3F9D]  }
0x2c: {  	s7 =	sld [smem:$0x3F9E]  }
0x2d: {  	s3 =	simm.s32 $0x108;
	s8 =	sld [smem:$0x3F9F]  }
0x2e: {  	s3 =	simm.s32 @!p0 $0x1082;
	s9 =	sld [smem:$0x3FA0]  }
0x2f: {  	lr =	sadd.s32 s0, s3;
	s0 =	sld [smem:$0x3F97]  }
0x30: {  	s3 =	sld [smem:$0x3F9A]  }
0x31: {  	[smem:$0x3FA3] =	sst s10  }
0x32: {  	s10 =	sld [smem:$0x3FA1];
	_ =	sdelay $0x3  }
0x33: {  	p0 =	seq.s32 s10, $0x1;
	s10 =	sld [smem:$0x3FA3];
	_ =	sdelay $0x3  }
0x34: {  	[smem:$0x3FA3] =	sst s10  }
0x35: {  	s10 =	sld [smem:$0x3FA2];
	_ =	sdelay $0x3  }
0x36: {  	p1 =	seq.s32 s10, $0x1;
	s10 =	sld [smem:$0x3FA3];
	_ =	sdelay $0x3  }
0x37: {  	[smem:$0x3FA3] =	sst s10  }
0x38: {  	s10 =	sld [smem:$0x3FA4]  }
0x39: {  	_ = 	snop;
	(pc) =	sbr.ind lr, $3  }
0x3a: {  	_ = 	snop  }
0x3b: {  	_ = 	snop  }
0x3c: {  	p2 =	seq.s32 s10, $0x1;
	s10 =	sld [smem:$0x3FA3]  }
0x3d: {  	_ =	shalt  }
0x3e: {  	_ =	shalt  }
0x3f: {  	_ =	shalt  }
0x40: {  	_ =	shalt  }
0x41: {  	_ =	shalt  }
0x42: {  	_ =	shalt  }
0x43: {  	_ =	shalt  }
0x44: {  	_ =	shalt  }
0x45: {  	_ =	shalt  }
0x46: {  	_ =	shalt  }
0x47: {  	_ =	shalt  }
0x48: {  	_ =	shalt  }
0x49: {  	_ =	shalt  }
0x4a: {  	_ =	shalt  }
0x4b: {  	_ =	shalt  }
0x4c: {  	_ =	shalt  }
0x4d: {  	_ =	shalt  }
0x4e: {  	_ =	shalt  }
0x4f: {  	_ =	shalt  }
0x50: {  	_ =	shalt  }
0x51: {  	_ =	shalt  }
0x52: {  	_ =	shalt  }
0x53: {  	_ =	shalt  }
0x54: {  	_ =	shalt  }
0x55: {  	_ =	shalt  }
0x56: {  	_ =	shalt  }
0x57: {  	_ =	shalt  }
0x58: {  	_ =	shalt  }
0x59: {  	_ =	shalt  }
0x5a: {  	_ =	shalt  }
0x5b: {  	_ =	shalt  }
0x5c: {  	_ =	shalt  }
0x5d: {  	_ =	shalt  }
0x5e: {  	_ =	shalt  }
0x5f: {  	_ =	shalt  }
0x60: {  	_ =	shalt  }
0x61: {  	_ =	shalt  }
0x62: {  	_ =	shalt  }
0x63: {  	_ =	shalt  }
0x64: {  	_ =	shalt  }
0x65: {  	_ =	shalt  }
0x66: {  	_ =	shalt  }
0x67: {  	_ =	shalt  }
0x68: {  	_ =	shalt  }
0x69: {  	_ =	shalt  }
0x6a: {  	_ =	shalt  }
0x6b: {  	_ =	shalt  }
0x6c: {  	_ =	shalt  }
0x6d: {  	_ =	shalt  }
0x6e: {  	_ =	shalt  }
0x6f: {  	_ =	shalt  }
0x70: {  	_ =	shalt  }
0x71: {  	_ =	shalt  }
0x72: {  	_ =	shalt  }
0x73: {  	_ =	shalt  }
0x74: {  	_ =	shalt  }
0x75: {  	_ =	shalt  }
0x76: {  	_ =	shalt  }
0x77: {  	_ =	shalt  }
0x78: {  	_ =	shalt  }
0x79: {  	_ =	shalt  }
0x7a: {  	_ =	shalt  }
0x7b: {  	_ =	shalt  }
0x7c: {  	_ =	shalt  }
0x7d: {  	_ =	shalt  }
0x7e: {  	_ =	shalt  }
0x7f: {  	_ =	shalt  }
0x80: {  	_ =	shalt  }
0x81: {  	_ =	shalt  }
0x82: {  	_ =	shalt  }
0x83: {  	_ =	shalt  }
0x84: {  	_ =	shalt  }
0x85: {  	_ =	shalt  }
0x86: {  	_ =	shalt  }
0x87: {  	_ =	shalt  }
.Lfunc_end0:
.L_simem_size_0:
called_computation.2_lowered:
.L_overlay_start_0:
0x88: {  	s2 =	sld [smem:$0x3FD9]  }
0x89: {  	s3 =	sld [smem:$0x3FFE];
	_ =	sdelay $0x1  }
0x8a: {  	s1 =	srdreg.scid  }
0x8b: {  	s0 =	sand.u32 $0x1, s1  }
0x8c: {  	s16 =	sshll.u32 s0, $0xA;
	s2 =	sadd.s32 s3, s2  }
0x8d: {  	s2 =	sadd.s32 s2, s16  }
0x8e: {  	[smem:$0x3FAF] =	sst s2  }
0x8f: {  	_ = 	snop  }
0x90: {  	(tm) =	ssettm $0x1  }
0x91: {  	s17 =	sld [smem:$0x3FFB];
	_ =	sdelay $0x3  }
0x92: {  	_ =	strace s17  }
0x93: {  	s2 =	sld [smem:$0x3FFC];
	_ =	sdelay $0x3  }
0x94: {  	_ =	strace s2  }
0x95: {  	s2 =	sld [smem:$0x3FFD];
	_ =	sdelay $0x3  }
0x96: {  	_ =	strace s2  }
0x97: {  	_ =	strace $0x8FFFFFFF  }
0x98: {  	s18 =	sld [smem:$0x3FDB];
	_ =	sdelay $0x1  }
0x99: {  	s19 =	simm.s32 $_scs_section_size  }
0x9a: {  	s4 =	simm.s32 $_size__tile_overlayer_lowered;
	s5 =	simm.s32 $_tile_overlayer_lowered  }
0x9b: {  	s22 =	simm.s32 $0x1BFF;
	s21 =	sshll.u32 s5, $0x1;
	s2 =	sadd.s32 s19, s18  }
0x9c: {  	s6 =	simm.s32 $0x0;
	s20 =	sshll.u32 s4, $0x1;
	s4 =	sadd.s32 s21, s2  }
0x9d: {  	[timem:s6], [sflag:s22] =	dma.local [hbm:s4], s20  }
0x9e: {  	_ =	swait.ge [sflag:s22], s20  }
0x9f: {  	s3 =	ssub.s32 $0x0, s20;
	[sflag:s22] =	ssyncset.done $0x0  }
0xa0: {  	[sflag:s22] =	ssyncadd.s32 s3;
	_ =	sdelay $0x1  }
0xa1: {  	s23 =	simm.s32 $0x1B8B  }
0xa2: {  	_ =	swait.ge [sflag:s23], $0x1  }
0xa3: {  	[sflag:s23] =	ssyncset.done $0x0  }
0xa4: {  	s25 =	simm.s32 $0x1B8E;
	s24 =	sld [smem:$0x3FFE];
	[sflag:s23] =	ssyncadd.s32 $0xFFFFFFFF  }
0xa5: {  	s26 =	simm.s32 $execute0_lowered;
	[smem:$0x3FD2] =	sst s25  }
0xa6: {  	s4 =	sshll.u32 s26, $0x1;
	_ =	strace $0x8000004C;
	[dreg:$0x1] =	wrdreg $0xFFFFFFFF  }
0xa7: {  	s28 =	simm.s32 $_size_execute0_lowered;
	s2 =	sadd.s32 s2, s4;
	[dreg:$0x0] =	wrdreg $0x0  }
0xa8: {  	s4 =	sshll.u32 s28, $0x1;
	[dreg:$0x2] =	wrdreg s2  }
0xa9: {  	[dreg:$0x3] =	wrdreg s4  }
0xaa: {  	[dreg:$0x4] =	wrdreg $0xC0  }
0xab: {  	_ =	task [dreg:s6], $0x5FFFF  }
0xac: {  	[dreg:$0x1] =	wrdreg $0xFFFFFFFF  }
0xad: {  	[dreg:$0x0] =	wrdreg $0x60  }
0xae: {  	[dreg:$0x2] =	wrdreg s24  }
0xaf: {  	[dreg:$0x3] =	wrdreg $0x9  }
0xb0: {  	_ =	task.clear_ibuf [dreg:s6], $0x4FFFF;
	_ =	strace $0x9000004C  }
0xb1: {  	s29 =	simm.s32 $0x9;
	_ =	strace $0x8000004E  }
0xb2: {  	_ =	swait.ge [sflag:s29], $0x1  }
0xb3: {  	[sflag:s29] =	ssyncadd.s32 $0xFFFFFFFF  }
0xb4: {  	_ =	strace $0x9000004E  }
0xb5: {  	_ =	sfence  }
0xb6: {  	s30 =	sld [smem:$0x0];
	_ =	sdelay $0x2  }
0xb7: {  	s31 =	sshll.u32 s1, $0xD;
	s1 =	sshrl.u32 s1, $0x2  }
0xb8: {  	s3 =	sand.u32 $0x4000, s31;
	s1 =	sadd.s32 s1, s30  }
0xb9: {  	s0 =	sor.u32 s3, s0;
	s1 =	sshll.u32 s1, $0x11  }
0xba: {  	s0 =	sor.u32 s1, s0  }
0xbb: {  	s0 =	sadd.s32 $0x8F2B, s0  }
0xbc: {  	[sflag:s0] =	ssyncadd.remote.s32 $0x1  }
0xbd: {  	_ =	sfence.sel $0xFFFF  }
0xbe: {  	[dreg:$0x0] =	wrdreg $0xFFFFFFFF;
	(pc) =	sbr.abs _section_cstart, $3  }
0xbf: {  	[dreg:$0x1] =	wrdreg $0xFFFFFFFF  }
0xc0: {  	_ =	task.clear_ibuf [dreg:s6], $0x2FFFF;
	_ =	strace $0x9FFFFFFF  }
0xc1: {  	(tm) =	ssettm $0x7FFFFFFF  }
tec
execute0_lowered:
.L_overlay_start_1:
0x0: {  	(tag) =	ssettag $0x1  }
0x1: {  	s4 =	rddreg [dreg:$0x0]  }
0x2: {  	s0 =	rddreg [dreg:$0x1];
	s1 =	simm.s32 $0x0  }
0x3: {  	s5 =	srdreg.scid;
	s2 =	stileid.u32;
	s11 =	simm.s32 $0x2C00  }
0x4: {  	s12 =	simm.s32 $0x100;
	s13 =	simm.s32 $0x5400;
	s14 =	simm.s32 $0x180  }
0x5: {  	s15 =	simm.s32 $0x7C00;
	s16 =	simm.s32 $0x200;
	s17 =	simm.s32 $0xA400  }
0x6: {  	s18 =	simm.s32 $0x280;
	s19 =	simm.s32 $0xCC00;
	s20 =	simm.s32 $0x300  }
0x7: {  	s21 =	simm.s32 $0xF400;
	s22 =	simm.s32 $0x380;
	s23 =	simm.s32 $0x11C00  }
0x8: {  	s24 =	simm.s32 $0x1;
	s25 =	simm.s32 $0x0;
	[smem:$0x7FF] =	sst s1  }
0x9: {  	s3 =	sadd.s32 $0x107C00, s4;
	s5 =	sand.u32 $0x1, s5;
	s6 =	sshll.u32 s2, $0xD  }
0xa: {  	s7 =	smul.u32 $0xA0000, s2;
	_ =	strace $0x8000004D;
	s8 =	ssub.s32 $0x2, s5  }
0xb: {  	s6 =	sadd.s32 s6, s4;
	s10 =	smul.u32 $0x50000, s5;
	s5 =	sshll.u32 s5, $0xC  }
0xc: {  	s9 =	sshrl.u32 s8, $0x1;
	s7 =	sadd.s32 s7, s4;
	s5 =	sadd.s32 s5, s6  }
0xd: {  	s30 =	ssub.s32 s8, s9;
	s31 =	sadd.s32 s10, s7;
	s5 =	sadd.s32 $0x187C00, s5  }
0xe: {  	s7 =	simm.s32 $0x2;
	s8 =	simm.s32 $0x50;
	s9 =	simm.s32 $0x400  }
0xf: {  	s10 =	simm.s32 $0x80;
	s4 =	smax.u32 s30, $0x1;
	s6 =	sadd.s32 $0x1A7C00, s31  }
.LBB2_1:
0x10: {  	s26 =	sadd.s32 $0x0, s5  }
0x11: {  	[tilespmem:s1], [sflag:$0x2] =	stream.linear.gather [hbm4b:s26+s1], $0x400, $0x38;
	[tilespmem:$0x14400] =	vst v63  }
0x12: {  	_ =	swait.ge [sflag:s7], $0x400  }
0x13: {  	[sflag:s7] =	ssyncset.done $0x0  }
0x14: {  	[sflag:s7] =	ssyncadd.s32 $0xFFFFFC00  }
0x15: {  	[tilespmem:s9], [sflag:$0x1] =	stream.indirect.gather [hbm4b:s3+s8], $0x80, s1, s8, $0xb8;
	[tilespmem:$0x14400] =	vst v63  }
0x16: {  	_ = 	snop  }
0x17: {  	[tilespmem:s11], [sflag:$0x1] =	stream.indirect.gather [hbm4b:s3+s8], $0x80, s10, s8, $0xb8;
	[tilespmem:$0x14400] =	vst v63  }
0x18: {  	_ = 	snop  }
0x19: {  	[tilespmem:s13], [sflag:$0x1] =	stream.indirect.gather [hbm4b:s3+s8], $0x80, s12, s8, $0xb8;
	[tilespmem:$0x14400] =	vst v63  }
0x1a: {  	_ = 	snop  }
0x1b: {  	[tilespmem:s15], [sflag:$0x1] =	stream.indirect.gather [hbm4b:s3+s8], $0x80, s14, s8, $0xb8;
	[tilespmem:$0x14400] =	vst v63  }
0x1c: {  	_ = 	snop  }
0x1d: {  	[tilespmem:s17], [sflag:$0x1] =	stream.indirect.gather [hbm4b:s3+s8], $0x80, s16, s8, $0xb8;
	[tilespmem:$0x14400] =	vst v63  }
0x1e: {  	_ = 	snop  }
0x1f: {  	[tilespmem:s19], [sflag:$0x1] =	stream.indirect.gather [hbm4b:s3+s8], $0x80, s18, s8, $0xb8;
	[tilespmem:$0x14400] =	vst v63  }
0x20: {  	_ = 	snop  }
0x21: {  	[tilespmem:s21], [sflag:$0x1] =	stream.indirect.gather [hbm4b:s3+s8], $0x80, s20, s8, $0xb8;
	[tilespmem:$0x14400] =	vst v63  }
0x22: {  	_ = 	snop  }
0x23: {  	[tilespmem:s23], [sflag:$0x1] =	stream.indirect.gather [hbm4b:s3+s8], $0x80, s22, s8, $0xb8;
	[tilespmem:$0x14400] =	vst v63  }
0x24: {  	_ =	swait.ge [sflag:s24], $0x2800  }
0x25: {  	[sflag:s24] =	ssyncset.done $0x0  }
0x26: {  	[sflag:s24] =	ssyncadd.s32 $0xFFFFD800  }
0x27: {  	_ =	swait.ge [sflag:s24], $0x2800  }
0x28: {  	[sflag:s24] =	ssyncset.done $0x0  }
0x29: {  	[sflag:s24] =	ssyncadd.s32 $0xFFFFD800  }
0x2a: {  	_ =	swait.ge [sflag:s24], $0x2800  }
0x2b: {  	[sflag:s24] =	ssyncset.done $0x0  }
0x2c: {  	[sflag:s24] =	ssyncadd.s32 $0xFFFFD800  }
0x2d: {  	_ =	swait.ge [sflag:s24], $0x2800  }
0x2e: {  	[sflag:s24] =	ssyncset.done $0x0  }
0x2f: {  	[sflag:s24] =	ssyncadd.s32 $0xFFFFD800  }
0x30: {  	_ =	swait.ge [sflag:s24], $0x2800  }
0x31: {  	[sflag:s24] =	ssyncset.done $0x0  }
0x32: {  	[sflag:s24] =	ssyncadd.s32 $0xFFFFD800  }
0x33: {  	_ =	swait.ge [sflag:s24], $0x2800  }
0x34: {  	[sflag:s24] =	ssyncset.done $0x0  }
0x35: {  	[sflag:s24] =	ssyncadd.s32 $0xFFFFD800  }
0x36: {  	_ =	swait.ge [sflag:s24], $0x2800  }
0x37: {  	[sflag:s24] =	ssyncset.done $0x0  }
0x38: {  	[sflag:s24] =	ssyncadd.s32 $0xFFFFD800  }
0x39: {  	_ =	swait.ge [sflag:s24], $0x2800  }
0x3a: {  	[sflag:s24] =	ssyncset.done $0x0  }
0x3b: {  	[sflag:s24] =	ssyncadd.s32 $0xFFFFD800  }
0x3c: {  	[hbm4b:s6+s1] =	stream.linear.scatter [tilespmem:s9], [sflag:$0x2], $0x14000, $0x38;
	[tilespmem:$0x14400] =	vst v63  }
0x3d: {  	s28 =	simm.s32 $0x80;
	_ =	swait.ge [sflag:s7], $0x14000  }
0x3e: {  	s30 =	simm.s32 $0x100;
	s26 =	sadd.s32 $0x2800, s6;
	[sflag:s7] =	ssyncset.done $0x0  }
.LBB2_2:
0x3f: {  	s31 =	sadd.s32 s28, s5  }
0x40: {  	[sflag:s7] =	ssyncadd.s32 $0xFFFEC000;
	s28 =	smov.u32 s30;
	s29 =	sadd.s32 $0x80, s30  }
0x41: {  	[tilespmem:s1], [sflag:$0x2] =	stream.linear.gather [hbm4b:s31+s1], $0x400, $0x38;
	[tilespmem:$0x14400] =	vst v63  }
0x42: {  	p0 =	sne.s32 s30, $0xF80;
	_ =	swait.ge [sflag:s7], $0x400  }
0x43: {  	[sflag:s7] =	ssyncset.done $0x0  }
0x44: {  	[sflag:s7] =	ssyncadd.s32 $0xFFFFFC00  }
0x45: {  	[tilespmem:s9], [sflag:$0x1] =	stream.indirect.gather [hbm4b:s3+s8], $0x80, s1, s8, $0xb8;
	[tilespmem:$0x14400] =	vst v63  }
0x46: {  	_ = 	snop  }
0x47: {  	[tilespmem:s11], [sflag:$0x1] =	stream.indirect.gather [hbm4b:s3+s8], $0x80, s10, s8, $0xb8;
	[tilespmem:$0x14400] =	vst v63  }
0x48: {  	_ = 	snop  }
0x49: {  	[tilespmem:s13], [sflag:$0x1] =	stream.indirect.gather [hbm4b:s3+s8], $0x80, s12, s8, $0xb8;
	[tilespmem:$0x14400] =	vst v63  }
0x4a: {  	_ = 	snop  }
0x4b: {  	[tilespmem:s15], [sflag:$0x1] =	stream.indirect.gather [hbm4b:s3+s8], $0x80, s14, s8, $0xb8;
	[tilespmem:$0x14400] =	vst v63  }
0x4c: {  	_ = 	snop  }
0x4d: {  	[tilespmem:s17], [sflag:$0x1] =	stream.indirect.gather [hbm4b:s3+s8], $0x80, s16, s8, $0xb8;
	[tilespmem:$0x14400] =	vst v63  }
0x4e: {  	_ = 	snop  }
0x4f: {  	[tilespmem:s19], [sflag:$0x1] =	stream.indirect.gather [hbm4b:s3+s8], $0x80, s18, s8, $0xb8;
	[tilespmem:$0x14400] =	vst v63  }
0x50: {  	_ = 	snop  }
0x51: {  	[tilespmem:s21], [sflag:$0x1] =	stream.indirect.gather [hbm4b:s3+s8], $0x80, s20, s8, $0xb8;
	[tilespmem:$0x14400] =	vst v63  }
0x52: {  	_ = 	snop  }
0x53: {  	[tilespmem:s23], [sflag:$0x1] =	stream.indirect.gather [hbm4b:s3+s8], $0x80, s22, s8, $0xb8;
	[tilespmem:$0x14400] =	vst v63  }
0x54: {  	_ =	swait.ge [sflag:s24], $0x2800  }
0x55: {  	[sflag:s24] =	ssyncset.done $0x0  }
0x56: {  	[sflag:s24] =	ssyncadd.s32 $0xFFFFD800  }
0x57: {  	_ =	swait.ge [sflag:s24], $0x2800  }
0x58: {  	[sflag:s24] =	ssyncset.done $0x0  }
0x59: {  	[sflag:s24] =	ssyncadd.s32 $0xFFFFD800  }
0x5a: {  	_ =	swait.ge [sflag:s24], $0x2800  }
0x5b: {  	[sflag:s24] =	ssyncset.done $0x0  }
0x5c: {  	[sflag:s24] =	ssyncadd.s32 $0xFFFFD800  }
0x5d: {  	_ =	swait.ge [sflag:s24], $0x2800  }
0x5e: {  	[sflag:s24] =	ssyncset.done $0x0  }
0x5f: {  	[sflag:s24] =	ssyncadd.s32 $0xFFFFD800  }
0x60: {  	_ =	swait.ge [sflag:s24], $0x2800  }
0x61: {  	[sflag:s24] =	ssyncset.done $0x0  }
0x62: {  	[sflag:s24] =	ssyncadd.s32 $0xFFFFD800  }
0x63: {  	_ =	swait.ge [sflag:s24], $0x2800  }
0x64: {  	[sflag:s24] =	ssyncset.done $0x0  }
0x65: {  	[sflag:s24] =	ssyncadd.s32 $0xFFFFD800  }
0x66: {  	_ =	swait.ge [sflag:s24], $0x2800  }
0x67: {  	[sflag:s24] =	ssyncset.done $0x0  }
0x68: {  	[sflag:s24] =	ssyncadd.s32 $0xFFFFD800  }
0x69: {  	_ =	swait.ge [sflag:s24], $0x2800  }
.Ltmp0:
0x6a: {  	[sflag:s24] =	ssyncset.done $0x0;
	(pc) =	sbr.rel @p0 .LBB2_2-.Ltmp0, $4  }
0x6b: {  	[sflag:s24] =	ssyncadd.s32 $0xFFFFD800  }
0x6c: {  	[hbm4b:s26+s1] =	stream.linear.scatter [tilespmem:s9], [sflag:$0x2], $0x14000, $0x38;
	[tilespmem:$0x14400] =	vst v63  }
0x6d: {  	_ =	swait.ge [sflag:s7], $0x14000  }
0x6e: {  	s30 =	smov.u32 s29;
	s26 =	sadd.s32 $0x2800, s26;
	[sflag:s7] =	ssyncset.done $0x0  }
0x6f: {  	s28 =	sadd.s32 s28, s5;
	[sflag:s7] =	ssyncadd.s32 $0xFFFEC000  }
0x70: {  	[tilespmem:s1], [sflag:$0x2] =	stream.linear.gather [hbm4b:s28+s1], $0x400, $0x38;
	[tilespmem:$0x14400] =	vst v63  }
0x71: {  	_ =	swait.ge [sflag:s7], $0x400  }
0x72: {  	[sflag:s7] =	ssyncset.done $0x0  }
0x73: {  	[sflag:s7] =	ssyncadd.s32 $0xFFFFFC00  }
0x74: {  	[tilespmem:s9], [sflag:$0x1] =	stream.indirect.gather [hbm4b:s3+s8], $0x80, s1, s8, $0xb8;
	[tilespmem:$0x14400] =	vst v63  }
0x75: {  	_ = 	snop  }
0x76: {  	[tilespmem:s11], [sflag:$0x1] =	stream.indirect.gather [hbm4b:s3+s8], $0x80, s10, s8, $0xb8;
	[tilespmem:$0x14400] =	vst v63  }
0x77: {  	_ = 	snop  }
0x78: {  	[tilespmem:s13], [sflag:$0x1] =	stream.indirect.gather [hbm4b:s3+s8], $0x80, s12, s8, $0xb8;
	[tilespmem:$0x14400] =	vst v63  }
0x79: {  	_ = 	snop  }
0x7a: {  	[tilespmem:s15], [sflag:$0x1] =	stream.indirect.gather [hbm4b:s3+s8], $0x80, s14, s8, $0xb8;
	[tilespmem:$0x14400] =	vst v63  }
0x7b: {  	_ = 	snop  }
0x7c: {  	[tilespmem:s17], [sflag:$0x1] =	stream.indirect.gather [hbm4b:s3+s8], $0x80, s16, s8, $0xb8;
	[tilespmem:$0x14400] =	vst v63  }
0x7d: {  	_ = 	snop  }
0x7e: {  	[tilespmem:s19], [sflag:$0x1] =	stream.indirect.gather [hbm4b:s3+s8], $0x80, s18, s8, $0xb8;
	[tilespmem:$0x14400] =	vst v63  }
0x7f: {  	_ = 	snop  }
0x80: {  	[tilespmem:s21], [sflag:$0x1] =	stream.indirect.gather [hbm4b:s3+s8], $0x80, s20, s8, $0xb8;
	[tilespmem:$0x14400] =	vst v63  }
0x81: {  	_ = 	snop  }
0x82: {  	[tilespmem:s23], [sflag:$0x1] =	stream.indirect.gather [hbm4b:s3+s8], $0x80, s22, s8, $0xb8;
	[tilespmem:$0x14400] =	vst v63  }
0x83: {  	_ =	swait.ge [sflag:s24], $0x2800  }
0x84: {  	[sflag:s24] =	ssyncset.done $0x0  }
0x85: {  	[sflag:s24] =	ssyncadd.s32 $0xFFFFD800  }
0x86: {  	_ =	swait.ge [sflag:s24], $0x2800  }
0x87: {  	[sflag:s24] =	ssyncset.done $0x0  }
0x88: {  	[sflag:s24] =	ssyncadd.s32 $0xFFFFD800  }
0x89: {  	_ =	swait.ge [sflag:s24], $0x2800  }
0x8a: {  	[sflag:s24] =	ssyncset.done $0x0  }
0x8b: {  	[sflag:s24] =	ssyncadd.s32 $0xFFFFD800  }
0x8c: {  	_ =	swait.ge [sflag:s24], $0x2800  }
0x8d: {  	[sflag:s24] =	ssyncset.done $0x0  }
0x8e: {  	[sflag:s24] =	ssyncadd.s32 $0xFFFFD800  }
0x8f: {  	_ =	swait.ge [sflag:s24], $0x2800  }
0x90: {  	[sflag:s24] =	ssyncset.done $0x0  }
0x91: {  	[sflag:s24] =	ssyncadd.s32 $0xFFFFD800  }
0x92: {  	_ =	swait.ge [sflag:s24], $0x2800  }
0x93: {  	[sflag:s24] =	ssyncset.done $0x0  }
0x94: {  	[sflag:s24] =	ssyncadd.s32 $0xFFFFD800  }
0x95: {  	_ =	swait.ge [sflag:s24], $0x2800  }
0x96: {  	[sflag:s24] =	ssyncset.done $0x0  }
0x97: {  	[sflag:s24] =	ssyncadd.s32 $0xFFFFD800  }
0x98: {  	s25 =	sadd.s32 $0x1, s25;
	_ =	swait.ge [sflag:s24], $0x2800  }
0x99: {  	p0 =	sne.s32 s25, s4;
	[sflag:s24] =	ssyncset.done $0x0  }
.Ltmp1:
0x9a: {  	[sflag:s24] =	ssyncadd.s32 $0xFFFFD800;
	(pc) =	sbr.rel @p0 .LBB2_1-.Ltmp1, $4  }
0x9b: {  	[hbm4b:s26+s1] =	stream.linear.scatter [tilespmem:s9], [sflag:$0x2], $0x14000, $0x38;
	[tilespmem:$0x14400] =	vst v63  }
0x9c: {  	_ =	swait.ge [sflag:s7], $0x14000  }
0x9d: {  	[sflag:s7] =	ssyncset.done $0x0  }
0x9e: {  	[sflag:s7] =	ssyncadd.s32 $0xFFFEC000  }
0x9f: {  	_ =	sfence.sel $0x180000  }
0xa0: {  	[bflag:$0x0] =	sbarrier.arrive $0xFFFF  }
0xa1: {  	p0 =	sne.s32 s2, $0x0;
	_ =	strace $0x9000004D  }
0xa2: {  	s0 =	sadd.s32 @!p0 $0x100000, s0;
	[bflag:$0x2] =	sbarrier.arrive $0xFFFF  }
0xa3: {  	[sflag:s0] =	ssyncadd.tile.s32 @!p0 $0x1;
	_ =	shalt  }
.Lfunc_end2:
_tile_overlayer_lowered:
.L_overlay_start_2:
0xa4: {  	(tag) =	ssettag $0x2  }
0xa5: {  	s0 =	rddreg [dreg:$0x0];
	s2 =	stileid.u32  }
0xa6: {  	s1 =	rddreg [dreg:$0x1];
	p0 =	sne.s32 s2, $0x0  }
0xa7: {  	s3 =	rddreg [dreg:$0x2];
	[bflag:$0x3] =	sbarrier.arrive $0xFFFF;
	s2 =	simm.s32 @!p0 $0x1C02  }
0xa8: {  	[timem:s3], [sflag:s2] =	dma.local @!p0 [hbm:s0], s1  }
0xa9: {  	s0 =	simm.s32 @!p0 $0x2  }
0xaa: {  	_ =	swait.ge @!p0 [sflag:s0], s1  }
0xab: {  	s1 =	ssub.s32 @!p0 $0x0, s1;
	[sflag:s0] =	ssyncset.done @!p0 $0x0  }
0xac: {  	[sflag:s0] =	ssyncadd.s32 @!p0 s1  }
0xad: {  	[bflag:$0x3] =	sbarrier.arrive $0xFFFF  }
0xae: {  	_ =	shalt  }

// kernel: kernel.25.cloned.1.call-start
scs
__scs_entry_jumppad:
0x0: {  	(pc) =	sbr.rel $0x88, $3  }
0x1: {  	(tag) =	ssettag $0x0;
	lr =	simm.s32 $0x1  }
0x2: {  	[smem:$0x3F88] =	sst lr;
	_ =	strace $0xD0000000  }
0x3: {  	_ = 	snop  }
0x4: {  	_ = 	snop  }
0x5: {  	_ = 	snop  }
0x6: {  	_ = 	snop  }
0x7: {  	_ = 	snop  }
__scs_overlays_trampoline_lowered:
0x8: {  	[smem:$0x3F97] =	sst s0  }
0x9: {  	[smem:$0x3F98] =	sst s1  }
0xa: {  	[smem:$0x3F99] =	sst s2  }
0xb: {  	[smem:$0x3F9A] =	sst s3  }
0xc: {  	[smem:$0x3F9B] =	sst s4  }
0xd: {  	[smem:$0x3F9C] =	sst s5  }
0xe: {  	[smem:$0x3F9D] =	sst s6  }
0xf: {  	[smem:$0x3F9E] =	sst s7  }
0x10: {  	[smem:$0x3F9F] =	sst s8  }
0x11: {  	[smem:$0x3FA0] =	sst s9;
	s0 =	simm.s32 @!p0 $0x0  }
0x12: {  	s1 =	sld [smem:$0x3F86];
	s0 =	simm.s32 @p0 $0x1  }
0x13: {  	[smem:$0x3FA1] =	sst s0;
	s0 =	simm.s32 @!p1 $0x0  }
0x14: {  	s2 =	sld [smem:$0x3F85];
	s0 =	simm.s32 @p1 $0x1  }
0x15: {  	[smem:$0x3FA2] =	sst s0;
	s0 =	simm.s32 @!p2 $0x0  }
0x16: {  	s3 =	sld [smem:$0x3FDB];
	s0 =	simm.s32 @p2 $0x1  }
0x17: {  	s4 =	simm.s32 $0x1BF5;
	[smem:$0x3FA4] =	sst s0  }
0x18: {  	s0 =	sld [smem:$0x3F87];
	_ =	swait.ge [sflag:s4], $0x0  }
0x19: {  	s7 =	sld [smem:$0x3F88]  }
0x1a: {  	s8 =	sadd.s32 $0xFFFFE003, lr  }
0x1b: {  	s9 =	sadd.s32 $0xFFFFFEF7, lr;
	s5 =	simm.s32 $0xFFFFFFFF;
	p2 =	slt.u32 s8, $0xFFFFF086  }
0x1c: {  	p1 =	slt.u32 s9, $0xF7A;
	s5 =	simm.s32 @!p2 $0x0  }
0x1d: {  	s5 =	simm.s32 @p1 $0x1;
	p0 =	seq.s32 s7, s2  }
0x1e: {  	s7 =	smul.u32 @!p0 $0xF7A, s2;
	p2 =	seq.s32 @!p0 s5, $0x0  }
0x1f: {  	s9 =	smul.u32 $0xF7A, s1;
	s8 =	simm.s32 @!p0 $0x1BF5;
	p2 =	por !p2, p0  }
0x20: {  	[sflag:s8] =	ssyncset.s32 @!p0 $0xFFFFF086;
	s6 =	sadd.s32 @!p0 s3, s7;
	s7 =	simm.s32 @!p0 $0x108  }
0x21: {  	s3 =	sadd.s32 s3, s9;
	s6 =	sadd.s32 @!p0 $0x88, s6;
	s7 =	simm.s32 @p2 $0x1082  }
0x22: {  	[simem:s7], [sflag:s8] =	dma.local @!p0 [hbm:s6], $0xF7A  }
0x23: {  	s9 =	sor.u32 $0xD0000000, s2;
	s6 =	simm.s32 $0x108;
	_ =	swait.ge @!p0 [sflag:s8], $0x0  }
0x24: {  	s3 =	sadd.s32 $0x88, s3;
	s6 =	simm.s32 @!p1 $0x1082;
	[sflag:s4] =	ssyncset.s32 $0xFFFFF086  }
0x25: {  	[simem:s6], [sflag:s4] =	dma.local [hbm:s3], $0xF7A  }
0x26: {  	[smem:$0x3F88] =	sst s1;
	(tag) =	ssettag s2;
	_ =	strace s9  }
0x27: {  	s1 =	sld [smem:$0x3F98]  }
0x28: {  	s2 =	sld [smem:$0x3F99]  }
0x29: {  	s4 =	sld [smem:$0x3F9B]  }
0x2a: {  	p0 =	seq.s32 s5, $0x0;
	s5 =	sld [smem:$0x3F9C]  }
0x2b: {  	s6 =	sld [smem:$0x3F9D]  }
0x2c: {  	s7 =	sld [smem:$0x3F9E]  }
0x2d: {  	s3 =	simm.s32 $0x108;
	s8 =	sld [smem:$0x3F9F]  }
0x2e: {  	s3 =	simm.s32 @!p0 $0x1082;
	s9 =	sld [smem:$0x3FA0]  }
0x2f: {  	lr =	sadd.s32 s0, s3;
	s0 =	sld [smem:$0x3F97]  }
0x30: {  	s3 =	sld [smem:$0x3F9A]  }
0x31: {  	[smem:$0x3FA3] =	sst s10  }
0x32: {  	s10 =	sld [smem:$0x3FA1];
	_ =	sdelay $0x3  }
0x33: {  	p0 =	seq.s32 s10, $0x1;
	s10 =	sld [smem:$0x3FA3];
	_ =	sdelay $0x3  }
0x34: {  	[smem:$0x3FA3] =	sst s10  }
0x35: {  	s10 =	sld [smem:$0x3FA2];
	_ =	sdelay $0x3  }
0x36: {  	p1 =	seq.s32 s10, $0x1;
	s10 =	sld [smem:$0x3FA3];
	_ =	sdelay $0x3  }
0x37: {  	[smem:$0x3FA3] =	sst s10  }
0x38: {  	s10 =	sld [smem:$0x3FA4]  }
0x39: {  	_ = 	snop;
	(pc) =	sbr.ind lr, $3  }
0x3a: {  	_ = 	snop  }
0x3b: {  	_ = 	snop  }
0x3c: {  	p2 =	seq.s32 s10, $0x1;
	s10 =	sld [smem:$0x3FA3]  }
0x3d: {  	_ =	shalt  }
0x3e: {  	_ =	shalt  }
0x3f: {  	_ =	shalt  }
0x40: {  	_ =	shalt  }
0x41: {  	_ =	shalt  }
0x42: {  	_ =	shalt  }
0x43: {  	_ =	shalt  }
0x44: {  	_ =	shalt  }
0x45: {  	_ =	shalt  }
0x46: {  	_ =	shalt  }
0x47: {  	_ =	shalt  }
0x48: {  	_ =	shalt  }
0x49: {  	_ =	shalt  }
0x4a: {  	_ =	shalt  }
0x4b: {  	_ =	shalt  }
0x4c: {  	_ =	shalt  }
0x4d: {  	_ =	shalt  }
0x4e: {  	_ =	shalt  }
0x4f: {  	_ =	shalt  }
0x50: {  	_ =	shalt  }
0x51: {  	_ =	shalt  }
0x52: {  	_ =	shalt  }
0x53: {  	_ =	shalt  }
0x54: {  	_ =	shalt  }
0x55: {  	_ =	shalt  }
0x56: {  	_ =	shalt  }
0x57: {  	_ =	shalt  }
0x58: {  	_ =	shalt  }
0x59: {  	_ =	shalt  }
0x5a: {  	_ =	shalt  }
0x5b: {  	_ =	shalt  }
0x5c: {  	_ =	shalt  }
0x5d: {  	_ =	shalt  }
0x5e: {  	_ =	shalt  }
0x5f: {  	_ =	shalt  }
0x60: {  	_ =	shalt  }
0x61: {  	_ =	shalt  }
0x62: {  	_ =	shalt  }
0x63: {  	_ =	shalt  }
0x64: {  	_ =	shalt  }
0x65: {  	_ =	shalt  }
0x66: {  	_ =	shalt  }
0x67: {  	_ =	shalt  }
0x68: {  	_ =	shalt  }
0x69: {  	_ =	shalt  }
0x6a: {  	_ =	shalt  }
0x6b: {  	_ =	shalt  }
0x6c: {  	_ =	shalt  }
0x6d: {  	_ =	shalt  }
0x6e: {  	_ =	shalt  }
0x6f: {  	_ =	shalt  }
0x70: {  	_ =	shalt  }
0x71: {  	_ =	shalt  }
0x72: {  	_ =	shalt  }
0x73: {  	_ =	shalt  }
0x74: {  	_ =	shalt  }
0x75: {  	_ =	shalt  }
0x76: {  	_ =	shalt  }
0x77: {  	_ =	shalt  }
0x78: {  	_ =	shalt  }
0x79: {  	_ =	shalt  }
0x7a: {  	_ =	shalt  }
0x7b: {  	_ =	shalt  }
0x7c: {  	_ =	shalt  }
0x7d: {  	_ =	shalt  }
0x7e: {  	_ =	shalt  }
0x7f: {  	_ =	shalt  }
0x80: {  	_ =	shalt  }
0x81: {  	_ =	shalt  }
0x82: {  	_ =	shalt  }
0x83: {  	_ =	shalt  }
0x84: {  	_ =	shalt  }
0x85: {  	_ =	shalt  }
0x86: {  	_ =	shalt  }
0x87: {  	_ =	shalt  }
.Lfunc_end0:
.L_simem_size_0:
called_computation.3_lowered:
.L_overlay_start_0:
0x88: {  	s2 =	sld [smem:$0x3FD9]  }
0x89: {  	s3 =	sld [smem:$0x3FFE];
	_ =	sdelay $0x1  }
0x8a: {  	s1 =	srdreg.scid  }
0x8b: {  	s0 =	sand.u32 $0x1, s1  }
0x8c: {  	s16 =	sshll.u32 s0, $0xA;
	s2 =	sadd.s32 s3, s2  }
0x8d: {  	s2 =	sadd.s32 s2, s16  }
0x8e: {  	[smem:$0x3FAF] =	sst s2  }
0x8f: {  	_ = 	snop  }
0x90: {  	(tm) =	ssettm $0x1  }
0x91: {  	s17 =	sld [smem:$0x3FFB];
	_ =	sdelay $0x3  }
0x92: {  	_ =	strace s17  }
0x93: {  	s2 =	sld [smem:$0x3FFC];
	_ =	sdelay $0x3  }
0x94: {  	_ =	strace s2  }
0x95: {  	s2 =	sld [smem:$0x3FFD];
	_ =	sdelay $0x3  }
0x96: {  	_ =	strace s2  }
0x97: {  	_ =	strace $0x8FFFFFFF  }
0x98: {  	s18 =	sld [smem:$0x3FDB];
	_ =	sdelay $0x1  }
0x99: {  	s19 =	simm.s32 $_scs_section_size  }
0x9a: {  	s4 =	simm.s32 $_size__tile_overlayer_lowered;
	s5 =	simm.s32 $_tile_overlayer_lowered  }
0x9b: {  	s22 =	simm.s32 $0x1BFF;
	s21 =	sshll.u32 s5, $0x1;
	s2 =	sadd.s32 s19, s18  }
0x9c: {  	s6 =	simm.s32 $0x0;
	s20 =	sshll.u32 s4, $0x1;
	s4 =	sadd.s32 s21, s2  }
0x9d: {  	[timem:s6], [sflag:s22] =	dma.local [hbm:s4], s20  }
0x9e: {  	_ =	swait.ge [sflag:s22], s20  }
0x9f: {  	s3 =	ssub.s32 $0x0, s20;
	[sflag:s22] =	ssyncset.done $0x0  }
0xa0: {  	[sflag:s22] =	ssyncadd.s32 s3;
	_ =	sdelay $0x1  }
0xa1: {  	s23 =	simm.s32 $0x1B8B  }
0xa2: {  	_ =	swait.ge [sflag:s23], $0x1  }
0xa3: {  	[sflag:s23] =	ssyncset.done $0x0  }
0xa4: {  	s25 =	simm.s32 $0x1B8E;
	s24 =	sld [smem:$0x3FFE];
	[sflag:s23] =	ssyncadd.s32 $0xFFFFFFFF  }
0xa5: {  	s26 =	simm.s32 $execute0_lowered;
	[smem:$0x3FD2] =	sst s25  }
0xa6: {  	s4 =	sshll.u32 s26, $0x1;
	_ =	strace $0x8000004F;
	[dreg:$0x1] =	wrdreg $0xFFFFFFFF  }
0xa7: {  	s28 =	simm.s32 $_size_execute0_lowered;
	s2 =	sadd.s32 s2, s4;
	[dreg:$0x0] =	wrdreg $0x0  }
0xa8: {  	s4 =	sshll.u32 s28, $0x1;
	[dreg:$0x2] =	wrdreg s2  }
0xa9: {  	[dreg:$0x3] =	wrdreg s4  }
0xaa: {  	[dreg:$0x4] =	wrdreg $0xC0  }
0xab: {  	_ =	task [dreg:s6], $0x5FFFF  }
0xac: {  	[dreg:$0x1] =	wrdreg $0xFFFFFFFF  }
0xad: {  	[dreg:$0x0] =	wrdreg $0x60  }
0xae: {  	[dreg:$0x2] =	wrdreg s24  }
0xaf: {  	[dreg:$0x3] =	wrdreg $0x9  }
0xb0: {  	_ =	task.clear_ibuf [dreg:s6], $0x4FFFF;
	_ =	strace $0x9000004F  }
0xb1: {  	s29 =	simm.s32 $0x9;
	_ =	strace $0x80000051  }
0xb2: {  	_ =	swait.ge [sflag:s29], $0x1  }
0xb3: {  	[sflag:s29] =	ssyncadd.s32 $0xFFFFFFFF  }
0xb4: {  	_ =	strace $0x90000051  }
0xb5: {  	_ =	sfence  }
0xb6: {  	s30 =	sld [smem:$0x0];
	_ =	sdelay $0x2  }
0xb7: {  	s31 =	sshll.u32 s1, $0xD;
	s1 =	sshrl.u32 s1, $0x2  }
0xb8: {  	s3 =	sand.u32 $0x4000, s31;
	s1 =	sadd.s32 s1, s30  }
0xb9: {  	s0 =	sor.u32 s3, s0;
	s1 =	sshll.u32 s1, $0x11  }
0xba: {  	s0 =	sor.u32 s1, s0  }
0xbb: {  	s0 =	sadd.s32 $0x8F2B, s0  }
0xbc: {  	[sflag:s0] =	ssyncadd.remote.s32 $0x1  }
0xbd: {  	_ =	sfence.sel $0xFFFF  }
0xbe: {  	[dreg:$0x0] =	wrdreg $0xFFFFFFFF;
	(pc) =	sbr.abs _section_cstart, $3  }
0xbf: {  	[dreg:$0x1] =	wrdreg $0xFFFFFFFF  }
0xc0: {  	_ =	task.clear_ibuf [dreg:s6], $0x2FFFF;
	_ =	strace $0x9FFFFFFF  }
0xc1: {  	(tm) =	ssettm $0x7FFFFFFF  }
tec
execute0_lowered:
.L_overlay_start_1:
0x0: {  	(tag) =	ssettag $0x1  }
0x1: {  	s4 =	rddreg [dreg:$0x0]  }
0x2: {  	s0 =	rddreg [dreg:$0x1];
	s1 =	simm.s32 $0x0  }
0x3: {  	s5 =	srdreg.scid;
	s2 =	stileid.u32;
	s11 =	simm.s32 $0x2C00  }
0x4: {  	s12 =	simm.s32 $0x100;
	s13 =	simm.s32 $0x5400;
	s14 =	simm.s32 $0x180  }
0x5: {  	s15 =	simm.s32 $0x7C00;
	s16 =	simm.s32 $0x200;
	s17 =	simm.s32 $0xA400  }
0x6: {  	s18 =	simm.s32 $0x280;
	s19 =	simm.s32 $0xCC00;
	s20 =	simm.s32 $0x300  }
0x7: {  	s21 =	simm.s32 $0xF400;
	s22 =	simm.s32 $0x380;
	s23 =	simm.s32 $0x11C00  }
0x8: {  	s24 =	simm.s32 $0x1;
	s25 =	simm.s32 $0x0;
	[smem:$0x7FF] =	sst s1  }
0x9: {  	s3 =	sadd.s32 $0x187E00, s4;
	s5 =	sand.u32 $0x1, s5;
	s6 =	sshll.u32 s2, $0xD  }
0xa: {  	s7 =	smul.u32 $0xA0000, s2;
	_ =	strace $0x80000050;
	s8 =	ssub.s32 $0x2, s5  }
0xb: {  	s6 =	sadd.s32 s6, s4;
	s10 =	smul.u32 $0x50000, s5;
	s5 =	sshll.u32 s5, $0xC  }
0xc: {  	s9 =	sshrl.u32 s8, $0x1;
	s7 =	sadd.s32 s7, s4;
	s5 =	sadd.s32 s5, s6  }
0xd: {  	s30 =	ssub.s32 s8, s9;
	s31 =	sadd.s32 s10, s7;
	s5 =	sadd.s32 $0x207E00, s5  }
0xe: {  	s7 =	simm.s32 $0x2;
	s8 =	simm.s32 $0x50;
	s9 =	simm.s32 $0x400  }
0xf: {  	s10 =	simm.s32 $0x80;
	s4 =	smax.u32 s30, $0x1;
	s6 =	sadd.s32 $0x227E00, s31  }
.LBB2_1:
0x10: {  	s26 =	sadd.s32 $0x0, s5  }
0x11: {  	[tilespmem:s1], [sflag:$0x2] =	stream.linear.gather [hbm4b:s26+s1], $0x400, $0x38;
	[tilespmem:$0x14400] =	vst v63  }
0x12: {  	_ =	swait.ge [sflag:s7], $0x400  }
0x13: {  	[sflag:s7] =	ssyncset.done $0x0  }
0x14: {  	[sflag:s7] =	ssyncadd.s32 $0xFFFFFC00  }
0x15: {  	[tilespmem:s9], [sflag:$0x1] =	stream.indirect.gather [hbm4b:s3+s8], $0x80, s1, s8, $0xb8;
	[tilespmem:$0x14400] =	vst v63  }
0x16: {  	_ = 	snop  }
0x17: {  	[tilespmem:s11], [sflag:$0x1] =	stream.indirect.gather [hbm4b:s3+s8], $0x80, s10, s8, $0xb8;
	[tilespmem:$0x14400] =	vst v63  }
0x18: {  	_ = 	snop  }
0x19: {  	[tilespmem:s13], [sflag:$0x1] =	stream.indirect.gather [hbm4b:s3+s8], $0x80, s12, s8, $0xb8;
	[tilespmem:$0x14400] =	vst v63  }
0x1a: {  	_ = 	snop  }
0x1b: {  	[tilespmem:s15], [sflag:$0x1] =	stream.indirect.gather [hbm4b:s3+s8], $0x80, s14, s8, $0xb8;
	[tilespmem:$0x14400] =	vst v63  }
0x1c: {  	_ = 	snop  }
0x1d: {  	[tilespmem:s17], [sflag:$0x1] =	stream.indirect.gather [hbm4b:s3+s8], $0x80, s16, s8, $0xb8;
	[tilespmem:$0x14400] =	vst v63  }
0x1e: {  	_ = 	snop  }
0x1f: {  	[tilespmem:s19], [sflag:$0x1] =	stream.indirect.gather [hbm4b:s3+s8], $0x80, s18, s8, $0xb8;
	[tilespmem:$0x14400] =	vst v63  }
0x20: {  	_ = 	snop  }
0x21: {  	[tilespmem:s21], [sflag:$0x1] =	stream.indirect.gather [hbm4b:s3+s8], $0x80, s20, s8, $0xb8;
	[tilespmem:$0x14400] =	vst v63  }
0x22: {  	_ = 	snop  }
0x23: {  	[tilespmem:s23], [sflag:$0x1] =	stream.indirect.gather [hbm4b:s3+s8], $0x80, s22, s8, $0xb8;
	[tilespmem:$0x14400] =	vst v63  }
0x24: {  	_ =	swait.ge [sflag:s24], $0x2800  }
0x25: {  	[sflag:s24] =	ssyncset.done $0x0  }
0x26: {  	[sflag:s24] =	ssyncadd.s32 $0xFFFFD800  }
0x27: {  	_ =	swait.ge [sflag:s24], $0x2800  }
0x28: {  	[sflag:s24] =	ssyncset.done $0x0  }
0x29: {  	[sflag:s24] =	ssyncadd.s32 $0xFFFFD800  }
0x2a: {  	_ =	swait.ge [sflag:s24], $0x2800  }
0x2b: {  	[sflag:s24] =	ssyncset.done $0x0  }
0x2c: {  	[sflag:s24] =	ssyncadd.s32 $0xFFFFD800  }
0x2d: {  	_ =	swait.ge [sflag:s24], $0x2800  }
0x2e: {  	[sflag:s24] =	ssyncset.done $0x0  }
0x2f: {  	[sflag:s24] =	ssyncadd.s32 $0xFFFFD800  }
0x30: {  	_ =	swait.ge [sflag:s24], $0x2800  }
0x31: {  	[sflag:s24] =	ssyncset.done $0x0  }
0x32: {  	[sflag:s24] =	ssyncadd.s32 $0xFFFFD800  }
0x33: {  	_ =	swait.ge [sflag:s24], $0x2800  }
0x34: {  	[sflag:s24] =	ssyncset.done $0x0  }
0x35: {  	[sflag:s24] =	ssyncadd.s32 $0xFFFFD800  }
0x36: {  	_ =	swait.ge [sflag:s24], $0x2800  }
0x37: {  	[sflag:s24] =	ssyncset.done $0x0  }
0x38: {  	[sflag:s24] =	ssyncadd.s32 $0xFFFFD800  }
0x39: {  	_ =	swait.ge [sflag:s24], $0x2800  }
0x3a: {  	[sflag:s24] =	ssyncset.done $0x0  }
0x3b: {  	[sflag:s24] =	ssyncadd.s32 $0xFFFFD800  }
0x3c: {  	[hbm4b:s6+s1] =	stream.linear.scatter [tilespmem:s9], [sflag:$0x2], $0x14000, $0x38;
	[tilespmem:$0x14400] =	vst v63  }
0x3d: {  	s28 =	simm.s32 $0x80;
	_ =	swait.ge [sflag:s7], $0x14000  }
0x3e: {  	s30 =	simm.s32 $0x100;
	s26 =	sadd.s32 $0x2800, s6;
	[sflag:s7] =	ssyncset.done $0x0  }
.LBB2_2:
0x3f: {  	s31 =	sadd.s32 s28, s5  }
0x40: {  	[sflag:s7] =	ssyncadd.s32 $0xFFFEC000;
	s28 =	smov.u32 s30;
	s29 =	sadd.s32 $0x80, s30  }
0x41: {  	[tilespmem:s1], [sflag:$0x2] =	stream.linear.gather [hbm4b:s31+s1], $0x400, $0x38;
	[tilespmem:$0x14400] =	vst v63  }
0x42: {  	p0 =	sne.s32 s30, $0xF80;
	_ =	swait.ge [sflag:s7], $0x400  }
0x43: {  	[sflag:s7] =	ssyncset.done $0x0  }
0x44: {  	[sflag:s7] =	ssyncadd.s32 $0xFFFFFC00  }
0x45: {  	[tilespmem:s9], [sflag:$0x1] =	stream.indirect.gather [hbm4b:s3+s8], $0x80, s1, s8, $0xb8;
	[tilespmem:$0x14400] =	vst v63  }
0x46: {  	_ = 	snop  }
0x47: {  	[tilespmem:s11], [sflag:$0x1] =	stream.indirect.gather [hbm4b:s3+s8], $0x80, s10, s8, $0xb8;
	[tilespmem:$0x14400] =	vst v63  }
0x48: {  	_ = 	snop  }
0x49: {  	[tilespmem:s13], [sflag:$0x1] =	stream.indirect.gather [hbm4b:s3+s8], $0x80, s12, s8, $0xb8;
	[tilespmem:$0x14400] =	vst v63  }
0x4a: {  	_ = 	snop  }
0x4b: {  	[tilespmem:s15], [sflag:$0x1] =	stream.indirect.gather [hbm4b:s3+s8], $0x80, s14, s8, $0xb8;
	[tilespmem:$0x14400] =	vst v63  }
0x4c: {  	_ = 	snop  }
0x4d: {  	[tilespmem:s17], [sflag:$0x1] =	stream.indirect.gather [hbm4b:s3+s8], $0x80, s16, s8, $0xb8;
	[tilespmem:$0x14400] =	vst v63  }
0x4e: {  	_ = 	snop  }
0x4f: {  	[tilespmem:s19], [sflag:$0x1] =	stream.indirect.gather [hbm4b:s3+s8], $0x80, s18, s8, $0xb8;
	[tilespmem:$0x14400] =	vst v63  }
0x50: {  	_ = 	snop  }
0x51: {  	[tilespmem:s21], [sflag:$0x1] =	stream.indirect.gather [hbm4b:s3+s8], $0x80, s20, s8, $0xb8;
	[tilespmem:$0x14400] =	vst v63  }
0x52: {  	_ = 	snop  }
0x53: {  	[tilespmem:s23], [sflag:$0x1] =	stream.indirect.gather [hbm4b:s3+s8], $0x80, s22, s8, $0xb8;
	[tilespmem:$0x14400] =	vst v63  }
0x54: {  	_ =	swait.ge [sflag:s24], $0x2800  }
0x55: {  	[sflag:s24] =	ssyncset.done $0x0  }
0x56: {  	[sflag:s24] =	ssyncadd.s32 $0xFFFFD800  }
0x57: {  	_ =	swait.ge [sflag:s24], $0x2800  }
0x58: {  	[sflag:s24] =	ssyncset.done $0x0  }
0x59: {  	[sflag:s24] =	ssyncadd.s32 $0xFFFFD800  }
0x5a: {  	_ =	swait.ge [sflag:s24], $0x2800  }
0x5b: {  	[sflag:s24] =	ssyncset.done $0x0  }
0x5c: {  	[sflag:s24] =	ssyncadd.s32 $0xFFFFD800  }
0x5d: {  	_ =	swait.ge [sflag:s24], $0x2800  }
0x5e: {  	[sflag:s24] =	ssyncset.done $0x0  }
0x5f: {  	[sflag:s24] =	ssyncadd.s32 $0xFFFFD800  }
0x60: {  	_ =	swait.ge [sflag:s24], $0x2800  }
0x61: {  	[sflag:s24] =	ssyncset.done $0x0  }
0x62: {  	[sflag:s24] =	ssyncadd.s32 $0xFFFFD800  }
0x63: {  	_ =	swait.ge [sflag:s24], $0x2800  }
0x64: {  	[sflag:s24] =	ssyncset.done $0x0  }
0x65: {  	[sflag:s24] =	ssyncadd.s32 $0xFFFFD800  }
0x66: {  	_ =	swait.ge [sflag:s24], $0x2800  }
0x67: {  	[sflag:s24] =	ssyncset.done $0x0  }
0x68: {  	[sflag:s24] =	ssyncadd.s32 $0xFFFFD800  }
0x69: {  	_ =	swait.ge [sflag:s24], $0x2800  }
.Ltmp0:
0x6a: {  	[sflag:s24] =	ssyncset.done $0x0;
	(pc) =	sbr.rel @p0 .LBB2_2-.Ltmp0, $4  }
0x6b: {  	[sflag:s24] =	ssyncadd.s32 $0xFFFFD800  }
0x6c: {  	[hbm4b:s26+s1] =	stream.linear.scatter [tilespmem:s9], [sflag:$0x2], $0x14000, $0x38;
	[tilespmem:$0x14400] =	vst v63  }
0x6d: {  	_ =	swait.ge [sflag:s7], $0x14000  }
0x6e: {  	s30 =	smov.u32 s29;
	s26 =	sadd.s32 $0x2800, s26;
	[sflag:s7] =	ssyncset.done $0x0  }
0x6f: {  	s28 =	sadd.s32 s28, s5;
	[sflag:s7] =	ssyncadd.s32 $0xFFFEC000  }
0x70: {  	[tilespmem:s1], [sflag:$0x2] =	stream.linear.gather [hbm4b:s28+s1], $0x400, $0x38;
	[tilespmem:$0x14400] =	vst v63  }
0x71: {  	_ =	swait.ge [sflag:s7], $0x400  }
0x72: {  	[sflag:s7] =	ssyncset.done $0x0  }
0x73: {  	[sflag:s7] =	ssyncadd.s32 $0xFFFFFC00  }
0x74: {  	[tilespmem:s9], [sflag:$0x1] =	stream.indirect.gather [hbm4b:s3+s8], $0x80, s1, s8, $0xb8;
	[tilespmem:$0x14400] =	vst v63  }
0x75: {  	_ = 	snop  }
0x76: {  	[tilespmem:s11], [sflag:$0x1] =	stream.indirect.gather [hbm4b:s3+s8], $0x80, s10, s8, $0xb8;
	[tilespmem:$0x14400] =	vst v63  }
0x77: {  	_ = 	snop  }
0x78: {  	[tilespmem:s13], [sflag:$0x1] =	stream.indirect.gather [hbm4b:s3+s8], $0x80, s12, s8, $0xb8;
	[tilespmem:$0x14400] =	vst v63  }
0x79: {  	_ = 	snop  }
0x7a: {  	[tilespmem:s15], [sflag:$0x1] =	stream.indirect.gather [hbm4b:s3+s8], $0x80, s14, s8, $0xb8;
	[tilespmem:$0x14400] =	vst v63  }
0x7b: {  	_ = 	snop  }
0x7c: {  	[tilespmem:s17], [sflag:$0x1] =	stream.indirect.gather [hbm4b:s3+s8], $0x80, s16, s8, $0xb8;
	[tilespmem:$0x14400] =	vst v63  }
0x7d: {  	_ = 	snop  }
0x7e: {  	[tilespmem:s19], [sflag:$0x1] =	stream.indirect.gather [hbm4b:s3+s8], $0x80, s18, s8, $0xb8;
	[tilespmem:$0x14400] =	vst v63  }
0x7f: {  	_ = 	snop  }
0x80: {  	[tilespmem:s21], [sflag:$0x1] =	stream.indirect.gather [hbm4b:s3+s8], $0x80, s20, s8, $0xb8;
	[tilespmem:$0x14400] =	vst v63  }
0x81: {  	_ = 	snop  }
0x82: {  	[tilespmem:s23], [sflag:$0x1] =	stream.indirect.gather [hbm4b:s3+s8], $0x80, s22, s8, $0xb8;
	[tilespmem:$0x14400] =	vst v63  }
0x83: {  	_ =	swait.ge [sflag:s24], $0x2800  }
0x84: {  	[sflag:s24] =	ssyncset.done $0x0  }
0x85: {  	[sflag:s24] =	ssyncadd.s32 $0xFFFFD800  }
0x86: {  	_ =	swait.ge [sflag:s24], $0x2800  }
0x87: {  	[sflag:s24] =	ssyncset.done $0x0  }
0x88: {  	[sflag:s24] =	ssyncadd.s32 $0xFFFFD800  }
0x89: {  	_ =	swait.ge [sflag:s24], $0x2800  }
0x8a: {  	[sflag:s24] =	ssyncset.done $0x0  }
0x8b: {  	[sflag:s24] =	ssyncadd.s32 $0xFFFFD800  }
0x8c: {  	_ =	swait.ge [sflag:s24], $0x2800  }
0x8d: {  	[sflag:s24] =	ssyncset.done $0x0  }
0x8e: {  	[sflag:s24] =	ssyncadd.s32 $0xFFFFD800  }
0x8f: {  	_ =	swait.ge [sflag:s24], $0x2800  }
0x90: {  	[sflag:s24] =	ssyncset.done $0x0  }
0x91: {  	[sflag:s24] =	ssyncadd.s32 $0xFFFFD800  }
0x92: {  	_ =	swait.ge [sflag:s24], $0x2800  }
0x93: {  	[sflag:s24] =	ssyncset.done $0x0  }
0x94: {  	[sflag:s24] =	ssyncadd.s32 $0xFFFFD800  }
0x95: {  	_ =	swait.ge [sflag:s24], $0x2800  }
0x96: {  	[sflag:s24] =	ssyncset.done $0x0  }
0x97: {  	[sflag:s24] =	ssyncadd.s32 $0xFFFFD800  }
0x98: {  	s25 =	sadd.s32 $0x1, s25;
	_ =	swait.ge [sflag:s24], $0x2800  }
0x99: {  	p0 =	sne.s32 s25, s4;
	[sflag:s24] =	ssyncset.done $0x0  }
.Ltmp1:
0x9a: {  	[sflag:s24] =	ssyncadd.s32 $0xFFFFD800;
	(pc) =	sbr.rel @p0 .LBB2_1-.Ltmp1, $4  }
0x9b: {  	[hbm4b:s26+s1] =	stream.linear.scatter [tilespmem:s9], [sflag:$0x2], $0x14000, $0x38;
	[tilespmem:$0x14400] =	vst v63  }
0x9c: {  	_ =	swait.ge [sflag:s7], $0x14000  }
0x9d: {  	[sflag:s7] =	ssyncset.done $0x0  }
0x9e: {  	[sflag:s7] =	ssyncadd.s32 $0xFFFEC000  }
0x9f: {  	_ =	sfence.sel $0x180000  }
0xa0: {  	[bflag:$0x0] =	sbarrier.arrive $0xFFFF  }
0xa1: {  	p0 =	sne.s32 s2, $0x0;
	_ =	strace $0x90000050  }
0xa2: {  	s0 =	sadd.s32 @!p0 $0x100000, s0;
	[bflag:$0x2] =	sbarrier.arrive $0xFFFF  }
0xa3: {  	[sflag:s0] =	ssyncadd.tile.s32 @!p0 $0x1;
	_ =	shalt  }
.Lfunc_end2:
_tile_overlayer_lowered:
.L_overlay_start_2:
0xa4: {  	(tag) =	ssettag $0x2  }
0xa5: {  	s0 =	rddreg [dreg:$0x0];
	s2 =	stileid.u32  }
0xa6: {  	s1 =	rddreg [dreg:$0x1];
	p0 =	sne.s32 s2, $0x0  }
0xa7: {  	s3 =	rddreg [dreg:$0x2];
	[bflag:$0x3] =	sbarrier.arrive $0xFFFF;
	s2 =	simm.s32 @!p0 $0x1C02  }
0xa8: {  	[timem:s3], [sflag:s2] =	dma.local @!p0 [hbm:s0], s1  }
0xa9: {  	s0 =	simm.s32 @!p0 $0x2  }
0xaa: {  	_ =	swait.ge @!p0 [sflag:s0], s1  }
0xab: {  	s1 =	ssub.s32 @!p0 $0x0, s1;
	[sflag:s0] =	ssyncset.done @!p0 $0x0  }
0xac: {  	[sflag:s0] =	ssyncadd.s32 @!p0 s1  }
0xad: {  	[bflag:$0x3] =	sbarrier.arrive $0xFFFF  }
0xae: {  	_ =	shalt  }

</sc_bundles>
